<compile_context>
chip_gen: v7x
topology: tpu7x:2x2x1
jax: 0.10.2.dev20260603
libtpu: 0.0.44.dev20260713+nightly
codegen_flags: <defaults>
</compile_context>

<pallas_src>
import functools

import jax
import jax.numpy as jnp
from jax import lax
from jax.experimental import pallas as pl
from jax.experimental.pallas import tpu as pltpu
from jax.experimental.pallas import tpu_sc as plsc

N_SRC = 10000
N_DST = 2500
E = 160000
IN_CH = 256
HID = 512
H = 8
DH = 64
NT = 5
OUT_CH = 153

NC = 2
NS = 16
NW = NC * NS
EP = 163840
EPW = EP // NW
EB = 128
NB = EPW // EB
EPS = EP // NS
NBS = EPS // EB
HH = HID // 2
IC2 = IN_CH // 2

_MESH = plsc.VectorSubcoreMesh(core_axis_name="c", subcore_axis_name="s",
                               num_cores=NC, num_subcores=NS)



def _mm_bias_body(x_ref, w_ref, b_ref, o_ref):
    o_ref[...] = (
        jnp.dot(x_ref[...], w_ref[...], preferred_element_type=jnp.float32)
        + b_ref[...]
    )


def _matmul_bias(xm, wm, bv, bm_rows):
    M, K = xm.shape
    _, N = wm.shape
    return pl.pallas_call(
        _mm_bias_body,
        grid=(M // bm_rows,),
        in_specs=[
            pl.BlockSpec((bm_rows, K), lambda i: (i, 0)),
            pl.BlockSpec((K, N), lambda i: (0, 0)),
            pl.BlockSpec((1, N), lambda i: (0, 0)),
        ],
        out_specs=pl.BlockSpec((bm_rows, N), lambda i: (i, 0)),
        out_shape=jax.ShapeDtypeStruct((M, N), jnp.float32),
    )(xm, wm, bv.reshape(1, -1))


def _etype_body(x_ref, w_ref, o_ref):
    o_ref[0] = jnp.dot(x_ref[...], w_ref[0], preferred_element_type=jnp.float32)


def _fs_half_body(x_ref, w_ref, o_ref):
    o_ref[0, 0] = jnp.dot(x_ref[...], w_ref[0, 0],
                          preferred_element_type=jnp.float32)


def _fs_half_mm(xm, wg, bm_rows):
    M, K = xm.shape
    J = wg.shape[1]
    return pl.pallas_call(
        _fs_half_body,
        grid=(J, M // bm_rows, NC),
        in_specs=[
            pl.BlockSpec((bm_rows, K), lambda j, i, c: (i, 0)),
            pl.BlockSpec((1, 1, K, HH), lambda j, i, c: (c, j, 0, 0)),
        ],
        out_specs=pl.BlockSpec((1, 1, bm_rows, HH), lambda j, i, c: (c, j, i, 0)),
        out_shape=jax.ShapeDtypeStruct((NC, J, M, HH), jnp.float32),
    )(xm, wg)


def _etype_mm(xm, wg, bm_rows):
    M, K = xm.shape
    J, _, N = wg.shape
    return pl.pallas_call(
        _etype_body,
        grid=(J, M // bm_rows),
        in_specs=[
            pl.BlockSpec((bm_rows, K), lambda j, i: (i, 0)),
            pl.BlockSpec((1, K, N), lambda j, i: (j, 0, 0)),
        ],
        out_specs=pl.BlockSpec((1, bm_rows, N), lambda j, i: (j, i, 0)),
        out_shape=jax.ShapeDtypeStruct((J, M, N), jnp.float32),
    )(xm, wg)


def _denr_body(a_ref, o_ref):
    o_ref[...] = 1.0 / jnp.maximum(a_ref[0] + a_ref[1], 1e-9)


def _denr(denparts):
    return pl.pallas_call(
        _denr_body,
        out_shape=jax.ShapeDtypeStruct((NT * N_DST, 16), jnp.float32),
    )(denparts)


def _final_body(acc_ref, skip_ref, g1_ref, b1_ref, w1_ref, bm1_ref,
                g2_ref, b2_ref, w2_ref, bm2_ref, o_ref):
    t = jnp.concatenate([acc_ref[0], acc_ref[1]], axis=-1) + skip_ref[...]
    h = t * g1_ref[...] + b1_ref[...]
    h = jnp.where(h > 0, h, jnp.exp(h) - 1.0)
    h = jnp.dot(h, w1_ref[...], preferred_element_type=jnp.float32) + bm1_ref[...]
    h = jnp.maximum(h * g2_ref[...] + b2_ref[...], 0.0)
    o_ref[...] = jnp.dot(h, w2_ref[...], preferred_element_type=jnp.float32) + bm2_ref[...]


def _final(accparts, xskip, g1, b1, w1, bm1, g2, b2, w2, bm2):
    bm = 512
    grid = (N_DST + bm - 1) // bm
    row = lambda v: v.reshape(1, -1)
    return pl.pallas_call(
        _final_body,
        grid=(grid,),
        in_specs=[
            pl.BlockSpec((NC, bm, HH), lambda i: (0, i, 0)),
            pl.BlockSpec((bm, HID), lambda i: (i, 0)),
            pl.BlockSpec((1, HID), lambda i: (0, 0)),
            pl.BlockSpec((1, HID), lambda i: (0, 0)),
            pl.BlockSpec((HID, HID), lambda i: (0, 0)),
            pl.BlockSpec((1, HID), lambda i: (0, 0)),
            pl.BlockSpec((1, HID), lambda i: (0, 0)),
            pl.BlockSpec((1, HID), lambda i: (0, 0)),
            pl.BlockSpec((HID, OUT_CH), lambda i: (0, 0)),
            pl.BlockSpec((1, OUT_CH), lambda i: (0, 0)),
        ],
        out_specs=pl.BlockSpec((bm, OUT_CH), lambda i: (i, 0)),
        out_shape=jax.ShapeDtypeStruct((N_DST, OUT_CH), jnp.float32),
    )(accparts, xskip, row(g1), row(b1), w1, row(bm1), row(g2), row(b2), w2, row(bm2))



def _zero_shared(sh, zb, sid, per, n_last, nrows):
    n = jnp.where(sid < NS - 1, per, n_last)
    base = sid * per * 8

    def cp(q, c):
        pltpu.sync_copy(zb.at[pl.ds(0, 8)], sh.at[pl.ds(base + q * 8, 8)])
        return c

    lax.fori_loop(0, n, cp, 0)

    @pl.when(sid == NS - 1)
    def _():
        pltpu.sync_copy(zb.at[pl.ds(0, 4)], sh.at[pl.ds(nrows - 4, 4)])


def _zero_rows(zb, nrows, nchunks):
    z16 = jnp.zeros((16,), jnp.float32)

    def zr(e, c):
        for c2 in range(nchunks):
            zb[e, pl.ds(c2 * 16, 16)] = z16
        return c

    lax.fori_loop(0, nrows, zr, 0)


def _copy_out(sh, out_h, cid, sid, nrows):
    per = ((nrows // NS) // 8) * 8
    rbase = sid * per
    last = nrows - per * (NS - 1)

    @pl.when(sid < NS - 1)
    def _():
        pltpu.sync_copy(sh.at[pl.ds(rbase, per)], out_h.at[cid, pl.ds(rbase, per)])

    @pl.when(sid == NS - 1)
    def _():
        pltpu.sync_copy(sh.at[pl.ds(per * (NS - 1), last)],
                        out_h.at[cid, pl.ds(per * (NS - 1), last)])


@functools.partial(
    pl.kernel,
    out_type=jax.ShapeDtypeStruct((NC, N_DST, IC2), jnp.float32),
    mesh=_MESH,
    compiler_params=pltpu.CompilerParams(needs_layout_passes=False, use_tc_tiling_on_sc=False),
    scratch_types=[
        [pltpu.VMEM((EB,), jnp.int32)] * 2,
        [pltpu.VMEM((EB,), jnp.int32)] * 2,
        [pltpu.VMEM((EB,), jnp.int32)] * 2,
        pltpu.VMEM((N_SRC,), jnp.int32),
        pltpu.VMEM((N_SRC,), jnp.float32),
        [pltpu.VMEM((EB,), jnp.float32)] * 2,
        [pltpu.VMEM((EB, IC2), jnp.float32)] * 2,
        pltpu.VMEM_SHARED((N_DST, IC2), jnp.float32),
        [pltpu.SemaphoreType.DMA] * 2,
        [pltpu.SemaphoreType.DMA] * 2,
    ],
)
def _temporal_sc(src_h, dst_h, et_h, yrs_h, alt_h, xl2_h, out_h,
                 sbufs, dbufs, tbufs, ybuf, abuf, avbufs, xlbufs, t_sh,
                 sem_m, sem_g):
    cid = lax.axis_index("c")
    sid = lax.axis_index("s")

    _zero_rows(xlbufs[0], 20, IC2 // 16)
    _zero_shared(t_sh, xlbufs[0], sid, 20, 12, N_DST)
    pltpu.sync_copy(yrs_h, ybuf)
    pltpu.sync_copy(alt_h, abuf)
    plsc.subcore_barrier()

    lanes = lax.iota(jnp.int32, 16)
    base = sid * EPS

    def fire_meta(q, b):
        off = base + b * EB
        pltpu.async_copy(src_h.at[pl.ds(off, EB)], sbufs[q], sem_m[q])
        pltpu.async_copy(dst_h.at[pl.ds(off, EB)], dbufs[q], sem_m[q])
        pltpu.async_copy(et_h.at[pl.ds(off, EB)], tbufs[q], sem_m[q])

    def wait_meta(q, b):
        off = base + b * EB
        pltpu.make_async_copy(src_h.at[pl.ds(off, EB)], sbufs[q], sem_m[q]).wait()
        pltpu.make_async_copy(dst_h.at[pl.ds(off, EB)], dbufs[q], sem_m[q]).wait()
        pltpu.make_async_copy(et_h.at[pl.ds(off, EB)], tbufs[q], sem_m[q]).wait()

    def prep(q, b):
        off = base + b * EB

        def grp(g, c2):
            s16 = sbufs[q][pl.ds(g * 16, 16)]
            d16 = dbufs[q][pl.ds(g * 16, 16)]
            t16 = tbufs[q][pl.ds(g * 16, 16)]
            y1 = plsc.load_gather(ybuf, [s16])
            y2 = plsc.load_gather(ybuf, [d16])
            als = plsc.load_gather(abuf, [s16])
            gap = jnp.exp(-jnp.abs((y1 - y2).astype(jnp.float32)))
            a = als * gap
            a = jnp.where(a >= 0, a, 0.2 * a)
            ok = (t16 == 4) & ((off + g * 16 + lanes) < E)
            avbufs[q][pl.ds(g * 16, 16)] = jnp.where(ok, a, 0.0)
            sbufs[q][pl.ds(g * 16, 16)] = s16 * NC + cid
            return c2

        lax.fori_loop(0, EB // 16, grp, 0)
        pltpu.async_copy(xl2_h.at[sbufs[q]], xlbufs[q], sem_g[q])

    def wait_rows(q):
        pltpu.make_async_copy(xl2_h.at[sbufs[q]], xlbufs[q], sem_g[q]).wait()

    def scale(q):
        def edge(e, c2):
            av = plsc.load_gather(avbufs[q], [jnp.full((16,), 0, jnp.int32) + e])
            for c in range(IC2 // 16):
                sl = pl.ds(c * 16, 16)
                xlbufs[q][e, sl] = xlbufs[q][e, sl] * av
            return c2

        lax.fori_loop(0, EB, edge, 0)

    def scatter(q):
        pltpu.sync_copy(xlbufs[q], t_sh.at[dbufs[q]], add=True)

    fire_meta(0, 0)
    wait_meta(0, 0)
    prep(0, 0)
    fire_meta(1, 1)

    def pipe(i, carry):
        b = 2 * i
        wait_meta(1, b + 1)
        prep(1, b + 1)
        wait_rows(0)
        scale(0)
        scatter(0)

        @pl.when(b + 2 < NBS)
        def _():
            fire_meta(0, b + 2)

        @pl.when(b + 2 < NBS)
        def _():
            wait_meta(0, b + 2)
            prep(0, b + 2)
        wait_rows(1)
        scale(1)
        scatter(1)

        @pl.when(b + 3 < NBS)
        def _():
            fire_meta(1, b + 3)
        return carry

    lax.fori_loop(0, NBS // 2, pipe, 0)
    plsc.subcore_barrier()
    _copy_out(t_sh, out_h, cid, sid, N_DST)


@functools.partial(
    pl.kernel,
    out_type=jax.ShapeDtypeStruct((NC, NT * N_DST, 16), jnp.float32),
    mesh=_MESH,
    compiler_params=pltpu.CompilerParams(needs_layout_passes=False, use_tc_tiling_on_sc=False),
    scratch_types=[
        [pltpu.VMEM((EB,), jnp.int32)] * 2,
        [pltpu.VMEM((EB,), jnp.int32)] * 2,
        [pltpu.VMEM((EB,), jnp.int32)] * 2,
        [pltpu.VMEM((EB,), jnp.int32)] * 2,
        [pltpu.VMEM((EB,), jnp.int32)] * 2,
        [pltpu.VMEM((EB, 16), jnp.float32)] * 2,
        [pltpu.VMEM((EB, 16), jnp.float32)] * 2,
        pltpu.VMEM((H, EB), jnp.float32),
        pltpu.VMEM((EB, 16), jnp.float32),
        pltpu.VMEM_SHARED((NT * N_DST, 16), jnp.float32),
        [pltpu.SemaphoreType.DMA] * 2,
        [pltpu.SemaphoreType.DMA] * 2,
    ],
)
def _den_sc(src_h, dst_h, et_h, el_h, er_h, out_h,
            sbufs, dbufs, tbufs, gbufs, kbufs, elbufs, erbufs,
            wbuf, msgbuf, den_sh, sem_m, sem_g):
    cid = lax.axis_index("c")
    sid = lax.axis_index("s")
    wid = sid * NC + cid

    _zero_rows(msgbuf, 20, 1)
    _zero_shared(den_sh, msgbuf, sid, 97, 107, NT * N_DST)
    plsc.subcore_barrier()
    lanes = lax.iota(jnp.int32, 16)
    base = wid * EPW

    def fire_meta(q, b):
        off = base + b * EB
        pltpu.async_copy(src_h.at[pl.ds(off, EB)], sbufs[q], sem_m[q])
        pltpu.async_copy(dst_h.at[pl.ds(off, EB)], dbufs[q], sem_m[q])
        pltpu.async_copy(et_h.at[pl.ds(off, EB)], tbufs[q], sem_m[q])

    def wait_meta(q, b):
        off = base + b * EB
        pltpu.make_async_copy(src_h.at[pl.ds(off, EB)], sbufs[q], sem_m[q]).wait()
        pltpu.make_async_copy(dst_h.at[pl.ds(off, EB)], dbufs[q], sem_m[q]).wait()
        pltpu.make_async_copy(et_h.at[pl.ds(off, EB)], tbufs[q], sem_m[q]).wait()

    def prep(q):
        def mk(i, c2):
            s16 = sbufs[q][pl.ds(i * 16, 16)]
            d16 = dbufs[q][pl.ds(i * 16, 16)]
            t16 = tbufs[q][pl.ds(i * 16, 16)]
            gbufs[q][pl.ds(i * 16, 16)] = t16 * N_SRC + s16
            kbufs[q][pl.ds(i * 16, 16)] = t16 * N_DST + d16
            return c2

        lax.fori_loop(0, EB // 16, mk, 0)
        pltpu.async_copy(el_h.at[gbufs[q]], elbufs[q], sem_g[q])
        pltpu.async_copy(er_h.at[kbufs[q]], erbufs[q], sem_g[q])

    def wait_rows(q):
        pltpu.make_async_copy(el_h.at[gbufs[q]], elbufs[q], sem_g[q]).wait()
        pltpu.make_async_copy(er_h.at[kbufs[q]], erbufs[q], sem_g[q]).wait()

    def compute_scatter(q, b):
        off = base + b * EB

        def grp(g, c2):
            e16 = g * 16 + lanes
            ok = (off + e16) < E
            for h in range(H):
                hh = jnp.full((16,), h, jnp.int32)
                elh = plsc.load_gather(elbufs[q], [e16, hh])
                erh = plsc.load_gather(erbufs[q], [e16, hh])
                z = elh + erh
                z = jnp.where(z >= 0, z, 0.2 * z)
                wbuf[h, pl.ds(g * 16, 16)] = jnp.where(ok, jnp.exp(z), 0.0)
            return c2

        lax.fori_loop(0, EB // 16, grp, 0)

        def edge(e, c2):
            e0 = jnp.full((16,), 0, jnp.int32) + e
            rowv = plsc.load_gather(wbuf, [lanes & 7, e0])
            msgbuf[e, pl.ds(0, 16)] = jnp.where(lanes < 8, rowv, 0.0)
            return c2

        lax.fori_loop(0, EB, edge, 0)
        pltpu.sync_copy(msgbuf, den_sh.at[kbufs[q]], add=True)

    fire_meta(0, 0)
    wait_meta(0, 0)
    prep(0)
    fire_meta(1, 1)

    def pipe(i, carry):
        b = 2 * i
        wait_meta(1, b + 1)
        prep(1)
        wait_rows(0)
        compute_scatter(0, b)

        @pl.when(b + 2 < NB)
        def _():
            fire_meta(0, b + 2)

        @pl.when(b + 2 < NB)
        def _():
            wait_meta(0, b + 2)
            prep(0)
        wait_rows(1)
        compute_scatter(1, b + 1)

        @pl.when(b + 3 < NB)
        def _():
            fire_meta(1, b + 3)
        return carry

    lax.fori_loop(0, NB // 2, pipe, 0)
    plsc.subcore_barrier()
    _copy_out(den_sh, out_h, cid, sid, NT * N_DST)


@functools.partial(
    pl.kernel,
    out_type=jax.ShapeDtypeStruct((NC, N_DST, HH), jnp.float32),
    mesh=_MESH,
    compiler_params=pltpu.CompilerParams(needs_layout_passes=False, use_tc_tiling_on_sc=False),
    scratch_types=[
        [pltpu.VMEM((EB,), jnp.int32)] * 2,
        [pltpu.VMEM((EB,), jnp.int32)] * 2,
        [pltpu.VMEM((EB,), jnp.int32)] * 2,
        [pltpu.VMEM((EB,), jnp.int32)] * 2,
        [pltpu.VMEM((EB,), jnp.int32)] * 2,
        [pltpu.VMEM((EB,), jnp.int32)] * 2,
        [pltpu.VMEM((EB, 16), jnp.float32)] * 2,
        [pltpu.VMEM((EB, 16), jnp.float32)] * 2,
        [pltpu.VMEM((EB, 16), jnp.float32)] * 2,
        [pltpu.VMEM((EB, HH), jnp.float32)] * 2,
        pltpu.VMEM((H, EB), jnp.float32),
        pltpu.VMEM_SHARED((N_DST, HH), jnp.float32),
        [pltpu.SemaphoreType.DMA] * 2,
        [pltpu.SemaphoreType.DMA] * 2,
    ],
)
def _gat_sc(src_h, dst_h, et_h, fs_h, el_h, er_h, dr_h, out_h,
            sbufs, dbufs, tbufs, gbufs, kbufs, obufs, elbufs, erbufs, drbufs,
            fsbufs, albuf, acc_sh, sem_m, sem_g):
    cid = lax.axis_index("c")
    sid = lax.axis_index("s")
    wid = sid * NC + cid

    _zero_rows(fsbufs[0], 20, HH // 16)
    _zero_shared(acc_sh, fsbufs[0], sid, 20, 12, N_DST)
    plsc.subcore_barrier()
    lanes = lax.iota(jnp.int32, 16)
    base = sid * EPS

    def fire_meta(q, b):
        off = base + b * EB
        pltpu.async_copy(src_h.at[pl.ds(off, EB)], sbufs[q], sem_m[q])
        pltpu.async_copy(dst_h.at[pl.ds(off, EB)], dbufs[q], sem_m[q])
        pltpu.async_copy(et_h.at[pl.ds(off, EB)], tbufs[q], sem_m[q])

    def wait_meta(q, b):
        off = base + b * EB
        pltpu.make_async_copy(src_h.at[pl.ds(off, EB)], sbufs[q], sem_m[q]).wait()
        pltpu.make_async_copy(dst_h.at[pl.ds(off, EB)], dbufs[q], sem_m[q]).wait()
        pltpu.make_async_copy(et_h.at[pl.ds(off, EB)], tbufs[q], sem_m[q]).wait()

    def mk(q):
        def body(i, c2):
            s16 = sbufs[q][pl.ds(i * 16, 16)]
            d16 = dbufs[q][pl.ds(i * 16, 16)]
            t16 = tbufs[q][pl.ds(i * 16, 16)]
            fi = t16 * N_SRC + s16
            obufs[q][pl.ds(i * 16, 16)] = fi
            gbufs[q][pl.ds(i * 16, 16)] = fi + cid * (NT * N_SRC)
            kbufs[q][pl.ds(i * 16, 16)] = t16 * N_DST + d16
            return c2
        lax.fori_loop(0, EB // 16, body, 0)

    def fire_gathers(q):
        pltpu.async_copy(fs_h.at[gbufs[q]], fsbufs[q], sem_g[q])
        pltpu.async_copy(el_h.at[obufs[q]], elbufs[q], sem_g[q])
        pltpu.async_copy(er_h.at[kbufs[q]], erbufs[q], sem_g[q])
        pltpu.async_copy(dr_h.at[kbufs[q]], drbufs[q], sem_g[q])

    def wait_gathers(q):
        pltpu.make_async_copy(fs_h.at[gbufs[q]], fsbufs[q], sem_g[q]).wait()
        pltpu.make_async_copy(el_h.at[obufs[q]], elbufs[q], sem_g[q]).wait()
        pltpu.make_async_copy(er_h.at[kbufs[q]], erbufs[q], sem_g[q]).wait()
        pltpu.make_async_copy(dr_h.at[kbufs[q]], drbufs[q], sem_g[q]).wait()

    def compute(q, b):
        off = base + b * EB

        def grp(g, c2):
            e16 = g * 16 + lanes
            ok = (off + e16) < E
            for h in range(H // 2):
                hh = jnp.full((16,), h, jnp.int32) + cid * (H // 2)
                elh = plsc.load_gather(elbufs[q], [e16, hh])
                erh = plsc.load_gather(erbufs[q], [e16, hh])
                drh = plsc.load_gather(drbufs[q], [e16, hh])
                z = elh + erh
                z = jnp.where(z >= 0, z, 0.2 * z)
                albuf[h, pl.ds(g * 16, 16)] = jnp.where(ok, jnp.exp(z) * drh, 0.0)
            return c2

        lax.fori_loop(0, EB // 16, grp, 0)

        def edge(e, c2):
            e0 = jnp.full((16,), 0, jnp.int32) + e
            for h in range(H // 2):
                av = plsc.load_gather(albuf, [jnp.full((16,), h, jnp.int32), e0])
                for c in range(DH // 16):
                    sl = pl.ds(h * DH + c * 16, 16)
                    fsbufs[q][e, sl] = fsbufs[q][e, sl] * av
            return c2

        lax.fori_loop(0, EB, edge, 0)

    def scatter(q):
        pltpu.sync_copy(fsbufs[q], acc_sh.at[dbufs[q]], add=True)

    fire_meta(0, 0)
    wait_meta(0, 0)
    mk(0)
    fire_gathers(0)
    fire_meta(1, 1)

    def pipe(i, carry):
        b = 2 * i

        wait_meta(1, b + 1)
        mk(1)
        fire_gathers(1)
        wait_gathers(0)
        compute(0, b)
        scatter(0)

        @pl.when(b + 2 < NBS)
        def _():
            fire_meta(0, b + 2)

        @pl.when(b + 2 < NBS)
        def _():
            wait_meta(0, b + 2)
            mk(0)
            fire_gathers(0)
        wait_gathers(1)
        compute(1, b + 1)
        scatter(1)

        @pl.when(b + 3 < NBS)
        def _():
            fire_meta(1, b + 3)
        return carry

    lax.fori_loop(0, NBS // 2, pipe, 0)
    plsc.subcore_barrier()
    _copy_out(acc_sh, out_h, cid, sid, N_DST)



def kernel(x, edge_index, etype, years, n_dst, W_skip, b_skip, W_gat,
           attn_l, attn_r, b_gat, att_t, W_t, b_t, bn1_g, bn1_b,
           W_m1, b_m1, bnm_g, bnm_b, W_m2, b_m2):
    f32 = jnp.float32
    i32 = jnp.int32
    src = edge_index[0].astype(i32)
    dst = edge_index[1].astype(i32)
    et = etype.astype(i32)
    yrs = years.astype(i32)

    pad = EP - E
    srcp = jnp.concatenate([src, jnp.zeros((pad,), i32)])
    dstp = jnp.concatenate([dst, jnp.zeros((pad,), i32)])
    etp = jnp.concatenate([et, jnp.zeros((pad,), i32)])

    Wg4 = W_gat.reshape(NT, IN_CH, H, DH)
    WL = jnp.einsum("jchd,jhd->jch", Wg4, attn_l)
    WR = jnp.einsum("jchd,jhd->jch", Wg4, attn_r)
    zpad = jnp.zeros((NT, IN_CH, 8), f32)
    WLpad = jnp.concatenate([WL, zpad], axis=2)
    WRpad = jnp.concatenate([WR, zpad], axis=2)
    wt_att = W_t @ att_t[0]
    b_att = jnp.dot(b_t, att_t[0])
    delta = (jnp.asarray(n_dst) - N_DST).astype(f32)
    bskip_eff = b_skip + delta + b_gat.sum(0)
    c_bn = 1.0 / jnp.sqrt(1.0 + 1e-5)

    AUXA = 384
    WA = jnp.concatenate([W_t, wt_att[:, None], jnp.zeros((IN_CH, AUXA - 257), f32)], axis=1)
    bA = jnp.concatenate([b_t, b_att[None], jnp.zeros((AUXA - 257,), f32)])
    auxA = _matmul_bias(x, WA, bA, 2000)
    xl = auxA[:, :IN_CH]
    alt = auxA[:, IN_CH]

    xskip = _matmul_bias(x[:N_DST], W_skip, bskip_eff, N_DST)

    fs = _fs_half_mm(x, W_gat.reshape(NT, IN_CH, NC, HH).transpose(2, 0, 1, 3), 2000)
    fs2 = fs.reshape(NC * NT * N_SRC, HH)
    el = _etype_mm(x, WLpad, 2000)
    elflat = el.reshape(NT * N_SRC, 16)
    er03 = _etype_mm(x[:N_DST], WRpad[:4], N_DST)

    xl2 = xl.reshape(N_SRC * NC, IC2)
    tparts = _temporal_sc(srcp, dstp, etp, yrs, alt, xl2)
    er4 = _matmul_bias(
        jnp.concatenate([tparts[0], tparts[1]], axis=1),
        WRpad[4], jnp.zeros((16,), f32), N_DST)
    erflat = jnp.concatenate([er03, er4[None]], axis=0).reshape(NT * N_DST, 16)

    denparts = _den_sc(srcp, dstp, etp, elflat, erflat)
    denr = _denr(denparts)

    accparts = _gat_sc(srcp, dstp, etp, fs2, elflat, erflat, denr)

    return _final(accparts, xskip,
                  bn1_g * c_bn, bn1_b, W_m1, b_m1,
                  bnm_g * c_bn, bnm_b, W_m2, b_m2)

# --- scband reference (transcript-rebuilt; emitter-appended) ---
"""Pipeline reference for scband-rgat-66228395704801 (READ-ONLY COPY).

The authoritative reference and input builder live on the scoring server;
editing this copy changes nothing except your own understanding.
"""

import jax, jax.numpy as jnp
import numpy as np

N_SRC = 10000
N_DST = 2500
E = 160000
IN_CH = 256
HID = 512
H = 8
DH = 64
NETYPES = 5
OUT_CH = 153


def _p(key, shape, scale=0.05):
    return jax.random.normal(key, shape, dtype=jnp.float32) * scale


def setup_inputs(seed: int = 0):
    key = jax.random.key(seed)
    ks = jax.random.split(key, 16)
    x = jax.random.normal(ks[0], (N_SRC, IN_CH), dtype=jnp.float32)
    src = jax.random.randint(ks[1], (E,), 0, N_SRC)
    dst = jax.random.randint(ks[2], (E,), 0, N_DST)
    edge_index = jnp.stack([src, dst]).astype(jnp.int64)
    etype = jax.random.randint(ks[3], (E,), 0, NETYPES).astype(jnp.int64)
    years = jax.random.randint(ks[4], (N_SRC,), 0, 30).astype(jnp.int64)
    return {
        "x": x, "edge_index": edge_index, "etype": etype, "years": years, "n_dst": N_DST,
        "W_skip": _p(ks[5], (IN_CH, HID)), "b_skip": jnp.zeros((HID,), jnp.float32),
        "W_gat": _p(ks[6], (NETYPES, IN_CH, HID)),
        "attn_l": _p(ks[7], (NETYPES, H, DH)), "attn_r": _p(ks[8], (NETYPES, H, DH)),
        "b_gat": jnp.zeros((NETYPES, HID), jnp.float32),
        "att_t": _p(ks[9], (1, IN_CH)), "W_t": _p(ks[10], (IN_CH, IN_CH)), "b_t": jnp.zeros((IN_CH,), jnp.float32),
        "bn1_g": jnp.ones((HID,), jnp.float32), "bn1_b": jnp.zeros((HID,), jnp.float32),
        "W_m1": _p(ks[11], (HID, HID)), "b_m1": jnp.zeros((HID,), jnp.float32),
        "bnm_g": jnp.ones((HID,), jnp.float32), "bnm_b": jnp.zeros((HID,), jnp.float32),
        "W_m2": _p(ks[12], (HID, OUT_CH)), "b_m2": jnp.zeros((OUT_CH,), jnp.float32),
    }


def _leaky(x):
    return jnp.where(x >= 0, x, 0.2 * x)


def _bn_eval(x, g, b):
    # eval-mode BatchNorm1d with fresh running stats (mean=0, var=1)
    return x / jnp.sqrt(1.0 + 1e-5) * g + b


def _gat(x_src, x_dst, s, d, mask, W, al, ar, bias, n_dst):
    fs = (x_src @ W).reshape(-1, H, DH)
    fd = (x_dst @ W).reshape(-1, H, DH)
    el = (fs * al[None]).sum(-1)
    er = (fd * ar[None]).sum(-1)
    e = _leaky(el[s] + er[d])
    e = jnp.where(mask[:, None], e, -jnp.inf)
    m = jax.ops.segment_max(e, d, num_segments=n_dst)
    m = jnp.where(jnp.isfinite(m), m, 0.0)
    ee = jnp.where(mask[:, None], jnp.exp(e - m[d]), 0.0)
    den = jax.ops.segment_sum(ee, d, num_segments=n_dst)
    alpha = ee / jnp.maximum(den[d], 1e-9)
    out = jax.ops.segment_sum(alpha[:, :, None] * fs[s], d, num_segments=n_dst)
    return (out + bias.reshape(1, H, DH)).reshape(n_dst, H * DH)


def _temporal(x, s, d, mask, years, n_dst, att, W, b, n_src):
    xl = x @ W + b
    al = (xl * att).sum(-1, keepdims=True)
    y1 = years[s].astype(jnp.float32)
    y2 = years[:n_dst][d].astype(jnp.float32)
    gap = 1.0 / jnp.exp(jnp.abs(y1 - y2))
    a = _leaky(al[s] * gap[:, None]).sum(-1)
    a = jnp.where(mask, a, 0.0)
    msg = xl[s] * a[:, None]
    return jax.ops.segment_sum(msg, d, num_segments=n_src)


def reference(x, edge_index, etype, years, n_dst, W_skip, b_skip, W_gat, attn_l, attn_r, b_gat, att_t, W_t, b_t, bn1_g, bn1_b, W_m1, b_m1, bnm_g, bnm_b, W_m2, b_m2):
    src = edge_index[0]; dst = edge_index[1]; et = etype
    n_src = x.shape[0]
    nd = N_DST
    x_dst = x[:nd]
    x_skip = x_dst @ W_skip + b_skip + (jnp.asarray(n_dst) - N_DST).astype(x.dtype)
    for j in range(NETYPES):
        mask = et == j
        s = src; d = dst
        if j == 4:
            t_out = _temporal(x, s, d, mask, years, nd, att_t, W_t, b_t, n_src)
            x_dst = t_out[:nd]
        x_skip = x_skip + _gat(x, x_dst, s, d, mask, W_gat[j], attn_l[j], attn_r[j], b_gat[j], nd)
    h = jax.nn.elu(_bn_eval(x_skip, bn1_g, bn1_b))
    h = h @ W_m1 + b_m1
    h = jax.nn.relu(_bn_eval(h, bnm_g, bnm_b))
    return h @ W_m2 + b_m2

if __name__ == "__main__":
    import jax
    _d = setup_inputs()
    print(jax.jit(kernel)(*tuple(_d.values())))

</pallas_src>

<mosaic_0001>
#map = affine_map<(d0, d1) -> (0)>
#map1 = affine_map<(d0, d1) -> (0, 0)>
#map2 = affine_map<(d0, d1) -> (0, 0, 0)>
module attributes {stable_mosaic.version = 14 : i64} {
  func.func @_temporal_sc(%arg0: i32, %arg1: i32, %arg2: memref<163840xi32, #tpu.memory_space<hbm>>, %arg3: memref<163840xi32, #tpu.memory_space<hbm>>, %arg4: memref<163840xi32, #tpu.memory_space<hbm>>, %arg5: memref<10000xi32, #tpu.memory_space<hbm>>, %arg6: memref<10000xf32, #tpu.memory_space<hbm>>, %arg7: memref<20000x128xf32, #tpu.memory_space<hbm>>, %arg8: memref<2x2500x128xf32, #tpu.memory_space<hbm>>, %arg9: memref<128xi32, #tpu.memory_space<vmem>>, %arg10: memref<128xi32, #tpu.memory_space<vmem>>, %arg11: memref<128xi32, #tpu.memory_space<vmem>>, %arg12: memref<128xi32, #tpu.memory_space<vmem>>, %arg13: memref<128xi32, #tpu.memory_space<vmem>>, %arg14: memref<128xi32, #tpu.memory_space<vmem>>, %arg15: memref<10000xi32, #tpu.memory_space<vmem>>, %arg16: memref<10000xf32, #tpu.memory_space<vmem>>, %arg17: memref<128xf32, #tpu.memory_space<vmem>>, %arg18: memref<128xf32, #tpu.memory_space<vmem>>, %arg19: memref<128x128xf32, #tpu.memory_space<vmem>>, %arg20: memref<128x128xf32, #tpu.memory_space<vmem>>, %arg21: memref<2500x128xf32, #tpu.memory_space<vmem_shared>>, %arg22: memref<!tpu.dma_semaphore, #tpu.memory_space<semaphore_mem>>, %arg23: memref<!tpu.dma_semaphore, #tpu.memory_space<semaphore_mem>>, %arg24: memref<!tpu.dma_semaphore, #tpu.memory_space<semaphore_mem>>, %arg25: memref<!tpu.dma_semaphore, #tpu.memory_space<semaphore_mem>>) attributes {dimension_semantics = [#tpu.dimension_semantics<core_parallel>, #tpu.dimension_semantics<subcore_parallel>], iteration_bounds = array<i64: 2, 16>, scalar_prefetch = 0 : i64, scratch_operands = 17 : i64, tpu.core_type = #tpu.core_type<sc_vector_subcore>, window_params = [{transform_indices = #map}, {transform_indices = #map}, {transform_indices = #map}, {transform_indices = #map}, {transform_indices = #map}, {transform_indices = #map1}, {transform_indices = #map2}]} {
    %broadcast_in_dim3A = arith.constant 0.000000e+00 : f32
    %broadcast_in_dim3A_0 = vector.broadcast %broadcast_in_dim3A : f32 to vector<16xf32>
    %scan3A = arith.constant 0 : i32
    %scan3A_1 = arith.constant 0 : i32
    %scan3A_2 = arith.constant 20 : i32
    %scan3A_3 = arith.addi %scan3A_1, %scan3A_2 : i32
    %scan3A_4 = arith.constant 1 : i32
    scf.for %scan3A_75 = %scan3A_1 to %scan3A_3 step %scan3A_4  : i32 {
      %swap3A = arith.index_cast %scan3A_75 : i32 to index
      %swap3A_76 = arith.constant 0 : index
      %swap3A_77 = tpu.vector_load %arg19[%swap3A, %swap3A_76] {strides = array<i32>} : memref<128x128xf32, #tpu.memory_space<vmem>>, vector<16xf32>,
      tpu.vector_store %arg19[%swap3A, %swap3A_76], %broadcast_in_dim3A_0 {strides = array<i32>} : memref<128x128xf32, #tpu.memory_space<vmem>>, vector<16xf32>,
      %swap3A_78 = arith.index_cast %scan3A_75 : i32 to index
      %swap3A_79 = arith.constant 16 : index
      %swap3A_80 = tpu.vector_load %arg19[%swap3A_78, %swap3A_79] {strides = array<i32>} : memref<128x128xf32, #tpu.memory_space<vmem>>, vector<16xf32>,
      tpu.vector_store %arg19[%swap3A_78, %swap3A_79], %broadcast_in_dim3A_0 {strides = array<i32>} : memref<128x128xf32, #tpu.memory_space<vmem>>, vector<16xf32>,
      %swap3A_81 = arith.index_cast %scan3A_75 : i32 to index
      %swap3A_82 = arith.constant 32 : index
      %swap3A_83 = tpu.vector_load %arg19[%swap3A_81, %swap3A_82] {strides = array<i32>} : memref<128x128xf32, #tpu.memory_space<vmem>>, vector<16xf32>,
      tpu.vector_store %arg19[%swap3A_81, %swap3A_82], %broadcast_in_dim3A_0 {strides = array<i32>} : memref<128x128xf32, #tpu.memory_space<vmem>>, vector<16xf32>,
      %swap3A_84 = arith.index_cast %scan3A_75 : i32 to index
      %swap3A_85 = arith.constant 48 : index
      %swap3A_86 = tpu.vector_load %arg19[%swap3A_84, %swap3A_85] {strides = array<i32>} : memref<128x128xf32, #tpu.memory_space<vmem>>, vector<16xf32>,
      tpu.vector_store %arg19[%swap3A_84, %swap3A_85], %broadcast_in_dim3A_0 {strides = array<i32>} : memref<128x128xf32, #tpu.memory_space<vmem>>, vector<16xf32>,
      %swap3A_87 = arith.index_cast %scan3A_75 : i32 to index
      %swap3A_88 = arith.constant 64 : index
      %swap3A_89 = tpu.vector_load %arg19[%swap3A_87, %swap3A_88] {strides = array<i32>} : memref<128x128xf32, #tpu.memory_space<vmem>>, vector<16xf32>,
      tpu.vector_store %arg19[%swap3A_87, %swap3A_88], %broadcast_in_dim3A_0 {strides = array<i32>} : memref<128x128xf32, #tpu.memory_space<vmem>>, vector<16xf32>,
      %swap3A_90 = arith.index_cast %scan3A_75 : i32 to index
      %swap3A_91 = arith.constant 80 : index
      %swap3A_92 = tpu.vector_load %arg19[%swap3A_90, %swap3A_91] {strides = array<i32>} : memref<128x128xf32, #tpu.memory_space<vmem>>, vector<16xf32>,
      tpu.vector_store %arg19[%swap3A_90, %swap3A_91], %broadcast_in_dim3A_0 {strides = array<i32>} : memref<128x128xf32, #tpu.memory_space<vmem>>, vector<16xf32>,
      %swap3A_93 = arith.index_cast %scan3A_75 : i32 to index
      %swap3A_94 = arith.constant 96 : index
      %swap3A_95 = tpu.vector_load %arg19[%swap3A_93, %swap3A_94] {strides = array<i32>} : memref<128x128xf32, #tpu.memory_space<vmem>>, vector<16xf32>,
      tpu.vector_store %arg19[%swap3A_93, %swap3A_94], %broadcast_in_dim3A_0 {strides = array<i32>} : memref<128x128xf32, #tpu.memory_space<vmem>>, vector<16xf32>,
      %swap3A_96 = arith.index_cast %scan3A_75 : i32 to index
      %swap3A_97 = arith.constant 112 : index
      %swap3A_98 = tpu.vector_load %arg19[%swap3A_96, %swap3A_97] {strides = array<i32>} : memref<128x128xf32, #tpu.memory_space<vmem>>, vector<16xf32>,
      tpu.vector_store %arg19[%swap3A_96, %swap3A_97], %broadcast_in_dim3A_0 {strides = array<i32>} : memref<128x128xf32, #tpu.memory_space<vmem>>, vector<16xf32>,
    }
    %scan3A_5 = arith.constant 20 : i32
    %lt3A = arith.constant 15 : i32
    %lt3A_6 = arith.cmpi slt, %arg1, %lt3A : i32
    %jit3A = arith.constant 20 : i32
    %jit3A_7 = arith.constant 12 : i32
    %select_n3A = arith.select %lt3A_6, %jit3A, %jit3A_7 : i32
    %mul3A = arith.constant 20 : i32
    %mul3A_8 = arith.muli %arg1, %mul3A : i32
    %mul3A_9 = arith.constant 8 : i32
    %mul3A_10 = arith.muli %mul3A_8, %mul3A_9 : i32
    %while3A = arith.constant 0 : i32
    %while3A_11 = arith.constant 0 : i32
    %while3A_12 = arith.subi %select_n3A, %while3A_11 : i32
    %while3A_13 = arith.addi %while3A_11, %while3A_12 : i32
    %while3A_14 = arith.constant 1 : i32
    %while3A_15 = arith.divsi %while3A_12, %while3A_14 : i32
    %while3A_16 = arith.muli %while3A_15, %while3A_14 : i32
    %while3A_17 = arith.addi %while3A_11, %while3A_16 : i32
    %while3A_18 = arith.constant 1 : i32
    scf.for %while3A_75 = %while3A_11 to %while3A_17 step %while3A_18  : i32 {
      %mul3A_76 = arith.constant 8 : i32
      %mul3A_77 = arith.muli %while3A_75, %mul3A_76 : i32
      %add3A_78 = arith.addi %mul3A_10, %mul3A_77 : i32
      "tpu.region"() ({
        %run_scoped3A = tpu.sem_alloc : memref<!tpu.dma_semaphore, #tpu.memory_space<semaphore_mem>>
        %dma_start3A_79 = arith.constant 0 : i32
        %dma_start3A_80 = arith.constant 0 : i32
        %dma_start3A_81 = tpu.memref_slice %arg19[%dma_start3A_79, %dma_start3A_80] : memref<128x128xf32, #tpu.memory_space<vmem>> -> memref<8x128xf32, #tpu.memory_space<vmem>>
        %dma_start3A_82 = arith.constant 0 : i32
        %dma_start3A_83 = tpu.memref_slice %arg21[%add3A_78, %dma_start3A_82] : memref<2500x128xf32, #tpu.memory_space<vmem_shared>> -> memref<8x128xf32, #tpu.memory_space<vmem_shared>>
        %dma_start3A_84 = arith.constant 0 : i32
        %dma_start3A_85 = tpu.memref_slice %arg21[%add3A_78, %dma_start3A_84] : memref<2500x128xf32, #tpu.memory_space<vmem_shared>> -> memref<8x128xf32, #tpu.memory_space<vmem_shared>>
        %dma_start3A_86 = arith.constant 0 : i32
        %dma_start3A_87 = arith.constant 0 : i32
        %dma_start3A_88 = tpu.memref_slice %arg19[%dma_start3A_86, %dma_start3A_87] : memref<128x128xf32, #tpu.memory_space<vmem>> -> memref<8x128xf32, #tpu.memory_space<vmem>>
        tpu.enqueue_dma source(%dma_start3A_88 : memref<8x128xf32, #tpu.memory_space<vmem>>) target(%dma_start3A_85 : memref<8x128xf32, #tpu.memory_space<vmem_shared>>) target_semaphore(%run_scoped3A : memref<!tpu.dma_semaphore, #tpu.memory_space<semaphore_mem>>)
        %dma_wait3A_89 = arith.constant 0 : i32
        %dma_wait3A_90 = arith.constant 0 : i32
        %dma_wait3A_91 = tpu.memref_slice %arg19[%dma_wait3A_89, %dma_wait3A_90] : memref<128x128xf32, #tpu.memory_space<vmem>> -> memref<8x128xf32, #tpu.memory_space<vmem>>
        %dma_wait3A_92 = arith.constant 0 : i32
        %dma_wait3A_93 = tpu.memref_slice %arg21[%add3A_78, %dma_wait3A_92] : memref<2500x128xf32, #tpu.memory_space<vmem_shared>> -> memref<8x128xf32, #tpu.memory_space<vmem_shared>>
        %dma_wait3A_94 = arith.constant 0 : i32
        %dma_wait3A_95 = tpu.memref_slice %arg21[%add3A_78, %dma_wait3A_94] : memref<2500x128xf32, #tpu.memory_space<vmem_shared>> -> memref<8x128xf32, #tpu.memory_space<vmem_shared>>
        %dma_wait3A_96 = arith.constant 0 : i32
        %dma_wait3A_97 = arith.constant 0 : i32
        %dma_wait3A_98 = tpu.memref_slice %arg19[%dma_wait3A_96, %dma_wait3A_97] : memref<128x128xf32, #tpu.memory_space<vmem>> -> memref<8x128xf32, #tpu.memory_space<vmem>>
        tpu.wait_dma2 semaphore(%run_scoped3A : memref<!tpu.dma_semaphore, #tpu.memory_space<semaphore_mem>>) src(%dma_wait3A_98 : memref<8x128xf32, #tpu.memory_space<vmem>>) dst(%dma_wait3A_95 : memref<8x128xf32, #tpu.memory_space<vmem_shared>>)
        tpu.yield
      }) : () -> ()
    }
    %while3A_19 = arith.constant 1 : i32
    scf.for %while3A_75 = %while3A_17 to %while3A_13 step %while3A_19  : i32 {
      %mul3A_76 = arith.constant 8 : i32
      %mul3A_77 = arith.muli %while3A_75, %mul3A_76 : i32
      %add3A_78 = arith.addi %mul3A_10, %mul3A_77 : i32
      "tpu.region"() ({
        %run_scoped3A = tpu.sem_alloc : memref<!tpu.dma_semaphore, #tpu.memory_space<semaphore_mem>>
        %dma_start3A_79 = arith.constant 0 : i32
        %dma_start3A_80 = arith.constant 0 : i32
        %dma_start3A_81 = tpu.memref_slice %arg19[%dma_start3A_79, %dma_start3A_80] : memref<128x128xf32, #tpu.memory_space<vmem>> -> memref<8x128xf32, #tpu.memory_space<vmem>>
        %dma_start3A_82 = arith.constant 0 : i32
        %dma_start3A_83 = tpu.memref_slice %arg21[%add3A_78, %dma_start3A_82] : memref<2500x128xf32, #tpu.memory_space<vmem_shared>> -> memref<8x128xf32, #tpu.memory_space<vmem_shared>>
        %dma_start3A_84 = arith.constant 0 : i32
        %dma_start3A_85 = tpu.memref_slice %arg21[%add3A_78, %dma_start3A_84] : memref<2500x128xf32, #tpu.memory_space<vmem_shared>> -> memref<8x128xf32, #tpu.memory_space<vmem_shared>>
        %dma_start3A_86 = arith.constant 0 : i32
        %dma_start3A_87 = arith.constant 0 : i32
        %dma_start3A_88 = tpu.memref_slice %arg19[%dma_start3A_86, %dma_start3A_87] : memref<128x128xf32, #tpu.memory_space<vmem>> -> memref<8x128xf32, #tpu.memory_space<vmem>>
        tpu.enqueue_dma source(%dma_start3A_88 : memref<8x128xf32, #tpu.memory_space<vmem>>) target(%dma_start3A_85 : memref<8x128xf32, #tpu.memory_space<vmem_shared>>) target_semaphore(%run_scoped3A : memref<!tpu.dma_semaphore, #tpu.memory_space<semaphore_mem>>)
        %dma_wait3A_89 = arith.constant 0 : i32
        %dma_wait3A_90 = arith.constant 0 : i32
        %dma_wait3A_91 = tpu.memref_slice %arg19[%dma_wait3A_89, %dma_wait3A_90] : memref<128x128xf32, #tpu.memory_space<vmem>> -> memref<8x128xf32, #tpu.memory_space<vmem>>
        %dma_wait3A_92 = arith.constant 0 : i32
        %dma_wait3A_93 = tpu.memref_slice %arg21[%add3A_78, %dma_wait3A_92] : memref<2500x128xf32, #tpu.memory_space<vmem_shared>> -> memref<8x128xf32, #tpu.memory_space<vmem_shared>>
        %dma_wait3A_94 = arith.constant 0 : i32
        %dma_wait3A_95 = tpu.memref_slice %arg21[%add3A_78, %dma_wait3A_94] : memref<2500x128xf32, #tpu.memory_space<vmem_shared>> -> memref<8x128xf32, #tpu.memory_space<vmem_shared>>
        %dma_wait3A_96 = arith.constant 0 : i32
        %dma_wait3A_97 = arith.constant 0 : i32
        %dma_wait3A_98 = tpu.memref_slice %arg19[%dma_wait3A_96, %dma_wait3A_97] : memref<128x128xf32, #tpu.memory_space<vmem>> -> memref<8x128xf32, #tpu.memory_space<vmem>>
        tpu.wait_dma2 semaphore(%run_scoped3A : memref<!tpu.dma_semaphore, #tpu.memory_space<semaphore_mem>>) src(%dma_wait3A_98 : memref<8x128xf32, #tpu.memory_space<vmem>>) dst(%dma_wait3A_95 : memref<8x128xf32, #tpu.memory_space<vmem_shared>>)
        tpu.yield
      }) : () -> ()
    }
    %eq3A = arith.constant 15 : i32
    %eq3A_20 = arith.cmpi eq, %arg1, %eq3A : i32
    %convert_element_type3A = arith.extui %eq3A_20 : i1 to i32
    %cond3A = arith.constant 0 : i32
    %cond3A_21 = arith.cmpi ne, %convert_element_type3A, %cond3A : i32
    scf.if %cond3A_21 {
      "tpu.region"() ({
        %run_scoped3A = tpu.sem_alloc : memref<!tpu.dma_semaphore, #tpu.memory_space<semaphore_mem>>
        %dma_start3A_75 = arith.constant 0 : i32
        %dma_start3A_76 = arith.constant 0 : i32
        %dma_start3A_77 = tpu.memref_slice %arg19[%dma_start3A_75, %dma_start3A_76] : memref<128x128xf32, #tpu.memory_space<vmem>> -> memref<4x128xf32, #tpu.memory_space<vmem>>
        %dma_start3A_78 = arith.constant 2496 : i32
        %dma_start3A_79 = arith.constant 0 : i32
        %dma_start3A_80 = tpu.memref_slice %arg21[%dma_start3A_78, %dma_start3A_79] : memref<2500x128xf32, #tpu.memory_space<vmem_shared>> -> memref<4x128xf32, #tpu.memory_space<vmem_shared>>
        %dma_start3A_81 = arith.constant 2496 : i32
        %dma_start3A_82 = arith.constant 0 : i32
        %dma_start3A_83 = tpu.memref_slice %arg21[%dma_start3A_81, %dma_start3A_82] : memref<2500x128xf32, #tpu.memory_space<vmem_shared>> -> memref<4x128xf32, #tpu.memory_space<vmem_shared>>
        %dma_start3A_84 = arith.constant 0 : i32
        %dma_start3A_85 = arith.constant 0 : i32
        %dma_start3A_86 = tpu.memref_slice %arg19[%dma_start3A_84, %dma_start3A_85] : memref<128x128xf32, #tpu.memory_space<vmem>> -> memref<4x128xf32, #tpu.memory_space<vmem>>
        tpu.enqueue_dma source(%dma_start3A_86 : memref<4x128xf32, #tpu.memory_space<vmem>>) target(%dma_start3A_83 : memref<4x128xf32, #tpu.memory_space<vmem_shared>>) target_semaphore(%run_scoped3A : memref<!tpu.dma_semaphore, #tpu.memory_space<semaphore_mem>>)
        %dma_wait3A_87 = arith.constant 0 : i32
        %dma_wait3A_88 = arith.constant 0 : i32
        %dma_wait3A_89 = tpu.memref_slice %arg19[%dma_wait3A_87, %dma_wait3A_88] : memref<128x128xf32, #tpu.memory_space<vmem>> -> memref<4x128xf32, #tpu.memory_space<vmem>>
        %dma_wait3A_90 = arith.constant 2496 : i32
        %dma_wait3A_91 = arith.constant 0 : i32
        %dma_wait3A_92 = tpu.memref_slice %arg21[%dma_wait3A_90, %dma_wait3A_91] : memref<2500x128xf32, #tpu.memory_space<vmem_shared>> -> memref<4x128xf32, #tpu.memory_space<vmem_shared>>
        %dma_wait3A_93 = arith.constant 2496 : i32
        %dma_wait3A_94 = arith.constant 0 : i32
        %dma_wait3A_95 = tpu.memref_slice %arg21[%dma_wait3A_93, %dma_wait3A_94] : memref<2500x128xf32, #tpu.memory_space<vmem_shared>> -> memref<4x128xf32, #tpu.memory_space<vmem_shared>>
        %dma_wait3A_96 = arith.constant 0 : i32
        %dma_wait3A_97 = arith.constant 0 : i32
        %dma_wait3A_98 = tpu.memref_slice %arg19[%dma_wait3A_96, %dma_wait3A_97] : memref<128x128xf32, #tpu.memory_space<vmem>> -> memref<4x128xf32, #tpu.memory_space<vmem>>
        tpu.wait_dma2 semaphore(%run_scoped3A : memref<!tpu.dma_semaphore, #tpu.memory_space<semaphore_mem>>) src(%dma_wait3A_98 : memref<4x128xf32, #tpu.memory_space<vmem>>) dst(%dma_wait3A_95 : memref<4x128xf32, #tpu.memory_space<vmem_shared>>)
        tpu.yield
      }) : () -> ()
    } else {
    }
    "tpu.region"() ({
      %run_scoped3A = tpu.sem_alloc : memref<!tpu.dma_semaphore, #tpu.memory_space<semaphore_mem>>
      tpu.enqueue_dma source(%arg5 : memref<10000xi32, #tpu.memory_space<hbm>>) target(%arg15 : memref<10000xi32, #tpu.memory_space<vmem>>) target_semaphore(%run_scoped3A : memref<!tpu.dma_semaphore, #tpu.memory_space<semaphore_mem>>)
      tpu.wait_dma2 semaphore(%run_scoped3A : memref<!tpu.dma_semaphore, #tpu.memory_space<semaphore_mem>>) src(%arg5 : memref<10000xi32, #tpu.memory_space<hbm>>) dst(%arg15 : memref<10000xi32, #tpu.memory_space<vmem>>)
      tpu.yield
    }) : () -> ()
    "tpu.region"() ({
      %run_scoped3A = tpu.sem_alloc : memref<!tpu.dma_semaphore, #tpu.memory_space<semaphore_mem>>
      tpu.enqueue_dma source(%arg6 : memref<10000xf32, #tpu.memory_space<hbm>>) target(%arg16 : memref<10000xf32, #tpu.memory_space<vmem>>) target_semaphore(%run_scoped3A : memref<!tpu.dma_semaphore, #tpu.memory_space<semaphore_mem>>)
      tpu.wait_dma2 semaphore(%run_scoped3A : memref<!tpu.dma_semaphore, #tpu.memory_space<semaphore_mem>>) src(%arg6 : memref<10000xf32, #tpu.memory_space<hbm>>) dst(%arg16 : memref<10000xf32, #tpu.memory_space<vmem>>)
      tpu.yield
    }) : () -> ()
    %barrier3A = arith.constant 0 : index
    tpu.barrier barrier_id(%barrier3A)
    %iota3A = tpu.iota {dimensions = array<i32: 0>} : vector<16xi32>
    %mul3A_22 = arith.constant 10240 : i32
    %mul3A_23 = arith.muli %arg1, %mul3A_22 : i32
    %add3A = arith.constant 0 : i32
    %add3A_24 = arith.addi %mul3A_23, %add3A : i32
    %dma_start3A = tpu.memref_slice %arg2[%add3A_24] : memref<163840xi32, #tpu.memory_space<hbm>> -> memref<128xi32, #tpu.memory_space<hbm>>
    %dma_start3A_25 = tpu.memref_slice %arg2[%add3A_24] : memref<163840xi32, #tpu.memory_space<hbm>> -> memref<128xi32, #tpu.memory_space<hbm>>
    tpu.enqueue_dma source(%dma_start3A_25 : memref<128xi32, #tpu.memory_space<hbm>>) target(%arg9 : memref<128xi32, #tpu.memory_space<vmem>>) target_semaphore(%arg22 : memref<!tpu.dma_semaphore, #tpu.memory_space<semaphore_mem>>)
    %dma_start3A_26 = tpu.memref_slice %arg3[%add3A_24] : memref<163840xi32, #tpu.memory_space<hbm>> -> memref<128xi32, #tpu.memory_space<hbm>>
    %dma_start3A_27 = tpu.memref_slice %arg3[%add3A_24] : memref<163840xi32, #tpu.memory_space<hbm>> -> memref<128xi32, #tpu.memory_space<hbm>>
    tpu.enqueue_dma source(%dma_start3A_27 : memref<128xi32, #tpu.memory_space<hbm>>) target(%arg11 : memref<128xi32, #tpu.memory_space<vmem>>) target_semaphore(%arg22 : memref<!tpu.dma_semaphore, #tpu.memory_space<semaphore_mem>>)
    %dma_start3A_28 = tpu.memref_slice %arg4[%add3A_24] : memref<163840xi32, #tpu.memory_space<hbm>> -> memref<128xi32, #tpu.memory_space<hbm>>
    %dma_start3A_29 = tpu.memref_slice %arg4[%add3A_24] : memref<163840xi32, #tpu.memory_space<hbm>> -> memref<128xi32, #tpu.memory_space<hbm>>
    tpu.enqueue_dma source(%dma_start3A_29 : memref<128xi32, #tpu.memory_space<hbm>>) target(%arg13 : memref<128xi32, #tpu.memory_space<vmem>>) target_semaphore(%arg22 : memref<!tpu.dma_semaphore, #tpu.memory_space<semaphore_mem>>)
    %add3A_30 = arith.constant 0 : i32
    %add3A_31 = arith.addi %mul3A_23, %add3A_30 : i32
    %dma_wait3A = tpu.memref_slice %arg2[%add3A_31] : memref<163840xi32, #tpu.memory_space<hbm>> -> memref<128xi32, #tpu.memory_space<hbm>>
    %dma_wait3A_32 = tpu.memref_slice %arg2[%add3A_31] : memref<163840xi32, #tpu.memory_space<hbm>> -> memref<128xi32, #tpu.memory_space<hbm>>
    tpu.wait_dma2 semaphore(%arg22 : memref<!tpu.dma_semaphore, #tpu.memory_space<semaphore_mem>>) src(%dma_wait3A_32 : memref<128xi32, #tpu.memory_space<hbm>>) dst(%arg9 : memref<128xi32, #tpu.memory_space<vmem>>)
    %dma_wait3A_33 = tpu.memref_slice %arg3[%add3A_31] : memref<163840xi32, #tpu.memory_space<hbm>> -> memref<128xi32, #tpu.memory_space<hbm>>
    %dma_wait3A_34 = tpu.memref_slice %arg3[%add3A_31] : memref<163840xi32, #tpu.memory_space<hbm>> -> memref<128xi32, #tpu.memory_space<hbm>>
    tpu.wait_dma2 semaphore(%arg22 : memref<!tpu.dma_semaphore, #tpu.memory_space<semaphore_mem>>) src(%dma_wait3A_34 : memref<128xi32, #tpu.memory_space<hbm>>) dst(%arg11 : memref<128xi32, #tpu.memory_space<vmem>>)
    %dma_wait3A_35 = tpu.memref_slice %arg4[%add3A_31] : memref<163840xi32, #tpu.memory_space<hbm>> -> memref<128xi32, #tpu.memory_space<hbm>>
    %dma_wait3A_36 = tpu.memref_slice %arg4[%add3A_31] : memref<163840xi32, #tpu.memory_space<hbm>> -> memref<128xi32, #tpu.memory_space<hbm>>
    tpu.wait_dma2 semaphore(%arg22 : memref<!tpu.dma_semaphore, #tpu.memory_space<semaphore_mem>>) src(%dma_wait3A_36 : memref<128xi32, #tpu.memory_space<hbm>>) dst(%arg13 : memref<128xi32, #tpu.memory_space<vmem>>)
    %add3A_37 = arith.constant 0 : i32
    %add3A_38 = arith.addi %mul3A_23, %add3A_37 : i32
    %scan3A_39 = arith.constant 0 : i32
    %scan3A_40 = arith.constant 0 : i32
    %scan3A_41 = arith.constant 8 : i32
    %scan3A_42 = arith.addi %scan3A_40, %scan3A_41 : i32
    %scan3A_43 = arith.constant 1 : i32
    scf.for %scan3A_75 = %scan3A_40 to %scan3A_42 step %scan3A_43  : i32 {
      %mul3A_76 = arith.constant 16 : i32
      %mul3A_77 = arith.muli %scan3A_75, %mul3A_76 : i32
      %get3A = arith.index_cast %mul3A_77 : i32 to index
      %get3A_78 = tpu.vector_load %arg9[%get3A] {strides = array<i32>} : memref<128xi32, #tpu.memory_space<vmem>>, vector<16xi32>,
      %mul3A_79 = arith.constant 16 : i32
      %mul3A_80 = arith.muli %scan3A_75, %mul3A_79 : i32
      %get3A_81 = arith.index_cast %mul3A_80 : i32 to index
      %get3A_82 = tpu.vector_load %arg11[%get3A_81] {strides = array<i32>} : memref<128xi32, #tpu.memory_space<vmem>>, vector<16xi32>,
      %mul3A_83 = arith.constant 16 : i32
      %mul3A_84 = arith.muli %scan3A_75, %mul3A_83 : i32
      %get3A_85 = arith.index_cast %mul3A_84 : i32 to index
      %get3A_86 = tpu.vector_load %arg13[%get3A_85] {strides = array<i32>} : memref<128xi32, #tpu.memory_space<vmem>>, vector<16xi32>,
      %gather3A = tpu.vector_load_idx %arg15[%get3A_78] : memref<10000xi32, #tpu.memory_space<vmem>>[vector<16xi32>], vector<16xi32>,
      %gather3A_87 = tpu.vector_load_idx %arg15[%get3A_82] : memref<10000xi32, #tpu.memory_space<vmem>>[vector<16xi32>], vector<16xi32>,
      %gather3A_88 = tpu.vector_load_idx %arg16[%get3A_78] : memref<10000xf32, #tpu.memory_space<vmem>>[vector<16xi32>], vector<16xf32>,
      %sub3A = arith.subi %gather3A, %gather3A_87 : vector<16xi32>
      %convert_element_type3A_89 = arith.sitofp %sub3A : vector<16xi32> to vector<16xf32>
      %abs3A = math.absf %convert_element_type3A_89 : vector<16xf32>
      %neg3A = arith.constant 0.000000e+00 : f32
      %neg3A_90 = vector.broadcast %neg3A : f32 to vector<16xf32>
      %neg3A_91 = arith.subf %neg3A_90, %abs3A : vector<16xf32>
      %exp3A = math.exp %neg3A_91 : vector<16xf32>
      %mul3A_92 = arith.mulf %gather3A_88, %exp3A : vector<16xf32>
      %ge3A = arith.constant 0.000000e+00 : f32
      %ge3A_93 = vector.broadcast %ge3A : f32 to vector<16xf32>
      %ge3A_94 = arith.cmpf oge, %mul3A_92, %ge3A_93 : vector<16xf32>
      %mul3A_95 = arith.constant 2.000000e-01 : f32
      %mul3A_96 = vector.broadcast %mul3A_95 : f32 to vector<16xf32>
      %mul3A_97 = arith.mulf %mul3A_96, %mul3A_92 : vector<16xf32>
      %select_n3A_98 = arith.select %ge3A_94, %mul3A_92, %mul3A_97 : vector<16xi1>, vector<16xf32>
      %eq3A_99 = arith.constant 4 : i32
      %eq3A_100 = vector.broadcast %eq3A_99 : i32 to vector<16xi32>
      %eq3A_101 = arith.cmpi eq, %get3A_86, %eq3A_100 : vector<16xi32>
      %mul3A_102 = arith.constant 16 : i32
      %mul3A_103 = arith.muli %scan3A_75, %mul3A_102 : i32
      %add3A_104 = arith.addi %add3A_38, %mul3A_103 : i32
      %add3A_105 = vector.broadcast %add3A_104 : i32 to vector<16xi32>
      %add3A_106 = arith.addi %add3A_105, %iota3A : vector<16xi32>
      %lt3A_107 = arith.constant 160000 : i32
      %lt3A_108 = vector.broadcast %lt3A_107 : i32 to vector<16xi32>
      %lt3A_109 = arith.cmpi slt, %add3A_106, %lt3A_108 : vector<16xi32>
      %and3A = arith.andi %eq3A_101, %lt3A_109 : vector<16xi1>
      %jit3A_110 = arith.constant 0.000000e+00 : f32
      %broadcast_in_dim3A_111 = vector.broadcast %jit3A_110 : f32 to vector<16xf32>
      %select_n3A_112 = arith.select %and3A, %select_n3A_98, %broadcast_in_dim3A_111 : vector<16xi1>, vector<16xf32>
      %mul3A_113 = arith.constant 16 : i32
      %mul3A_114 = arith.muli %scan3A_75, %mul3A_113 : i32
      %swap3A = arith.index_cast %mul3A_114 : i32 to index
      %swap3A_115 = tpu.vector_load %arg17[%swap3A] {strides = array<i32>} : memref<128xf32, #tpu.memory_space<vmem>>, vector<16xf32>,
      tpu.vector_store %arg17[%swap3A], %select_n3A_112 {strides = array<i32>} : memref<128xf32, #tpu.memory_space<vmem>>, vector<16xf32>,
      %mul3A_116 = arith.constant 2 : i32
      %mul3A_117 = vector.broadcast %mul3A_116 : i32 to vector<16xi32>
      %mul3A_118 = arith.muli %get3A_78, %mul3A_117 : vector<16xi32>
      %add3A_119 = vector.broadcast %arg0 : i32 to vector<16xi32>
      %add3A_120 = arith.addi %mul3A_118, %add3A_119 : vector<16xi32>
      %mul3A_121 = arith.constant 16 : i32
      %mul3A_122 = arith.muli %scan3A_75, %mul3A_121 : i32
      %swap3A_123 = arith.index_cast %mul3A_122 : i32 to index
      %swap3A_124 = tpu.vector_load %arg9[%swap3A_123] {strides = array<i32>} : memref<128xi32, #tpu.memory_space<vmem>>, vector<16xi32>,
      tpu.vector_store %arg9[%swap3A_123], %add3A_120 {strides = array<i32>} : memref<128xi32, #tpu.memory_space<vmem>>, vector<16xi32>,
    }
    %scan3A_44 = arith.constant 8 : i32
    %dma_start3A_45 = arith.constant 0 : i32
    %dma_start3A_46 = arith.constant 0 : i32
    %dma_start3A_47 = tpu.memref_slice %arg7[%dma_start3A_45, %dma_start3A_46] : memref<20000x128xf32, #tpu.memory_space<hbm>> -> memref<20000x128xf32, #tpu.memory_space<hbm>>
    tpu.enqueue_indirect_dma source(%dma_start3A_47 : memref<20000x128xf32, #tpu.memory_space<hbm>>) target(%arg19 : memref<128x128xf32, #tpu.memory_space<vmem>>) offsets(%arg9 : memref<128xi32, #tpu.memory_space<vmem>>) semaphore(%arg24 : memref<!tpu.dma_semaphore, #tpu.memory_space<semaphore_mem>>)
    %add3A_48 = arith.constant 128 : i32
    %add3A_49 = arith.addi %mul3A_23, %add3A_48 : i32
    %dma_start3A_50 = tpu.memref_slice %arg2[%add3A_49] : memref<163840xi32, #tpu.memory_space<hbm>> -> memref<128xi32, #tpu.memory_space<hbm>>
    %dma_start3A_51 = tpu.memref_slice %arg2[%add3A_49] : memref<163840xi32, #tpu.memory_space<hbm>> -> memref<128xi32, #tpu.memory_space<hbm>>
    tpu.enqueue_dma source(%dma_start3A_51 : memref<128xi32, #tpu.memory_space<hbm>>) target(%arg10 : memref<128xi32, #tpu.memory_space<vmem>>) target_semaphore(%arg23 : memref<!tpu.dma_semaphore, #tpu.memory_space<semaphore_mem>>)
    %dma_start3A_52 = tpu.memref_slice %arg3[%add3A_49] : memref<163840xi32, #tpu.memory_space<hbm>> -> memref<128xi32, #tpu.memory_space<hbm>>
    %dma_start3A_53 = tpu.memref_slice %arg3[%add3A_49] : memref<163840xi32, #tpu.memory_space<hbm>> -> memref<128xi32, #tpu.memory_space<hbm>>
    tpu.enqueue_dma source(%dma_start3A_53 : memref<128xi32, #tpu.memory_space<hbm>>) target(%arg12 : memref<128xi32, #tpu.memory_space<vmem>>) target_semaphore(%arg23 : memref<!tpu.dma_semaphore, #tpu.memory_space<semaphore_mem>>)
    %dma_start3A_54 = tpu.memref_slice %arg4[%add3A_49] : memref<163840xi32, #tpu.memory_space<hbm>> -> memref<128xi32, #tpu.memory_space<hbm>>
    %dma_start3A_55 = tpu.memref_slice %arg4[%add3A_49] : memref<163840xi32, #tpu.memory_space<hbm>> -> memref<128xi32, #tpu.memory_space<hbm>>
    tpu.enqueue_dma source(%dma_start3A_55 : memref<128xi32, #tpu.memory_space<hbm>>) target(%arg14 : memref<128xi32, #tpu.memory_space<vmem>>) target_semaphore(%arg23 : memref<!tpu.dma_semaphore, #tpu.memory_space<semaphore_mem>>)
    %scan3A_56 = arith.constant 0 : i32
    %scan3A_57 = arith.constant 0 : i32
    %scan3A_58 = arith.constant 40 : i32
    %scan3A_59 = arith.addi %scan3A_57, %scan3A_58 : i32
    %scan3A_60 = arith.constant 1 : i32
    scf.for %scan3A_75 = %scan3A_57 to %scan3A_59 step %scan3A_60  : i32 {
      %mul3A_76 = arith.constant 2 : i32
      %mul3A_77 = arith.muli %mul3A_76, %scan3A_75 : i32
      %add3A_78 = arith.constant 1 : i32
      %add3A_79 = arith.addi %mul3A_77, %add3A_78 : i32
      %mul3A_80 = arith.constant 128 : i32
      %mul3A_81 = arith.muli %add3A_79, %mul3A_80 : i32
      %add3A_82 = arith.addi %mul3A_23, %mul3A_81 : i32
      %dma_wait3A_83 = tpu.memref_slice %arg2[%add3A_82] : memref<163840xi32, #tpu.memory_space<hbm>> -> memref<128xi32, #tpu.memory_space<hbm>>
      %dma_wait3A_84 = tpu.memref_slice %arg2[%add3A_82] : memref<163840xi32, #tpu.memory_space<hbm>> -> memref<128xi32, #tpu.memory_space<hbm>>
      tpu.wait_dma2 semaphore(%arg23 : memref<!tpu.dma_semaphore, #tpu.memory_space<semaphore_mem>>) src(%dma_wait3A_84 : memref<128xi32, #tpu.memory_space<hbm>>) dst(%arg10 : memref<128xi32, #tpu.memory_space<vmem>>)
      %dma_wait3A_85 = tpu.memref_slice %arg3[%add3A_82] : memref<163840xi32, #tpu.memory_space<hbm>> -> memref<128xi32, #tpu.memory_space<hbm>>
      %dma_wait3A_86 = tpu.memref_slice %arg3[%add3A_82] : memref<163840xi32, #tpu.memory_space<hbm>> -> memref<128xi32, #tpu.memory_space<hbm>>
      tpu.wait_dma2 semaphore(%arg23 : memref<!tpu.dma_semaphore, #tpu.memory_space<semaphore_mem>>) src(%dma_wait3A_86 : memref<128xi32, #tpu.memory_space<hbm>>) dst(%arg12 : memref<128xi32, #tpu.memory_space<vmem>>)
      %dma_wait3A_87 = tpu.memref_slice %arg4[%add3A_82] : memref<163840xi32, #tpu.memory_space<hbm>> -> memref<128xi32, #tpu.memory_space<hbm>>
      %dma_wait3A_88 = tpu.memref_slice %arg4[%add3A_82] : memref<163840xi32, #tpu.memory_space<hbm>> -> memref<128xi32, #tpu.memory_space<hbm>>
      tpu.wait_dma2 semaphore(%arg23 : memref<!tpu.dma_semaphore, #tpu.memory_space<semaphore_mem>>) src(%dma_wait3A_88 : memref<128xi32, #tpu.memory_space<hbm>>) dst(%arg14 : memref<128xi32, #tpu.memory_space<vmem>>)
      %add3A_89 = arith.constant 1 : i32
      %add3A_90 = arith.addi %mul3A_77, %add3A_89 : i32
      %mul3A_91 = arith.constant 128 : i32
      %mul3A_92 = arith.muli %add3A_90, %mul3A_91 : i32
      %add3A_93 = arith.addi %mul3A_23, %mul3A_92 : i32
      %scan3A_94 = arith.constant 0 : i32
      %scan3A_95 = arith.constant 0 : i32
      %scan3A_96 = arith.constant 8 : i32
      %scan3A_97 = arith.addi %scan3A_95, %scan3A_96 : i32
      %scan3A_98 = arith.constant 1 : i32
      scf.for %scan3A_142 = %scan3A_95 to %scan3A_97 step %scan3A_98  : i32 {
        %mul3A_143 = arith.constant 16 : i32
        %mul3A_144 = arith.muli %scan3A_142, %mul3A_143 : i32
        %get3A = arith.index_cast %mul3A_144 : i32 to index
        %get3A_145 = tpu.vector_load %arg10[%get3A] {strides = array<i32>} : memref<128xi32, #tpu.memory_space<vmem>>, vector<16xi32>,
        %mul3A_146 = arith.constant 16 : i32
        %mul3A_147 = arith.muli %scan3A_142, %mul3A_146 : i32
        %get3A_148 = arith.index_cast %mul3A_147 : i32 to index
        %get3A_149 = tpu.vector_load %arg12[%get3A_148] {strides = array<i32>} : memref<128xi32, #tpu.memory_space<vmem>>, vector<16xi32>,
        %mul3A_150 = arith.constant 16 : i32
        %mul3A_151 = arith.muli %scan3A_142, %mul3A_150 : i32
        %get3A_152 = arith.index_cast %mul3A_151 : i32 to index
        %get3A_153 = tpu.vector_load %arg14[%get3A_152] {strides = array<i32>} : memref<128xi32, #tpu.memory_space<vmem>>, vector<16xi32>,
        %gather3A = tpu.vector_load_idx %arg15[%get3A_145] : memref<10000xi32, #tpu.memory_space<vmem>>[vector<16xi32>], vector<16xi32>,
        %gather3A_154 = tpu.vector_load_idx %arg15[%get3A_149] : memref<10000xi32, #tpu.memory_space<vmem>>[vector<16xi32>], vector<16xi32>,
        %gather3A_155 = tpu.vector_load_idx %arg16[%get3A_145] : memref<10000xf32, #tpu.memory_space<vmem>>[vector<16xi32>], vector<16xf32>,
        %sub3A = arith.subi %gather3A, %gather3A_154 : vector<16xi32>
        %convert_element_type3A_156 = arith.sitofp %sub3A : vector<16xi32> to vector<16xf32>
        %abs3A = math.absf %convert_element_type3A_156 : vector<16xf32>
        %neg3A = arith.constant 0.000000e+00 : f32
        %neg3A_157 = vector.broadcast %neg3A : f32 to vector<16xf32>
        %neg3A_158 = arith.subf %neg3A_157, %abs3A : vector<16xf32>
        %exp3A = math.exp %neg3A_158 : vector<16xf32>
        %mul3A_159 = arith.mulf %gather3A_155, %exp3A : vector<16xf32>
        %ge3A = arith.constant 0.000000e+00 : f32
        %ge3A_160 = vector.broadcast %ge3A : f32 to vector<16xf32>
        %ge3A_161 = arith.cmpf oge, %mul3A_159, %ge3A_160 : vector<16xf32>
        %mul3A_162 = arith.constant 2.000000e-01 : f32
        %mul3A_163 = vector.broadcast %mul3A_162 : f32 to vector<16xf32>
        %mul3A_164 = arith.mulf %mul3A_163, %mul3A_159 : vector<16xf32>
        %select_n3A_165 = arith.select %ge3A_161, %mul3A_159, %mul3A_164 : vector<16xi1>, vector<16xf32>
        %eq3A_166 = arith.constant 4 : i32
        %eq3A_167 = vector.broadcast %eq3A_166 : i32 to vector<16xi32>
        %eq3A_168 = arith.cmpi eq, %get3A_153, %eq3A_167 : vector<16xi32>
        %mul3A_169 = arith.constant 16 : i32
        %mul3A_170 = arith.muli %scan3A_142, %mul3A_169 : i32
        %add3A_171 = arith.addi %add3A_93, %mul3A_170 : i32
        %add3A_172 = vector.broadcast %add3A_171 : i32 to vector<16xi32>
        %add3A_173 = arith.addi %add3A_172, %iota3A : vector<16xi32>
        %lt3A_174 = arith.constant 160000 : i32
        %lt3A_175 = vector.broadcast %lt3A_174 : i32 to vector<16xi32>
        %lt3A_176 = arith.cmpi slt, %add3A_173, %lt3A_175 : vector<16xi32>
        %and3A = arith.andi %eq3A_168, %lt3A_176 : vector<16xi1>
        %jit3A_177 = arith.constant 0.000000e+00 : f32
        %broadcast_in_dim3A_178 = vector.broadcast %jit3A_177 : f32 to vector<16xf32>
        %select_n3A_179 = arith.select %and3A, %select_n3A_165, %broadcast_in_dim3A_178 : vector<16xi1>, vector<16xf32>
        %mul3A_180 = arith.constant 16 : i32
        %mul3A_181 = arith.muli %scan3A_142, %mul3A_180 : i32
        %swap3A = arith.index_cast %mul3A_181 : i32 to index
        %swap3A_182 = tpu.vector_load %arg18[%swap3A] {strides = array<i32>} : memref<128xf32, #tpu.memory_space<vmem>>, vector<16xf32>,
        tpu.vector_store %arg18[%swap3A], %select_n3A_179 {strides = array<i32>} : memref<128xf32, #tpu.memory_space<vmem>>, vector<16xf32>,
        %mul3A_183 = arith.constant 2 : i32
        %mul3A_184 = vector.broadcast %mul3A_183 : i32 to vector<16xi32>
        %mul3A_185 = arith.muli %get3A_145, %mul3A_184 : vector<16xi32>
        %add3A_186 = vector.broadcast %arg0 : i32 to vector<16xi32>
        %add3A_187 = arith.addi %mul3A_185, %add3A_186 : vector<16xi32>
        %mul3A_188 = arith.constant 16 : i32
        %mul3A_189 = arith.muli %scan3A_142, %mul3A_188 : i32
        %swap3A_190 = arith.index_cast %mul3A_189 : i32 to index
        %swap3A_191 = tpu.vector_load %arg10[%swap3A_190] {strides = array<i32>} : memref<128xi32, #tpu.memory_space<vmem>>, vector<16xi32>,
        tpu.vector_store %arg10[%swap3A_190], %add3A_187 {strides = array<i32>} : memref<128xi32, #tpu.memory_space<vmem>>, vector<16xi32>,
      }
      %scan3A_99 = arith.constant 8 : i32
      %dma_start3A_100 = arith.constant 0 : i32
      %dma_start3A_101 = arith.constant 0 : i32
      %dma_start3A_102 = tpu.memref_slice %arg7[%dma_start3A_100, %dma_start3A_101] : memref<20000x128xf32, #tpu.memory_space<hbm>> -> memref<20000x128xf32, #tpu.memory_space<hbm>>
      tpu.enqueue_indirect_dma source(%dma_start3A_102 : memref<20000x128xf32, #tpu.memory_space<hbm>>) target(%arg20 : memref<128x128xf32, #tpu.memory_space<vmem>>) offsets(%arg10 : memref<128xi32, #tpu.memory_space<vmem>>) semaphore(%arg25 : memref<!tpu.dma_semaphore, #tpu.memory_space<semaphore_mem>>)
      %dma_wait3A_103 = arith.constant 0 : i32
      %dma_wait3A_104 = arith.constant 0 : i32
      %dma_wait3A_105 = tpu.memref_slice %arg7[%dma_wait3A_103, %dma_wait3A_104] : memref<20000x128xf32, #tpu.memory_space<hbm>> -> memref<20000x128xf32, #tpu.memory_space<hbm>>
      tpu.wait_indirect_dma semaphore(%arg24 : memref<!tpu.dma_semaphore, #tpu.memory_space<semaphore_mem>>) src(%dma_wait3A_105 : memref<20000x128xf32, #tpu.memory_space<hbm>>) dst(%arg19 : memref<128x128xf32, #tpu.memory_space<vmem>>)
      %scan3A_106 = arith.constant 0 : i32
      %scan3A_107 = arith.constant 0 : i32
      %scan3A_108 = arith.constant 128 : i32
      %scan3A_109 = arith.addi %scan3A_107, %scan3A_108 : i32
      %scan3A_110 = arith.constant 1 : i32
      scf.for %scan3A_142 = %scan3A_107 to %scan3A_109 step %scan3A_110  : i32 {
        %broadcast_in_dim3A_143 = arith.constant 0 : i32
        %broadcast_in_dim3A_144 = vector.broadcast %broadcast_in_dim3A_143 : i32 to vector<16xi32>
        %add3A_145 = vector.broadcast %scan3A_142 : i32 to vector<16xi32>
        %add3A_146 = arith.addi %broadcast_in_dim3A_144, %add3A_145 : vector<16xi32>
        %gather3A = tpu.vector_load_idx %arg17[%add3A_146] : memref<128xf32, #tpu.memory_space<vmem>>[vector<16xi32>], vector<16xf32>,
        %get3A = arith.index_cast %scan3A_142 : i32 to index
        %get3A_147 = arith.constant 0 : index
        %get3A_148 = tpu.vector_load %arg19[%get3A, %get3A_147] {strides = array<i32>} : memref<128x128xf32, #tpu.memory_space<vmem>>, vector<16xf32>,
        %mul3A_149 = arith.mulf %get3A_148, %gather3A : vector<16xf32>
        %swap3A = arith.index_cast %scan3A_142 : i32 to index
        %swap3A_150 = arith.constant 0 : index
        %swap3A_151 = tpu.vector_load %arg19[%swap3A, %swap3A_150] {strides = array<i32>} : memref<128x128xf32, #tpu.memory_space<vmem>>, vector<16xf32>,
        tpu.vector_store %arg19[%swap3A, %swap3A_150], %mul3A_149 {strides = array<i32>} : memref<128x128xf32, #tpu.memory_space<vmem>>, vector<16xf32>,
        %get3A_152 = arith.index_cast %scan3A_142 : i32 to index
        %get3A_153 = arith.constant 16 : index
        %get3A_154 = tpu.vector_load %arg19[%get3A_152, %get3A_153] {strides = array<i32>} : memref<128x128xf32, #tpu.memory_space<vmem>>, vector<16xf32>,
        %mul3A_155 = arith.mulf %get3A_154, %gather3A : vector<16xf32>
        %swap3A_156 = arith.index_cast %scan3A_142 : i32 to index
        %swap3A_157 = arith.constant 16 : index
        %swap3A_158 = tpu.vector_load %arg19[%swap3A_156, %swap3A_157] {strides = array<i32>} : memref<128x128xf32, #tpu.memory_space<vmem>>, vector<16xf32>,
        tpu.vector_store %arg19[%swap3A_156, %swap3A_157], %mul3A_155 {strides = array<i32>} : memref<128x128xf32, #tpu.memory_space<vmem>>, vector<16xf32>,
        %get3A_159 = arith.index_cast %scan3A_142 : i32 to index
        %get3A_160 = arith.constant 32 : index
        %get3A_161 = tpu.vector_load %arg19[%get3A_159, %get3A_160] {strides = array<i32>} : memref<128x128xf32, #tpu.memory_space<vmem>>, vector<16xf32>,
        %mul3A_162 = arith.mulf %get3A_161, %gather3A : vector<16xf32>
        %swap3A_163 = arith.index_cast %scan3A_142 : i32 to index
        %swap3A_164 = arith.constant 32 : index
        %swap3A_165 = tpu.vector_load %arg19[%swap3A_163, %swap3A_164] {strides = array<i32>} : memref<128x128xf32, #tpu.memory_space<vmem>>, vector<16xf32>,
        tpu.vector_store %arg19[%swap3A_163, %swap3A_164], %mul3A_162 {strides = array<i32>} : memref<128x128xf32, #tpu.memory_space<vmem>>, vector<16xf32>,
        %get3A_166 = arith.index_cast %scan3A_142 : i32 to index
        %get3A_167 = arith.constant 48 : index
        %get3A_168 = tpu.vector_load %arg19[%get3A_166, %get3A_167] {strides = array<i32>} : memref<128x128xf32, #tpu.memory_space<vmem>>, vector<16xf32>,
        %mul3A_169 = arith.mulf %get3A_168, %gather3A : vector<16xf32>
        %swap3A_170 = arith.index_cast %scan3A_142 : i32 to index
        %swap3A_171 = arith.constant 48 : index
        %swap3A_172 = tpu.vector_load %arg19[%swap3A_170, %swap3A_171] {strides = array<i32>} : memref<128x128xf32, #tpu.memory_space<vmem>>, vector<16xf32>,
        tpu.vector_store %arg19[%swap3A_170, %swap3A_171], %mul3A_169 {strides = array<i32>} : memref<128x128xf32, #tpu.memory_space<vmem>>, vector<16xf32>,
        %get3A_173 = arith.index_cast %scan3A_142 : i32 to index
        %get3A_174 = arith.constant 64 : index
        %get3A_175 = tpu.vector_load %arg19[%get3A_173, %get3A_174] {strides = array<i32>} : memref<128x128xf32, #tpu.memory_space<vmem>>, vector<16xf32>,
        %mul3A_176 = arith.mulf %get3A_175, %gather3A : vector<16xf32>
        %swap3A_177 = arith.index_cast %scan3A_142 : i32 to index
        %swap3A_178 = arith.constant 64 : index
        %swap3A_179 = tpu.vector_load %arg19[%swap3A_177, %swap3A_178] {strides = array<i32>} : memref<128x128xf32, #tpu.memory_space<vmem>>, vector<16xf32>,
        tpu.vector_store %arg19[%swap3A_177, %swap3A_178], %mul3A_176 {strides = array<i32>} : memref<128x128xf32, #tpu.memory_space<vmem>>, vector<16xf32>,
        %get3A_180 = arith.index_cast %scan3A_142 : i32 to index
        %get3A_181 = arith.constant 80 : index
        %get3A_182 = tpu.vector_load %arg19[%get3A_180, %get3A_181] {strides = array<i32>} : memref<128x128xf32, #tpu.memory_space<vmem>>, vector<16xf32>,
        %mul3A_183 = arith.mulf %get3A_182, %gather3A : vector<16xf32>
        %swap3A_184 = arith.index_cast %scan3A_142 : i32 to index
        %swap3A_185 = arith.constant 80 : index
        %swap3A_186 = tpu.vector_load %arg19[%swap3A_184, %swap3A_185] {strides = array<i32>} : memref<128x128xf32, #tpu.memory_space<vmem>>, vector<16xf32>,
        tpu.vector_store %arg19[%swap3A_184, %swap3A_185], %mul3A_183 {strides = array<i32>} : memref<128x128xf32, #tpu.memory_space<vmem>>, vector<16xf32>,
        %get3A_187 = arith.index_cast %scan3A_142 : i32 to index
        %get3A_188 = arith.constant 96 : index
        %get3A_189 = tpu.vector_load %arg19[%get3A_187, %get3A_188] {strides = array<i32>} : memref<128x128xf32, #tpu.memory_space<vmem>>, vector<16xf32>,
        %mul3A_190 = arith.mulf %get3A_189, %gather3A : vector<16xf32>
        %swap3A_191 = arith.index_cast %scan3A_142 : i32 to index
        %swap3A_192 = arith.constant 96 : index
        %swap3A_193 = tpu.vector_load %arg19[%swap3A_191, %swap3A_192] {strides = array<i32>} : memref<128x128xf32, #tpu.memory_space<vmem>>, vector<16xf32>,
        tpu.vector_store %arg19[%swap3A_191, %swap3A_192], %mul3A_190 {strides = array<i32>} : memref<128x128xf32, #tpu.memory_space<vmem>>, vector<16xf32>,
        %get3A_194 = arith.index_cast %scan3A_142 : i32 to index
        %get3A_195 = arith.constant 112 : index
        %get3A_196 = tpu.vector_load %arg19[%get3A_194, %get3A_195] {strides = array<i32>} : memref<128x128xf32, #tpu.memory_space<vmem>>, vector<16xf32>,
        %mul3A_197 = arith.mulf %get3A_196, %gather3A : vector<16xf32>
        %swap3A_198 = arith.index_cast %scan3A_142 : i32 to index
        %swap3A_199 = arith.constant 112 : index
        %swap3A_200 = tpu.vector_load %arg19[%swap3A_198, %swap3A_199] {strides = array<i32>} : memref<128x128xf32, #tpu.memory_space<vmem>>, vector<16xf32>,
        tpu.vector_store %arg19[%swap3A_198, %swap3A_199], %mul3A_197 {strides = array<i32>} : memref<128x128xf32, #tpu.memory_space<vmem>>, vector<16xf32>,
      }
      %scan3A_111 = arith.constant 128 : i32
      "tpu.region"() ({
        %run_scoped3A = tpu.sem_alloc : memref<!tpu.dma_semaphore, #tpu.memory_space<semaphore_mem>>
        %dma_start3A_142 = arith.constant 0 : i32
        %dma_start3A_143 = arith.constant 0 : i32
        %dma_start3A_144 = tpu.memref_slice %arg21[%dma_start3A_142, %dma_start3A_143] : memref<2500x128xf32, #tpu.memory_space<vmem_shared>> -> memref<2500x128xf32, #tpu.memory_space<vmem_shared>>
        tpu.enqueue_indirect_dma source(%arg19 : memref<128x128xf32, #tpu.memory_space<vmem>>) target(%dma_start3A_144 : memref<2500x128xf32, #tpu.memory_space<vmem_shared>>) offsets(%arg11 : memref<128xi32, #tpu.memory_space<vmem>>) semaphore(%run_scoped3A : memref<!tpu.dma_semaphore, #tpu.memory_space<semaphore_mem>>) {add = true}
        %dma_wait3A_145 = arith.constant 0 : i32
        %dma_wait3A_146 = arith.constant 0 : i32
        %dma_wait3A_147 = tpu.memref_slice %arg21[%dma_wait3A_145, %dma_wait3A_146] : memref<2500x128xf32, #tpu.memory_space<vmem_shared>> -> memref<2500x128xf32, #tpu.memory_space<vmem_shared>>
        tpu.wait_indirect_dma semaphore(%run_scoped3A : memref<!tpu.dma_semaphore, #tpu.memory_space<semaphore_mem>>) src(%arg19 : memref<128x128xf32, #tpu.memory_space<vmem>>) dst(%dma_wait3A_147 : memref<2500x128xf32, #tpu.memory_space<vmem_shared>>)
        tpu.yield
      }) : () -> ()
      %add3A_112 = arith.constant 2 : i32
      %add3A_113 = arith.addi %mul3A_77, %add3A_112 : i32
      %lt3A_114 = arith.constant 80 : i32
      %lt3A_115 = arith.cmpi slt, %add3A_113, %lt3A_114 : i32
      %convert_element_type3A_116 = arith.extui %lt3A_115 : i1 to i32
      %cond3A_117 = arith.constant 0 : i32
      %cond3A_118 = arith.cmpi ne, %convert_element_type3A_116, %cond3A_117 : i32
      scf.if %cond3A_118 {
        %add3A_142 = arith.constant 2 : i32
        %add3A_143 = arith.addi %mul3A_77, %add3A_142 : i32
        %mul3A_144 = arith.constant 128 : i32
        %mul3A_145 = arith.muli %add3A_143, %mul3A_144 : i32
        %add3A_146 = arith.addi %mul3A_23, %mul3A_145 : i32
        %dma_start3A_147 = tpu.memref_slice %arg2[%add3A_146] : memref<163840xi32, #tpu.memory_space<hbm>> -> memref<128xi32, #tpu.memory_space<hbm>>
        %dma_start3A_148 = tpu.memref_slice %arg2[%add3A_146] : memref<163840xi32, #tpu.memory_space<hbm>> -> memref<128xi32, #tpu.memory_space<hbm>>
        tpu.enqueue_dma source(%dma_start3A_148 : memref<128xi32, #tpu.memory_space<hbm>>) target(%arg9 : memref<128xi32, #tpu.memory_space<vmem>>) target_semaphore(%arg22 : memref<!tpu.dma_semaphore, #tpu.memory_space<semaphore_mem>>)
        %dma_start3A_149 = tpu.memref_slice %arg3[%add3A_146] : memref<163840xi32, #tpu.memory_space<hbm>> -> memref<128xi32, #tpu.memory_space<hbm>>
        %dma_start3A_150 = tpu.memref_slice %arg3[%add3A_146] : memref<163840xi32, #tpu.memory_space<hbm>> -> memref<128xi32, #tpu.memory_space<hbm>>
        tpu.enqueue_dma source(%dma_start3A_150 : memref<128xi32, #tpu.memory_space<hbm>>) target(%arg11 : memref<128xi32, #tpu.memory_space<vmem>>) target_semaphore(%arg22 : memref<!tpu.dma_semaphore, #tpu.memory_space<semaphore_mem>>)
        %dma_start3A_151 = tpu.memref_slice %arg4[%add3A_146] : memref<163840xi32, #tpu.memory_space<hbm>> -> memref<128xi32, #tpu.memory_space<hbm>>
        %dma_start3A_152 = tpu.memref_slice %arg4[%add3A_146] : memref<163840xi32, #tpu.memory_space<hbm>> -> memref<128xi32, #tpu.memory_space<hbm>>
        tpu.enqueue_dma source(%dma_start3A_152 : memref<128xi32, #tpu.memory_space<hbm>>) target(%arg13 : memref<128xi32, #tpu.memory_space<vmem>>) target_semaphore(%arg22 : memref<!tpu.dma_semaphore, #tpu.memory_space<semaphore_mem>>)
      } else {
      }
      %add3A_119 = arith.constant 2 : i32
      %add3A_120 = arith.addi %mul3A_77, %add3A_119 : i32
      %lt3A_121 = arith.constant 80 : i32
      %lt3A_122 = arith.cmpi slt, %add3A_120, %lt3A_121 : i32
      %convert_element_type3A_123 = arith.extui %lt3A_122 : i1 to i32
      %cond3A_124 = arith.constant 0 : i32
      %cond3A_125 = arith.cmpi ne, %convert_element_type3A_123, %cond3A_124 : i32
      scf.if %cond3A_125 {
        %add3A_142 = arith.constant 2 : i32
        %add3A_143 = arith.addi %mul3A_77, %add3A_142 : i32
        %mul3A_144 = arith.constant 128 : i32
        %mul3A_145 = arith.muli %add3A_143, %mul3A_144 : i32
        %add3A_146 = arith.addi %mul3A_23, %mul3A_145 : i32
        %dma_wait3A_147 = tpu.memref_slice %arg2[%add3A_146] : memref<163840xi32, #tpu.memory_space<hbm>> -> memref<128xi32, #tpu.memory_space<hbm>>
        %dma_wait3A_148 = tpu.memref_slice %arg2[%add3A_146] : memref<163840xi32, #tpu.memory_space<hbm>> -> memref<128xi32, #tpu.memory_space<hbm>>
        tpu.wait_dma2 semaphore(%arg22 : memref<!tpu.dma_semaphore, #tpu.memory_space<semaphore_mem>>) src(%dma_wait3A_148 : memref<128xi32, #tpu.memory_space<hbm>>) dst(%arg9 : memref<128xi32, #tpu.memory_space<vmem>>)
        %dma_wait3A_149 = tpu.memref_slice %arg3[%add3A_146] : memref<163840xi32, #tpu.memory_space<hbm>> -> memref<128xi32, #tpu.memory_space<hbm>>
        %dma_wait3A_150 = tpu.memref_slice %arg3[%add3A_146] : memref<163840xi32, #tpu.memory_space<hbm>> -> memref<128xi32, #tpu.memory_space<hbm>>
        tpu.wait_dma2 semaphore(%arg22 : memref<!tpu.dma_semaphore, #tpu.memory_space<semaphore_mem>>) src(%dma_wait3A_150 : memref<128xi32, #tpu.memory_space<hbm>>) dst(%arg11 : memref<128xi32, #tpu.memory_space<vmem>>)
        %dma_wait3A_151 = tpu.memref_slice %arg4[%add3A_146] : memref<163840xi32, #tpu.memory_space<hbm>> -> memref<128xi32, #tpu.memory_space<hbm>>
        %dma_wait3A_152 = tpu.memref_slice %arg4[%add3A_146] : memref<163840xi32, #tpu.memory_space<hbm>> -> memref<128xi32, #tpu.memory_space<hbm>>
        tpu.wait_dma2 semaphore(%arg22 : memref<!tpu.dma_semaphore, #tpu.memory_space<semaphore_mem>>) src(%dma_wait3A_152 : memref<128xi32, #tpu.memory_space<hbm>>) dst(%arg13 : memref<128xi32, #tpu.memory_space<vmem>>)
        %add3A_153 = arith.constant 2 : i32
        %add3A_154 = arith.addi %mul3A_77, %add3A_153 : i32
        %mul3A_155 = arith.constant 128 : i32
        %mul3A_156 = arith.muli %add3A_154, %mul3A_155 : i32
        %add3A_157 = arith.addi %mul3A_23, %mul3A_156 : i32
        %scan3A_158 = arith.constant 0 : i32
        %scan3A_159 = arith.constant 0 : i32
        %scan3A_160 = arith.constant 8 : i32
        %scan3A_161 = arith.addi %scan3A_159, %scan3A_160 : i32
        %scan3A_162 = arith.constant 1 : i32
        scf.for %scan3A_167 = %scan3A_159 to %scan3A_161 step %scan3A_162  : i32 {
          %mul3A_168 = arith.constant 16 : i32
          %mul3A_169 = arith.muli %scan3A_167, %mul3A_168 : i32
          %get3A = arith.index_cast %mul3A_169 : i32 to index
          %get3A_170 = tpu.vector_load %arg9[%get3A] {strides = array<i32>} : memref<128xi32, #tpu.memory_space<vmem>>, vector<16xi32>,
          %mul3A_171 = arith.constant 16 : i32
          %mul3A_172 = arith.muli %scan3A_167, %mul3A_171 : i32
          %get3A_173 = arith.index_cast %mul3A_172 : i32 to index
          %get3A_174 = tpu.vector_load %arg11[%get3A_173] {strides = array<i32>} : memref<128xi32, #tpu.memory_space<vmem>>, vector<16xi32>,
          %mul3A_175 = arith.constant 16 : i32
          %mul3A_176 = arith.muli %scan3A_167, %mul3A_175 : i32
          %get3A_177 = arith.index_cast %mul3A_176 : i32 to index
          %get3A_178 = tpu.vector_load %arg13[%get3A_177] {strides = array<i32>} : memref<128xi32, #tpu.memory_space<vmem>>, vector<16xi32>,
          %gather3A = tpu.vector_load_idx %arg15[%get3A_170] : memref<10000xi32, #tpu.memory_space<vmem>>[vector<16xi32>], vector<16xi32>,
          %gather3A_179 = tpu.vector_load_idx %arg15[%get3A_174] : memref<10000xi32, #tpu.memory_space<vmem>>[vector<16xi32>], vector<16xi32>,
          %gather3A_180 = tpu.vector_load_idx %arg16[%get3A_170] : memref<10000xf32, #tpu.memory_space<vmem>>[vector<16xi32>], vector<16xf32>,
          %sub3A = arith.subi %gather3A, %gather3A_179 : vector<16xi32>
          %convert_element_type3A_181 = arith.sitofp %sub3A : vector<16xi32> to vector<16xf32>
          %abs3A = math.absf %convert_element_type3A_181 : vector<16xf32>
          %neg3A = arith.constant 0.000000e+00 : f32
          %neg3A_182 = vector.broadcast %neg3A : f32 to vector<16xf32>
          %neg3A_183 = arith.subf %neg3A_182, %abs3A : vector<16xf32>
          %exp3A = math.exp %neg3A_183 : vector<16xf32>
          %mul3A_184 = arith.mulf %gather3A_180, %exp3A : vector<16xf32>
          %ge3A = arith.constant 0.000000e+00 : f32
          %ge3A_185 = vector.broadcast %ge3A : f32 to vector<16xf32>
          %ge3A_186 = arith.cmpf oge, %mul3A_184, %ge3A_185 : vector<16xf32>
          %mul3A_187 = arith.constant 2.000000e-01 : f32
          %mul3A_188 = vector.broadcast %mul3A_187 : f32 to vector<16xf32>
          %mul3A_189 = arith.mulf %mul3A_188, %mul3A_184 : vector<16xf32>
          %select_n3A_190 = arith.select %ge3A_186, %mul3A_184, %mul3A_189 : vector<16xi1>, vector<16xf32>
          %eq3A_191 = arith.constant 4 : i32
          %eq3A_192 = vector.broadcast %eq3A_191 : i32 to vector<16xi32>
          %eq3A_193 = arith.cmpi eq, %get3A_178, %eq3A_192 : vector<16xi32>
          %mul3A_194 = arith.constant 16 : i32
          %mul3A_195 = arith.muli %scan3A_167, %mul3A_194 : i32
          %add3A_196 = arith.addi %add3A_157, %mul3A_195 : i32
          %add3A_197 = vector.broadcast %add3A_196 : i32 to vector<16xi32>
          %add3A_198 = arith.addi %add3A_197, %iota3A : vector<16xi32>
          %lt3A_199 = arith.constant 160000 : i32
          %lt3A_200 = vector.broadcast %lt3A_199 : i32 to vector<16xi32>
          %lt3A_201 = arith.cmpi slt, %add3A_198, %lt3A_200 : vector<16xi32>
          %and3A = arith.andi %eq3A_193, %lt3A_201 : vector<16xi1>
          %jit3A_202 = arith.constant 0.000000e+00 : f32
          %broadcast_in_dim3A_203 = vector.broadcast %jit3A_202 : f32 to vector<16xf32>
          %select_n3A_204 = arith.select %and3A, %select_n3A_190, %broadcast_in_dim3A_203 : vector<16xi1>, vector<16xf32>
          %mul3A_205 = arith.constant 16 : i32
          %mul3A_206 = arith.muli %scan3A_167, %mul3A_205 : i32
          %swap3A = arith.index_cast %mul3A_206 : i32 to index
          %swap3A_207 = tpu.vector_load %arg17[%swap3A] {strides = array<i32>} : memref<128xf32, #tpu.memory_space<vmem>>, vector<16xf32>,
          tpu.vector_store %arg17[%swap3A], %select_n3A_204 {strides = array<i32>} : memref<128xf32, #tpu.memory_space<vmem>>, vector<16xf32>,
          %mul3A_208 = arith.constant 2 : i32
          %mul3A_209 = vector.broadcast %mul3A_208 : i32 to vector<16xi32>
          %mul3A_210 = arith.muli %get3A_170, %mul3A_209 : vector<16xi32>
          %add3A_211 = vector.broadcast %arg0 : i32 to vector<16xi32>
          %add3A_212 = arith.addi %mul3A_210, %add3A_211 : vector<16xi32>
          %mul3A_213 = arith.constant 16 : i32
          %mul3A_214 = arith.muli %scan3A_167, %mul3A_213 : i32
          %swap3A_215 = arith.index_cast %mul3A_214 : i32 to index
          %swap3A_216 = tpu.vector_load %arg9[%swap3A_215] {strides = array<i32>} : memref<128xi32, #tpu.memory_space<vmem>>, vector<16xi32>,
          tpu.vector_store %arg9[%swap3A_215], %add3A_212 {strides = array<i32>} : memref<128xi32, #tpu.memory_space<vmem>>, vector<16xi32>,
        }
        %scan3A_163 = arith.constant 8 : i32
        %dma_start3A_164 = arith.constant 0 : i32
        %dma_start3A_165 = arith.constant 0 : i32
        %dma_start3A_166 = tpu.memref_slice %arg7[%dma_start3A_164, %dma_start3A_165] : memref<20000x128xf32, #tpu.memory_space<hbm>> -> memref<20000x128xf32, #tpu.memory_space<hbm>>
        tpu.enqueue_indirect_dma source(%dma_start3A_166 : memref<20000x128xf32, #tpu.memory_space<hbm>>) target(%arg19 : memref<128x128xf32, #tpu.memory_space<vmem>>) offsets(%arg9 : memref<128xi32, #tpu.memory_space<vmem>>) semaphore(%arg24 : memref<!tpu.dma_semaphore, #tpu.memory_space<semaphore_mem>>)
      } else {
      }
      %dma_wait3A_126 = arith.constant 0 : i32
      %dma_wait3A_127 = arith.constant 0 : i32
      %dma_wait3A_128 = tpu.memref_slice %arg7[%dma_wait3A_126, %dma_wait3A_127] : memref<20000x128xf32, #tpu.memory_space<hbm>> -> memref<20000x128xf32, #tpu.memory_space<hbm>>
      tpu.wait_indirect_dma semaphore(%arg25 : memref<!tpu.dma_semaphore, #tpu.memory_space<semaphore_mem>>) src(%dma_wait3A_128 : memref<20000x128xf32, #tpu.memory_space<hbm>>) dst(%arg20 : memref<128x128xf32, #tpu.memory_space<vmem>>)
      %scan3A_129 = arith.constant 0 : i32
      %scan3A_130 = arith.constant 0 : i32
      %scan3A_131 = arith.constant 128 : i32
      %scan3A_132 = arith.addi %scan3A_130, %scan3A_131 : i32
      %scan3A_133 = arith.constant 1 : i32
      scf.for %scan3A_142 = %scan3A_130 to %scan3A_132 step %scan3A_133  : i32 {
        %broadcast_in_dim3A_143 = arith.constant 0 : i32
        %broadcast_in_dim3A_144 = vector.broadcast %broadcast_in_dim3A_143 : i32 to vector<16xi32>
        %add3A_145 = vector.broadcast %scan3A_142 : i32 to vector<16xi32>
        %add3A_146 = arith.addi %broadcast_in_dim3A_144, %add3A_145 : vector<16xi32>
        %gather3A = tpu.vector_load_idx %arg18[%add3A_146] : memref<128xf32, #tpu.memory_space<vmem>>[vector<16xi32>], vector<16xf32>,
        %get3A = arith.index_cast %scan3A_142 : i32 to index
        %get3A_147 = arith.constant 0 : index
        %get3A_148 = tpu.vector_load %arg20[%get3A, %get3A_147] {strides = array<i32>} : memref<128x128xf32, #tpu.memory_space<vmem>>, vector<16xf32>,
        %mul3A_149 = arith.mulf %get3A_148, %gather3A : vector<16xf32>
        %swap3A = arith.index_cast %scan3A_142 : i32 to index
        %swap3A_150 = arith.constant 0 : index
        %swap3A_151 = tpu.vector_load %arg20[%swap3A, %swap3A_150] {strides = array<i32>} : memref<128x128xf32, #tpu.memory_space<vmem>>, vector<16xf32>,
        tpu.vector_store %arg20[%swap3A, %swap3A_150], %mul3A_149 {strides = array<i32>} : memref<128x128xf32, #tpu.memory_space<vmem>>, vector<16xf32>,
        %get3A_152 = arith.index_cast %scan3A_142 : i32 to index
        %get3A_153 = arith.constant 16 : index
        %get3A_154 = tpu.vector_load %arg20[%get3A_152, %get3A_153] {strides = array<i32>} : memref<128x128xf32, #tpu.memory_space<vmem>>, vector<16xf32>,
        %mul3A_155 = arith.mulf %get3A_154, %gather3A : vector<16xf32>
        %swap3A_156 = arith.index_cast %scan3A_142 : i32 to index
        %swap3A_157 = arith.constant 16 : index
        %swap3A_158 = tpu.vector_load %arg20[%swap3A_156, %swap3A_157] {strides = array<i32>} : memref<128x128xf32, #tpu.memory_space<vmem>>, vector<16xf32>,
        tpu.vector_store %arg20[%swap3A_156, %swap3A_157], %mul3A_155 {strides = array<i32>} : memref<128x128xf32, #tpu.memory_space<vmem>>, vector<16xf32>,
        %get3A_159 = arith.index_cast %scan3A_142 : i32 to index
        %get3A_160 = arith.constant 32 : index
        %get3A_161 = tpu.vector_load %arg20[%get3A_159, %get3A_160] {strides = array<i32>} : memref<128x128xf32, #tpu.memory_space<vmem>>, vector<16xf32>,
        %mul3A_162 = arith.mulf %get3A_161, %gather3A : vector<16xf32>
        %swap3A_163 = arith.index_cast %scan3A_142 : i32 to index
        %swap3A_164 = arith.constant 32 : index
        %swap3A_165 = tpu.vector_load %arg20[%swap3A_163, %swap3A_164] {strides = array<i32>} : memref<128x128xf32, #tpu.memory_space<vmem>>, vector<16xf32>,
        tpu.vector_store %arg20[%swap3A_163, %swap3A_164], %mul3A_162 {strides = array<i32>} : memref<128x128xf32, #tpu.memory_space<vmem>>, vector<16xf32>,
        %get3A_166 = arith.index_cast %scan3A_142 : i32 to index
        %get3A_167 = arith.constant 48 : index
        %get3A_168 = tpu.vector_load %arg20[%get3A_166, %get3A_167] {strides = array<i32>} : memref<128x128xf32, #tpu.memory_space<vmem>>, vector<16xf32>,
        %mul3A_169 = arith.mulf %get3A_168, %gather3A : vector<16xf32>
        %swap3A_170 = arith.index_cast %scan3A_142 : i32 to index
        %swap3A_171 = arith.constant 48 : index
        %swap3A_172 = tpu.vector_load %arg20[%swap3A_170, %swap3A_171] {strides = array<i32>} : memref<128x128xf32, #tpu.memory_space<vmem>>, vector<16xf32>,
        tpu.vector_store %arg20[%swap3A_170, %swap3A_171], %mul3A_169 {strides = array<i32>} : memref<128x128xf32, #tpu.memory_space<vmem>>, vector<16xf32>,
        %get3A_173 = arith.index_cast %scan3A_142 : i32 to index
        %get3A_174 = arith.constant 64 : index
        %get3A_175 = tpu.vector_load %arg20[%get3A_173, %get3A_174] {strides = array<i32>} : memref<128x128xf32, #tpu.memory_space<vmem>>, vector<16xf32>,
        %mul3A_176 = arith.mulf %get3A_175, %gather3A : vector<16xf32>
        %swap3A_177 = arith.index_cast %scan3A_142 : i32 to index
        %swap3A_178 = arith.constant 64 : index
        %swap3A_179 = tpu.vector_load %arg20[%swap3A_177, %swap3A_178] {strides = array<i32>} : memref<128x128xf32, #tpu.memory_space<vmem>>, vector<16xf32>,
        tpu.vector_store %arg20[%swap3A_177, %swap3A_178], %mul3A_176 {strides = array<i32>} : memref<128x128xf32, #tpu.memory_space<vmem>>, vector<16xf32>,
        %get3A_180 = arith.index_cast %scan3A_142 : i32 to index
        %get3A_181 = arith.constant 80 : index
        %get3A_182 = tpu.vector_load %arg20[%get3A_180, %get3A_181] {strides = array<i32>} : memref<128x128xf32, #tpu.memory_space<vmem>>, vector<16xf32>,
        %mul3A_183 = arith.mulf %get3A_182, %gather3A : vector<16xf32>
        %swap3A_184 = arith.index_cast %scan3A_142 : i32 to index
        %swap3A_185 = arith.constant 80 : index
        %swap3A_186 = tpu.vector_load %arg20[%swap3A_184, %swap3A_185] {strides = array<i32>} : memref<128x128xf32, #tpu.memory_space<vmem>>, vector<16xf32>,
        tpu.vector_store %arg20[%swap3A_184, %swap3A_185], %mul3A_183 {strides = array<i32>} : memref<128x128xf32, #tpu.memory_space<vmem>>, vector<16xf32>,
        %get3A_187 = arith.index_cast %scan3A_142 : i32 to index
        %get3A_188 = arith.constant 96 : index
        %get3A_189 = tpu.vector_load %arg20[%get3A_187, %get3A_188] {strides = array<i32>} : memref<128x128xf32, #tpu.memory_space<vmem>>, vector<16xf32>,
        %mul3A_190 = arith.mulf %get3A_189, %gather3A : vector<16xf32>
        %swap3A_191 = arith.index_cast %scan3A_142 : i32 to index
        %swap3A_192 = arith.constant 96 : index
        %swap3A_193 = tpu.vector_load %arg20[%swap3A_191, %swap3A_192] {strides = array<i32>} : memref<128x128xf32, #tpu.memory_space<vmem>>, vector<16xf32>,
        tpu.vector_store %arg20[%swap3A_191, %swap3A_192], %mul3A_190 {strides = array<i32>} : memref<128x128xf32, #tpu.memory_space<vmem>>, vector<16xf32>,
        %get3A_194 = arith.index_cast %scan3A_142 : i32 to index
        %get3A_195 = arith.constant 112 : index
        %get3A_196 = tpu.vector_load %arg20[%get3A_194, %get3A_195] {strides = array<i32>} : memref<128x128xf32, #tpu.memory_space<vmem>>, vector<16xf32>,
        %mul3A_197 = arith.mulf %get3A_196, %gather3A : vector<16xf32>
        %swap3A_198 = arith.index_cast %scan3A_142 : i32 to index
        %swap3A_199 = arith.constant 112 : index
        %swap3A_200 = tpu.vector_load %arg20[%swap3A_198, %swap3A_199] {strides = array<i32>} : memref<128x128xf32, #tpu.memory_space<vmem>>, vector<16xf32>,
        tpu.vector_store %arg20[%swap3A_198, %swap3A_199], %mul3A_197 {strides = array<i32>} : memref<128x128xf32, #tpu.memory_space<vmem>>, vector<16xf32>,
      }
      %scan3A_134 = arith.constant 128 : i32
      "tpu.region"() ({
        %run_scoped3A = tpu.sem_alloc : memref<!tpu.dma_semaphore, #tpu.memory_space<semaphore_mem>>
        %dma_start3A_142 = arith.constant 0 : i32
        %dma_start3A_143 = arith.constant 0 : i32
        %dma_start3A_144 = tpu.memref_slice %arg21[%dma_start3A_142, %dma_start3A_143] : memref<2500x128xf32, #tpu.memory_space<vmem_shared>> -> memref<2500x128xf32, #tpu.memory_space<vmem_shared>>
        tpu.enqueue_indirect_dma source(%arg20 : memref<128x128xf32, #tpu.memory_space<vmem>>) target(%dma_start3A_144 : memref<2500x128xf32, #tpu.memory_space<vmem_shared>>) offsets(%arg12 : memref<128xi32, #tpu.memory_space<vmem>>) semaphore(%run_scoped3A : memref<!tpu.dma_semaphore, #tpu.memory_space<semaphore_mem>>) {add = true}
        %dma_wait3A_145 = arith.constant 0 : i32
        %dma_wait3A_146 = arith.constant 0 : i32
        %dma_wait3A_147 = tpu.memref_slice %arg21[%dma_wait3A_145, %dma_wait3A_146] : memref<2500x128xf32, #tpu.memory_space<vmem_shared>> -> memref<2500x128xf32, #tpu.memory_space<vmem_shared>>
        tpu.wait_indirect_dma semaphore(%run_scoped3A : memref<!tpu.dma_semaphore, #tpu.memory_space<semaphore_mem>>) src(%arg20 : memref<128x128xf32, #tpu.memory_space<vmem>>) dst(%dma_wait3A_147 : memref<2500x128xf32, #tpu.memory_space<vmem_shared>>)
        tpu.yield
      }) : () -> ()
      %add3A_135 = arith.constant 3 : i32
      %add3A_136 = arith.addi %mul3A_77, %add3A_135 : i32
      %lt3A_137 = arith.constant 80 : i32
      %lt3A_138 = arith.cmpi slt, %add3A_136, %lt3A_137 : i32
      %convert_element_type3A_139 = arith.extui %lt3A_138 : i1 to i32
      %cond3A_140 = arith.constant 0 : i32
      %cond3A_141 = arith.cmpi ne, %convert_element_type3A_139, %cond3A_140 : i32
      scf.if %cond3A_141 {
        %add3A_142 = arith.constant 3 : i32
        %add3A_143 = arith.addi %mul3A_77, %add3A_142 : i32
        %mul3A_144 = arith.constant 128 : i32
        %mul3A_145 = arith.muli %add3A_143, %mul3A_144 : i32
        %add3A_146 = arith.addi %mul3A_23, %mul3A_145 : i32
        %dma_start3A_147 = tpu.memref_slice %arg2[%add3A_146] : memref<163840xi32, #tpu.memory_space<hbm>> -> memref<128xi32, #tpu.memory_space<hbm>>
        %dma_start3A_148 = tpu.memref_slice %arg2[%add3A_146] : memref<163840xi32, #tpu.memory_space<hbm>> -> memref<128xi32, #tpu.memory_space<hbm>>
        tpu.enqueue_dma source(%dma_start3A_148 : memref<128xi32, #tpu.memory_space<hbm>>) target(%arg10 : memref<128xi32, #tpu.memory_space<vmem>>) target_semaphore(%arg23 : memref<!tpu.dma_semaphore, #tpu.memory_space<semaphore_mem>>)
        %dma_start3A_149 = tpu.memref_slice %arg3[%add3A_146] : memref<163840xi32, #tpu.memory_space<hbm>> -> memref<128xi32, #tpu.memory_space<hbm>>
        %dma_start3A_150 = tpu.memref_slice %arg3[%add3A_146] : memref<163840xi32, #tpu.memory_space<hbm>> -> memref<128xi32, #tpu.memory_space<hbm>>
        tpu.enqueue_dma source(%dma_start3A_150 : memref<128xi32, #tpu.memory_space<hbm>>) target(%arg12 : memref<128xi32, #tpu.memory_space<vmem>>) target_semaphore(%arg23 : memref<!tpu.dma_semaphore, #tpu.memory_space<semaphore_mem>>)
        %dma_start3A_151 = tpu.memref_slice %arg4[%add3A_146] : memref<163840xi32, #tpu.memory_space<hbm>> -> memref<128xi32, #tpu.memory_space<hbm>>
        %dma_start3A_152 = tpu.memref_slice %arg4[%add3A_146] : memref<163840xi32, #tpu.memory_space<hbm>> -> memref<128xi32, #tpu.memory_space<hbm>>
        tpu.enqueue_dma source(%dma_start3A_152 : memref<128xi32, #tpu.memory_space<hbm>>) target(%arg14 : memref<128xi32, #tpu.memory_space<vmem>>) target_semaphore(%arg23 : memref<!tpu.dma_semaphore, #tpu.memory_space<semaphore_mem>>)
      } else {
      }
    }
    %scan3A_61 = arith.constant 40 : i32
    %barrier3A_62 = arith.constant 0 : index
    tpu.barrier barrier_id(%barrier3A_62)
    %mul3A_63 = arith.constant 152 : i32
    %mul3A_64 = arith.muli %arg1, %mul3A_63 : i32
    %lt3A_65 = arith.constant 15 : i32
    %lt3A_66 = arith.cmpi slt, %arg1, %lt3A_65 : i32
    %convert_element_type3A_67 = arith.extui %lt3A_66 : i1 to i32
    %cond3A_68 = arith.constant 0 : i32
    %cond3A_69 = arith.cmpi ne, %convert_element_type3A_67, %cond3A_68 : i32
    scf.if %cond3A_69 {
      "tpu.region"() ({
        %run_scoped3A = tpu.sem_alloc : memref<!tpu.dma_semaphore, #tpu.memory_space<semaphore_mem>>
        %dma_start3A_75 = arith.constant 0 : i32
        %dma_start3A_76 = tpu.memref_slice %arg8[%arg0, %mul3A_64, %dma_start3A_75] : memref<2x2500x128xf32, #tpu.memory_space<hbm>> -> memref<1x152x128xf32, #tpu.memory_space<hbm>>
        %dma_start3A_77 = tpu.memref_squeeze %dma_start3A_76 : memref<1x152x128xf32, #tpu.memory_space<hbm>> -> memref<152x128xf32, #tpu.memory_space<hbm>>
        %dma_start3A_78 = arith.constant 0 : i32
        %dma_start3A_79 = tpu.memref_slice %arg21[%mul3A_64, %dma_start3A_78] : memref<2500x128xf32, #tpu.memory_space<vmem_shared>> -> memref<152x128xf32, #tpu.memory_space<vmem_shared>>
        tpu.enqueue_dma source(%dma_start3A_79 : memref<152x128xf32, #tpu.memory_space<vmem_shared>>) target(%dma_start3A_77 : memref<152x128xf32, #tpu.memory_space<hbm>>) target_semaphore(%run_scoped3A : memref<!tpu.dma_semaphore, #tpu.memory_space<semaphore_mem>>)
        %dma_wait3A_80 = arith.constant 0 : i32
        %dma_wait3A_81 = tpu.memref_slice %arg8[%arg0, %mul3A_64, %dma_wait3A_80] : memref<2x2500x128xf32, #tpu.memory_space<hbm>> -> memref<1x152x128xf32, #tpu.memory_space<hbm>>
        %dma_wait3A_82 = tpu.memref_squeeze %dma_wait3A_81 : memref<1x152x128xf32, #tpu.memory_space<hbm>> -> memref<152x128xf32, #tpu.memory_space<hbm>>
        %dma_wait3A_83 = arith.constant 0 : i32
        %dma_wait3A_84 = tpu.memref_slice %arg21[%mul3A_64, %dma_wait3A_83] : memref<2500x128xf32, #tpu.memory_space<vmem_shared>> -> memref<152x128xf32, #tpu.memory_space<vmem_shared>>
        tpu.wait_dma2 semaphore(%run_scoped3A : memref<!tpu.dma_semaphore, #tpu.memory_space<semaphore_mem>>) src(%dma_wait3A_84 : memref<152x128xf32, #tpu.memory_space<vmem_shared>>) dst(%dma_wait3A_82 : memref<152x128xf32, #tpu.memory_space<hbm>>)
        tpu.yield
      }) : () -> ()
    } else {
    }
    %eq3A_70 = arith.constant 15 : i32
    %eq3A_71 = arith.cmpi eq, %arg1, %eq3A_70 : i32
    %convert_element_type3A_72 = arith.extui %eq3A_71 : i1 to i32
    %cond3A_73 = arith.constant 0 : i32
    %cond3A_74 = arith.cmpi ne, %convert_element_type3A_72, %cond3A_73 : i32
    scf.if %cond3A_74 {
      "tpu.region"() ({
        %run_scoped3A = tpu.sem_alloc : memref<!tpu.dma_semaphore, #tpu.memory_space<semaphore_mem>>
        %dma_start3A_75 = arith.constant 2280 : i32
        %dma_start3A_76 = arith.constant 0 : i32
        %dma_start3A_77 = tpu.memref_slice %arg8[%arg0, %dma_start3A_75, %dma_start3A_76] : memref<2x2500x128xf32, #tpu.memory_space<hbm>> -> memref<1x220x128xf32, #tpu.memory_space<hbm>>
        %dma_start3A_78 = tpu.memref_squeeze %dma_start3A_77 : memref<1x220x128xf32, #tpu.memory_space<hbm>> -> memref<220x128xf32, #tpu.memory_space<hbm>>
        %dma_start3A_79 = arith.constant 2280 : i32
        %dma_start3A_80 = arith.constant 0 : i32
        %dma_start3A_81 = tpu.memref_slice %arg21[%dma_start3A_79, %dma_start3A_80] : memref<2500x128xf32, #tpu.memory_space<vmem_shared>> -> memref<220x128xf32, #tpu.memory_space<vmem_shared>>
        tpu.enqueue_dma source(%dma_start3A_81 : memref<220x128xf32, #tpu.memory_space<vmem_shared>>) target(%dma_start3A_78 : memref<220x128xf32, #tpu.memory_space<hbm>>) target_semaphore(%run_scoped3A : memref<!tpu.dma_semaphore, #tpu.memory_space<semaphore_mem>>)
        %dma_wait3A_82 = arith.constant 2280 : i32
        %dma_wait3A_83 = arith.constant 0 : i32
        %dma_wait3A_84 = tpu.memref_slice %arg8[%arg0, %dma_wait3A_82, %dma_wait3A_83] : memref<2x2500x128xf32, #tpu.memory_space<hbm>> -> memref<1x220x128xf32, #tpu.memory_space<hbm>>
        %dma_wait3A_85 = tpu.memref_squeeze %dma_wait3A_84 : memref<1x220x128xf32, #tpu.memory_space<hbm>> -> memref<220x128xf32, #tpu.memory_space<hbm>>
        %dma_wait3A_86 = arith.constant 2280 : i32
        %dma_wait3A_87 = arith.constant 0 : i32
        %dma_wait3A_88 = tpu.memref_slice %arg21[%dma_wait3A_86, %dma_wait3A_87] : memref<2500x128xf32, #tpu.memory_space<vmem_shared>> -> memref<220x128xf32, #tpu.memory_space<vmem_shared>>
        tpu.wait_dma2 semaphore(%run_scoped3A : memref<!tpu.dma_semaphore, #tpu.memory_space<semaphore_mem>>) src(%dma_wait3A_88 : memref<220x128xf32, #tpu.memory_space<vmem_shared>>) dst(%dma_wait3A_85 : memref<220x128xf32, #tpu.memory_space<hbm>>)
        tpu.yield
      }) : () -> ()
    } else {
    }
    return
  }
}

#map = affine_map<(d0, d1) -> (0)>
#map1 = affine_map<(d0, d1) -> (0, 0)>
#map2 = affine_map<(d0, d1) -> (0, 0, 0)>
module attributes {stable_mosaic.version = 14 : i64} {
  func.func @_den_sc(%arg0: i32, %arg1: i32, %arg2: memref<163840xi32, #tpu.memory_space<hbm>>, %arg3: memref<163840xi32, #tpu.memory_space<hbm>>, %arg4: memref<163840xi32, #tpu.memory_space<hbm>>, %arg5: memref<50000x16xf32, #tpu.memory_space<hbm>>, %arg6: memref<12500x16xf32, #tpu.memory_space<hbm>>, %arg7: memref<2x12500x16xf32, #tpu.memory_space<hbm>>, %arg8: memref<128xi32, #tpu.memory_space<vmem>>, %arg9: memref<128xi32, #tpu.memory_space<vmem>>, %arg10: memref<128xi32, #tpu.memory_space<vmem>>, %arg11: memref<128xi32, #tpu.memory_space<vmem>>, %arg12: memref<128xi32, #tpu.memory_space<vmem>>, %arg13: memref<128xi32, #tpu.memory_space<vmem>>, %arg14: memref<128xi32, #tpu.memory_space<vmem>>, %arg15: memref<128xi32, #tpu.memory_space<vmem>>, %arg16: memref<128xi32, #tpu.memory_space<vmem>>, %arg17: memref<128xi32, #tpu.memory_space<vmem>>, %arg18: memref<128x16xf32, #tpu.memory_space<vmem>>, %arg19: memref<128x16xf32, #tpu.memory_space<vmem>>, %arg20: memref<128x16xf32, #tpu.memory_space<vmem>>, %arg21: memref<128x16xf32, #tpu.memory_space<vmem>>, %arg22: memref<8x128xf32, #tpu.memory_space<vmem>>, %arg23: memref<128x16xf32, #tpu.memory_space<vmem>>, %arg24: memref<12500x16xf32, #tpu.memory_space<vmem_shared>>, %arg25: memref<!tpu.dma_semaphore, #tpu.memory_space<semaphore_mem>>, %arg26: memref<!tpu.dma_semaphore, #tpu.memory_space<semaphore_mem>>, %arg27: memref<!tpu.dma_semaphore, #tpu.memory_space<semaphore_mem>>, %arg28: memref<!tpu.dma_semaphore, #tpu.memory_space<semaphore_mem>>) attributes {dimension_semantics = [#tpu.dimension_semantics<core_parallel>, #tpu.dimension_semantics<subcore_parallel>], iteration_bounds = array<i64: 2, 16>, scalar_prefetch = 0 : i64, scratch_operands = 21 : i64, tpu.core_type = #tpu.core_type<sc_vector_subcore>, window_params = [{transform_indices = #map}, {transform_indices = #map}, {transform_indices = #map}, {transform_indices = #map1}, {transform_indices = #map1}, {transform_indices = #map2}]} {
    %mul3A = arith.constant 2 : i32
    %mul3A_0 = arith.muli %arg1, %mul3A : i32
    %add3A = arith.addi %mul3A_0, %arg0 : i32
    %broadcast_in_dim3A = arith.constant 0.000000e+00 : f32
    %broadcast_in_dim3A_1 = vector.broadcast %broadcast_in_dim3A : f32 to vector<16xf32>
    %scan3A = arith.constant 0 : i32
    %scan3A_2 = arith.constant 0 : i32
    %scan3A_3 = arith.constant 20 : i32
    %scan3A_4 = arith.addi %scan3A_2, %scan3A_3 : i32
    %scan3A_5 = arith.constant 1 : i32
    scf.for %scan3A_79 = %scan3A_2 to %scan3A_4 step %scan3A_5  : i32 {
      %swap3A = arith.index_cast %scan3A_79 : i32 to index
      %swap3A_80 = arith.constant 0 : index
      %swap3A_81 = tpu.vector_load %arg23[%swap3A, %swap3A_80] {strides = array<i32>} : memref<128x16xf32, #tpu.memory_space<vmem>>, vector<16xf32>,
      tpu.vector_store %arg23[%swap3A, %swap3A_80], %broadcast_in_dim3A_1 {strides = array<i32>} : memref<128x16xf32, #tpu.memory_space<vmem>>, vector<16xf32>,
    }
    %scan3A_6 = arith.constant 20 : i32
    %lt3A = arith.constant 15 : i32
    %lt3A_7 = arith.cmpi slt, %arg1, %lt3A : i32
    %jit3A = arith.constant 97 : i32
    %jit3A_8 = arith.constant 107 : i32
    %select_n3A = arith.select %lt3A_7, %jit3A, %jit3A_8 : i32
    %mul3A_9 = arith.constant 97 : i32
    %mul3A_10 = arith.muli %arg1, %mul3A_9 : i32
    %mul3A_11 = arith.constant 8 : i32
    %mul3A_12 = arith.muli %mul3A_10, %mul3A_11 : i32
    %while3A = arith.constant 0 : i32
    %while3A_13 = arith.constant 0 : i32
    %while3A_14 = arith.subi %select_n3A, %while3A_13 : i32
    %while3A_15 = arith.addi %while3A_13, %while3A_14 : i32
    %while3A_16 = arith.constant 1 : i32
    %while3A_17 = arith.divsi %while3A_14, %while3A_16 : i32
    %while3A_18 = arith.muli %while3A_17, %while3A_16 : i32
    %while3A_19 = arith.addi %while3A_13, %while3A_18 : i32
    %while3A_20 = arith.constant 1 : i32
    scf.for %while3A_79 = %while3A_13 to %while3A_19 step %while3A_20  : i32 {
      %mul3A_80 = arith.constant 8 : i32
      %mul3A_81 = arith.muli %while3A_79, %mul3A_80 : i32
      %add3A_82 = arith.addi %mul3A_12, %mul3A_81 : i32
      "tpu.region"() ({
        %run_scoped3A = tpu.sem_alloc : memref<!tpu.dma_semaphore, #tpu.memory_space<semaphore_mem>>
        %dma_start3A_83 = arith.constant 0 : i32
        %dma_start3A_84 = arith.constant 0 : i32
        %dma_start3A_85 = tpu.memref_slice %arg23[%dma_start3A_83, %dma_start3A_84] : memref<128x16xf32, #tpu.memory_space<vmem>> -> memref<8x16xf32, #tpu.memory_space<vmem>>
        %dma_start3A_86 = arith.constant 0 : i32
        %dma_start3A_87 = tpu.memref_slice %arg24[%add3A_82, %dma_start3A_86] : memref<12500x16xf32, #tpu.memory_space<vmem_shared>> -> memref<8x16xf32, #tpu.memory_space<vmem_shared>>
        %dma_start3A_88 = arith.constant 0 : i32
        %dma_start3A_89 = tpu.memref_slice %arg24[%add3A_82, %dma_start3A_88] : memref<12500x16xf32, #tpu.memory_space<vmem_shared>> -> memref<8x16xf32, #tpu.memory_space<vmem_shared>>
        %dma_start3A_90 = arith.constant 0 : i32
        %dma_start3A_91 = arith.constant 0 : i32
        %dma_start3A_92 = tpu.memref_slice %arg23[%dma_start3A_90, %dma_start3A_91] : memref<128x16xf32, #tpu.memory_space<vmem>> -> memref<8x16xf32, #tpu.memory_space<vmem>>
        tpu.enqueue_dma source(%dma_start3A_92 : memref<8x16xf32, #tpu.memory_space<vmem>>) target(%dma_start3A_89 : memref<8x16xf32, #tpu.memory_space<vmem_shared>>) target_semaphore(%run_scoped3A : memref<!tpu.dma_semaphore, #tpu.memory_space<semaphore_mem>>)
        %dma_wait3A_93 = arith.constant 0 : i32
        %dma_wait3A_94 = arith.constant 0 : i32
        %dma_wait3A_95 = tpu.memref_slice %arg23[%dma_wait3A_93, %dma_wait3A_94] : memref<128x16xf32, #tpu.memory_space<vmem>> -> memref<8x16xf32, #tpu.memory_space<vmem>>
        %dma_wait3A_96 = arith.constant 0 : i32
        %dma_wait3A_97 = tpu.memref_slice %arg24[%add3A_82, %dma_wait3A_96] : memref<12500x16xf32, #tpu.memory_space<vmem_shared>> -> memref<8x16xf32, #tpu.memory_space<vmem_shared>>
        %dma_wait3A_98 = arith.constant 0 : i32
        %dma_wait3A_99 = tpu.memref_slice %arg24[%add3A_82, %dma_wait3A_98] : memref<12500x16xf32, #tpu.memory_space<vmem_shared>> -> memref<8x16xf32, #tpu.memory_space<vmem_shared>>
        %dma_wait3A_100 = arith.constant 0 : i32
        %dma_wait3A_101 = arith.constant 0 : i32
        %dma_wait3A_102 = tpu.memref_slice %arg23[%dma_wait3A_100, %dma_wait3A_101] : memref<128x16xf32, #tpu.memory_space<vmem>> -> memref<8x16xf32, #tpu.memory_space<vmem>>
        tpu.wait_dma2 semaphore(%run_scoped3A : memref<!tpu.dma_semaphore, #tpu.memory_space<semaphore_mem>>) src(%dma_wait3A_102 : memref<8x16xf32, #tpu.memory_space<vmem>>) dst(%dma_wait3A_99 : memref<8x16xf32, #tpu.memory_space<vmem_shared>>)
        tpu.yield
      }) : () -> ()
    }
    %while3A_21 = arith.constant 1 : i32
    scf.for %while3A_79 = %while3A_19 to %while3A_15 step %while3A_21  : i32 {
      %mul3A_80 = arith.constant 8 : i32
      %mul3A_81 = arith.muli %while3A_79, %mul3A_80 : i32
      %add3A_82 = arith.addi %mul3A_12, %mul3A_81 : i32
      "tpu.region"() ({
        %run_scoped3A = tpu.sem_alloc : memref<!tpu.dma_semaphore, #tpu.memory_space<semaphore_mem>>
        %dma_start3A_83 = arith.constant 0 : i32
        %dma_start3A_84 = arith.constant 0 : i32
        %dma_start3A_85 = tpu.memref_slice %arg23[%dma_start3A_83, %dma_start3A_84] : memref<128x16xf32, #tpu.memory_space<vmem>> -> memref<8x16xf32, #tpu.memory_space<vmem>>
        %dma_start3A_86 = arith.constant 0 : i32
        %dma_start3A_87 = tpu.memref_slice %arg24[%add3A_82, %dma_start3A_86] : memref<12500x16xf32, #tpu.memory_space<vmem_shared>> -> memref<8x16xf32, #tpu.memory_space<vmem_shared>>
        %dma_start3A_88 = arith.constant 0 : i32
        %dma_start3A_89 = tpu.memref_slice %arg24[%add3A_82, %dma_start3A_88] : memref<12500x16xf32, #tpu.memory_space<vmem_shared>> -> memref<8x16xf32, #tpu.memory_space<vmem_shared>>
        %dma_start3A_90 = arith.constant 0 : i32
        %dma_start3A_91 = arith.constant 0 : i32
        %dma_start3A_92 = tpu.memref_slice %arg23[%dma_start3A_90, %dma_start3A_91] : memref<128x16xf32, #tpu.memory_space<vmem>> -> memref<8x16xf32, #tpu.memory_space<vmem>>
        tpu.enqueue_dma source(%dma_start3A_92 : memref<8x16xf32, #tpu.memory_space<vmem>>) target(%dma_start3A_89 : memref<8x16xf32, #tpu.memory_space<vmem_shared>>) target_semaphore(%run_scoped3A : memref<!tpu.dma_semaphore, #tpu.memory_space<semaphore_mem>>)
        %dma_wait3A_93 = arith.constant 0 : i32
        %dma_wait3A_94 = arith.constant 0 : i32
        %dma_wait3A_95 = tpu.memref_slice %arg23[%dma_wait3A_93, %dma_wait3A_94] : memref<128x16xf32, #tpu.memory_space<vmem>> -> memref<8x16xf32, #tpu.memory_space<vmem>>
        %dma_wait3A_96 = arith.constant 0 : i32
        %dma_wait3A_97 = tpu.memref_slice %arg24[%add3A_82, %dma_wait3A_96] : memref<12500x16xf32, #tpu.memory_space<vmem_shared>> -> memref<8x16xf32, #tpu.memory_space<vmem_shared>>
        %dma_wait3A_98 = arith.constant 0 : i32
        %dma_wait3A_99 = tpu.memref_slice %arg24[%add3A_82, %dma_wait3A_98] : memref<12500x16xf32, #tpu.memory_space<vmem_shared>> -> memref<8x16xf32, #tpu.memory_space<vmem_shared>>
        %dma_wait3A_100 = arith.constant 0 : i32
        %dma_wait3A_101 = arith.constant 0 : i32
        %dma_wait3A_102 = tpu.memref_slice %arg23[%dma_wait3A_100, %dma_wait3A_101] : memref<128x16xf32, #tpu.memory_space<vmem>> -> memref<8x16xf32, #tpu.memory_space<vmem>>
        tpu.wait_dma2 semaphore(%run_scoped3A : memref<!tpu.dma_semaphore, #tpu.memory_space<semaphore_mem>>) src(%dma_wait3A_102 : memref<8x16xf32, #tpu.memory_space<vmem>>) dst(%dma_wait3A_99 : memref<8x16xf32, #tpu.memory_space<vmem_shared>>)
        tpu.yield
      }) : () -> ()
    }
    %eq3A = arith.constant 15 : i32
    %eq3A_22 = arith.cmpi eq, %arg1, %eq3A : i32
    %convert_element_type3A = arith.extui %eq3A_22 : i1 to i32
    %cond3A = arith.constant 0 : i32
    %cond3A_23 = arith.cmpi ne, %convert_element_type3A, %cond3A : i32
    scf.if %cond3A_23 {
      "tpu.region"() ({
        %run_scoped3A = tpu.sem_alloc : memref<!tpu.dma_semaphore, #tpu.memory_space<semaphore_mem>>
        %dma_start3A_79 = arith.constant 0 : i32
        %dma_start3A_80 = arith.constant 0 : i32
        %dma_start3A_81 = tpu.memref_slice %arg23[%dma_start3A_79, %dma_start3A_80] : memref<128x16xf32, #tpu.memory_space<vmem>> -> memref<4x16xf32, #tpu.memory_space<vmem>>
        %dma_start3A_82 = arith.constant 12496 : i32
        %dma_start3A_83 = arith.constant 0 : i32
        %dma_start3A_84 = tpu.memref_slice %arg24[%dma_start3A_82, %dma_start3A_83] : memref<12500x16xf32, #tpu.memory_space<vmem_shared>> -> memref<4x16xf32, #tpu.memory_space<vmem_shared>>
        %dma_start3A_85 = arith.constant 12496 : i32
        %dma_start3A_86 = arith.constant 0 : i32
        %dma_start3A_87 = tpu.memref_slice %arg24[%dma_start3A_85, %dma_start3A_86] : memref<12500x16xf32, #tpu.memory_space<vmem_shared>> -> memref<4x16xf32, #tpu.memory_space<vmem_shared>>
        %dma_start3A_88 = arith.constant 0 : i32
        %dma_start3A_89 = arith.constant 0 : i32
        %dma_start3A_90 = tpu.memref_slice %arg23[%dma_start3A_88, %dma_start3A_89] : memref<128x16xf32, #tpu.memory_space<vmem>> -> memref<4x16xf32, #tpu.memory_space<vmem>>
        tpu.enqueue_dma source(%dma_start3A_90 : memref<4x16xf32, #tpu.memory_space<vmem>>) target(%dma_start3A_87 : memref<4x16xf32, #tpu.memory_space<vmem_shared>>) target_semaphore(%run_scoped3A : memref<!tpu.dma_semaphore, #tpu.memory_space<semaphore_mem>>)
        %dma_wait3A_91 = arith.constant 0 : i32
        %dma_wait3A_92 = arith.constant 0 : i32
        %dma_wait3A_93 = tpu.memref_slice %arg23[%dma_wait3A_91, %dma_wait3A_92] : memref<128x16xf32, #tpu.memory_space<vmem>> -> memref<4x16xf32, #tpu.memory_space<vmem>>
        %dma_wait3A_94 = arith.constant 12496 : i32
        %dma_wait3A_95 = arith.constant 0 : i32
        %dma_wait3A_96 = tpu.memref_slice %arg24[%dma_wait3A_94, %dma_wait3A_95] : memref<12500x16xf32, #tpu.memory_space<vmem_shared>> -> memref<4x16xf32, #tpu.memory_space<vmem_shared>>
        %dma_wait3A_97 = arith.constant 12496 : i32
        %dma_wait3A_98 = arith.constant 0 : i32
        %dma_wait3A_99 = tpu.memref_slice %arg24[%dma_wait3A_97, %dma_wait3A_98] : memref<12500x16xf32, #tpu.memory_space<vmem_shared>> -> memref<4x16xf32, #tpu.memory_space<vmem_shared>>
        %dma_wait3A_100 = arith.constant 0 : i32
        %dma_wait3A_101 = arith.constant 0 : i32
        %dma_wait3A_102 = tpu.memref_slice %arg23[%dma_wait3A_100, %dma_wait3A_101] : memref<128x16xf32, #tpu.memory_space<vmem>> -> memref<4x16xf32, #tpu.memory_space<vmem>>
        tpu.wait_dma2 semaphore(%run_scoped3A : memref<!tpu.dma_semaphore, #tpu.memory_space<semaphore_mem>>) src(%dma_wait3A_102 : memref<4x16xf32, #tpu.memory_space<vmem>>) dst(%dma_wait3A_99 : memref<4x16xf32, #tpu.memory_space<vmem_shared>>)
        tpu.yield
      }) : () -> ()
    } else {
    }
    %barrier3A = arith.constant 0 : index
    tpu.barrier barrier_id(%barrier3A)
    %iota3A = tpu.iota {dimensions = array<i32: 0>} : vector<16xi32>
    %mul3A_24 = arith.constant 5120 : i32
    %mul3A_25 = arith.muli %add3A, %mul3A_24 : i32
    %add3A_26 = arith.constant 0 : i32
    %add3A_27 = arith.addi %mul3A_25, %add3A_26 : i32
    %dma_start3A = tpu.memref_slice %arg2[%add3A_27] : memref<163840xi32, #tpu.memory_space<hbm>> -> memref<128xi32, #tpu.memory_space<hbm>>
    %dma_start3A_28 = tpu.memref_slice %arg2[%add3A_27] : memref<163840xi32, #tpu.memory_space<hbm>> -> memref<128xi32, #tpu.memory_space<hbm>>
    tpu.enqueue_dma source(%dma_start3A_28 : memref<128xi32, #tpu.memory_space<hbm>>) target(%arg8 : memref<128xi32, #tpu.memory_space<vmem>>) target_semaphore(%arg25 : memref<!tpu.dma_semaphore, #tpu.memory_space<semaphore_mem>>)
    %dma_start3A_29 = tpu.memref_slice %arg3[%add3A_27] : memref<163840xi32, #tpu.memory_space<hbm>> -> memref<128xi32, #tpu.memory_space<hbm>>
    %dma_start3A_30 = tpu.memref_slice %arg3[%add3A_27] : memref<163840xi32, #tpu.memory_space<hbm>> -> memref<128xi32, #tpu.memory_space<hbm>>
    tpu.enqueue_dma source(%dma_start3A_30 : memref<128xi32, #tpu.memory_space<hbm>>) target(%arg10 : memref<128xi32, #tpu.memory_space<vmem>>) target_semaphore(%arg25 : memref<!tpu.dma_semaphore, #tpu.memory_space<semaphore_mem>>)
    %dma_start3A_31 = tpu.memref_slice %arg4[%add3A_27] : memref<163840xi32, #tpu.memory_space<hbm>> -> memref<128xi32, #tpu.memory_space<hbm>>
    %dma_start3A_32 = tpu.memref_slice %arg4[%add3A_27] : memref<163840xi32, #tpu.memory_space<hbm>> -> memref<128xi32, #tpu.memory_space<hbm>>
    tpu.enqueue_dma source(%dma_start3A_32 : memref<128xi32, #tpu.memory_space<hbm>>) target(%arg12 : memref<128xi32, #tpu.memory_space<vmem>>) target_semaphore(%arg25 : memref<!tpu.dma_semaphore, #tpu.memory_space<semaphore_mem>>)
    %add3A_33 = arith.constant 0 : i32
    %add3A_34 = arith.addi %mul3A_25, %add3A_33 : i32
    %dma_wait3A = tpu.memref_slice %arg2[%add3A_34] : memref<163840xi32, #tpu.memory_space<hbm>> -> memref<128xi32, #tpu.memory_space<hbm>>
    %dma_wait3A_35 = tpu.memref_slice %arg2[%add3A_34] : memref<163840xi32, #tpu.memory_space<hbm>> -> memref<128xi32, #tpu.memory_space<hbm>>
    tpu.wait_dma2 semaphore(%arg25 : memref<!tpu.dma_semaphore, #tpu.memory_space<semaphore_mem>>) src(%dma_wait3A_35 : memref<128xi32, #tpu.memory_space<hbm>>) dst(%arg8 : memref<128xi32, #tpu.memory_space<vmem>>)
    %dma_wait3A_36 = tpu.memref_slice %arg3[%add3A_34] : memref<163840xi32, #tpu.memory_space<hbm>> -> memref<128xi32, #tpu.memory_space<hbm>>
    %dma_wait3A_37 = tpu.memref_slice %arg3[%add3A_34] : memref<163840xi32, #tpu.memory_space<hbm>> -> memref<128xi32, #tpu.memory_space<hbm>>
    tpu.wait_dma2 semaphore(%arg25 : memref<!tpu.dma_semaphore, #tpu.memory_space<semaphore_mem>>) src(%dma_wait3A_37 : memref<128xi32, #tpu.memory_space<hbm>>) dst(%arg10 : memref<128xi32, #tpu.memory_space<vmem>>)
    %dma_wait3A_38 = tpu.memref_slice %arg4[%add3A_34] : memref<163840xi32, #tpu.memory_space<hbm>> -> memref<128xi32, #tpu.memory_space<hbm>>
    %dma_wait3A_39 = tpu.memref_slice %arg4[%add3A_34] : memref<163840xi32, #tpu.memory_space<hbm>> -> memref<128xi32, #tpu.memory_space<hbm>>
    tpu.wait_dma2 semaphore(%arg25 : memref<!tpu.dma_semaphore, #tpu.memory_space<semaphore_mem>>) src(%dma_wait3A_39 : memref<128xi32, #tpu.memory_space<hbm>>) dst(%arg12 : memref<128xi32, #tpu.memory_space<vmem>>)
    %scan3A_40 = arith.constant 0 : i32
    %scan3A_41 = arith.constant 0 : i32
    %scan3A_42 = arith.constant 8 : i32
    %scan3A_43 = arith.addi %scan3A_41, %scan3A_42 : i32
    %scan3A_44 = arith.constant 1 : i32
    scf.for %scan3A_79 = %scan3A_41 to %scan3A_43 step %scan3A_44  : i32 {
      %mul3A_80 = arith.constant 16 : i32
      %mul3A_81 = arith.muli %scan3A_79, %mul3A_80 : i32
      %get3A = arith.index_cast %mul3A_81 : i32 to index
      %get3A_82 = tpu.vector_load %arg8[%get3A] {strides = array<i32>} : memref<128xi32, #tpu.memory_space<vmem>>, vector<16xi32>,
      %mul3A_83 = arith.constant 16 : i32
      %mul3A_84 = arith.muli %scan3A_79, %mul3A_83 : i32
      %get3A_85 = arith.index_cast %mul3A_84 : i32 to index
      %get3A_86 = tpu.vector_load %arg10[%get3A_85] {strides = array<i32>} : memref<128xi32, #tpu.memory_space<vmem>>, vector<16xi32>,
      %mul3A_87 = arith.constant 16 : i32
      %mul3A_88 = arith.muli %scan3A_79, %mul3A_87 : i32
      %get3A_89 = arith.index_cast %mul3A_88 : i32 to index
      %get3A_90 = tpu.vector_load %arg12[%get3A_89] {strides = array<i32>} : memref<128xi32, #tpu.memory_space<vmem>>, vector<16xi32>,
      %mul3A_91 = arith.constant 10000 : i32
      %mul3A_92 = vector.broadcast %mul3A_91 : i32 to vector<16xi32>
      %mul3A_93 = arith.muli %get3A_90, %mul3A_92 : vector<16xi32>
      %add3A_94 = arith.addi %mul3A_93, %get3A_82 : vector<16xi32>
      %mul3A_95 = arith.constant 16 : i32
      %mul3A_96 = arith.muli %scan3A_79, %mul3A_95 : i32
      %swap3A = arith.index_cast %mul3A_96 : i32 to index
      %swap3A_97 = tpu.vector_load %arg14[%swap3A] {strides = array<i32>} : memref<128xi32, #tpu.memory_space<vmem>>, vector<16xi32>,
      tpu.vector_store %arg14[%swap3A], %add3A_94 {strides = array<i32>} : memref<128xi32, #tpu.memory_space<vmem>>, vector<16xi32>,
      %mul3A_98 = arith.constant 2500 : i32
      %mul3A_99 = vector.broadcast %mul3A_98 : i32 to vector<16xi32>
      %mul3A_100 = arith.muli %get3A_90, %mul3A_99 : vector<16xi32>
      %add3A_101 = arith.addi %mul3A_100, %get3A_86 : vector<16xi32>
      %mul3A_102 = arith.constant 16 : i32
      %mul3A_103 = arith.muli %scan3A_79, %mul3A_102 : i32
      %swap3A_104 = arith.index_cast %mul3A_103 : i32 to index
      %swap3A_105 = tpu.vector_load %arg16[%swap3A_104] {strides = array<i32>} : memref<128xi32, #tpu.memory_space<vmem>>, vector<16xi32>,
      tpu.vector_store %arg16[%swap3A_104], %add3A_101 {strides = array<i32>} : memref<128xi32, #tpu.memory_space<vmem>>, vector<16xi32>,
    }
    %scan3A_45 = arith.constant 8 : i32
    %dma_start3A_46 = arith.constant 0 : i32
    %dma_start3A_47 = arith.constant 0 : i32
    %dma_start3A_48 = tpu.memref_slice %arg5[%dma_start3A_46, %dma_start3A_47] : memref<50000x16xf32, #tpu.memory_space<hbm>> -> memref<50000x16xf32, #tpu.memory_space<hbm>>
    tpu.enqueue_indirect_dma source(%dma_start3A_48 : memref<50000x16xf32, #tpu.memory_space<hbm>>) target(%arg18 : memref<128x16xf32, #tpu.memory_space<vmem>>) offsets(%arg14 : memref<128xi32, #tpu.memory_space<vmem>>) semaphore(%arg27 : memref<!tpu.dma_semaphore, #tpu.memory_space<semaphore_mem>>)
    %dma_start3A_49 = arith.constant 0 : i32
    %dma_start3A_50 = arith.constant 0 : i32
    %dma_start3A_51 = tpu.memref_slice %arg6[%dma_start3A_49, %dma_start3A_50] : memref<12500x16xf32, #tpu.memory_space<hbm>> -> memref<12500x16xf32, #tpu.memory_space<hbm>>
    tpu.enqueue_indirect_dma source(%dma_start3A_51 : memref<12500x16xf32, #tpu.memory_space<hbm>>) target(%arg20 : memref<128x16xf32, #tpu.memory_space<vmem>>) offsets(%arg16 : memref<128xi32, #tpu.memory_space<vmem>>) semaphore(%arg27 : memref<!tpu.dma_semaphore, #tpu.memory_space<semaphore_mem>>)
    %add3A_52 = arith.constant 128 : i32
    %add3A_53 = arith.addi %mul3A_25, %add3A_52 : i32
    %dma_start3A_54 = tpu.memref_slice %arg2[%add3A_53] : memref<163840xi32, #tpu.memory_space<hbm>> -> memref<128xi32, #tpu.memory_space<hbm>>
    %dma_start3A_55 = tpu.memref_slice %arg2[%add3A_53] : memref<163840xi32, #tpu.memory_space<hbm>> -> memref<128xi32, #tpu.memory_space<hbm>>
    tpu.enqueue_dma source(%dma_start3A_55 : memref<128xi32, #tpu.memory_space<hbm>>) target(%arg9 : memref<128xi32, #tpu.memory_space<vmem>>) target_semaphore(%arg26 : memref<!tpu.dma_semaphore, #tpu.memory_space<semaphore_mem>>)
    %dma_start3A_56 = tpu.memref_slice %arg3[%add3A_53] : memref<163840xi32, #tpu.memory_space<hbm>> -> memref<128xi32, #tpu.memory_space<hbm>>
    %dma_start3A_57 = tpu.memref_slice %arg3[%add3A_53] : memref<163840xi32, #tpu.memory_space<hbm>> -> memref<128xi32, #tpu.memory_space<hbm>>
    tpu.enqueue_dma source(%dma_start3A_57 : memref<128xi32, #tpu.memory_space<hbm>>) target(%arg11 : memref<128xi32, #tpu.memory_space<vmem>>) target_semaphore(%arg26 : memref<!tpu.dma_semaphore, #tpu.memory_space<semaphore_mem>>)
    %dma_start3A_58 = tpu.memref_slice %arg4[%add3A_53] : memref<163840xi32, #tpu.memory_space<hbm>> -> memref<128xi32, #tpu.memory_space<hbm>>
    %dma_start3A_59 = tpu.memref_slice %arg4[%add3A_53] : memref<163840xi32, #tpu.memory_space<hbm>> -> memref<128xi32, #tpu.memory_space<hbm>>
    tpu.enqueue_dma source(%dma_start3A_59 : memref<128xi32, #tpu.memory_space<hbm>>) target(%arg13 : memref<128xi32, #tpu.memory_space<vmem>>) target_semaphore(%arg26 : memref<!tpu.dma_semaphore, #tpu.memory_space<semaphore_mem>>)
    %scan3A_60 = arith.constant 0 : i32
    %scan3A_61 = arith.constant 0 : i32
    %scan3A_62 = arith.constant 20 : i32
    %scan3A_63 = arith.addi %scan3A_61, %scan3A_62 : i32
    %scan3A_64 = arith.constant 1 : i32
    scf.for %scan3A_79 = %scan3A_61 to %scan3A_63 step %scan3A_64  : i32 {
      %mul3A_80 = arith.constant 2 : i32
      %mul3A_81 = arith.muli %mul3A_80, %scan3A_79 : i32
      %add3A_82 = arith.constant 1 : i32
      %add3A_83 = arith.addi %mul3A_81, %add3A_82 : i32
      %mul3A_84 = arith.constant 128 : i32
      %mul3A_85 = arith.muli %add3A_83, %mul3A_84 : i32
      %add3A_86 = arith.addi %mul3A_25, %mul3A_85 : i32
      %dma_wait3A_87 = tpu.memref_slice %arg2[%add3A_86] : memref<163840xi32, #tpu.memory_space<hbm>> -> memref<128xi32, #tpu.memory_space<hbm>>
      %dma_wait3A_88 = tpu.memref_slice %arg2[%add3A_86] : memref<163840xi32, #tpu.memory_space<hbm>> -> memref<128xi32, #tpu.memory_space<hbm>>
      tpu.wait_dma2 semaphore(%arg26 : memref<!tpu.dma_semaphore, #tpu.memory_space<semaphore_mem>>) src(%dma_wait3A_88 : memref<128xi32, #tpu.memory_space<hbm>>) dst(%arg9 : memref<128xi32, #tpu.memory_space<vmem>>)
      %dma_wait3A_89 = tpu.memref_slice %arg3[%add3A_86] : memref<163840xi32, #tpu.memory_space<hbm>> -> memref<128xi32, #tpu.memory_space<hbm>>
      %dma_wait3A_90 = tpu.memref_slice %arg3[%add3A_86] : memref<163840xi32, #tpu.memory_space<hbm>> -> memref<128xi32, #tpu.memory_space<hbm>>
      tpu.wait_dma2 semaphore(%arg26 : memref<!tpu.dma_semaphore, #tpu.memory_space<semaphore_mem>>) src(%dma_wait3A_90 : memref<128xi32, #tpu.memory_space<hbm>>) dst(%arg11 : memref<128xi32, #tpu.memory_space<vmem>>)
      %dma_wait3A_91 = tpu.memref_slice %arg4[%add3A_86] : memref<163840xi32, #tpu.memory_space<hbm>> -> memref<128xi32, #tpu.memory_space<hbm>>
      %dma_wait3A_92 = tpu.memref_slice %arg4[%add3A_86] : memref<163840xi32, #tpu.memory_space<hbm>> -> memref<128xi32, #tpu.memory_space<hbm>>
      tpu.wait_dma2 semaphore(%arg26 : memref<!tpu.dma_semaphore, #tpu.memory_space<semaphore_mem>>) src(%dma_wait3A_92 : memref<128xi32, #tpu.memory_space<hbm>>) dst(%arg13 : memref<128xi32, #tpu.memory_space<vmem>>)
      %scan3A_93 = arith.constant 0 : i32
      %scan3A_94 = arith.constant 0 : i32
      %scan3A_95 = arith.constant 8 : i32
      %scan3A_96 = arith.addi %scan3A_94, %scan3A_95 : i32
      %scan3A_97 = arith.constant 1 : i32
      scf.for %scan3A_170 = %scan3A_94 to %scan3A_96 step %scan3A_97  : i32 {
        %mul3A_171 = arith.constant 16 : i32
        %mul3A_172 = arith.muli %scan3A_170, %mul3A_171 : i32
        %get3A = arith.index_cast %mul3A_172 : i32 to index
        %get3A_173 = tpu.vector_load %arg9[%get3A] {strides = array<i32>} : memref<128xi32, #tpu.memory_space<vmem>>, vector<16xi32>,
        %mul3A_174 = arith.constant 16 : i32
        %mul3A_175 = arith.muli %scan3A_170, %mul3A_174 : i32
        %get3A_176 = arith.index_cast %mul3A_175 : i32 to index
        %get3A_177 = tpu.vector_load %arg11[%get3A_176] {strides = array<i32>} : memref<128xi32, #tpu.memory_space<vmem>>, vector<16xi32>,
        %mul3A_178 = arith.constant 16 : i32
        %mul3A_179 = arith.muli %scan3A_170, %mul3A_178 : i32
        %get3A_180 = arith.index_cast %mul3A_179 : i32 to index
        %get3A_181 = tpu.vector_load %arg13[%get3A_180] {strides = array<i32>} : memref<128xi32, #tpu.memory_space<vmem>>, vector<16xi32>,
        %mul3A_182 = arith.constant 10000 : i32
        %mul3A_183 = vector.broadcast %mul3A_182 : i32 to vector<16xi32>
        %mul3A_184 = arith.muli %get3A_181, %mul3A_183 : vector<16xi32>
        %add3A_185 = arith.addi %mul3A_184, %get3A_173 : vector<16xi32>
        %mul3A_186 = arith.constant 16 : i32
        %mul3A_187 = arith.muli %scan3A_170, %mul3A_186 : i32
        %swap3A = arith.index_cast %mul3A_187 : i32 to index
        %swap3A_188 = tpu.vector_load %arg15[%swap3A] {strides = array<i32>} : memref<128xi32, #tpu.memory_space<vmem>>, vector<16xi32>,
        tpu.vector_store %arg15[%swap3A], %add3A_185 {strides = array<i32>} : memref<128xi32, #tpu.memory_space<vmem>>, vector<16xi32>,
        %mul3A_189 = arith.constant 2500 : i32
        %mul3A_190 = vector.broadcast %mul3A_189 : i32 to vector<16xi32>
        %mul3A_191 = arith.muli %get3A_181, %mul3A_190 : vector<16xi32>
        %add3A_192 = arith.addi %mul3A_191, %get3A_177 : vector<16xi32>
        %mul3A_193 = arith.constant 16 : i32
        %mul3A_194 = arith.muli %scan3A_170, %mul3A_193 : i32
        %swap3A_195 = arith.index_cast %mul3A_194 : i32 to index
        %swap3A_196 = tpu.vector_load %arg17[%swap3A_195] {strides = array<i32>} : memref<128xi32, #tpu.memory_space<vmem>>, vector<16xi32>,
        tpu.vector_store %arg17[%swap3A_195], %add3A_192 {strides = array<i32>} : memref<128xi32, #tpu.memory_space<vmem>>, vector<16xi32>,
      }
      %scan3A_98 = arith.constant 8 : i32
      %dma_start3A_99 = arith.constant 0 : i32
      %dma_start3A_100 = arith.constant 0 : i32
      %dma_start3A_101 = tpu.memref_slice %arg5[%dma_start3A_99, %dma_start3A_100] : memref<50000x16xf32, #tpu.memory_space<hbm>> -> memref<50000x16xf32, #tpu.memory_space<hbm>>
      tpu.enqueue_indirect_dma source(%dma_start3A_101 : memref<50000x16xf32, #tpu.memory_space<hbm>>) target(%arg19 : memref<128x16xf32, #tpu.memory_space<vmem>>) offsets(%arg15 : memref<128xi32, #tpu.memory_space<vmem>>) semaphore(%arg28 : memref<!tpu.dma_semaphore, #tpu.memory_space<semaphore_mem>>)
      %dma_start3A_102 = arith.constant 0 : i32
      %dma_start3A_103 = arith.constant 0 : i32
      %dma_start3A_104 = tpu.memref_slice %arg6[%dma_start3A_102, %dma_start3A_103] : memref<12500x16xf32, #tpu.memory_space<hbm>> -> memref<12500x16xf32, #tpu.memory_space<hbm>>
      tpu.enqueue_indirect_dma source(%dma_start3A_104 : memref<12500x16xf32, #tpu.memory_space<hbm>>) target(%arg21 : memref<128x16xf32, #tpu.memory_space<vmem>>) offsets(%arg17 : memref<128xi32, #tpu.memory_space<vmem>>) semaphore(%arg28 : memref<!tpu.dma_semaphore, #tpu.memory_space<semaphore_mem>>)
      %dma_wait3A_105 = arith.constant 0 : i32
      %dma_wait3A_106 = arith.constant 0 : i32
      %dma_wait3A_107 = tpu.memref_slice %arg5[%dma_wait3A_105, %dma_wait3A_106] : memref<50000x16xf32, #tpu.memory_space<hbm>> -> memref<50000x16xf32, #tpu.memory_space<hbm>>
      tpu.wait_indirect_dma semaphore(%arg27 : memref<!tpu.dma_semaphore, #tpu.memory_space<semaphore_mem>>) src(%dma_wait3A_107 : memref<50000x16xf32, #tpu.memory_space<hbm>>) dst(%arg18 : memref<128x16xf32, #tpu.memory_space<vmem>>)
      %dma_wait3A_108 = arith.constant 0 : i32
      %dma_wait3A_109 = arith.constant 0 : i32
      %dma_wait3A_110 = tpu.memref_slice %arg6[%dma_wait3A_108, %dma_wait3A_109] : memref<12500x16xf32, #tpu.memory_space<hbm>> -> memref<12500x16xf32, #tpu.memory_space<hbm>>
      tpu.wait_indirect_dma semaphore(%arg27 : memref<!tpu.dma_semaphore, #tpu.memory_space<semaphore_mem>>) src(%dma_wait3A_110 : memref<12500x16xf32, #tpu.memory_space<hbm>>) dst(%arg20 : memref<128x16xf32, #tpu.memory_space<vmem>>)
      %mul3A_111 = arith.constant 128 : i32
      %mul3A_112 = arith.muli %mul3A_81, %mul3A_111 : i32
      %add3A_113 = arith.addi %mul3A_25, %mul3A_112 : i32
      %scan3A_114 = arith.constant 0 : i32
      %scan3A_115 = arith.constant 0 : i32
      %scan3A_116 = arith.constant 8 : i32
      %scan3A_117 = arith.addi %scan3A_115, %scan3A_116 : i32
      %scan3A_118 = arith.constant 1 : i32
      scf.for %scan3A_170 = %scan3A_115 to %scan3A_117 step %scan3A_118  : i32 {
        %mul3A_171 = arith.constant 16 : i32
        %mul3A_172 = arith.muli %scan3A_170, %mul3A_171 : i32
        %add3A_173 = vector.broadcast %mul3A_172 : i32 to vector<16xi32>
        %add3A_174 = arith.addi %add3A_173, %iota3A : vector<16xi32>
        %add3A_175 = vector.broadcast %add3A_113 : i32 to vector<16xi32>
        %add3A_176 = arith.addi %add3A_175, %add3A_174 : vector<16xi32>
        %lt3A_177 = arith.constant 160000 : i32
        %lt3A_178 = vector.broadcast %lt3A_177 : i32 to vector<16xi32>
        %lt3A_179 = arith.cmpi slt, %add3A_176, %lt3A_178 : vector<16xi32>
        %broadcast_in_dim3A_180 = arith.constant 0 : i32
        %broadcast_in_dim3A_181 = vector.broadcast %broadcast_in_dim3A_180 : i32 to vector<16xi32>
        %gather3A = tpu.vector_load_idx %arg18[%add3A_174, %broadcast_in_dim3A_181] : memref<128x16xf32, #tpu.memory_space<vmem>>[vector<16xi32>, vector<16xi32>], vector<16xf32>,
        %gather3A_182 = tpu.vector_load_idx %arg20[%add3A_174, %broadcast_in_dim3A_181] : memref<128x16xf32, #tpu.memory_space<vmem>>[vector<16xi32>, vector<16xi32>], vector<16xf32>,
        %add3A_183 = arith.addf %gather3A, %gather3A_182 : vector<16xf32>
        %ge3A = arith.constant 0.000000e+00 : f32
        %ge3A_184 = vector.broadcast %ge3A : f32 to vector<16xf32>
        %ge3A_185 = arith.cmpf oge, %add3A_183, %ge3A_184 : vector<16xf32>
        %mul3A_186 = arith.constant 2.000000e-01 : f32
        %mul3A_187 = vector.broadcast %mul3A_186 : f32 to vector<16xf32>
        %mul3A_188 = arith.mulf %mul3A_187, %add3A_183 : vector<16xf32>
        %select_n3A_189 = arith.select %ge3A_185, %add3A_183, %mul3A_188 : vector<16xi1>, vector<16xf32>
        %exp3A = math.exp %select_n3A_189 : vector<16xf32>
        %jit3A_190 = arith.constant 0.000000e+00 : f32
        %broadcast_in_dim3A_191 = vector.broadcast %jit3A_190 : f32 to vector<16xf32>
        %select_n3A_192 = arith.select %lt3A_179, %exp3A, %broadcast_in_dim3A_191 : vector<16xi1>, vector<16xf32>
        %mul3A_193 = arith.constant 16 : i32
        %mul3A_194 = arith.muli %scan3A_170, %mul3A_193 : i32
        %swap3A = arith.constant 0 : i32
        %swap3A_195 = arith.index_cast %swap3A : i32 to index
        %swap3A_196 = arith.index_cast %mul3A_194 : i32 to index
        %swap3A_197 = tpu.vector_load %arg22[%swap3A_195, %swap3A_196] {strides = array<i32>} : memref<8x128xf32, #tpu.memory_space<vmem>>, vector<16xf32>,
        tpu.vector_store %arg22[%swap3A_195, %swap3A_196], %select_n3A_192 {strides = array<i32>} : memref<8x128xf32, #tpu.memory_space<vmem>>, vector<16xf32>,
        %broadcast_in_dim3A_198 = arith.constant 1 : i32
        %broadcast_in_dim3A_199 = vector.broadcast %broadcast_in_dim3A_198 : i32 to vector<16xi32>
        %gather3A_200 = tpu.vector_load_idx %arg18[%add3A_174, %broadcast_in_dim3A_199] : memref<128x16xf32, #tpu.memory_space<vmem>>[vector<16xi32>, vector<16xi32>], vector<16xf32>,
        %gather3A_201 = tpu.vector_load_idx %arg20[%add3A_174, %broadcast_in_dim3A_199] : memref<128x16xf32, #tpu.memory_space<vmem>>[vector<16xi32>, vector<16xi32>], vector<16xf32>,
        %add3A_202 = arith.addf %gather3A_200, %gather3A_201 : vector<16xf32>
        %ge3A_203 = arith.constant 0.000000e+00 : f32
        %ge3A_204 = vector.broadcast %ge3A_203 : f32 to vector<16xf32>
        %ge3A_205 = arith.cmpf oge, %add3A_202, %ge3A_204 : vector<16xf32>
        %mul3A_206 = arith.constant 2.000000e-01 : f32
        %mul3A_207 = vector.broadcast %mul3A_206 : f32 to vector<16xf32>
        %mul3A_208 = arith.mulf %mul3A_207, %add3A_202 : vector<16xf32>
        %select_n3A_209 = arith.select %ge3A_205, %add3A_202, %mul3A_208 : vector<16xi1>, vector<16xf32>
        %exp3A_210 = math.exp %select_n3A_209 : vector<16xf32>
        %jit3A_211 = arith.constant 0.000000e+00 : f32
        %broadcast_in_dim3A_212 = vector.broadcast %jit3A_211 : f32 to vector<16xf32>
        %select_n3A_213 = arith.select %lt3A_179, %exp3A_210, %broadcast_in_dim3A_212 : vector<16xi1>, vector<16xf32>
        %mul3A_214 = arith.constant 16 : i32
        %mul3A_215 = arith.muli %scan3A_170, %mul3A_214 : i32
        %swap3A_216 = arith.constant 1 : i32
        %swap3A_217 = arith.index_cast %swap3A_216 : i32 to index
        %swap3A_218 = arith.index_cast %mul3A_215 : i32 to index
        %swap3A_219 = tpu.vector_load %arg22[%swap3A_217, %swap3A_218] {strides = array<i32>} : memref<8x128xf32, #tpu.memory_space<vmem>>, vector<16xf32>,
        tpu.vector_store %arg22[%swap3A_217, %swap3A_218], %select_n3A_213 {strides = array<i32>} : memref<8x128xf32, #tpu.memory_space<vmem>>, vector<16xf32>,
        %broadcast_in_dim3A_220 = arith.constant 2 : i32
        %broadcast_in_dim3A_221 = vector.broadcast %broadcast_in_dim3A_220 : i32 to vector<16xi32>
        %gather3A_222 = tpu.vector_load_idx %arg18[%add3A_174, %broadcast_in_dim3A_221] : memref<128x16xf32, #tpu.memory_space<vmem>>[vector<16xi32>, vector<16xi32>], vector<16xf32>,
        %gather3A_223 = tpu.vector_load_idx %arg20[%add3A_174, %broadcast_in_dim3A_221] : memref<128x16xf32, #tpu.memory_space<vmem>>[vector<16xi32>, vector<16xi32>], vector<16xf32>,
        %add3A_224 = arith.addf %gather3A_222, %gather3A_223 : vector<16xf32>
        %ge3A_225 = arith.constant 0.000000e+00 : f32
        %ge3A_226 = vector.broadcast %ge3A_225 : f32 to vector<16xf32>
        %ge3A_227 = arith.cmpf oge, %add3A_224, %ge3A_226 : vector<16xf32>
        %mul3A_228 = arith.constant 2.000000e-01 : f32
        %mul3A_229 = vector.broadcast %mul3A_228 : f32 to vector<16xf32>
        %mul3A_230 = arith.mulf %mul3A_229, %add3A_224 : vector<16xf32>
        %select_n3A_231 = arith.select %ge3A_227, %add3A_224, %mul3A_230 : vector<16xi1>, vector<16xf32>
        %exp3A_232 = math.exp %select_n3A_231 : vector<16xf32>
        %jit3A_233 = arith.constant 0.000000e+00 : f32
        %broadcast_in_dim3A_234 = vector.broadcast %jit3A_233 : f32 to vector<16xf32>
        %select_n3A_235 = arith.select %lt3A_179, %exp3A_232, %broadcast_in_dim3A_234 : vector<16xi1>, vector<16xf32>
        %mul3A_236 = arith.constant 16 : i32
        %mul3A_237 = arith.muli %scan3A_170, %mul3A_236 : i32
        %swap3A_238 = arith.constant 2 : i32
        %swap3A_239 = arith.index_cast %swap3A_238 : i32 to index
        %swap3A_240 = arith.index_cast %mul3A_237 : i32 to index
        %swap3A_241 = tpu.vector_load %arg22[%swap3A_239, %swap3A_240] {strides = array<i32>} : memref<8x128xf32, #tpu.memory_space<vmem>>, vector<16xf32>,
        tpu.vector_store %arg22[%swap3A_239, %swap3A_240], %select_n3A_235 {strides = array<i32>} : memref<8x128xf32, #tpu.memory_space<vmem>>, vector<16xf32>,
        %broadcast_in_dim3A_242 = arith.constant 3 : i32
        %broadcast_in_dim3A_243 = vector.broadcast %broadcast_in_dim3A_242 : i32 to vector<16xi32>
        %gather3A_244 = tpu.vector_load_idx %arg18[%add3A_174, %broadcast_in_dim3A_243] : memref<128x16xf32, #tpu.memory_space<vmem>>[vector<16xi32>, vector<16xi32>], vector<16xf32>,
        %gather3A_245 = tpu.vector_load_idx %arg20[%add3A_174, %broadcast_in_dim3A_243] : memref<128x16xf32, #tpu.memory_space<vmem>>[vector<16xi32>, vector<16xi32>], vector<16xf32>,
        %add3A_246 = arith.addf %gather3A_244, %gather3A_245 : vector<16xf32>
        %ge3A_247 = arith.constant 0.000000e+00 : f32
        %ge3A_248 = vector.broadcast %ge3A_247 : f32 to vector<16xf32>
        %ge3A_249 = arith.cmpf oge, %add3A_246, %ge3A_248 : vector<16xf32>
        %mul3A_250 = arith.constant 2.000000e-01 : f32
        %mul3A_251 = vector.broadcast %mul3A_250 : f32 to vector<16xf32>
        %mul3A_252 = arith.mulf %mul3A_251, %add3A_246 : vector<16xf32>
        %select_n3A_253 = arith.select %ge3A_249, %add3A_246, %mul3A_252 : vector<16xi1>, vector<16xf32>
        %exp3A_254 = math.exp %select_n3A_253 : vector<16xf32>
        %jit3A_255 = arith.constant 0.000000e+00 : f32
        %broadcast_in_dim3A_256 = vector.broadcast %jit3A_255 : f32 to vector<16xf32>
        %select_n3A_257 = arith.select %lt3A_179, %exp3A_254, %broadcast_in_dim3A_256 : vector<16xi1>, vector<16xf32>
        %mul3A_258 = arith.constant 16 : i32
        %mul3A_259 = arith.muli %scan3A_170, %mul3A_258 : i32
        %swap3A_260 = arith.constant 3 : i32
        %swap3A_261 = arith.index_cast %swap3A_260 : i32 to index
        %swap3A_262 = arith.index_cast %mul3A_259 : i32 to index
        %swap3A_263 = tpu.vector_load %arg22[%swap3A_261, %swap3A_262] {strides = array<i32>} : memref<8x128xf32, #tpu.memory_space<vmem>>, vector<16xf32>,
        tpu.vector_store %arg22[%swap3A_261, %swap3A_262], %select_n3A_257 {strides = array<i32>} : memref<8x128xf32, #tpu.memory_space<vmem>>, vector<16xf32>,
        %broadcast_in_dim3A_264 = arith.constant 4 : i32
        %broadcast_in_dim3A_265 = vector.broadcast %broadcast_in_dim3A_264 : i32 to vector<16xi32>
        %gather3A_266 = tpu.vector_load_idx %arg18[%add3A_174, %broadcast_in_dim3A_265] : memref<128x16xf32, #tpu.memory_space<vmem>>[vector<16xi32>, vector<16xi32>], vector<16xf32>,
        %gather3A_267 = tpu.vector_load_idx %arg20[%add3A_174, %broadcast_in_dim3A_265] : memref<128x16xf32, #tpu.memory_space<vmem>>[vector<16xi32>, vector<16xi32>], vector<16xf32>,
        %add3A_268 = arith.addf %gather3A_266, %gather3A_267 : vector<16xf32>
        %ge3A_269 = arith.constant 0.000000e+00 : f32
        %ge3A_270 = vector.broadcast %ge3A_269 : f32 to vector<16xf32>
        %ge3A_271 = arith.cmpf oge, %add3A_268, %ge3A_270 : vector<16xf32>
        %mul3A_272 = arith.constant 2.000000e-01 : f32
        %mul3A_273 = vector.broadcast %mul3A_272 : f32 to vector<16xf32>
        %mul3A_274 = arith.mulf %mul3A_273, %add3A_268 : vector<16xf32>
        %select_n3A_275 = arith.select %ge3A_271, %add3A_268, %mul3A_274 : vector<16xi1>, vector<16xf32>
        %exp3A_276 = math.exp %select_n3A_275 : vector<16xf32>
        %jit3A_277 = arith.constant 0.000000e+00 : f32
        %broadcast_in_dim3A_278 = vector.broadcast %jit3A_277 : f32 to vector<16xf32>
        %select_n3A_279 = arith.select %lt3A_179, %exp3A_276, %broadcast_in_dim3A_278 : vector<16xi1>, vector<16xf32>
        %mul3A_280 = arith.constant 16 : i32
        %mul3A_281 = arith.muli %scan3A_170, %mul3A_280 : i32
        %swap3A_282 = arith.constant 4 : i32
        %swap3A_283 = arith.index_cast %swap3A_282 : i32 to index
        %swap3A_284 = arith.index_cast %mul3A_281 : i32 to index
        %swap3A_285 = tpu.vector_load %arg22[%swap3A_283, %swap3A_284] {strides = array<i32>} : memref<8x128xf32, #tpu.memory_space<vmem>>, vector<16xf32>,
        tpu.vector_store %arg22[%swap3A_283, %swap3A_284], %select_n3A_279 {strides = array<i32>} : memref<8x128xf32, #tpu.memory_space<vmem>>, vector<16xf32>,
        %broadcast_in_dim3A_286 = arith.constant 5 : i32
        %broadcast_in_dim3A_287 = vector.broadcast %broadcast_in_dim3A_286 : i32 to vector<16xi32>
        %gather3A_288 = tpu.vector_load_idx %arg18[%add3A_174, %broadcast_in_dim3A_287] : memref<128x16xf32, #tpu.memory_space<vmem>>[vector<16xi32>, vector<16xi32>], vector<16xf32>,
        %gather3A_289 = tpu.vector_load_idx %arg20[%add3A_174, %broadcast_in_dim3A_287] : memref<128x16xf32, #tpu.memory_space<vmem>>[vector<16xi32>, vector<16xi32>], vector<16xf32>,
        %add3A_290 = arith.addf %gather3A_288, %gather3A_289 : vector<16xf32>
        %ge3A_291 = arith.constant 0.000000e+00 : f32
        %ge3A_292 = vector.broadcast %ge3A_291 : f32 to vector<16xf32>
        %ge3A_293 = arith.cmpf oge, %add3A_290, %ge3A_292 : vector<16xf32>
        %mul3A_294 = arith.constant 2.000000e-01 : f32
        %mul3A_295 = vector.broadcast %mul3A_294 : f32 to vector<16xf32>
        %mul3A_296 = arith.mulf %mul3A_295, %add3A_290 : vector<16xf32>
        %select_n3A_297 = arith.select %ge3A_293, %add3A_290, %mul3A_296 : vector<16xi1>, vector<16xf32>
        %exp3A_298 = math.exp %select_n3A_297 : vector<16xf32>
        %jit3A_299 = arith.constant 0.000000e+00 : f32
        %broadcast_in_dim3A_300 = vector.broadcast %jit3A_299 : f32 to vector<16xf32>
        %select_n3A_301 = arith.select %lt3A_179, %exp3A_298, %broadcast_in_dim3A_300 : vector<16xi1>, vector<16xf32>
        %mul3A_302 = arith.constant 16 : i32
        %mul3A_303 = arith.muli %scan3A_170, %mul3A_302 : i32
        %swap3A_304 = arith.constant 5 : i32
        %swap3A_305 = arith.index_cast %swap3A_304 : i32 to index
        %swap3A_306 = arith.index_cast %mul3A_303 : i32 to index
        %swap3A_307 = tpu.vector_load %arg22[%swap3A_305, %swap3A_306] {strides = array<i32>} : memref<8x128xf32, #tpu.memory_space<vmem>>, vector<16xf32>,
        tpu.vector_store %arg22[%swap3A_305, %swap3A_306], %select_n3A_301 {strides = array<i32>} : memref<8x128xf32, #tpu.memory_space<vmem>>, vector<16xf32>,
        %broadcast_in_dim3A_308 = arith.constant 6 : i32
        %broadcast_in_dim3A_309 = vector.broadcast %broadcast_in_dim3A_308 : i32 to vector<16xi32>
        %gather3A_310 = tpu.vector_load_idx %arg18[%add3A_174, %broadcast_in_dim3A_309] : memref<128x16xf32, #tpu.memory_space<vmem>>[vector<16xi32>, vector<16xi32>], vector<16xf32>,
        %gather3A_311 = tpu.vector_load_idx %arg20[%add3A_174, %broadcast_in_dim3A_309] : memref<128x16xf32, #tpu.memory_space<vmem>>[vector<16xi32>, vector<16xi32>], vector<16xf32>,
        %add3A_312 = arith.addf %gather3A_310, %gather3A_311 : vector<16xf32>
        %ge3A_313 = arith.constant 0.000000e+00 : f32
        %ge3A_314 = vector.broadcast %ge3A_313 : f32 to vector<16xf32>
        %ge3A_315 = arith.cmpf oge, %add3A_312, %ge3A_314 : vector<16xf32>
        %mul3A_316 = arith.constant 2.000000e-01 : f32
        %mul3A_317 = vector.broadcast %mul3A_316 : f32 to vector<16xf32>
        %mul3A_318 = arith.mulf %mul3A_317, %add3A_312 : vector<16xf32>
        %select_n3A_319 = arith.select %ge3A_315, %add3A_312, %mul3A_318 : vector<16xi1>, vector<16xf32>
        %exp3A_320 = math.exp %select_n3A_319 : vector<16xf32>
        %jit3A_321 = arith.constant 0.000000e+00 : f32
        %broadcast_in_dim3A_322 = vector.broadcast %jit3A_321 : f32 to vector<16xf32>
        %select_n3A_323 = arith.select %lt3A_179, %exp3A_320, %broadcast_in_dim3A_322 : vector<16xi1>, vector<16xf32>
        %mul3A_324 = arith.constant 16 : i32
        %mul3A_325 = arith.muli %scan3A_170, %mul3A_324 : i32
        %swap3A_326 = arith.constant 6 : i32
        %swap3A_327 = arith.index_cast %swap3A_326 : i32 to index
        %swap3A_328 = arith.index_cast %mul3A_325 : i32 to index
        %swap3A_329 = tpu.vector_load %arg22[%swap3A_327, %swap3A_328] {strides = array<i32>} : memref<8x128xf32, #tpu.memory_space<vmem>>, vector<16xf32>,
        tpu.vector_store %arg22[%swap3A_327, %swap3A_328], %select_n3A_323 {strides = array<i32>} : memref<8x128xf32, #tpu.memory_space<vmem>>, vector<16xf32>,
        %broadcast_in_dim3A_330 = arith.constant 7 : i32
        %broadcast_in_dim3A_331 = vector.broadcast %broadcast_in_dim3A_330 : i32 to vector<16xi32>
        %gather3A_332 = tpu.vector_load_idx %arg18[%add3A_174, %broadcast_in_dim3A_331] : memref<128x16xf32, #tpu.memory_space<vmem>>[vector<16xi32>, vector<16xi32>], vector<16xf32>,
        %gather3A_333 = tpu.vector_load_idx %arg20[%add3A_174, %broadcast_in_dim3A_331] : memref<128x16xf32, #tpu.memory_space<vmem>>[vector<16xi32>, vector<16xi32>], vector<16xf32>,
        %add3A_334 = arith.addf %gather3A_332, %gather3A_333 : vector<16xf32>
        %ge3A_335 = arith.constant 0.000000e+00 : f32
        %ge3A_336 = vector.broadcast %ge3A_335 : f32 to vector<16xf32>
        %ge3A_337 = arith.cmpf oge, %add3A_334, %ge3A_336 : vector<16xf32>
        %mul3A_338 = arith.constant 2.000000e-01 : f32
        %mul3A_339 = vector.broadcast %mul3A_338 : f32 to vector<16xf32>
        %mul3A_340 = arith.mulf %mul3A_339, %add3A_334 : vector<16xf32>
        %select_n3A_341 = arith.select %ge3A_337, %add3A_334, %mul3A_340 : vector<16xi1>, vector<16xf32>
        %exp3A_342 = math.exp %select_n3A_341 : vector<16xf32>
        %jit3A_343 = arith.constant 0.000000e+00 : f32
        %broadcast_in_dim3A_344 = vector.broadcast %jit3A_343 : f32 to vector<16xf32>
        %select_n3A_345 = arith.select %lt3A_179, %exp3A_342, %broadcast_in_dim3A_344 : vector<16xi1>, vector<16xf32>
        %mul3A_346 = arith.constant 16 : i32
        %mul3A_347 = arith.muli %scan3A_170, %mul3A_346 : i32
        %swap3A_348 = arith.constant 7 : i32
        %swap3A_349 = arith.index_cast %swap3A_348 : i32 to index
        %swap3A_350 = arith.index_cast %mul3A_347 : i32 to index
        %swap3A_351 = tpu.vector_load %arg22[%swap3A_349, %swap3A_350] {strides = array<i32>} : memref<8x128xf32, #tpu.memory_space<vmem>>, vector<16xf32>,
        tpu.vector_store %arg22[%swap3A_349, %swap3A_350], %select_n3A_345 {strides = array<i32>} : memref<8x128xf32, #tpu.memory_space<vmem>>, vector<16xf32>,
      }
      %scan3A_119 = arith.constant 8 : i32
      %scan3A_120 = arith.constant 0 : i32
      %scan3A_121 = arith.constant 0 : i32
      %scan3A_122 = arith.constant 128 : i32
      %scan3A_123 = arith.addi %scan3A_121, %scan3A_122 : i32
      %scan3A_124 = arith.constant 1 : i32
      scf.for %scan3A_170 = %scan3A_121 to %scan3A_123 step %scan3A_124  : i32 {
        %broadcast_in_dim3A_171 = arith.constant 0 : i32
        %broadcast_in_dim3A_172 = vector.broadcast %broadcast_in_dim3A_171 : i32 to vector<16xi32>
        %add3A_173 = vector.broadcast %scan3A_170 : i32 to vector<16xi32>
        %add3A_174 = arith.addi %broadcast_in_dim3A_172, %add3A_173 : vector<16xi32>
        %and3A = arith.constant 7 : i32
        %and3A_175 = vector.broadcast %and3A : i32 to vector<16xi32>
        %and3A_176 = arith.andi %iota3A, %and3A_175 : vector<16xi32>
        %gather3A = tpu.vector_load_idx %arg22[%and3A_176, %add3A_174] : memref<8x128xf32, #tpu.memory_space<vmem>>[vector<16xi32>, vector<16xi32>], vector<16xf32>,
        %lt3A_177 = arith.constant 8 : i32
        %lt3A_178 = vector.broadcast %lt3A_177 : i32 to vector<16xi32>
        %lt3A_179 = arith.cmpi slt, %iota3A, %lt3A_178 : vector<16xi32>
        %jit3A_180 = arith.constant 0.000000e+00 : f32
        %broadcast_in_dim3A_181 = vector.broadcast %jit3A_180 : f32 to vector<16xf32>
        %select_n3A_182 = arith.select %lt3A_179, %gather3A, %broadcast_in_dim3A_181 : vector<16xi1>, vector<16xf32>
        %swap3A = arith.index_cast %scan3A_170 : i32 to index
        %swap3A_183 = arith.constant 0 : index
        %swap3A_184 = tpu.vector_load %arg23[%swap3A, %swap3A_183] {strides = array<i32>} : memref<128x16xf32, #tpu.memory_space<vmem>>, vector<16xf32>,
        tpu.vector_store %arg23[%swap3A, %swap3A_183], %select_n3A_182 {strides = array<i32>} : memref<128x16xf32, #tpu.memory_space<vmem>>, vector<16xf32>,
      }
      %scan3A_125 = arith.constant 128 : i32
      "tpu.region"() ({
        %run_scoped3A = tpu.sem_alloc : memref<!tpu.dma_semaphore, #tpu.memory_space<semaphore_mem>>
        %dma_start3A_170 = arith.constant 0 : i32
        %dma_start3A_171 = arith.constant 0 : i32
        %dma_start3A_172 = tpu.memref_slice %arg24[%dma_start3A_170, %dma_start3A_171] : memref<12500x16xf32, #tpu.memory_space<vmem_shared>> -> memref<12500x16xf32, #tpu.memory_space<vmem_shared>>
        tpu.enqueue_indirect_dma source(%arg23 : memref<128x16xf32, #tpu.memory_space<vmem>>) target(%dma_start3A_172 : memref<12500x16xf32, #tpu.memory_space<vmem_shared>>) offsets(%arg16 : memref<128xi32, #tpu.memory_space<vmem>>) semaphore(%run_scoped3A : memref<!tpu.dma_semaphore, #tpu.memory_space<semaphore_mem>>) {add = true}
        %dma_wait3A_173 = arith.constant 0 : i32
        %dma_wait3A_174 = arith.constant 0 : i32
        %dma_wait3A_175 = tpu.memref_slice %arg24[%dma_wait3A_173, %dma_wait3A_174] : memref<12500x16xf32, #tpu.memory_space<vmem_shared>> -> memref<12500x16xf32, #tpu.memory_space<vmem_shared>>
        tpu.wait_indirect_dma semaphore(%run_scoped3A : memref<!tpu.dma_semaphore, #tpu.memory_space<semaphore_mem>>) src(%arg23 : memref<128x16xf32, #tpu.memory_space<vmem>>) dst(%dma_wait3A_175 : memref<12500x16xf32, #tpu.memory_space<vmem_shared>>)
        tpu.yield
      }) : () -> ()
      %add3A_126 = arith.constant 2 : i32
      %add3A_127 = arith.addi %mul3A_81, %add3A_126 : i32
      %lt3A_128 = arith.constant 40 : i32
      %lt3A_129 = arith.cmpi slt, %add3A_127, %lt3A_128 : i32
      %convert_element_type3A_130 = arith.extui %lt3A_129 : i1 to i32
      %cond3A_131 = arith.constant 0 : i32
      %cond3A_132 = arith.cmpi ne, %convert_element_type3A_130, %cond3A_131 : i32
      scf.if %cond3A_132 {
        %add3A_170 = arith.constant 2 : i32
        %add3A_171 = arith.addi %mul3A_81, %add3A_170 : i32
        %mul3A_172 = arith.constant 128 : i32
        %mul3A_173 = arith.muli %add3A_171, %mul3A_172 : i32
        %add3A_174 = arith.addi %mul3A_25, %mul3A_173 : i32
        %dma_start3A_175 = tpu.memref_slice %arg2[%add3A_174] : memref<163840xi32, #tpu.memory_space<hbm>> -> memref<128xi32, #tpu.memory_space<hbm>>
        %dma_start3A_176 = tpu.memref_slice %arg2[%add3A_174] : memref<163840xi32, #tpu.memory_space<hbm>> -> memref<128xi32, #tpu.memory_space<hbm>>
        tpu.enqueue_dma source(%dma_start3A_176 : memref<128xi32, #tpu.memory_space<hbm>>) target(%arg8 : memref<128xi32, #tpu.memory_space<vmem>>) target_semaphore(%arg25 : memref<!tpu.dma_semaphore, #tpu.memory_space<semaphore_mem>>)
        %dma_start3A_177 = tpu.memref_slice %arg3[%add3A_174] : memref<163840xi32, #tpu.memory_space<hbm>> -> memref<128xi32, #tpu.memory_space<hbm>>
        %dma_start3A_178 = tpu.memref_slice %arg3[%add3A_174] : memref<163840xi32, #tpu.memory_space<hbm>> -> memref<128xi32, #tpu.memory_space<hbm>>
        tpu.enqueue_dma source(%dma_start3A_178 : memref<128xi32, #tpu.memory_space<hbm>>) target(%arg10 : memref<128xi32, #tpu.memory_space<vmem>>) target_semaphore(%arg25 : memref<!tpu.dma_semaphore, #tpu.memory_space<semaphore_mem>>)
        %dma_start3A_179 = tpu.memref_slice %arg4[%add3A_174] : memref<163840xi32, #tpu.memory_space<hbm>> -> memref<128xi32, #tpu.memory_space<hbm>>
        %dma_start3A_180 = tpu.memref_slice %arg4[%add3A_174] : memref<163840xi32, #tpu.memory_space<hbm>> -> memref<128xi32, #tpu.memory_space<hbm>>
        tpu.enqueue_dma source(%dma_start3A_180 : memref<128xi32, #tpu.memory_space<hbm>>) target(%arg12 : memref<128xi32, #tpu.memory_space<vmem>>) target_semaphore(%arg25 : memref<!tpu.dma_semaphore, #tpu.memory_space<semaphore_mem>>)
      } else {
      }
      %add3A_133 = arith.constant 2 : i32
      %add3A_134 = arith.addi %mul3A_81, %add3A_133 : i32
      %lt3A_135 = arith.constant 40 : i32
      %lt3A_136 = arith.cmpi slt, %add3A_134, %lt3A_135 : i32
      %convert_element_type3A_137 = arith.extui %lt3A_136 : i1 to i32
      %cond3A_138 = arith.constant 0 : i32
      %cond3A_139 = arith.cmpi ne, %convert_element_type3A_137, %cond3A_138 : i32
      scf.if %cond3A_139 {
        %add3A_170 = arith.constant 2 : i32
        %add3A_171 = arith.addi %mul3A_81, %add3A_170 : i32
        %mul3A_172 = arith.constant 128 : i32
        %mul3A_173 = arith.muli %add3A_171, %mul3A_172 : i32
        %add3A_174 = arith.addi %mul3A_25, %mul3A_173 : i32
        %dma_wait3A_175 = tpu.memref_slice %arg2[%add3A_174] : memref<163840xi32, #tpu.memory_space<hbm>> -> memref<128xi32, #tpu.memory_space<hbm>>
        %dma_wait3A_176 = tpu.memref_slice %arg2[%add3A_174] : memref<163840xi32, #tpu.memory_space<hbm>> -> memref<128xi32, #tpu.memory_space<hbm>>
        tpu.wait_dma2 semaphore(%arg25 : memref<!tpu.dma_semaphore, #tpu.memory_space<semaphore_mem>>) src(%dma_wait3A_176 : memref<128xi32, #tpu.memory_space<hbm>>) dst(%arg8 : memref<128xi32, #tpu.memory_space<vmem>>)
        %dma_wait3A_177 = tpu.memref_slice %arg3[%add3A_174] : memref<163840xi32, #tpu.memory_space<hbm>> -> memref<128xi32, #tpu.memory_space<hbm>>
        %dma_wait3A_178 = tpu.memref_slice %arg3[%add3A_174] : memref<163840xi32, #tpu.memory_space<hbm>> -> memref<128xi32, #tpu.memory_space<hbm>>
        tpu.wait_dma2 semaphore(%arg25 : memref<!tpu.dma_semaphore, #tpu.memory_space<semaphore_mem>>) src(%dma_wait3A_178 : memref<128xi32, #tpu.memory_space<hbm>>) dst(%arg10 : memref<128xi32, #tpu.memory_space<vmem>>)
        %dma_wait3A_179 = tpu.memref_slice %arg4[%add3A_174] : memref<163840xi32, #tpu.memory_space<hbm>> -> memref<128xi32, #tpu.memory_space<hbm>>
        %dma_wait3A_180 = tpu.memref_slice %arg4[%add3A_174] : memref<163840xi32, #tpu.memory_space<hbm>> -> memref<128xi32, #tpu.memory_space<hbm>>
        tpu.wait_dma2 semaphore(%arg25 : memref<!tpu.dma_semaphore, #tpu.memory_space<semaphore_mem>>) src(%dma_wait3A_180 : memref<128xi32, #tpu.memory_space<hbm>>) dst(%arg12 : memref<128xi32, #tpu.memory_space<vmem>>)
        %scan3A_181 = arith.constant 0 : i32
        %scan3A_182 = arith.constant 0 : i32
        %scan3A_183 = arith.constant 8 : i32
        %scan3A_184 = arith.addi %scan3A_182, %scan3A_183 : i32
        %scan3A_185 = arith.constant 1 : i32
        scf.for %scan3A_193 = %scan3A_182 to %scan3A_184 step %scan3A_185  : i32 {
          %mul3A_194 = arith.constant 16 : i32
          %mul3A_195 = arith.muli %scan3A_193, %mul3A_194 : i32
          %get3A = arith.index_cast %mul3A_195 : i32 to index
          %get3A_196 = tpu.vector_load %arg8[%get3A] {strides = array<i32>} : memref<128xi32, #tpu.memory_space<vmem>>, vector<16xi32>,
          %mul3A_197 = arith.constant 16 : i32
          %mul3A_198 = arith.muli %scan3A_193, %mul3A_197 : i32
          %get3A_199 = arith.index_cast %mul3A_198 : i32 to index
          %get3A_200 = tpu.vector_load %arg10[%get3A_199] {strides = array<i32>} : memref<128xi32, #tpu.memory_space<vmem>>, vector<16xi32>,
          %mul3A_201 = arith.constant 16 : i32
          %mul3A_202 = arith.muli %scan3A_193, %mul3A_201 : i32
          %get3A_203 = arith.index_cast %mul3A_202 : i32 to index
          %get3A_204 = tpu.vector_load %arg12[%get3A_203] {strides = array<i32>} : memref<128xi32, #tpu.memory_space<vmem>>, vector<16xi32>,
          %mul3A_205 = arith.constant 10000 : i32
          %mul3A_206 = vector.broadcast %mul3A_205 : i32 to vector<16xi32>
          %mul3A_207 = arith.muli %get3A_204, %mul3A_206 : vector<16xi32>
          %add3A_208 = arith.addi %mul3A_207, %get3A_196 : vector<16xi32>
          %mul3A_209 = arith.constant 16 : i32
          %mul3A_210 = arith.muli %scan3A_193, %mul3A_209 : i32
          %swap3A = arith.index_cast %mul3A_210 : i32 to index
          %swap3A_211 = tpu.vector_load %arg14[%swap3A] {strides = array<i32>} : memref<128xi32, #tpu.memory_space<vmem>>, vector<16xi32>,
          tpu.vector_store %arg14[%swap3A], %add3A_208 {strides = array<i32>} : memref<128xi32, #tpu.memory_space<vmem>>, vector<16xi32>,
          %mul3A_212 = arith.constant 2500 : i32
          %mul3A_213 = vector.broadcast %mul3A_212 : i32 to vector<16xi32>
          %mul3A_214 = arith.muli %get3A_204, %mul3A_213 : vector<16xi32>
          %add3A_215 = arith.addi %mul3A_214, %get3A_200 : vector<16xi32>
          %mul3A_216 = arith.constant 16 : i32
          %mul3A_217 = arith.muli %scan3A_193, %mul3A_216 : i32
          %swap3A_218 = arith.index_cast %mul3A_217 : i32 to index
          %swap3A_219 = tpu.vector_load %arg16[%swap3A_218] {strides = array<i32>} : memref<128xi32, #tpu.memory_space<vmem>>, vector<16xi32>,
          tpu.vector_store %arg16[%swap3A_218], %add3A_215 {strides = array<i32>} : memref<128xi32, #tpu.memory_space<vmem>>, vector<16xi32>,
        }
        %scan3A_186 = arith.constant 8 : i32
        %dma_start3A_187 = arith.constant 0 : i32
        %dma_start3A_188 = arith.constant 0 : i32
        %dma_start3A_189 = tpu.memref_slice %arg5[%dma_start3A_187, %dma_start3A_188] : memref<50000x16xf32, #tpu.memory_space<hbm>> -> memref<50000x16xf32, #tpu.memory_space<hbm>>
        tpu.enqueue_indirect_dma source(%dma_start3A_189 : memref<50000x16xf32, #tpu.memory_space<hbm>>) target(%arg18 : memref<128x16xf32, #tpu.memory_space<vmem>>) offsets(%arg14 : memref<128xi32, #tpu.memory_space<vmem>>) semaphore(%arg27 : memref<!tpu.dma_semaphore, #tpu.memory_space<semaphore_mem>>)
        %dma_start3A_190 = arith.constant 0 : i32
        %dma_start3A_191 = arith.constant 0 : i32
        %dma_start3A_192 = tpu.memref_slice %arg6[%dma_start3A_190, %dma_start3A_191] : memref<12500x16xf32, #tpu.memory_space<hbm>> -> memref<12500x16xf32, #tpu.memory_space<hbm>>
        tpu.enqueue_indirect_dma source(%dma_start3A_192 : memref<12500x16xf32, #tpu.memory_space<hbm>>) target(%arg20 : memref<128x16xf32, #tpu.memory_space<vmem>>) offsets(%arg16 : memref<128xi32, #tpu.memory_space<vmem>>) semaphore(%arg27 : memref<!tpu.dma_semaphore, #tpu.memory_space<semaphore_mem>>)
      } else {
      }
      %dma_wait3A_140 = arith.constant 0 : i32
      %dma_wait3A_141 = arith.constant 0 : i32
      %dma_wait3A_142 = tpu.memref_slice %arg5[%dma_wait3A_140, %dma_wait3A_141] : memref<50000x16xf32, #tpu.memory_space<hbm>> -> memref<50000x16xf32, #tpu.memory_space<hbm>>
      tpu.wait_indirect_dma semaphore(%arg28 : memref<!tpu.dma_semaphore, #tpu.memory_space<semaphore_mem>>) src(%dma_wait3A_142 : memref<50000x16xf32, #tpu.memory_space<hbm>>) dst(%arg19 : memref<128x16xf32, #tpu.memory_space<vmem>>)
      %dma_wait3A_143 = arith.constant 0 : i32
      %dma_wait3A_144 = arith.constant 0 : i32
      %dma_wait3A_145 = tpu.memref_slice %arg6[%dma_wait3A_143, %dma_wait3A_144] : memref<12500x16xf32, #tpu.memory_space<hbm>> -> memref<12500x16xf32, #tpu.memory_space<hbm>>
      tpu.wait_indirect_dma semaphore(%arg28 : memref<!tpu.dma_semaphore, #tpu.memory_space<semaphore_mem>>) src(%dma_wait3A_145 : memref<12500x16xf32, #tpu.memory_space<hbm>>) dst(%arg21 : memref<128x16xf32, #tpu.memory_space<vmem>>)
      %add3A_146 = arith.constant 1 : i32
      %add3A_147 = arith.addi %mul3A_81, %add3A_146 : i32
      %mul3A_148 = arith.constant 128 : i32
      %mul3A_149 = arith.muli %add3A_147, %mul3A_148 : i32
      %add3A_150 = arith.addi %mul3A_25, %mul3A_149 : i32
      %scan3A_151 = arith.constant 0 : i32
      %scan3A_152 = arith.constant 0 : i32
      %scan3A_153 = arith.constant 8 : i32
      %scan3A_154 = arith.addi %scan3A_152, %scan3A_153 : i32
      %scan3A_155 = arith.constant 1 : i32
      scf.for %scan3A_170 = %scan3A_152 to %scan3A_154 step %scan3A_155  : i32 {
        %mul3A_171 = arith.constant 16 : i32
        %mul3A_172 = arith.muli %scan3A_170, %mul3A_171 : i32
        %add3A_173 = vector.broadcast %mul3A_172 : i32 to vector<16xi32>
        %add3A_174 = arith.addi %add3A_173, %iota3A : vector<16xi32>
        %add3A_175 = vector.broadcast %add3A_150 : i32 to vector<16xi32>
        %add3A_176 = arith.addi %add3A_175, %add3A_174 : vector<16xi32>
        %lt3A_177 = arith.constant 160000 : i32
        %lt3A_178 = vector.broadcast %lt3A_177 : i32 to vector<16xi32>
        %lt3A_179 = arith.cmpi slt, %add3A_176, %lt3A_178 : vector<16xi32>
        %broadcast_in_dim3A_180 = arith.constant 0 : i32
        %broadcast_in_dim3A_181 = vector.broadcast %broadcast_in_dim3A_180 : i32 to vector<16xi32>
        %gather3A = tpu.vector_load_idx %arg19[%add3A_174, %broadcast_in_dim3A_181] : memref<128x16xf32, #tpu.memory_space<vmem>>[vector<16xi32>, vector<16xi32>], vector<16xf32>,
        %gather3A_182 = tpu.vector_load_idx %arg21[%add3A_174, %broadcast_in_dim3A_181] : memref<128x16xf32, #tpu.memory_space<vmem>>[vector<16xi32>, vector<16xi32>], vector<16xf32>,
        %add3A_183 = arith.addf %gather3A, %gather3A_182 : vector<16xf32>
        %ge3A = arith.constant 0.000000e+00 : f32
        %ge3A_184 = vector.broadcast %ge3A : f32 to vector<16xf32>
        %ge3A_185 = arith.cmpf oge, %add3A_183, %ge3A_184 : vector<16xf32>
        %mul3A_186 = arith.constant 2.000000e-01 : f32
        %mul3A_187 = vector.broadcast %mul3A_186 : f32 to vector<16xf32>
        %mul3A_188 = arith.mulf %mul3A_187, %add3A_183 : vector<16xf32>
        %select_n3A_189 = arith.select %ge3A_185, %add3A_183, %mul3A_188 : vector<16xi1>, vector<16xf32>
        %exp3A = math.exp %select_n3A_189 : vector<16xf32>
        %jit3A_190 = arith.constant 0.000000e+00 : f32
        %broadcast_in_dim3A_191 = vector.broadcast %jit3A_190 : f32 to vector<16xf32>
        %select_n3A_192 = arith.select %lt3A_179, %exp3A, %broadcast_in_dim3A_191 : vector<16xi1>, vector<16xf32>
        %mul3A_193 = arith.constant 16 : i32
        %mul3A_194 = arith.muli %scan3A_170, %mul3A_193 : i32
        %swap3A = arith.constant 0 : i32
        %swap3A_195 = arith.index_cast %swap3A : i32 to index
        %swap3A_196 = arith.index_cast %mul3A_194 : i32 to index
        %swap3A_197 = tpu.vector_load %arg22[%swap3A_195, %swap3A_196] {strides = array<i32>} : memref<8x128xf32, #tpu.memory_space<vmem>>, vector<16xf32>,
        tpu.vector_store %arg22[%swap3A_195, %swap3A_196], %select_n3A_192 {strides = array<i32>} : memref<8x128xf32, #tpu.memory_space<vmem>>, vector<16xf32>,
        %broadcast_in_dim3A_198 = arith.constant 1 : i32
        %broadcast_in_dim3A_199 = vector.broadcast %broadcast_in_dim3A_198 : i32 to vector<16xi32>
        %gather3A_200 = tpu.vector_load_idx %arg19[%add3A_174, %broadcast_in_dim3A_199] : memref<128x16xf32, #tpu.memory_space<vmem>>[vector<16xi32>, vector<16xi32>], vector<16xf32>,
        %gather3A_201 = tpu.vector_load_idx %arg21[%add3A_174, %broadcast_in_dim3A_199] : memref<128x16xf32, #tpu.memory_space<vmem>>[vector<16xi32>, vector<16xi32>], vector<16xf32>,
        %add3A_202 = arith.addf %gather3A_200, %gather3A_201 : vector<16xf32>
        %ge3A_203 = arith.constant 0.000000e+00 : f32
        %ge3A_204 = vector.broadcast %ge3A_203 : f32 to vector<16xf32>
        %ge3A_205 = arith.cmpf oge, %add3A_202, %ge3A_204 : vector<16xf32>
        %mul3A_206 = arith.constant 2.000000e-01 : f32
        %mul3A_207 = vector.broadcast %mul3A_206 : f32 to vector<16xf32>
        %mul3A_208 = arith.mulf %mul3A_207, %add3A_202 : vector<16xf32>
        %select_n3A_209 = arith.select %ge3A_205, %add3A_202, %mul3A_208 : vector<16xi1>, vector<16xf32>
        %exp3A_210 = math.exp %select_n3A_209 : vector<16xf32>
        %jit3A_211 = arith.constant 0.000000e+00 : f32
        %broadcast_in_dim3A_212 = vector.broadcast %jit3A_211 : f32 to vector<16xf32>
        %select_n3A_213 = arith.select %lt3A_179, %exp3A_210, %broadcast_in_dim3A_212 : vector<16xi1>, vector<16xf32>
        %mul3A_214 = arith.constant 16 : i32
        %mul3A_215 = arith.muli %scan3A_170, %mul3A_214 : i32
        %swap3A_216 = arith.constant 1 : i32
        %swap3A_217 = arith.index_cast %swap3A_216 : i32 to index
        %swap3A_218 = arith.index_cast %mul3A_215 : i32 to index
        %swap3A_219 = tpu.vector_load %arg22[%swap3A_217, %swap3A_218] {strides = array<i32>} : memref<8x128xf32, #tpu.memory_space<vmem>>, vector<16xf32>,
        tpu.vector_store %arg22[%swap3A_217, %swap3A_218], %select_n3A_213 {strides = array<i32>} : memref<8x128xf32, #tpu.memory_space<vmem>>, vector<16xf32>,
        %broadcast_in_dim3A_220 = arith.constant 2 : i32
        %broadcast_in_dim3A_221 = vector.broadcast %broadcast_in_dim3A_220 : i32 to vector<16xi32>
        %gather3A_222 = tpu.vector_load_idx %arg19[%add3A_174, %broadcast_in_dim3A_221] : memref<128x16xf32, #tpu.memory_space<vmem>>[vector<16xi32>, vector<16xi32>], vector<16xf32>,
        %gather3A_223 = tpu.vector_load_idx %arg21[%add3A_174, %broadcast_in_dim3A_221] : memref<128x16xf32, #tpu.memory_space<vmem>>[vector<16xi32>, vector<16xi32>], vector<16xf32>,
        %add3A_224 = arith.addf %gather3A_222, %gather3A_223 : vector<16xf32>
        %ge3A_225 = arith.constant 0.000000e+00 : f32
        %ge3A_226 = vector.broadcast %ge3A_225 : f32 to vector<16xf32>
        %ge3A_227 = arith.cmpf oge, %add3A_224, %ge3A_226 : vector<16xf32>
        %mul3A_228 = arith.constant 2.000000e-01 : f32
        %mul3A_229 = vector.broadcast %mul3A_228 : f32 to vector<16xf32>
        %mul3A_230 = arith.mulf %mul3A_229, %add3A_224 : vector<16xf32>
        %select_n3A_231 = arith.select %ge3A_227, %add3A_224, %mul3A_230 : vector<16xi1>, vector<16xf32>
        %exp3A_232 = math.exp %select_n3A_231 : vector<16xf32>
        %jit3A_233 = arith.constant 0.000000e+00 : f32
        %broadcast_in_dim3A_234 = vector.broadcast %jit3A_233 : f32 to vector<16xf32>
        %select_n3A_235 = arith.select %lt3A_179, %exp3A_232, %broadcast_in_dim3A_234 : vector<16xi1>, vector<16xf32>
        %mul3A_236 = arith.constant 16 : i32
        %mul3A_237 = arith.muli %scan3A_170, %mul3A_236 : i32
        %swap3A_238 = arith.constant 2 : i32
        %swap3A_239 = arith.index_cast %swap3A_238 : i32 to index
        %swap3A_240 = arith.index_cast %mul3A_237 : i32 to index
        %swap3A_241 = tpu.vector_load %arg22[%swap3A_239, %swap3A_240] {strides = array<i32>} : memref<8x128xf32, #tpu.memory_space<vmem>>, vector<16xf32>,
        tpu.vector_store %arg22[%swap3A_239, %swap3A_240], %select_n3A_235 {strides = array<i32>} : memref<8x128xf32, #tpu.memory_space<vmem>>, vector<16xf32>,
        %broadcast_in_dim3A_242 = arith.constant 3 : i32
        %broadcast_in_dim3A_243 = vector.broadcast %broadcast_in_dim3A_242 : i32 to vector<16xi32>
        %gather3A_244 = tpu.vector_load_idx %arg19[%add3A_174, %broadcast_in_dim3A_243] : memref<128x16xf32, #tpu.memory_space<vmem>>[vector<16xi32>, vector<16xi32>], vector<16xf32>,
        %gather3A_245 = tpu.vector_load_idx %arg21[%add3A_174, %broadcast_in_dim3A_243] : memref<128x16xf32, #tpu.memory_space<vmem>>[vector<16xi32>, vector<16xi32>], vector<16xf32>,
        %add3A_246 = arith.addf %gather3A_244, %gather3A_245 : vector<16xf32>
        %ge3A_247 = arith.constant 0.000000e+00 : f32
        %ge3A_248 = vector.broadcast %ge3A_247 : f32 to vector<16xf32>
        %ge3A_249 = arith.cmpf oge, %add3A_246, %ge3A_248 : vector<16xf32>
        %mul3A_250 = arith.constant 2.000000e-01 : f32
        %mul3A_251 = vector.broadcast %mul3A_250 : f32 to vector<16xf32>
        %mul3A_252 = arith.mulf %mul3A_251, %add3A_246 : vector<16xf32>
        %select_n3A_253 = arith.select %ge3A_249, %add3A_246, %mul3A_252 : vector<16xi1>, vector<16xf32>
        %exp3A_254 = math.exp %select_n3A_253 : vector<16xf32>
        %jit3A_255 = arith.constant 0.000000e+00 : f32
        %broadcast_in_dim3A_256 = vector.broadcast %jit3A_255 : f32 to vector<16xf32>
        %select_n3A_257 = arith.select %lt3A_179, %exp3A_254, %broadcast_in_dim3A_256 : vector<16xi1>, vector<16xf32>
        %mul3A_258 = arith.constant 16 : i32
        %mul3A_259 = arith.muli %scan3A_170, %mul3A_258 : i32
        %swap3A_260 = arith.constant 3 : i32
        %swap3A_261 = arith.index_cast %swap3A_260 : i32 to index
        %swap3A_262 = arith.index_cast %mul3A_259 : i32 to index
        %swap3A_263 = tpu.vector_load %arg22[%swap3A_261, %swap3A_262] {strides = array<i32>} : memref<8x128xf32, #tpu.memory_space<vmem>>, vector<16xf32>,
        tpu.vector_store %arg22[%swap3A_261, %swap3A_262], %select_n3A_257 {strides = array<i32>} : memref<8x128xf32, #tpu.memory_space<vmem>>, vector<16xf32>,
        %broadcast_in_dim3A_264 = arith.constant 4 : i32
        %broadcast_in_dim3A_265 = vector.broadcast %broadcast_in_dim3A_264 : i32 to vector<16xi32>
        %gather3A_266 = tpu.vector_load_idx %arg19[%add3A_174, %broadcast_in_dim3A_265] : memref<128x16xf32, #tpu.memory_space<vmem>>[vector<16xi32>, vector<16xi32>], vector<16xf32>,
        %gather3A_267 = tpu.vector_load_idx %arg21[%add3A_174, %broadcast_in_dim3A_265] : memref<128x16xf32, #tpu.memory_space<vmem>>[vector<16xi32>, vector<16xi32>], vector<16xf32>,
        %add3A_268 = arith.addf %gather3A_266, %gather3A_267 : vector<16xf32>
        %ge3A_269 = arith.constant 0.000000e+00 : f32
        %ge3A_270 = vector.broadcast %ge3A_269 : f32 to vector<16xf32>
        %ge3A_271 = arith.cmpf oge, %add3A_268, %ge3A_270 : vector<16xf32>
        %mul3A_272 = arith.constant 2.000000e-01 : f32
        %mul3A_273 = vector.broadcast %mul3A_272 : f32 to vector<16xf32>
        %mul3A_274 = arith.mulf %mul3A_273, %add3A_268 : vector<16xf32>
        %select_n3A_275 = arith.select %ge3A_271, %add3A_268, %mul3A_274 : vector<16xi1>, vector<16xf32>
        %exp3A_276 = math.exp %select_n3A_275 : vector<16xf32>
        %jit3A_277 = arith.constant 0.000000e+00 : f32
        %broadcast_in_dim3A_278 = vector.broadcast %jit3A_277 : f32 to vector<16xf32>
        %select_n3A_279 = arith.select %lt3A_179, %exp3A_276, %broadcast_in_dim3A_278 : vector<16xi1>, vector<16xf32>
        %mul3A_280 = arith.constant 16 : i32
        %mul3A_281 = arith.muli %scan3A_170, %mul3A_280 : i32
        %swap3A_282 = arith.constant 4 : i32
        %swap3A_283 = arith.index_cast %swap3A_282 : i32 to index
        %swap3A_284 = arith.index_cast %mul3A_281 : i32 to index
        %swap3A_285 = tpu.vector_load %arg22[%swap3A_283, %swap3A_284] {strides = array<i32>} : memref<8x128xf32, #tpu.memory_space<vmem>>, vector<16xf32>,
        tpu.vector_store %arg22[%swap3A_283, %swap3A_284], %select_n3A_279 {strides = array<i32>} : memref<8x128xf32, #tpu.memory_space<vmem>>, vector<16xf32>,
        %broadcast_in_dim3A_286 = arith.constant 5 : i32
        %broadcast_in_dim3A_287 = vector.broadcast %broadcast_in_dim3A_286 : i32 to vector<16xi32>
        %gather3A_288 = tpu.vector_load_idx %arg19[%add3A_174, %broadcast_in_dim3A_287] : memref<128x16xf32, #tpu.memory_space<vmem>>[vector<16xi32>, vector<16xi32>], vector<16xf32>,
        %gather3A_289 = tpu.vector_load_idx %arg21[%add3A_174, %broadcast_in_dim3A_287] : memref<128x16xf32, #tpu.memory_space<vmem>>[vector<16xi32>, vector<16xi32>], vector<16xf32>,
        %add3A_290 = arith.addf %gather3A_288, %gather3A_289 : vector<16xf32>
        %ge3A_291 = arith.constant 0.000000e+00 : f32
        %ge3A_292 = vector.broadcast %ge3A_291 : f32 to vector<16xf32>
        %ge3A_293 = arith.cmpf oge, %add3A_290, %ge3A_292 : vector<16xf32>
        %mul3A_294 = arith.constant 2.000000e-01 : f32
        %mul3A_295 = vector.broadcast %mul3A_294 : f32 to vector<16xf32>
        %mul3A_296 = arith.mulf %mul3A_295, %add3A_290 : vector<16xf32>
        %select_n3A_297 = arith.select %ge3A_293, %add3A_290, %mul3A_296 : vector<16xi1>, vector<16xf32>
        %exp3A_298 = math.exp %select_n3A_297 : vector<16xf32>
        %jit3A_299 = arith.constant 0.000000e+00 : f32
        %broadcast_in_dim3A_300 = vector.broadcast %jit3A_299 : f32 to vector<16xf32>
        %select_n3A_301 = arith.select %lt3A_179, %exp3A_298, %broadcast_in_dim3A_300 : vector<16xi1>, vector<16xf32>
        %mul3A_302 = arith.constant 16 : i32
        %mul3A_303 = arith.muli %scan3A_170, %mul3A_302 : i32
        %swap3A_304 = arith.constant 5 : i32
        %swap3A_305 = arith.index_cast %swap3A_304 : i32 to index
        %swap3A_306 = arith.index_cast %mul3A_303 : i32 to index
        %swap3A_307 = tpu.vector_load %arg22[%swap3A_305, %swap3A_306] {strides = array<i32>} : memref<8x128xf32, #tpu.memory_space<vmem>>, vector<16xf32>,
        tpu.vector_store %arg22[%swap3A_305, %swap3A_306], %select_n3A_301 {strides = array<i32>} : memref<8x128xf32, #tpu.memory_space<vmem>>, vector<16xf32>,
        %broadcast_in_dim3A_308 = arith.constant 6 : i32
        %broadcast_in_dim3A_309 = vector.broadcast %broadcast_in_dim3A_308 : i32 to vector<16xi32>
        %gather3A_310 = tpu.vector_load_idx %arg19[%add3A_174, %broadcast_in_dim3A_309] : memref<128x16xf32, #tpu.memory_space<vmem>>[vector<16xi32>, vector<16xi32>], vector<16xf32>,
        %gather3A_311 = tpu.vector_load_idx %arg21[%add3A_174, %broadcast_in_dim3A_309] : memref<128x16xf32, #tpu.memory_space<vmem>>[vector<16xi32>, vector<16xi32>], vector<16xf32>,
        %add3A_312 = arith.addf %gather3A_310, %gather3A_311 : vector<16xf32>
        %ge3A_313 = arith.constant 0.000000e+00 : f32
        %ge3A_314 = vector.broadcast %ge3A_313 : f32 to vector<16xf32>
        %ge3A_315 = arith.cmpf oge, %add3A_312, %ge3A_314 : vector<16xf32>
        %mul3A_316 = arith.constant 2.000000e-01 : f32
        %mul3A_317 = vector.broadcast %mul3A_316 : f32 to vector<16xf32>
        %mul3A_318 = arith.mulf %mul3A_317, %add3A_312 : vector<16xf32>
        %select_n3A_319 = arith.select %ge3A_315, %add3A_312, %mul3A_318 : vector<16xi1>, vector<16xf32>
        %exp3A_320 = math.exp %select_n3A_319 : vector<16xf32>
        %jit3A_321 = arith.constant 0.000000e+00 : f32
        %broadcast_in_dim3A_322 = vector.broadcast %jit3A_321 : f32 to vector<16xf32>
        %select_n3A_323 = arith.select %lt3A_179, %exp3A_320, %broadcast_in_dim3A_322 : vector<16xi1>, vector<16xf32>
        %mul3A_324 = arith.constant 16 : i32
        %mul3A_325 = arith.muli %scan3A_170, %mul3A_324 : i32
        %swap3A_326 = arith.constant 6 : i32
        %swap3A_327 = arith.index_cast %swap3A_326 : i32 to index
        %swap3A_328 = arith.index_cast %mul3A_325 : i32 to index
        %swap3A_329 = tpu.vector_load %arg22[%swap3A_327, %swap3A_328] {strides = array<i32>} : memref<8x128xf32, #tpu.memory_space<vmem>>, vector<16xf32>,
        tpu.vector_store %arg22[%swap3A_327, %swap3A_328], %select_n3A_323 {strides = array<i32>} : memref<8x128xf32, #tpu.memory_space<vmem>>, vector<16xf32>,
        %broadcast_in_dim3A_330 = arith.constant 7 : i32
        %broadcast_in_dim3A_331 = vector.broadcast %broadcast_in_dim3A_330 : i32 to vector<16xi32>
        %gather3A_332 = tpu.vector_load_idx %arg19[%add3A_174, %broadcast_in_dim3A_331] : memref<128x16xf32, #tpu.memory_space<vmem>>[vector<16xi32>, vector<16xi32>], vector<16xf32>,
        %gather3A_333 = tpu.vector_load_idx %arg21[%add3A_174, %broadcast_in_dim3A_331] : memref<128x16xf32, #tpu.memory_space<vmem>>[vector<16xi32>, vector<16xi32>], vector<16xf32>,
        %add3A_334 = arith.addf %gather3A_332, %gather3A_333 : vector<16xf32>
        %ge3A_335 = arith.constant 0.000000e+00 : f32
        %ge3A_336 = vector.broadcast %ge3A_335 : f32 to vector<16xf32>
        %ge3A_337 = arith.cmpf oge, %add3A_334, %ge3A_336 : vector<16xf32>
        %mul3A_338 = arith.constant 2.000000e-01 : f32
        %mul3A_339 = vector.broadcast %mul3A_338 : f32 to vector<16xf32>
        %mul3A_340 = arith.mulf %mul3A_339, %add3A_334 : vector<16xf32>
        %select_n3A_341 = arith.select %ge3A_337, %add3A_334, %mul3A_340 : vector<16xi1>, vector<16xf32>
        %exp3A_342 = math.exp %select_n3A_341 : vector<16xf32>
        %jit3A_343 = arith.constant 0.000000e+00 : f32
        %broadcast_in_dim3A_344 = vector.broadcast %jit3A_343 : f32 to vector<16xf32>
        %select_n3A_345 = arith.select %lt3A_179, %exp3A_342, %broadcast_in_dim3A_344 : vector<16xi1>, vector<16xf32>
        %mul3A_346 = arith.constant 16 : i32
        %mul3A_347 = arith.muli %scan3A_170, %mul3A_346 : i32
        %swap3A_348 = arith.constant 7 : i32
        %swap3A_349 = arith.index_cast %swap3A_348 : i32 to index
        %swap3A_350 = arith.index_cast %mul3A_347 : i32 to index
        %swap3A_351 = tpu.vector_load %arg22[%swap3A_349, %swap3A_350] {strides = array<i32>} : memref<8x128xf32, #tpu.memory_space<vmem>>, vector<16xf32>,
        tpu.vector_store %arg22[%swap3A_349, %swap3A_350], %select_n3A_345 {strides = array<i32>} : memref<8x128xf32, #tpu.memory_space<vmem>>, vector<16xf32>,
      }
      %scan3A_156 = arith.constant 8 : i32
      %scan3A_157 = arith.constant 0 : i32
      %scan3A_158 = arith.constant 0 : i32
      %scan3A_159 = arith.constant 128 : i32
      %scan3A_160 = arith.addi %scan3A_158, %scan3A_159 : i32
      %scan3A_161 = arith.constant 1 : i32
      scf.for %scan3A_170 = %scan3A_158 to %scan3A_160 step %scan3A_161  : i32 {
        %broadcast_in_dim3A_171 = arith.constant 0 : i32
        %broadcast_in_dim3A_172 = vector.broadcast %broadcast_in_dim3A_171 : i32 to vector<16xi32>
        %add3A_173 = vector.broadcast %scan3A_170 : i32 to vector<16xi32>
        %add3A_174 = arith.addi %broadcast_in_dim3A_172, %add3A_173 : vector<16xi32>
        %and3A = arith.constant 7 : i32
        %and3A_175 = vector.broadcast %and3A : i32 to vector<16xi32>
        %and3A_176 = arith.andi %iota3A, %and3A_175 : vector<16xi32>
        %gather3A = tpu.vector_load_idx %arg22[%and3A_176, %add3A_174] : memref<8x128xf32, #tpu.memory_space<vmem>>[vector<16xi32>, vector<16xi32>], vector<16xf32>,
        %lt3A_177 = arith.constant 8 : i32
        %lt3A_178 = vector.broadcast %lt3A_177 : i32 to vector<16xi32>
        %lt3A_179 = arith.cmpi slt, %iota3A, %lt3A_178 : vector<16xi32>
        %jit3A_180 = arith.constant 0.000000e+00 : f32
        %broadcast_in_dim3A_181 = vector.broadcast %jit3A_180 : f32 to vector<16xf32>
        %select_n3A_182 = arith.select %lt3A_179, %gather3A, %broadcast_in_dim3A_181 : vector<16xi1>, vector<16xf32>
        %swap3A = arith.index_cast %scan3A_170 : i32 to index
        %swap3A_183 = arith.constant 0 : index
        %swap3A_184 = tpu.vector_load %arg23[%swap3A, %swap3A_183] {strides = array<i32>} : memref<128x16xf32, #tpu.memory_space<vmem>>, vector<16xf32>,
        tpu.vector_store %arg23[%swap3A, %swap3A_183], %select_n3A_182 {strides = array<i32>} : memref<128x16xf32, #tpu.memory_space<vmem>>, vector<16xf32>,
      }
      %scan3A_162 = arith.constant 128 : i32
      "tpu.region"() ({
        %run_scoped3A = tpu.sem_alloc : memref<!tpu.dma_semaphore, #tpu.memory_space<semaphore_mem>>
        %dma_start3A_170 = arith.constant 0 : i32
        %dma_start3A_171 = arith.constant 0 : i32
        %dma_start3A_172 = tpu.memref_slice %arg24[%dma_start3A_170, %dma_start3A_171] : memref<12500x16xf32, #tpu.memory_space<vmem_shared>> -> memref<12500x16xf32, #tpu.memory_space<vmem_shared>>
        tpu.enqueue_indirect_dma source(%arg23 : memref<128x16xf32, #tpu.memory_space<vmem>>) target(%dma_start3A_172 : memref<12500x16xf32, #tpu.memory_space<vmem_shared>>) offsets(%arg17 : memref<128xi32, #tpu.memory_space<vmem>>) semaphore(%run_scoped3A : memref<!tpu.dma_semaphore, #tpu.memory_space<semaphore_mem>>) {add = true}
        %dma_wait3A_173 = arith.constant 0 : i32
        %dma_wait3A_174 = arith.constant 0 : i32
        %dma_wait3A_175 = tpu.memref_slice %arg24[%dma_wait3A_173, %dma_wait3A_174] : memref<12500x16xf32, #tpu.memory_space<vmem_shared>> -> memref<12500x16xf32, #tpu.memory_space<vmem_shared>>
        tpu.wait_indirect_dma semaphore(%run_scoped3A : memref<!tpu.dma_semaphore, #tpu.memory_space<semaphore_mem>>) src(%arg23 : memref<128x16xf32, #tpu.memory_space<vmem>>) dst(%dma_wait3A_175 : memref<12500x16xf32, #tpu.memory_space<vmem_shared>>)
        tpu.yield
      }) : () -> ()
      %add3A_163 = arith.constant 3 : i32
      %add3A_164 = arith.addi %mul3A_81, %add3A_163 : i32
      %lt3A_165 = arith.constant 40 : i32
      %lt3A_166 = arith.cmpi slt, %add3A_164, %lt3A_165 : i32
      %convert_element_type3A_167 = arith.extui %lt3A_166 : i1 to i32
      %cond3A_168 = arith.constant 0 : i32
      %cond3A_169 = arith.cmpi ne, %convert_element_type3A_167, %cond3A_168 : i32
      scf.if %cond3A_169 {
        %add3A_170 = arith.constant 3 : i32
        %add3A_171 = arith.addi %mul3A_81, %add3A_170 : i32
        %mul3A_172 = arith.constant 128 : i32
        %mul3A_173 = arith.muli %add3A_171, %mul3A_172 : i32
        %add3A_174 = arith.addi %mul3A_25, %mul3A_173 : i32
        %dma_start3A_175 = tpu.memref_slice %arg2[%add3A_174] : memref<163840xi32, #tpu.memory_space<hbm>> -> memref<128xi32, #tpu.memory_space<hbm>>
        %dma_start3A_176 = tpu.memref_slice %arg2[%add3A_174] : memref<163840xi32, #tpu.memory_space<hbm>> -> memref<128xi32, #tpu.memory_space<hbm>>
        tpu.enqueue_dma source(%dma_start3A_176 : memref<128xi32, #tpu.memory_space<hbm>>) target(%arg9 : memref<128xi32, #tpu.memory_space<vmem>>) target_semaphore(%arg26 : memref<!tpu.dma_semaphore, #tpu.memory_space<semaphore_mem>>)
        %dma_start3A_177 = tpu.memref_slice %arg3[%add3A_174] : memref<163840xi32, #tpu.memory_space<hbm>> -> memref<128xi32, #tpu.memory_space<hbm>>
        %dma_start3A_178 = tpu.memref_slice %arg3[%add3A_174] : memref<163840xi32, #tpu.memory_space<hbm>> -> memref<128xi32, #tpu.memory_space<hbm>>
        tpu.enqueue_dma source(%dma_start3A_178 : memref<128xi32, #tpu.memory_space<hbm>>) target(%arg11 : memref<128xi32, #tpu.memory_space<vmem>>) target_semaphore(%arg26 : memref<!tpu.dma_semaphore, #tpu.memory_space<semaphore_mem>>)
        %dma_start3A_179 = tpu.memref_slice %arg4[%add3A_174] : memref<163840xi32, #tpu.memory_space<hbm>> -> memref<128xi32, #tpu.memory_space<hbm>>
        %dma_start3A_180 = tpu.memref_slice %arg4[%add3A_174] : memref<163840xi32, #tpu.memory_space<hbm>> -> memref<128xi32, #tpu.memory_space<hbm>>
        tpu.enqueue_dma source(%dma_start3A_180 : memref<128xi32, #tpu.memory_space<hbm>>) target(%arg13 : memref<128xi32, #tpu.memory_space<vmem>>) target_semaphore(%arg26 : memref<!tpu.dma_semaphore, #tpu.memory_space<semaphore_mem>>)
      } else {
      }
    }
    %scan3A_65 = arith.constant 20 : i32
    %barrier3A_66 = arith.constant 0 : index
    tpu.barrier barrier_id(%barrier3A_66)
    %mul3A_67 = arith.constant 776 : i32
    %mul3A_68 = arith.muli %arg1, %mul3A_67 : i32
    %lt3A_69 = arith.constant 15 : i32
    %lt3A_70 = arith.cmpi slt, %arg1, %lt3A_69 : i32
    %convert_element_type3A_71 = arith.extui %lt3A_70 : i1 to i32
    %cond3A_72 = arith.constant 0 : i32
    %cond3A_73 = arith.cmpi ne, %convert_element_type3A_71, %cond3A_72 : i32
    scf.if %cond3A_73 {
      "tpu.region"() ({
        %run_scoped3A = tpu.sem_alloc : memref<!tpu.dma_semaphore, #tpu.memory_space<semaphore_mem>>
        %dma_start3A_79 = arith.constant 0 : i32
        %dma_start3A_80 = tpu.memref_slice %arg7[%arg0, %mul3A_68, %dma_start3A_79] : memref<2x12500x16xf32, #tpu.memory_space<hbm>> -> memref<1x776x16xf32, #tpu.memory_space<hbm>>
        %dma_start3A_81 = tpu.memref_squeeze %dma_start3A_80 : memref<1x776x16xf32, #tpu.memory_space<hbm>> -> memref<776x16xf32, #tpu.memory_space<hbm>>
        %dma_start3A_82 = arith.constant 0 : i32
        %dma_start3A_83 = tpu.memref_slice %arg24[%mul3A_68, %dma_start3A_82] : memref<12500x16xf32, #tpu.memory_space<vmem_shared>> -> memref<776x16xf32, #tpu.memory_space<vmem_shared>>
        tpu.enqueue_dma source(%dma_start3A_83 : memref<776x16xf32, #tpu.memory_space<vmem_shared>>) target(%dma_start3A_81 : memref<776x16xf32, #tpu.memory_space<hbm>>) target_semaphore(%run_scoped3A : memref<!tpu.dma_semaphore, #tpu.memory_space<semaphore_mem>>)
        %dma_wait3A_84 = arith.constant 0 : i32
        %dma_wait3A_85 = tpu.memref_slice %arg7[%arg0, %mul3A_68, %dma_wait3A_84] : memref<2x12500x16xf32, #tpu.memory_space<hbm>> -> memref<1x776x16xf32, #tpu.memory_space<hbm>>
        %dma_wait3A_86 = tpu.memref_squeeze %dma_wait3A_85 : memref<1x776x16xf32, #tpu.memory_space<hbm>> -> memref<776x16xf32, #tpu.memory_space<hbm>>
        %dma_wait3A_87 = arith.constant 0 : i32
        %dma_wait3A_88 = tpu.memref_slice %arg24[%mul3A_68, %dma_wait3A_87] : memref<12500x16xf32, #tpu.memory_space<vmem_shared>> -> memref<776x16xf32, #tpu.memory_space<vmem_shared>>
        tpu.wait_dma2 semaphore(%run_scoped3A : memref<!tpu.dma_semaphore, #tpu.memory_space<semaphore_mem>>) src(%dma_wait3A_88 : memref<776x16xf32, #tpu.memory_space<vmem_shared>>) dst(%dma_wait3A_86 : memref<776x16xf32, #tpu.memory_space<hbm>>)
        tpu.yield
      }) : () -> ()
    } else {
    }
    %eq3A_74 = arith.constant 15 : i32
    %eq3A_75 = arith.cmpi eq, %arg1, %eq3A_74 : i32
    %convert_element_type3A_76 = arith.extui %eq3A_75 : i1 to i32
    %cond3A_77 = arith.constant 0 : i32
    %cond3A_78 = arith.cmpi ne, %convert_element_type3A_76, %cond3A_77 : i32
    scf.if %cond3A_78 {
      "tpu.region"() ({
        %run_scoped3A = tpu.sem_alloc : memref<!tpu.dma_semaphore, #tpu.memory_space<semaphore_mem>>
        %dma_start3A_79 = arith.constant 11640 : i32
        %dma_start3A_80 = arith.constant 0 : i32
        %dma_start3A_81 = tpu.memref_slice %arg7[%arg0, %dma_start3A_79, %dma_start3A_80] : memref<2x12500x16xf32, #tpu.memory_space<hbm>> -> memref<1x860x16xf32, #tpu.memory_space<hbm>>
        %dma_start3A_82 = tpu.memref_squeeze %dma_start3A_81 : memref<1x860x16xf32, #tpu.memory_space<hbm>> -> memref<860x16xf32, #tpu.memory_space<hbm>>
        %dma_start3A_83 = arith.constant 11640 : i32
        %dma_start3A_84 = arith.constant 0 : i32
        %dma_start3A_85 = tpu.memref_slice %arg24[%dma_start3A_83, %dma_start3A_84] : memref<12500x16xf32, #tpu.memory_space<vmem_shared>> -> memref<860x16xf32, #tpu.memory_space<vmem_shared>>
        tpu.enqueue_dma source(%dma_start3A_85 : memref<860x16xf32, #tpu.memory_space<vmem_shared>>) target(%dma_start3A_82 : memref<860x16xf32, #tpu.memory_space<hbm>>) target_semaphore(%run_scoped3A : memref<!tpu.dma_semaphore, #tpu.memory_space<semaphore_mem>>)
        %dma_wait3A_86 = arith.constant 11640 : i32
        %dma_wait3A_87 = arith.constant 0 : i32
        %dma_wait3A_88 = tpu.memref_slice %arg7[%arg0, %dma_wait3A_86, %dma_wait3A_87] : memref<2x12500x16xf32, #tpu.memory_space<hbm>> -> memref<1x860x16xf32, #tpu.memory_space<hbm>>
        %dma_wait3A_89 = tpu.memref_squeeze %dma_wait3A_88 : memref<1x860x16xf32, #tpu.memory_space<hbm>> -> memref<860x16xf32, #tpu.memory_space<hbm>>
        %dma_wait3A_90 = arith.constant 11640 : i32
        %dma_wait3A_91 = arith.constant 0 : i32
        %dma_wait3A_92 = tpu.memref_slice %arg24[%dma_wait3A_90, %dma_wait3A_91] : memref<12500x16xf32, #tpu.memory_space<vmem_shared>> -> memref<860x16xf32, #tpu.memory_space<vmem_shared>>
        tpu.wait_dma2 semaphore(%run_scoped3A : memref<!tpu.dma_semaphore, #tpu.memory_space<semaphore_mem>>) src(%dma_wait3A_92 : memref<860x16xf32, #tpu.memory_space<vmem_shared>>) dst(%dma_wait3A_89 : memref<860x16xf32, #tpu.memory_space<hbm>>)
        tpu.yield
      }) : () -> ()
    } else {
    }
    return
  }
}

#map = affine_map<(d0, d1) -> (0)>
#map1 = affine_map<(d0, d1) -> (0, 0)>
#map2 = affine_map<(d0, d1) -> (0, 0, 0)>
module attributes {stable_mosaic.version = 14 : i64} {
  func.func @_gat_sc(%arg0: i32, %arg1: i32, %arg2: memref<163840xi32, #tpu.memory_space<hbm>>, %arg3: memref<163840xi32, #tpu.memory_space<hbm>>, %arg4: memref<163840xi32, #tpu.memory_space<hbm>>, %arg5: memref<100000x256xf32, #tpu.memory_space<hbm>>, %arg6: memref<50000x16xf32, #tpu.memory_space<hbm>>, %arg7: memref<12500x16xf32, #tpu.memory_space<hbm>>, %arg8: memref<12500x16xf32, #tpu.memory_space<hbm>>, %arg9: memref<2x2500x256xf32, #tpu.memory_space<hbm>>, %arg10: memref<128xi32, #tpu.memory_space<vmem>>, %arg11: memref<128xi32, #tpu.memory_space<vmem>>, %arg12: memref<128xi32, #tpu.memory_space<vmem>>, %arg13: memref<128xi32, #tpu.memory_space<vmem>>, %arg14: memref<128xi32, #tpu.memory_space<vmem>>, %arg15: memref<128xi32, #tpu.memory_space<vmem>>, %arg16: memref<128xi32, #tpu.memory_space<vmem>>, %arg17: memref<128xi32, #tpu.memory_space<vmem>>, %arg18: memref<128xi32, #tpu.memory_space<vmem>>, %arg19: memref<128xi32, #tpu.memory_space<vmem>>, %arg20: memref<128xi32, #tpu.memory_space<vmem>>, %arg21: memref<128xi32, #tpu.memory_space<vmem>>, %arg22: memref<128x16xf32, #tpu.memory_space<vmem>>, %arg23: memref<128x16xf32, #tpu.memory_space<vmem>>, %arg24: memref<128x16xf32, #tpu.memory_space<vmem>>, %arg25: memref<128x16xf32, #tpu.memory_space<vmem>>, %arg26: memref<128x16xf32, #tpu.memory_space<vmem>>, %arg27: memref<128x16xf32, #tpu.memory_space<vmem>>, %arg28: memref<128x256xf32, #tpu.memory_space<vmem>>, %arg29: memref<128x256xf32, #tpu.memory_space<vmem>>, %arg30: memref<8x128xf32, #tpu.memory_space<vmem>>, %arg31: memref<2500x256xf32, #tpu.memory_space<vmem_shared>>, %arg32: memref<!tpu.dma_semaphore, #tpu.memory_space<semaphore_mem>>, %arg33: memref<!tpu.dma_semaphore, #tpu.memory_space<semaphore_mem>>, %arg34: memref<!tpu.dma_semaphore, #tpu.memory_space<semaphore_mem>>, %arg35: memref<!tpu.dma_semaphore, #tpu.memory_space<semaphore_mem>>) attributes {dimension_semantics = [#tpu.dimension_semantics<core_parallel>, #tpu.dimension_semantics<subcore_parallel>], iteration_bounds = array<i64: 2, 16>, scalar_prefetch = 0 : i64, scratch_operands = 26 : i64, tpu.core_type = #tpu.core_type<sc_vector_subcore>, window_params = [{transform_indices = #map}, {transform_indices = #map}, {transform_indices = #map}, {transform_indices = #map1}, {transform_indices = #map1}, {transform_indices = #map1}, {transform_indices = #map1}, {transform_indices = #map2}]} {
    %mul3A = arith.constant 2 : i32
    %mul3A_0 = arith.muli %arg1, %mul3A : i32
    %add3A = arith.addi %mul3A_0, %arg0 : i32
    %broadcast_in_dim3A = arith.constant 0.000000e+00 : f32
    %broadcast_in_dim3A_1 = vector.broadcast %broadcast_in_dim3A : f32 to vector<16xf32>
    %scan3A = arith.constant 0 : i32
    %scan3A_2 = arith.constant 0 : i32
    %scan3A_3 = arith.constant 20 : i32
    %scan3A_4 = arith.addi %scan3A_2, %scan3A_3 : i32
    %scan3A_5 = arith.constant 1 : i32
    scf.for %scan3A_85 = %scan3A_2 to %scan3A_4 step %scan3A_5  : i32 {
      %swap3A = arith.index_cast %scan3A_85 : i32 to index
      %swap3A_86 = arith.constant 0 : index
      %swap3A_87 = tpu.vector_load %arg28[%swap3A, %swap3A_86] {strides = array<i32>} : memref<128x256xf32, #tpu.memory_space<vmem>>, vector<16xf32>,
      tpu.vector_store %arg28[%swap3A, %swap3A_86], %broadcast_in_dim3A_1 {strides = array<i32>} : memref<128x256xf32, #tpu.memory_space<vmem>>, vector<16xf32>,
      %swap3A_88 = arith.index_cast %scan3A_85 : i32 to index
      %swap3A_89 = arith.constant 16 : index
      %swap3A_90 = tpu.vector_load %arg28[%swap3A_88, %swap3A_89] {strides = array<i32>} : memref<128x256xf32, #tpu.memory_space<vmem>>, vector<16xf32>,
      tpu.vector_store %arg28[%swap3A_88, %swap3A_89], %broadcast_in_dim3A_1 {strides = array<i32>} : memref<128x256xf32, #tpu.memory_space<vmem>>, vector<16xf32>,
      %swap3A_91 = arith.index_cast %scan3A_85 : i32 to index
      %swap3A_92 = arith.constant 32 : index
      %swap3A_93 = tpu.vector_load %arg28[%swap3A_91, %swap3A_92] {strides = array<i32>} : memref<128x256xf32, #tpu.memory_space<vmem>>, vector<16xf32>,
      tpu.vector_store %arg28[%swap3A_91, %swap3A_92], %broadcast_in_dim3A_1 {strides = array<i32>} : memref<128x256xf32, #tpu.memory_space<vmem>>, vector<16xf32>,
      %swap3A_94 = arith.index_cast %scan3A_85 : i32 to index
      %swap3A_95 = arith.constant 48 : index
      %swap3A_96 = tpu.vector_load %arg28[%swap3A_94, %swap3A_95] {strides = array<i32>} : memref<128x256xf32, #tpu.memory_space<vmem>>, vector<16xf32>,
      tpu.vector_store %arg28[%swap3A_94, %swap3A_95], %broadcast_in_dim3A_1 {strides = array<i32>} : memref<128x256xf32, #tpu.memory_space<vmem>>, vector<16xf32>,
      %swap3A_97 = arith.index_cast %scan3A_85 : i32 to index
      %swap3A_98 = arith.constant 64 : index
      %swap3A_99 = tpu.vector_load %arg28[%swap3A_97, %swap3A_98] {strides = array<i32>} : memref<128x256xf32, #tpu.memory_space<vmem>>, vector<16xf32>,
      tpu.vector_store %arg28[%swap3A_97, %swap3A_98], %broadcast_in_dim3A_1 {strides = array<i32>} : memref<128x256xf32, #tpu.memory_space<vmem>>, vector<16xf32>,
      %swap3A_100 = arith.index_cast %scan3A_85 : i32 to index
      %swap3A_101 = arith.constant 80 : index
      %swap3A_102 = tpu.vector_load %arg28[%swap3A_100, %swap3A_101] {strides = array<i32>} : memref<128x256xf32, #tpu.memory_space<vmem>>, vector<16xf32>,
      tpu.vector_store %arg28[%swap3A_100, %swap3A_101], %broadcast_in_dim3A_1 {strides = array<i32>} : memref<128x256xf32, #tpu.memory_space<vmem>>, vector<16xf32>,
      %swap3A_103 = arith.index_cast %scan3A_85 : i32 to index
      %swap3A_104 = arith.constant 96 : index
      %swap3A_105 = tpu.vector_load %arg28[%swap3A_103, %swap3A_104] {strides = array<i32>} : memref<128x256xf32, #tpu.memory_space<vmem>>, vector<16xf32>,
      tpu.vector_store %arg28[%swap3A_103, %swap3A_104], %broadcast_in_dim3A_1 {strides = array<i32>} : memref<128x256xf32, #tpu.memory_space<vmem>>, vector<16xf32>,
      %swap3A_106 = arith.index_cast %scan3A_85 : i32 to index
      %swap3A_107 = arith.constant 112 : index
      %swap3A_108 = tpu.vector_load %arg28[%swap3A_106, %swap3A_107] {strides = array<i32>} : memref<128x256xf32, #tpu.memory_space<vmem>>, vector<16xf32>,
      tpu.vector_store %arg28[%swap3A_106, %swap3A_107], %broadcast_in_dim3A_1 {strides = array<i32>} : memref<128x256xf32, #tpu.memory_space<vmem>>, vector<16xf32>,
      %swap3A_109 = arith.index_cast %scan3A_85 : i32 to index
      %swap3A_110 = arith.constant 128 : index
      %swap3A_111 = tpu.vector_load %arg28[%swap3A_109, %swap3A_110] {strides = array<i32>} : memref<128x256xf32, #tpu.memory_space<vmem>>, vector<16xf32>,
      tpu.vector_store %arg28[%swap3A_109, %swap3A_110], %broadcast_in_dim3A_1 {strides = array<i32>} : memref<128x256xf32, #tpu.memory_space<vmem>>, vector<16xf32>,
      %swap3A_112 = arith.index_cast %scan3A_85 : i32 to index
      %swap3A_113 = arith.constant 144 : index
      %swap3A_114 = tpu.vector_load %arg28[%swap3A_112, %swap3A_113] {strides = array<i32>} : memref<128x256xf32, #tpu.memory_space<vmem>>, vector<16xf32>,
      tpu.vector_store %arg28[%swap3A_112, %swap3A_113], %broadcast_in_dim3A_1 {strides = array<i32>} : memref<128x256xf32, #tpu.memory_space<vmem>>, vector<16xf32>,
      %swap3A_115 = arith.index_cast %scan3A_85 : i32 to index
      %swap3A_116 = arith.constant 160 : index
      %swap3A_117 = tpu.vector_load %arg28[%swap3A_115, %swap3A_116] {strides = array<i32>} : memref<128x256xf32, #tpu.memory_space<vmem>>, vector<16xf32>,
      tpu.vector_store %arg28[%swap3A_115, %swap3A_116], %broadcast_in_dim3A_1 {strides = array<i32>} : memref<128x256xf32, #tpu.memory_space<vmem>>, vector<16xf32>,
      %swap3A_118 = arith.index_cast %scan3A_85 : i32 to index
      %swap3A_119 = arith.constant 176 : index
      %swap3A_120 = tpu.vector_load %arg28[%swap3A_118, %swap3A_119] {strides = array<i32>} : memref<128x256xf32, #tpu.memory_space<vmem>>, vector<16xf32>,
      tpu.vector_store %arg28[%swap3A_118, %swap3A_119], %broadcast_in_dim3A_1 {strides = array<i32>} : memref<128x256xf32, #tpu.memory_space<vmem>>, vector<16xf32>,
      %swap3A_121 = arith.index_cast %scan3A_85 : i32 to index
      %swap3A_122 = arith.constant 192 : index
      %swap3A_123 = tpu.vector_load %arg28[%swap3A_121, %swap3A_122] {strides = array<i32>} : memref<128x256xf32, #tpu.memory_space<vmem>>, vector<16xf32>,
      tpu.vector_store %arg28[%swap3A_121, %swap3A_122], %broadcast_in_dim3A_1 {strides = array<i32>} : memref<128x256xf32, #tpu.memory_space<vmem>>, vector<16xf32>,
      %swap3A_124 = arith.index_cast %scan3A_85 : i32 to index
      %swap3A_125 = arith.constant 208 : index
      %swap3A_126 = tpu.vector_load %arg28[%swap3A_124, %swap3A_125] {strides = array<i32>} : memref<128x256xf32, #tpu.memory_space<vmem>>, vector<16xf32>,
      tpu.vector_store %arg28[%swap3A_124, %swap3A_125], %broadcast_in_dim3A_1 {strides = array<i32>} : memref<128x256xf32, #tpu.memory_space<vmem>>, vector<16xf32>,
      %swap3A_127 = arith.index_cast %scan3A_85 : i32 to index
      %swap3A_128 = arith.constant 224 : index
      %swap3A_129 = tpu.vector_load %arg28[%swap3A_127, %swap3A_128] {strides = array<i32>} : memref<128x256xf32, #tpu.memory_space<vmem>>, vector<16xf32>,
      tpu.vector_store %arg28[%swap3A_127, %swap3A_128], %broadcast_in_dim3A_1 {strides = array<i32>} : memref<128x256xf32, #tpu.memory_space<vmem>>, vector<16xf32>,
      %swap3A_130 = arith.index_cast %scan3A_85 : i32 to index
      %swap3A_131 = arith.constant 240 : index
      %swap3A_132 = tpu.vector_load %arg28[%swap3A_130, %swap3A_131] {strides = array<i32>} : memref<128x256xf32, #tpu.memory_space<vmem>>, vector<16xf32>,
      tpu.vector_store %arg28[%swap3A_130, %swap3A_131], %broadcast_in_dim3A_1 {strides = array<i32>} : memref<128x256xf32, #tpu.memory_space<vmem>>, vector<16xf32>,
    }
    %scan3A_6 = arith.constant 20 : i32
    %lt3A = arith.constant 15 : i32
    %lt3A_7 = arith.cmpi slt, %arg1, %lt3A : i32
    %jit3A = arith.constant 20 : i32
    %jit3A_8 = arith.constant 12 : i32
    %select_n3A = arith.select %lt3A_7, %jit3A, %jit3A_8 : i32
    %mul3A_9 = arith.constant 20 : i32
    %mul3A_10 = arith.muli %arg1, %mul3A_9 : i32
    %mul3A_11 = arith.constant 8 : i32
    %mul3A_12 = arith.muli %mul3A_10, %mul3A_11 : i32
    %while3A = arith.constant 0 : i32
    %while3A_13 = arith.constant 0 : i32
    %while3A_14 = arith.subi %select_n3A, %while3A_13 : i32
    %while3A_15 = arith.addi %while3A_13, %while3A_14 : i32
    %while3A_16 = arith.constant 1 : i32
    %while3A_17 = arith.divsi %while3A_14, %while3A_16 : i32
    %while3A_18 = arith.muli %while3A_17, %while3A_16 : i32
    %while3A_19 = arith.addi %while3A_13, %while3A_18 : i32
    %while3A_20 = arith.constant 1 : i32
    scf.for %while3A_85 = %while3A_13 to %while3A_19 step %while3A_20  : i32 {
      %mul3A_86 = arith.constant 8 : i32
      %mul3A_87 = arith.muli %while3A_85, %mul3A_86 : i32
      %add3A_88 = arith.addi %mul3A_12, %mul3A_87 : i32
      "tpu.region"() ({
        %run_scoped3A = tpu.sem_alloc : memref<!tpu.dma_semaphore, #tpu.memory_space<semaphore_mem>>
        %dma_start3A_89 = arith.constant 0 : i32
        %dma_start3A_90 = arith.constant 0 : i32
        %dma_start3A_91 = tpu.memref_slice %arg28[%dma_start3A_89, %dma_start3A_90] : memref<128x256xf32, #tpu.memory_space<vmem>> -> memref<8x256xf32, #tpu.memory_space<vmem>>
        %dma_start3A_92 = arith.constant 0 : i32
        %dma_start3A_93 = tpu.memref_slice %arg31[%add3A_88, %dma_start3A_92] : memref<2500x256xf32, #tpu.memory_space<vmem_shared>> -> memref<8x256xf32, #tpu.memory_space<vmem_shared>>
        %dma_start3A_94 = arith.constant 0 : i32
        %dma_start3A_95 = tpu.memref_slice %arg31[%add3A_88, %dma_start3A_94] : memref<2500x256xf32, #tpu.memory_space<vmem_shared>> -> memref<8x256xf32, #tpu.memory_space<vmem_shared>>
        %dma_start3A_96 = arith.constant 0 : i32
        %dma_start3A_97 = arith.constant 0 : i32
        %dma_start3A_98 = tpu.memref_slice %arg28[%dma_start3A_96, %dma_start3A_97] : memref<128x256xf32, #tpu.memory_space<vmem>> -> memref<8x256xf32, #tpu.memory_space<vmem>>
        tpu.enqueue_dma source(%dma_start3A_98 : memref<8x256xf32, #tpu.memory_space<vmem>>) target(%dma_start3A_95 : memref<8x256xf32, #tpu.memory_space<vmem_shared>>) target_semaphore(%run_scoped3A : memref<!tpu.dma_semaphore, #tpu.memory_space<semaphore_mem>>)
        %dma_wait3A_99 = arith.constant 0 : i32
        %dma_wait3A_100 = arith.constant 0 : i32
        %dma_wait3A_101 = tpu.memref_slice %arg28[%dma_wait3A_99, %dma_wait3A_100] : memref<128x256xf32, #tpu.memory_space<vmem>> -> memref<8x256xf32, #tpu.memory_space<vmem>>
        %dma_wait3A_102 = arith.constant 0 : i32
        %dma_wait3A_103 = tpu.memref_slice %arg31[%add3A_88, %dma_wait3A_102] : memref<2500x256xf32, #tpu.memory_space<vmem_shared>> -> memref<8x256xf32, #tpu.memory_space<vmem_shared>>
        %dma_wait3A_104 = arith.constant 0 : i32
        %dma_wait3A_105 = tpu.memref_slice %arg31[%add3A_88, %dma_wait3A_104] : memref<2500x256xf32, #tpu.memory_space<vmem_shared>> -> memref<8x256xf32, #tpu.memory_space<vmem_shared>>
        %dma_wait3A_106 = arith.constant 0 : i32
        %dma_wait3A_107 = arith.constant 0 : i32
        %dma_wait3A_108 = tpu.memref_slice %arg28[%dma_wait3A_106, %dma_wait3A_107] : memref<128x256xf32, #tpu.memory_space<vmem>> -> memref<8x256xf32, #tpu.memory_space<vmem>>
        tpu.wait_dma2 semaphore(%run_scoped3A : memref<!tpu.dma_semaphore, #tpu.memory_space<semaphore_mem>>) src(%dma_wait3A_108 : memref<8x256xf32, #tpu.memory_space<vmem>>) dst(%dma_wait3A_105 : memref<8x256xf32, #tpu.memory_space<vmem_shared>>)
        tpu.yield
      }) : () -> ()
    }
    %while3A_21 = arith.constant 1 : i32
    scf.for %while3A_85 = %while3A_19 to %while3A_15 step %while3A_21  : i32 {
      %mul3A_86 = arith.constant 8 : i32
      %mul3A_87 = arith.muli %while3A_85, %mul3A_86 : i32
      %add3A_88 = arith.addi %mul3A_12, %mul3A_87 : i32
      "tpu.region"() ({
        %run_scoped3A = tpu.sem_alloc : memref<!tpu.dma_semaphore, #tpu.memory_space<semaphore_mem>>
        %dma_start3A_89 = arith.constant 0 : i32
        %dma_start3A_90 = arith.constant 0 : i32
        %dma_start3A_91 = tpu.memref_slice %arg28[%dma_start3A_89, %dma_start3A_90] : memref<128x256xf32, #tpu.memory_space<vmem>> -> memref<8x256xf32, #tpu.memory_space<vmem>>
        %dma_start3A_92 = arith.constant 0 : i32
        %dma_start3A_93 = tpu.memref_slice %arg31[%add3A_88, %dma_start3A_92] : memref<2500x256xf32, #tpu.memory_space<vmem_shared>> -> memref<8x256xf32, #tpu.memory_space<vmem_shared>>
        %dma_start3A_94 = arith.constant 0 : i32
        %dma_start3A_95 = tpu.memref_slice %arg31[%add3A_88, %dma_start3A_94] : memref<2500x256xf32, #tpu.memory_space<vmem_shared>> -> memref<8x256xf32, #tpu.memory_space<vmem_shared>>
        %dma_start3A_96 = arith.constant 0 : i32
        %dma_start3A_97 = arith.constant 0 : i32
        %dma_start3A_98 = tpu.memref_slice %arg28[%dma_start3A_96, %dma_start3A_97] : memref<128x256xf32, #tpu.memory_space<vmem>> -> memref<8x256xf32, #tpu.memory_space<vmem>>
        tpu.enqueue_dma source(%dma_start3A_98 : memref<8x256xf32, #tpu.memory_space<vmem>>) target(%dma_start3A_95 : memref<8x256xf32, #tpu.memory_space<vmem_shared>>) target_semaphore(%run_scoped3A : memref<!tpu.dma_semaphore, #tpu.memory_space<semaphore_mem>>)
        %dma_wait3A_99 = arith.constant 0 : i32
        %dma_wait3A_100 = arith.constant 0 : i32
        %dma_wait3A_101 = tpu.memref_slice %arg28[%dma_wait3A_99, %dma_wait3A_100] : memref<128x256xf32, #tpu.memory_space<vmem>> -> memref<8x256xf32, #tpu.memory_space<vmem>>
        %dma_wait3A_102 = arith.constant 0 : i32
        %dma_wait3A_103 = tpu.memref_slice %arg31[%add3A_88, %dma_wait3A_102] : memref<2500x256xf32, #tpu.memory_space<vmem_shared>> -> memref<8x256xf32, #tpu.memory_space<vmem_shared>>
        %dma_wait3A_104 = arith.constant 0 : i32
        %dma_wait3A_105 = tpu.memref_slice %arg31[%add3A_88, %dma_wait3A_104] : memref<2500x256xf32, #tpu.memory_space<vmem_shared>> -> memref<8x256xf32, #tpu.memory_space<vmem_shared>>
        %dma_wait3A_106 = arith.constant 0 : i32
        %dma_wait3A_107 = arith.constant 0 : i32
        %dma_wait3A_108 = tpu.memref_slice %arg28[%dma_wait3A_106, %dma_wait3A_107] : memref<128x256xf32, #tpu.memory_space<vmem>> -> memref<8x256xf32, #tpu.memory_space<vmem>>
        tpu.wait_dma2 semaphore(%run_scoped3A : memref<!tpu.dma_semaphore, #tpu.memory_space<semaphore_mem>>) src(%dma_wait3A_108 : memref<8x256xf32, #tpu.memory_space<vmem>>) dst(%dma_wait3A_105 : memref<8x256xf32, #tpu.memory_space<vmem_shared>>)
        tpu.yield
      }) : () -> ()
    }
    %eq3A = arith.constant 15 : i32
    %eq3A_22 = arith.cmpi eq, %arg1, %eq3A : i32
    %convert_element_type3A = arith.extui %eq3A_22 : i1 to i32
    %cond3A = arith.constant 0 : i32
    %cond3A_23 = arith.cmpi ne, %convert_element_type3A, %cond3A : i32
    scf.if %cond3A_23 {
      "tpu.region"() ({
        %run_scoped3A = tpu.sem_alloc : memref<!tpu.dma_semaphore, #tpu.memory_space<semaphore_mem>>
        %dma_start3A_85 = arith.constant 0 : i32
        %dma_start3A_86 = arith.constant 0 : i32
        %dma_start3A_87 = tpu.memref_slice %arg28[%dma_start3A_85, %dma_start3A_86] : memref<128x256xf32, #tpu.memory_space<vmem>> -> memref<4x256xf32, #tpu.memory_space<vmem>>
        %dma_start3A_88 = arith.constant 2496 : i32
        %dma_start3A_89 = arith.constant 0 : i32
        %dma_start3A_90 = tpu.memref_slice %arg31[%dma_start3A_88, %dma_start3A_89] : memref<2500x256xf32, #tpu.memory_space<vmem_shared>> -> memref<4x256xf32, #tpu.memory_space<vmem_shared>>
        %dma_start3A_91 = arith.constant 2496 : i32
        %dma_start3A_92 = arith.constant 0 : i32
        %dma_start3A_93 = tpu.memref_slice %arg31[%dma_start3A_91, %dma_start3A_92] : memref<2500x256xf32, #tpu.memory_space<vmem_shared>> -> memref<4x256xf32, #tpu.memory_space<vmem_shared>>
        %dma_start3A_94 = arith.constant 0 : i32
        %dma_start3A_95 = arith.constant 0 : i32
        %dma_start3A_96 = tpu.memref_slice %arg28[%dma_start3A_94, %dma_start3A_95] : memref<128x256xf32, #tpu.memory_space<vmem>> -> memref<4x256xf32, #tpu.memory_space<vmem>>
        tpu.enqueue_dma source(%dma_start3A_96 : memref<4x256xf32, #tpu.memory_space<vmem>>) target(%dma_start3A_93 : memref<4x256xf32, #tpu.memory_space<vmem_shared>>) target_semaphore(%run_scoped3A : memref<!tpu.dma_semaphore, #tpu.memory_space<semaphore_mem>>)
        %dma_wait3A_97 = arith.constant 0 : i32
        %dma_wait3A_98 = arith.constant 0 : i32
        %dma_wait3A_99 = tpu.memref_slice %arg28[%dma_wait3A_97, %dma_wait3A_98] : memref<128x256xf32, #tpu.memory_space<vmem>> -> memref<4x256xf32, #tpu.memory_space<vmem>>
        %dma_wait3A_100 = arith.constant 2496 : i32
        %dma_wait3A_101 = arith.constant 0 : i32
        %dma_wait3A_102 = tpu.memref_slice %arg31[%dma_wait3A_100, %dma_wait3A_101] : memref<2500x256xf32, #tpu.memory_space<vmem_shared>> -> memref<4x256xf32, #tpu.memory_space<vmem_shared>>
        %dma_wait3A_103 = arith.constant 2496 : i32
        %dma_wait3A_104 = arith.constant 0 : i32
        %dma_wait3A_105 = tpu.memref_slice %arg31[%dma_wait3A_103, %dma_wait3A_104] : memref<2500x256xf32, #tpu.memory_space<vmem_shared>> -> memref<4x256xf32, #tpu.memory_space<vmem_shared>>
        %dma_wait3A_106 = arith.constant 0 : i32
        %dma_wait3A_107 = arith.constant 0 : i32
        %dma_wait3A_108 = tpu.memref_slice %arg28[%dma_wait3A_106, %dma_wait3A_107] : memref<128x256xf32, #tpu.memory_space<vmem>> -> memref<4x256xf32, #tpu.memory_space<vmem>>
        tpu.wait_dma2 semaphore(%run_scoped3A : memref<!tpu.dma_semaphore, #tpu.memory_space<semaphore_mem>>) src(%dma_wait3A_108 : memref<4x256xf32, #tpu.memory_space<vmem>>) dst(%dma_wait3A_105 : memref<4x256xf32, #tpu.memory_space<vmem_shared>>)
        tpu.yield
      }) : () -> ()
    } else {
    }
    %barrier3A = arith.constant 0 : index
    tpu.barrier barrier_id(%barrier3A)
    %iota3A = tpu.iota {dimensions = array<i32: 0>} : vector<16xi32>
    %mul3A_24 = arith.constant 10240 : i32
    %mul3A_25 = arith.muli %arg1, %mul3A_24 : i32
    %add3A_26 = arith.constant 0 : i32
    %add3A_27 = arith.addi %mul3A_25, %add3A_26 : i32
    %dma_start3A = tpu.memref_slice %arg2[%add3A_27] : memref<163840xi32, #tpu.memory_space<hbm>> -> memref<128xi32, #tpu.memory_space<hbm>>
    %dma_start3A_28 = tpu.memref_slice %arg2[%add3A_27] : memref<163840xi32, #tpu.memory_space<hbm>> -> memref<128xi32, #tpu.memory_space<hbm>>
    tpu.enqueue_dma source(%dma_start3A_28 : memref<128xi32, #tpu.memory_space<hbm>>) target(%arg10 : memref<128xi32, #tpu.memory_space<vmem>>) target_semaphore(%arg32 : memref<!tpu.dma_semaphore, #tpu.memory_space<semaphore_mem>>)
    %dma_start3A_29 = tpu.memref_slice %arg3[%add3A_27] : memref<163840xi32, #tpu.memory_space<hbm>> -> memref<128xi32, #tpu.memory_space<hbm>>
    %dma_start3A_30 = tpu.memref_slice %arg3[%add3A_27] : memref<163840xi32, #tpu.memory_space<hbm>> -> memref<128xi32, #tpu.memory_space<hbm>>
    tpu.enqueue_dma source(%dma_start3A_30 : memref<128xi32, #tpu.memory_space<hbm>>) target(%arg12 : memref<128xi32, #tpu.memory_space<vmem>>) target_semaphore(%arg32 : memref<!tpu.dma_semaphore, #tpu.memory_space<semaphore_mem>>)
    %dma_start3A_31 = tpu.memref_slice %arg4[%add3A_27] : memref<163840xi32, #tpu.memory_space<hbm>> -> memref<128xi32, #tpu.memory_space<hbm>>
    %dma_start3A_32 = tpu.memref_slice %arg4[%add3A_27] : memref<163840xi32, #tpu.memory_space<hbm>> -> memref<128xi32, #tpu.memory_space<hbm>>
    tpu.enqueue_dma source(%dma_start3A_32 : memref<128xi32, #tpu.memory_space<hbm>>) target(%arg14 : memref<128xi32, #tpu.memory_space<vmem>>) target_semaphore(%arg32 : memref<!tpu.dma_semaphore, #tpu.memory_space<semaphore_mem>>)
    %add3A_33 = arith.constant 0 : i32
    %add3A_34 = arith.addi %mul3A_25, %add3A_33 : i32
    %dma_wait3A = tpu.memref_slice %arg2[%add3A_34] : memref<163840xi32, #tpu.memory_space<hbm>> -> memref<128xi32, #tpu.memory_space<hbm>>
    %dma_wait3A_35 = tpu.memref_slice %arg2[%add3A_34] : memref<163840xi32, #tpu.memory_space<hbm>> -> memref<128xi32, #tpu.memory_space<hbm>>
    tpu.wait_dma2 semaphore(%arg32 : memref<!tpu.dma_semaphore, #tpu.memory_space<semaphore_mem>>) src(%dma_wait3A_35 : memref<128xi32, #tpu.memory_space<hbm>>) dst(%arg10 : memref<128xi32, #tpu.memory_space<vmem>>)
    %dma_wait3A_36 = tpu.memref_slice %arg3[%add3A_34] : memref<163840xi32, #tpu.memory_space<hbm>> -> memref<128xi32, #tpu.memory_space<hbm>>
    %dma_wait3A_37 = tpu.memref_slice %arg3[%add3A_34] : memref<163840xi32, #tpu.memory_space<hbm>> -> memref<128xi32, #tpu.memory_space<hbm>>
    tpu.wait_dma2 semaphore(%arg32 : memref<!tpu.dma_semaphore, #tpu.memory_space<semaphore_mem>>) src(%dma_wait3A_37 : memref<128xi32, #tpu.memory_space<hbm>>) dst(%arg12 : memref<128xi32, #tpu.memory_space<vmem>>)
    %dma_wait3A_38 = tpu.memref_slice %arg4[%add3A_34] : memref<163840xi32, #tpu.memory_space<hbm>> -> memref<128xi32, #tpu.memory_space<hbm>>
    %dma_wait3A_39 = tpu.memref_slice %arg4[%add3A_34] : memref<163840xi32, #tpu.memory_space<hbm>> -> memref<128xi32, #tpu.memory_space<hbm>>
    tpu.wait_dma2 semaphore(%arg32 : memref<!tpu.dma_semaphore, #tpu.memory_space<semaphore_mem>>) src(%dma_wait3A_39 : memref<128xi32, #tpu.memory_space<hbm>>) dst(%arg14 : memref<128xi32, #tpu.memory_space<vmem>>)
    %scan3A_40 = arith.constant 0 : i32
    %scan3A_41 = arith.constant 0 : i32
    %scan3A_42 = arith.constant 8 : i32
    %scan3A_43 = arith.addi %scan3A_41, %scan3A_42 : i32
    %scan3A_44 = arith.constant 1 : i32
    scf.for %scan3A_85 = %scan3A_41 to %scan3A_43 step %scan3A_44  : i32 {
      %mul3A_86 = arith.constant 16 : i32
      %mul3A_87 = arith.muli %scan3A_85, %mul3A_86 : i32
      %get3A = arith.index_cast %mul3A_87 : i32 to index
      %get3A_88 = tpu.vector_load %arg10[%get3A] {strides = array<i32>} : memref<128xi32, #tpu.memory_space<vmem>>, vector<16xi32>,
      %mul3A_89 = arith.constant 16 : i32
      %mul3A_90 = arith.muli %scan3A_85, %mul3A_89 : i32
      %get3A_91 = arith.index_cast %mul3A_90 : i32 to index
      %get3A_92 = tpu.vector_load %arg12[%get3A_91] {strides = array<i32>} : memref<128xi32, #tpu.memory_space<vmem>>, vector<16xi32>,
      %mul3A_93 = arith.constant 16 : i32
      %mul3A_94 = arith.muli %scan3A_85, %mul3A_93 : i32
      %get3A_95 = arith.index_cast %mul3A_94 : i32 to index
      %get3A_96 = tpu.vector_load %arg14[%get3A_95] {strides = array<i32>} : memref<128xi32, #tpu.memory_space<vmem>>, vector<16xi32>,
      %mul3A_97 = arith.constant 10000 : i32
      %mul3A_98 = vector.broadcast %mul3A_97 : i32 to vector<16xi32>
      %mul3A_99 = arith.muli %get3A_96, %mul3A_98 : vector<16xi32>
      %add3A_100 = arith.addi %mul3A_99, %get3A_88 : vector<16xi32>
      %mul3A_101 = arith.constant 16 : i32
      %mul3A_102 = arith.muli %scan3A_85, %mul3A_101 : i32
      %swap3A = arith.index_cast %mul3A_102 : i32 to index
      %swap3A_103 = tpu.vector_load %arg20[%swap3A] {strides = array<i32>} : memref<128xi32, #tpu.memory_space<vmem>>, vector<16xi32>,
      tpu.vector_store %arg20[%swap3A], %add3A_100 {strides = array<i32>} : memref<128xi32, #tpu.memory_space<vmem>>, vector<16xi32>,
      %mul3A_104 = arith.constant 50000 : i32
      %mul3A_105 = arith.muli %arg0, %mul3A_104 : i32
      %add3A_106 = vector.broadcast %mul3A_105 : i32 to vector<16xi32>
      %add3A_107 = arith.addi %add3A_100, %add3A_106 : vector<16xi32>
      %mul3A_108 = arith.constant 16 : i32
      %mul3A_109 = arith.muli %scan3A_85, %mul3A_108 : i32
      %swap3A_110 = arith.index_cast %mul3A_109 : i32 to index
      %swap3A_111 = tpu.vector_load %arg16[%swap3A_110] {strides = array<i32>} : memref<128xi32, #tpu.memory_space<vmem>>, vector<16xi32>,
      tpu.vector_store %arg16[%swap3A_110], %add3A_107 {strides = array<i32>} : memref<128xi32, #tpu.memory_space<vmem>>, vector<16xi32>,
      %mul3A_112 = arith.constant 2500 : i32
      %mul3A_113 = vector.broadcast %mul3A_112 : i32 to vector<16xi32>
      %mul3A_114 = arith.muli %get3A_96, %mul3A_113 : vector<16xi32>
      %add3A_115 = arith.addi %mul3A_114, %get3A_92 : vector<16xi32>
      %mul3A_116 = arith.constant 16 : i32
      %mul3A_117 = arith.muli %scan3A_85, %mul3A_116 : i32
      %swap3A_118 = arith.index_cast %mul3A_117 : i32 to index
      %swap3A_119 = tpu.vector_load %arg18[%swap3A_118] {strides = array<i32>} : memref<128xi32, #tpu.memory_space<vmem>>, vector<16xi32>,
      tpu.vector_store %arg18[%swap3A_118], %add3A_115 {strides = array<i32>} : memref<128xi32, #tpu.memory_space<vmem>>, vector<16xi32>,
    }
    %scan3A_45 = arith.constant 8 : i32
    %dma_start3A_46 = arith.constant 0 : i32
    %dma_start3A_47 = arith.constant 0 : i32
    %dma_start3A_48 = tpu.memref_slice %arg5[%dma_start3A_46, %dma_start3A_47] : memref<100000x256xf32, #tpu.memory_space<hbm>> -> memref<100000x256xf32, #tpu.memory_space<hbm>>
    tpu.enqueue_indirect_dma source(%dma_start3A_48 : memref<100000x256xf32, #tpu.memory_space<hbm>>) target(%arg28 : memref<128x256xf32, #tpu.memory_space<vmem>>) offsets(%arg16 : memref<128xi32, #tpu.memory_space<vmem>>) semaphore(%arg34 : memref<!tpu.dma_semaphore, #tpu.memory_space<semaphore_mem>>)
    %dma_start3A_49 = arith.constant 0 : i32
    %dma_start3A_50 = arith.constant 0 : i32
    %dma_start3A_51 = tpu.memref_slice %arg6[%dma_start3A_49, %dma_start3A_50] : memref<50000x16xf32, #tpu.memory_space<hbm>> -> memref<50000x16xf32, #tpu.memory_space<hbm>>
    tpu.enqueue_indirect_dma source(%dma_start3A_51 : memref<50000x16xf32, #tpu.memory_space<hbm>>) target(%arg22 : memref<128x16xf32, #tpu.memory_space<vmem>>) offsets(%arg20 : memref<128xi32, #tpu.memory_space<vmem>>) semaphore(%arg34 : memref<!tpu.dma_semaphore, #tpu.memory_space<semaphore_mem>>)
    %dma_start3A_52 = arith.constant 0 : i32
    %dma_start3A_53 = arith.constant 0 : i32
    %dma_start3A_54 = tpu.memref_slice %arg7[%dma_start3A_52, %dma_start3A_53] : memref<12500x16xf32, #tpu.memory_space<hbm>> -> memref<12500x16xf32, #tpu.memory_space<hbm>>
    tpu.enqueue_indirect_dma source(%dma_start3A_54 : memref<12500x16xf32, #tpu.memory_space<hbm>>) target(%arg24 : memref<128x16xf32, #tpu.memory_space<vmem>>) offsets(%arg18 : memref<128xi32, #tpu.memory_space<vmem>>) semaphore(%arg34 : memref<!tpu.dma_semaphore, #tpu.memory_space<semaphore_mem>>)
    %dma_start3A_55 = arith.constant 0 : i32
    %dma_start3A_56 = arith.constant 0 : i32
    %dma_start3A_57 = tpu.memref_slice %arg8[%dma_start3A_55, %dma_start3A_56] : memref<12500x16xf32, #tpu.memory_space<hbm>> -> memref<12500x16xf32, #tpu.memory_space<hbm>>
    tpu.enqueue_indirect_dma source(%dma_start3A_57 : memref<12500x16xf32, #tpu.memory_space<hbm>>) target(%arg26 : memref<128x16xf32, #tpu.memory_space<vmem>>) offsets(%arg18 : memref<128xi32, #tpu.memory_space<vmem>>) semaphore(%arg34 : memref<!tpu.dma_semaphore, #tpu.memory_space<semaphore_mem>>)
    %add3A_58 = arith.constant 128 : i32
    %add3A_59 = arith.addi %mul3A_25, %add3A_58 : i32
    %dma_start3A_60 = tpu.memref_slice %arg2[%add3A_59] : memref<163840xi32, #tpu.memory_space<hbm>> -> memref<128xi32, #tpu.memory_space<hbm>>
    %dma_start3A_61 = tpu.memref_slice %arg2[%add3A_59] : memref<163840xi32, #tpu.memory_space<hbm>> -> memref<128xi32, #tpu.memory_space<hbm>>
    tpu.enqueue_dma source(%dma_start3A_61 : memref<128xi32, #tpu.memory_space<hbm>>) target(%arg11 : memref<128xi32, #tpu.memory_space<vmem>>) target_semaphore(%arg33 : memref<!tpu.dma_semaphore, #tpu.memory_space<semaphore_mem>>)
    %dma_start3A_62 = tpu.memref_slice %arg3[%add3A_59] : memref<163840xi32, #tpu.memory_space<hbm>> -> memref<128xi32, #tpu.memory_space<hbm>>
    %dma_start3A_63 = tpu.memref_slice %arg3[%add3A_59] : memref<163840xi32, #tpu.memory_space<hbm>> -> memref<128xi32, #tpu.memory_space<hbm>>
    tpu.enqueue_dma source(%dma_start3A_63 : memref<128xi32, #tpu.memory_space<hbm>>) target(%arg13 : memref<128xi32, #tpu.memory_space<vmem>>) target_semaphore(%arg33 : memref<!tpu.dma_semaphore, #tpu.memory_space<semaphore_mem>>)
    %dma_start3A_64 = tpu.memref_slice %arg4[%add3A_59] : memref<163840xi32, #tpu.memory_space<hbm>> -> memref<128xi32, #tpu.memory_space<hbm>>
    %dma_start3A_65 = tpu.memref_slice %arg4[%add3A_59] : memref<163840xi32, #tpu.memory_space<hbm>> -> memref<128xi32, #tpu.memory_space<hbm>>
    tpu.enqueue_dma source(%dma_start3A_65 : memref<128xi32, #tpu.memory_space<hbm>>) target(%arg15 : memref<128xi32, #tpu.memory_space<vmem>>) target_semaphore(%arg33 : memref<!tpu.dma_semaphore, #tpu.memory_space<semaphore_mem>>)
    %scan3A_66 = arith.constant 0 : i32
    %scan3A_67 = arith.constant 0 : i32
    %scan3A_68 = arith.constant 40 : i32
    %scan3A_69 = arith.addi %scan3A_67, %scan3A_68 : i32
    %scan3A_70 = arith.constant 1 : i32
    scf.for %scan3A_85 = %scan3A_67 to %scan3A_69 step %scan3A_70  : i32 {
      %mul3A_86 = arith.constant 2 : i32
      %mul3A_87 = arith.muli %mul3A_86, %scan3A_85 : i32
      %add3A_88 = arith.constant 1 : i32
      %add3A_89 = arith.addi %mul3A_87, %add3A_88 : i32
      %mul3A_90 = arith.constant 128 : i32
      %mul3A_91 = arith.muli %add3A_89, %mul3A_90 : i32
      %add3A_92 = arith.addi %mul3A_25, %mul3A_91 : i32
      %dma_wait3A_93 = tpu.memref_slice %arg2[%add3A_92] : memref<163840xi32, #tpu.memory_space<hbm>> -> memref<128xi32, #tpu.memory_space<hbm>>
      %dma_wait3A_94 = tpu.memref_slice %arg2[%add3A_92] : memref<163840xi32, #tpu.memory_space<hbm>> -> memref<128xi32, #tpu.memory_space<hbm>>
      tpu.wait_dma2 semaphore(%arg33 : memref<!tpu.dma_semaphore, #tpu.memory_space<semaphore_mem>>) src(%dma_wait3A_94 : memref<128xi32, #tpu.memory_space<hbm>>) dst(%arg11 : memref<128xi32, #tpu.memory_space<vmem>>)
      %dma_wait3A_95 = tpu.memref_slice %arg3[%add3A_92] : memref<163840xi32, #tpu.memory_space<hbm>> -> memref<128xi32, #tpu.memory_space<hbm>>
      %dma_wait3A_96 = tpu.memref_slice %arg3[%add3A_92] : memref<163840xi32, #tpu.memory_space<hbm>> -> memref<128xi32, #tpu.memory_space<hbm>>
      tpu.wait_dma2 semaphore(%arg33 : memref<!tpu.dma_semaphore, #tpu.memory_space<semaphore_mem>>) src(%dma_wait3A_96 : memref<128xi32, #tpu.memory_space<hbm>>) dst(%arg13 : memref<128xi32, #tpu.memory_space<vmem>>)
      %dma_wait3A_97 = tpu.memref_slice %arg4[%add3A_92] : memref<163840xi32, #tpu.memory_space<hbm>> -> memref<128xi32, #tpu.memory_space<hbm>>
      %dma_wait3A_98 = tpu.memref_slice %arg4[%add3A_92] : memref<163840xi32, #tpu.memory_space<hbm>> -> memref<128xi32, #tpu.memory_space<hbm>>
      tpu.wait_dma2 semaphore(%arg33 : memref<!tpu.dma_semaphore, #tpu.memory_space<semaphore_mem>>) src(%dma_wait3A_98 : memref<128xi32, #tpu.memory_space<hbm>>) dst(%arg15 : memref<128xi32, #tpu.memory_space<vmem>>)
      %scan3A_99 = arith.constant 0 : i32
      %scan3A_100 = arith.constant 0 : i32
      %scan3A_101 = arith.constant 8 : i32
      %scan3A_102 = arith.addi %scan3A_100, %scan3A_101 : i32
      %scan3A_103 = arith.constant 1 : i32
      scf.for %scan3A_194 = %scan3A_100 to %scan3A_102 step %scan3A_103  : i32 {
        %mul3A_195 = arith.constant 16 : i32
        %mul3A_196 = arith.muli %scan3A_194, %mul3A_195 : i32
        %get3A = arith.index_cast %mul3A_196 : i32 to index
        %get3A_197 = tpu.vector_load %arg11[%get3A] {strides = array<i32>} : memref<128xi32, #tpu.memory_space<vmem>>, vector<16xi32>,
        %mul3A_198 = arith.constant 16 : i32
        %mul3A_199 = arith.muli %scan3A_194, %mul3A_198 : i32
        %get3A_200 = arith.index_cast %mul3A_199 : i32 to index
        %get3A_201 = tpu.vector_load %arg13[%get3A_200] {strides = array<i32>} : memref<128xi32, #tpu.memory_space<vmem>>, vector<16xi32>,
        %mul3A_202 = arith.constant 16 : i32
        %mul3A_203 = arith.muli %scan3A_194, %mul3A_202 : i32
        %get3A_204 = arith.index_cast %mul3A_203 : i32 to index
        %get3A_205 = tpu.vector_load %arg15[%get3A_204] {strides = array<i32>} : memref<128xi32, #tpu.memory_space<vmem>>, vector<16xi32>,
        %mul3A_206 = arith.constant 10000 : i32
        %mul3A_207 = vector.broadcast %mul3A_206 : i32 to vector<16xi32>
        %mul3A_208 = arith.muli %get3A_205, %mul3A_207 : vector<16xi32>
        %add3A_209 = arith.addi %mul3A_208, %get3A_197 : vector<16xi32>
        %mul3A_210 = arith.constant 16 : i32
        %mul3A_211 = arith.muli %scan3A_194, %mul3A_210 : i32
        %swap3A = arith.index_cast %mul3A_211 : i32 to index
        %swap3A_212 = tpu.vector_load %arg21[%swap3A] {strides = array<i32>} : memref<128xi32, #tpu.memory_space<vmem>>, vector<16xi32>,
        tpu.vector_store %arg21[%swap3A], %add3A_209 {strides = array<i32>} : memref<128xi32, #tpu.memory_space<vmem>>, vector<16xi32>,
        %mul3A_213 = arith.constant 50000 : i32
        %mul3A_214 = arith.muli %arg0, %mul3A_213 : i32
        %add3A_215 = vector.broadcast %mul3A_214 : i32 to vector<16xi32>
        %add3A_216 = arith.addi %add3A_209, %add3A_215 : vector<16xi32>
        %mul3A_217 = arith.constant 16 : i32
        %mul3A_218 = arith.muli %scan3A_194, %mul3A_217 : i32
        %swap3A_219 = arith.index_cast %mul3A_218 : i32 to index
        %swap3A_220 = tpu.vector_load %arg17[%swap3A_219] {strides = array<i32>} : memref<128xi32, #tpu.memory_space<vmem>>, vector<16xi32>,
        tpu.vector_store %arg17[%swap3A_219], %add3A_216 {strides = array<i32>} : memref<128xi32, #tpu.memory_space<vmem>>, vector<16xi32>,
        %mul3A_221 = arith.constant 2500 : i32
        %mul3A_222 = vector.broadcast %mul3A_221 : i32 to vector<16xi32>
        %mul3A_223 = arith.muli %get3A_205, %mul3A_222 : vector<16xi32>
        %add3A_224 = arith.addi %mul3A_223, %get3A_201 : vector<16xi32>
        %mul3A_225 = arith.constant 16 : i32
        %mul3A_226 = arith.muli %scan3A_194, %mul3A_225 : i32
        %swap3A_227 = arith.index_cast %mul3A_226 : i32 to index
        %swap3A_228 = tpu.vector_load %arg19[%swap3A_227] {strides = array<i32>} : memref<128xi32, #tpu.memory_space<vmem>>, vector<16xi32>,
        tpu.vector_store %arg19[%swap3A_227], %add3A_224 {strides = array<i32>} : memref<128xi32, #tpu.memory_space<vmem>>, vector<16xi32>,
      }
      %scan3A_104 = arith.constant 8 : i32
      %dma_start3A_105 = arith.constant 0 : i32
      %dma_start3A_106 = arith.constant 0 : i32
      %dma_start3A_107 = tpu.memref_slice %arg5[%dma_start3A_105, %dma_start3A_106] : memref<100000x256xf32, #tpu.memory_space<hbm>> -> memref<100000x256xf32, #tpu.memory_space<hbm>>
      tpu.enqueue_indirect_dma source(%dma_start3A_107 : memref<100000x256xf32, #tpu.memory_space<hbm>>) target(%arg29 : memref<128x256xf32, #tpu.memory_space<vmem>>) offsets(%arg17 : memref<128xi32, #tpu.memory_space<vmem>>) semaphore(%arg35 : memref<!tpu.dma_semaphore, #tpu.memory_space<semaphore_mem>>)
      %dma_start3A_108 = arith.constant 0 : i32
      %dma_start3A_109 = arith.constant 0 : i32
      %dma_start3A_110 = tpu.memref_slice %arg6[%dma_start3A_108, %dma_start3A_109] : memref<50000x16xf32, #tpu.memory_space<hbm>> -> memref<50000x16xf32, #tpu.memory_space<hbm>>
      tpu.enqueue_indirect_dma source(%dma_start3A_110 : memref<50000x16xf32, #tpu.memory_space<hbm>>) target(%arg23 : memref<128x16xf32, #tpu.memory_space<vmem>>) offsets(%arg21 : memref<128xi32, #tpu.memory_space<vmem>>) semaphore(%arg35 : memref<!tpu.dma_semaphore, #tpu.memory_space<semaphore_mem>>)
      %dma_start3A_111 = arith.constant 0 : i32
      %dma_start3A_112 = arith.constant 0 : i32
      %dma_start3A_113 = tpu.memref_slice %arg7[%dma_start3A_111, %dma_start3A_112] : memref<12500x16xf32, #tpu.memory_space<hbm>> -> memref<12500x16xf32, #tpu.memory_space<hbm>>
      tpu.enqueue_indirect_dma source(%dma_start3A_113 : memref<12500x16xf32, #tpu.memory_space<hbm>>) target(%arg25 : memref<128x16xf32, #tpu.memory_space<vmem>>) offsets(%arg19 : memref<128xi32, #tpu.memory_space<vmem>>) semaphore(%arg35 : memref<!tpu.dma_semaphore, #tpu.memory_space<semaphore_mem>>)
      %dma_start3A_114 = arith.constant 0 : i32
      %dma_start3A_115 = arith.constant 0 : i32
      %dma_start3A_116 = tpu.memref_slice %arg8[%dma_start3A_114, %dma_start3A_115] : memref<12500x16xf32, #tpu.memory_space<hbm>> -> memref<12500x16xf32, #tpu.memory_space<hbm>>
      tpu.enqueue_indirect_dma source(%dma_start3A_116 : memref<12500x16xf32, #tpu.memory_space<hbm>>) target(%arg27 : memref<128x16xf32, #tpu.memory_space<vmem>>) offsets(%arg19 : memref<128xi32, #tpu.memory_space<vmem>>) semaphore(%arg35 : memref<!tpu.dma_semaphore, #tpu.memory_space<semaphore_mem>>)
      %dma_wait3A_117 = arith.constant 0 : i32
      %dma_wait3A_118 = arith.constant 0 : i32
      %dma_wait3A_119 = tpu.memref_slice %arg5[%dma_wait3A_117, %dma_wait3A_118] : memref<100000x256xf32, #tpu.memory_space<hbm>> -> memref<100000x256xf32, #tpu.memory_space<hbm>>
      tpu.wait_indirect_dma semaphore(%arg34 : memref<!tpu.dma_semaphore, #tpu.memory_space<semaphore_mem>>) src(%dma_wait3A_119 : memref<100000x256xf32, #tpu.memory_space<hbm>>) dst(%arg28 : memref<128x256xf32, #tpu.memory_space<vmem>>)
      %dma_wait3A_120 = arith.constant 0 : i32
      %dma_wait3A_121 = arith.constant 0 : i32
      %dma_wait3A_122 = tpu.memref_slice %arg6[%dma_wait3A_120, %dma_wait3A_121] : memref<50000x16xf32, #tpu.memory_space<hbm>> -> memref<50000x16xf32, #tpu.memory_space<hbm>>
      tpu.wait_indirect_dma semaphore(%arg34 : memref<!tpu.dma_semaphore, #tpu.memory_space<semaphore_mem>>) src(%dma_wait3A_122 : memref<50000x16xf32, #tpu.memory_space<hbm>>) dst(%arg22 : memref<128x16xf32, #tpu.memory_space<vmem>>)
      %dma_wait3A_123 = arith.constant 0 : i32
      %dma_wait3A_124 = arith.constant 0 : i32
      %dma_wait3A_125 = tpu.memref_slice %arg7[%dma_wait3A_123, %dma_wait3A_124] : memref<12500x16xf32, #tpu.memory_space<hbm>> -> memref<12500x16xf32, #tpu.memory_space<hbm>>
      tpu.wait_indirect_dma semaphore(%arg34 : memref<!tpu.dma_semaphore, #tpu.memory_space<semaphore_mem>>) src(%dma_wait3A_125 : memref<12500x16xf32, #tpu.memory_space<hbm>>) dst(%arg24 : memref<128x16xf32, #tpu.memory_space<vmem>>)
      %dma_wait3A_126 = arith.constant 0 : i32
      %dma_wait3A_127 = arith.constant 0 : i32
      %dma_wait3A_128 = tpu.memref_slice %arg8[%dma_wait3A_126, %dma_wait3A_127] : memref<12500x16xf32, #tpu.memory_space<hbm>> -> memref<12500x16xf32, #tpu.memory_space<hbm>>
      tpu.wait_indirect_dma semaphore(%arg34 : memref<!tpu.dma_semaphore, #tpu.memory_space<semaphore_mem>>) src(%dma_wait3A_128 : memref<12500x16xf32, #tpu.memory_space<hbm>>) dst(%arg26 : memref<128x16xf32, #tpu.memory_space<vmem>>)
      %mul3A_129 = arith.constant 128 : i32
      %mul3A_130 = arith.muli %mul3A_87, %mul3A_129 : i32
      %add3A_131 = arith.addi %mul3A_25, %mul3A_130 : i32
      %scan3A_132 = arith.constant 0 : i32
      %scan3A_133 = arith.constant 0 : i32
      %scan3A_134 = arith.constant 8 : i32
      %scan3A_135 = arith.addi %scan3A_133, %scan3A_134 : i32
      %scan3A_136 = arith.constant 1 : i32
      scf.for %scan3A_194 = %scan3A_133 to %scan3A_135 step %scan3A_136  : i32 {
        %mul3A_195 = arith.constant 16 : i32
        %mul3A_196 = arith.muli %scan3A_194, %mul3A_195 : i32
        %add3A_197 = vector.broadcast %mul3A_196 : i32 to vector<16xi32>
        %add3A_198 = arith.addi %add3A_197, %iota3A : vector<16xi32>
        %add3A_199 = vector.broadcast %add3A_131 : i32 to vector<16xi32>
        %add3A_200 = arith.addi %add3A_199, %add3A_198 : vector<16xi32>
        %lt3A_201 = arith.constant 160000 : i32
        %lt3A_202 = vector.broadcast %lt3A_201 : i32 to vector<16xi32>
        %lt3A_203 = arith.cmpi slt, %add3A_200, %lt3A_202 : vector<16xi32>
        %broadcast_in_dim3A_204 = arith.constant 0 : i32
        %broadcast_in_dim3A_205 = vector.broadcast %broadcast_in_dim3A_204 : i32 to vector<16xi32>
        %mul3A_206 = arith.constant 4 : i32
        %mul3A_207 = arith.muli %arg0, %mul3A_206 : i32
        %add3A_208 = vector.broadcast %mul3A_207 : i32 to vector<16xi32>
        %add3A_209 = arith.addi %broadcast_in_dim3A_205, %add3A_208 : vector<16xi32>
        %gather3A = tpu.vector_load_idx %arg22[%add3A_198, %add3A_209] : memref<128x16xf32, #tpu.memory_space<vmem>>[vector<16xi32>, vector<16xi32>], vector<16xf32>,
        %gather3A_210 = tpu.vector_load_idx %arg24[%add3A_198, %add3A_209] : memref<128x16xf32, #tpu.memory_space<vmem>>[vector<16xi32>, vector<16xi32>], vector<16xf32>,
        %gather3A_211 = tpu.vector_load_idx %arg26[%add3A_198, %add3A_209] : memref<128x16xf32, #tpu.memory_space<vmem>>[vector<16xi32>, vector<16xi32>], vector<16xf32>,
        %add3A_212 = arith.addf %gather3A, %gather3A_210 : vector<16xf32>
        %ge3A = arith.constant 0.000000e+00 : f32
        %ge3A_213 = vector.broadcast %ge3A : f32 to vector<16xf32>
        %ge3A_214 = arith.cmpf oge, %add3A_212, %ge3A_213 : vector<16xf32>
        %mul3A_215 = arith.constant 2.000000e-01 : f32
        %mul3A_216 = vector.broadcast %mul3A_215 : f32 to vector<16xf32>
        %mul3A_217 = arith.mulf %mul3A_216, %add3A_212 : vector<16xf32>
        %select_n3A_218 = arith.select %ge3A_214, %add3A_212, %mul3A_217 : vector<16xi1>, vector<16xf32>
        %exp3A = math.exp %select_n3A_218 : vector<16xf32>
        %mul3A_219 = arith.mulf %exp3A, %gather3A_211 : vector<16xf32>
        %jit3A_220 = arith.constant 0.000000e+00 : f32
        %broadcast_in_dim3A_221 = vector.broadcast %jit3A_220 : f32 to vector<16xf32>
        %select_n3A_222 = arith.select %lt3A_203, %mul3A_219, %broadcast_in_dim3A_221 : vector<16xi1>, vector<16xf32>
        %mul3A_223 = arith.constant 16 : i32
        %mul3A_224 = arith.muli %scan3A_194, %mul3A_223 : i32
        %swap3A = arith.constant 0 : i32
        %swap3A_225 = arith.index_cast %swap3A : i32 to index
        %swap3A_226 = arith.index_cast %mul3A_224 : i32 to index
        %swap3A_227 = tpu.vector_load %arg30[%swap3A_225, %swap3A_226] {strides = array<i32>} : memref<8x128xf32, #tpu.memory_space<vmem>>, vector<16xf32>,
        tpu.vector_store %arg30[%swap3A_225, %swap3A_226], %select_n3A_222 {strides = array<i32>} : memref<8x128xf32, #tpu.memory_space<vmem>>, vector<16xf32>,
        %broadcast_in_dim3A_228 = arith.constant 1 : i32
        %broadcast_in_dim3A_229 = vector.broadcast %broadcast_in_dim3A_228 : i32 to vector<16xi32>
        %mul3A_230 = arith.constant 4 : i32
        %mul3A_231 = arith.muli %arg0, %mul3A_230 : i32
        %add3A_232 = vector.broadcast %mul3A_231 : i32 to vector<16xi32>
        %add3A_233 = arith.addi %broadcast_in_dim3A_229, %add3A_232 : vector<16xi32>
        %gather3A_234 = tpu.vector_load_idx %arg22[%add3A_198, %add3A_233] : memref<128x16xf32, #tpu.memory_space<vmem>>[vector<16xi32>, vector<16xi32>], vector<16xf32>,
        %gather3A_235 = tpu.vector_load_idx %arg24[%add3A_198, %add3A_233] : memref<128x16xf32, #tpu.memory_space<vmem>>[vector<16xi32>, vector<16xi32>], vector<16xf32>,
        %gather3A_236 = tpu.vector_load_idx %arg26[%add3A_198, %add3A_233] : memref<128x16xf32, #tpu.memory_space<vmem>>[vector<16xi32>, vector<16xi32>], vector<16xf32>,
        %add3A_237 = arith.addf %gather3A_234, %gather3A_235 : vector<16xf32>
        %ge3A_238 = arith.constant 0.000000e+00 : f32
        %ge3A_239 = vector.broadcast %ge3A_238 : f32 to vector<16xf32>
        %ge3A_240 = arith.cmpf oge, %add3A_237, %ge3A_239 : vector<16xf32>
        %mul3A_241 = arith.constant 2.000000e-01 : f32
        %mul3A_242 = vector.broadcast %mul3A_241 : f32 to vector<16xf32>
        %mul3A_243 = arith.mulf %mul3A_242, %add3A_237 : vector<16xf32>
        %select_n3A_244 = arith.select %ge3A_240, %add3A_237, %mul3A_243 : vector<16xi1>, vector<16xf32>
        %exp3A_245 = math.exp %select_n3A_244 : vector<16xf32>
        %mul3A_246 = arith.mulf %exp3A_245, %gather3A_236 : vector<16xf32>
        %jit3A_247 = arith.constant 0.000000e+00 : f32
        %broadcast_in_dim3A_248 = vector.broadcast %jit3A_247 : f32 to vector<16xf32>
        %select_n3A_249 = arith.select %lt3A_203, %mul3A_246, %broadcast_in_dim3A_248 : vector<16xi1>, vector<16xf32>
        %mul3A_250 = arith.constant 16 : i32
        %mul3A_251 = arith.muli %scan3A_194, %mul3A_250 : i32
        %swap3A_252 = arith.constant 1 : i32
        %swap3A_253 = arith.index_cast %swap3A_252 : i32 to index
        %swap3A_254 = arith.index_cast %mul3A_251 : i32 to index
        %swap3A_255 = tpu.vector_load %arg30[%swap3A_253, %swap3A_254] {strides = array<i32>} : memref<8x128xf32, #tpu.memory_space<vmem>>, vector<16xf32>,
        tpu.vector_store %arg30[%swap3A_253, %swap3A_254], %select_n3A_249 {strides = array<i32>} : memref<8x128xf32, #tpu.memory_space<vmem>>, vector<16xf32>,
        %broadcast_in_dim3A_256 = arith.constant 2 : i32
        %broadcast_in_dim3A_257 = vector.broadcast %broadcast_in_dim3A_256 : i32 to vector<16xi32>
        %mul3A_258 = arith.constant 4 : i32
        %mul3A_259 = arith.muli %arg0, %mul3A_258 : i32
        %add3A_260 = vector.broadcast %mul3A_259 : i32 to vector<16xi32>
        %add3A_261 = arith.addi %broadcast_in_dim3A_257, %add3A_260 : vector<16xi32>
        %gather3A_262 = tpu.vector_load_idx %arg22[%add3A_198, %add3A_261] : memref<128x16xf32, #tpu.memory_space<vmem>>[vector<16xi32>, vector<16xi32>], vector<16xf32>,
        %gather3A_263 = tpu.vector_load_idx %arg24[%add3A_198, %add3A_261] : memref<128x16xf32, #tpu.memory_space<vmem>>[vector<16xi32>, vector<16xi32>], vector<16xf32>,
        %gather3A_264 = tpu.vector_load_idx %arg26[%add3A_198, %add3A_261] : memref<128x16xf32, #tpu.memory_space<vmem>>[vector<16xi32>, vector<16xi32>], vector<16xf32>,
        %add3A_265 = arith.addf %gather3A_262, %gather3A_263 : vector<16xf32>
        %ge3A_266 = arith.constant 0.000000e+00 : f32
        %ge3A_267 = vector.broadcast %ge3A_266 : f32 to vector<16xf32>
        %ge3A_268 = arith.cmpf oge, %add3A_265, %ge3A_267 : vector<16xf32>
        %mul3A_269 = arith.constant 2.000000e-01 : f32
        %mul3A_270 = vector.broadcast %mul3A_269 : f32 to vector<16xf32>
        %mul3A_271 = arith.mulf %mul3A_270, %add3A_265 : vector<16xf32>
        %select_n3A_272 = arith.select %ge3A_268, %add3A_265, %mul3A_271 : vector<16xi1>, vector<16xf32>
        %exp3A_273 = math.exp %select_n3A_272 : vector<16xf32>
        %mul3A_274 = arith.mulf %exp3A_273, %gather3A_264 : vector<16xf32>
        %jit3A_275 = arith.constant 0.000000e+00 : f32
        %broadcast_in_dim3A_276 = vector.broadcast %jit3A_275 : f32 to vector<16xf32>
        %select_n3A_277 = arith.select %lt3A_203, %mul3A_274, %broadcast_in_dim3A_276 : vector<16xi1>, vector<16xf32>
        %mul3A_278 = arith.constant 16 : i32
        %mul3A_279 = arith.muli %scan3A_194, %mul3A_278 : i32
        %swap3A_280 = arith.constant 2 : i32
        %swap3A_281 = arith.index_cast %swap3A_280 : i32 to index
        %swap3A_282 = arith.index_cast %mul3A_279 : i32 to index
        %swap3A_283 = tpu.vector_load %arg30[%swap3A_281, %swap3A_282] {strides = array<i32>} : memref<8x128xf32, #tpu.memory_space<vmem>>, vector<16xf32>,
        tpu.vector_store %arg30[%swap3A_281, %swap3A_282], %select_n3A_277 {strides = array<i32>} : memref<8x128xf32, #tpu.memory_space<vmem>>, vector<16xf32>,
        %broadcast_in_dim3A_284 = arith.constant 3 : i32
        %broadcast_in_dim3A_285 = vector.broadcast %broadcast_in_dim3A_284 : i32 to vector<16xi32>
        %mul3A_286 = arith.constant 4 : i32
        %mul3A_287 = arith.muli %arg0, %mul3A_286 : i32
        %add3A_288 = vector.broadcast %mul3A_287 : i32 to vector<16xi32>
        %add3A_289 = arith.addi %broadcast_in_dim3A_285, %add3A_288 : vector<16xi32>
        %gather3A_290 = tpu.vector_load_idx %arg22[%add3A_198, %add3A_289] : memref<128x16xf32, #tpu.memory_space<vmem>>[vector<16xi32>, vector<16xi32>], vector<16xf32>,
        %gather3A_291 = tpu.vector_load_idx %arg24[%add3A_198, %add3A_289] : memref<128x16xf32, #tpu.memory_space<vmem>>[vector<16xi32>, vector<16xi32>], vector<16xf32>,
        %gather3A_292 = tpu.vector_load_idx %arg26[%add3A_198, %add3A_289] : memref<128x16xf32, #tpu.memory_space<vmem>>[vector<16xi32>, vector<16xi32>], vector<16xf32>,
        %add3A_293 = arith.addf %gather3A_290, %gather3A_291 : vector<16xf32>
        %ge3A_294 = arith.constant 0.000000e+00 : f32
        %ge3A_295 = vector.broadcast %ge3A_294 : f32 to vector<16xf32>
        %ge3A_296 = arith.cmpf oge, %add3A_293, %ge3A_295 : vector<16xf32>
        %mul3A_297 = arith.constant 2.000000e-01 : f32
        %mul3A_298 = vector.broadcast %mul3A_297 : f32 to vector<16xf32>
        %mul3A_299 = arith.mulf %mul3A_298, %add3A_293 : vector<16xf32>
        %select_n3A_300 = arith.select %ge3A_296, %add3A_293, %mul3A_299 : vector<16xi1>, vector<16xf32>
        %exp3A_301 = math.exp %select_n3A_300 : vector<16xf32>
        %mul3A_302 = arith.mulf %exp3A_301, %gather3A_292 : vector<16xf32>
        %jit3A_303 = arith.constant 0.000000e+00 : f32
        %broadcast_in_dim3A_304 = vector.broadcast %jit3A_303 : f32 to vector<16xf32>
        %select_n3A_305 = arith.select %lt3A_203, %mul3A_302, %broadcast_in_dim3A_304 : vector<16xi1>, vector<16xf32>
        %mul3A_306 = arith.constant 16 : i32
        %mul3A_307 = arith.muli %scan3A_194, %mul3A_306 : i32
        %swap3A_308 = arith.constant 3 : i32
        %swap3A_309 = arith.index_cast %swap3A_308 : i32 to index
        %swap3A_310 = arith.index_cast %mul3A_307 : i32 to index
        %swap3A_311 = tpu.vector_load %arg30[%swap3A_309, %swap3A_310] {strides = array<i32>} : memref<8x128xf32, #tpu.memory_space<vmem>>, vector<16xf32>,
        tpu.vector_store %arg30[%swap3A_309, %swap3A_310], %select_n3A_305 {strides = array<i32>} : memref<8x128xf32, #tpu.memory_space<vmem>>, vector<16xf32>,
      }
      %scan3A_137 = arith.constant 8 : i32
      %scan3A_138 = arith.constant 0 : i32
      %scan3A_139 = arith.constant 0 : i32
      %scan3A_140 = arith.constant 128 : i32
      %scan3A_141 = arith.addi %scan3A_139, %scan3A_140 : i32
      %scan3A_142 = arith.constant 1 : i32
      scf.for %scan3A_194 = %scan3A_139 to %scan3A_141 step %scan3A_142  : i32 {
        %broadcast_in_dim3A_195 = arith.constant 0 : i32
        %broadcast_in_dim3A_196 = vector.broadcast %broadcast_in_dim3A_195 : i32 to vector<16xi32>
        %add3A_197 = vector.broadcast %scan3A_194 : i32 to vector<16xi32>
        %add3A_198 = arith.addi %broadcast_in_dim3A_196, %add3A_197 : vector<16xi32>
        %broadcast_in_dim3A_199 = arith.constant 0 : i32
        %broadcast_in_dim3A_200 = vector.broadcast %broadcast_in_dim3A_199 : i32 to vector<16xi32>
        %gather3A = tpu.vector_load_idx %arg30[%broadcast_in_dim3A_200, %add3A_198] : memref<8x128xf32, #tpu.memory_space<vmem>>[vector<16xi32>, vector<16xi32>], vector<16xf32>,
        %get3A = arith.index_cast %scan3A_194 : i32 to index
        %get3A_201 = arith.constant 0 : index
        %get3A_202 = tpu.vector_load %arg28[%get3A, %get3A_201] {strides = array<i32>} : memref<128x256xf32, #tpu.memory_space<vmem>>, vector<16xf32>,
        %mul3A_203 = arith.mulf %get3A_202, %gather3A : vector<16xf32>
        %swap3A = arith.index_cast %scan3A_194 : i32 to index
        %swap3A_204 = arith.constant 0 : index
        %swap3A_205 = tpu.vector_load %arg28[%swap3A, %swap3A_204] {strides = array<i32>} : memref<128x256xf32, #tpu.memory_space<vmem>>, vector<16xf32>,
        tpu.vector_store %arg28[%swap3A, %swap3A_204], %mul3A_203 {strides = array<i32>} : memref<128x256xf32, #tpu.memory_space<vmem>>, vector<16xf32>,
        %get3A_206 = arith.index_cast %scan3A_194 : i32 to index
        %get3A_207 = arith.constant 16 : index
        %get3A_208 = tpu.vector_load %arg28[%get3A_206, %get3A_207] {strides = array<i32>} : memref<128x256xf32, #tpu.memory_space<vmem>>, vector<16xf32>,
        %mul3A_209 = arith.mulf %get3A_208, %gather3A : vector<16xf32>
        %swap3A_210 = arith.index_cast %scan3A_194 : i32 to index
        %swap3A_211 = arith.constant 16 : index
        %swap3A_212 = tpu.vector_load %arg28[%swap3A_210, %swap3A_211] {strides = array<i32>} : memref<128x256xf32, #tpu.memory_space<vmem>>, vector<16xf32>,
        tpu.vector_store %arg28[%swap3A_210, %swap3A_211], %mul3A_209 {strides = array<i32>} : memref<128x256xf32, #tpu.memory_space<vmem>>, vector<16xf32>,
        %get3A_213 = arith.index_cast %scan3A_194 : i32 to index
        %get3A_214 = arith.constant 32 : index
        %get3A_215 = tpu.vector_load %arg28[%get3A_213, %get3A_214] {strides = array<i32>} : memref<128x256xf32, #tpu.memory_space<vmem>>, vector<16xf32>,
        %mul3A_216 = arith.mulf %get3A_215, %gather3A : vector<16xf32>
        %swap3A_217 = arith.index_cast %scan3A_194 : i32 to index
        %swap3A_218 = arith.constant 32 : index
        %swap3A_219 = tpu.vector_load %arg28[%swap3A_217, %swap3A_218] {strides = array<i32>} : memref<128x256xf32, #tpu.memory_space<vmem>>, vector<16xf32>,
        tpu.vector_store %arg28[%swap3A_217, %swap3A_218], %mul3A_216 {strides = array<i32>} : memref<128x256xf32, #tpu.memory_space<vmem>>, vector<16xf32>,
        %get3A_220 = arith.index_cast %scan3A_194 : i32 to index
        %get3A_221 = arith.constant 48 : index
        %get3A_222 = tpu.vector_load %arg28[%get3A_220, %get3A_221] {strides = array<i32>} : memref<128x256xf32, #tpu.memory_space<vmem>>, vector<16xf32>,
        %mul3A_223 = arith.mulf %get3A_222, %gather3A : vector<16xf32>
        %swap3A_224 = arith.index_cast %scan3A_194 : i32 to index
        %swap3A_225 = arith.constant 48 : index
        %swap3A_226 = tpu.vector_load %arg28[%swap3A_224, %swap3A_225] {strides = array<i32>} : memref<128x256xf32, #tpu.memory_space<vmem>>, vector<16xf32>,
        tpu.vector_store %arg28[%swap3A_224, %swap3A_225], %mul3A_223 {strides = array<i32>} : memref<128x256xf32, #tpu.memory_space<vmem>>, vector<16xf32>,
        %broadcast_in_dim3A_227 = arith.constant 1 : i32
        %broadcast_in_dim3A_228 = vector.broadcast %broadcast_in_dim3A_227 : i32 to vector<16xi32>
        %gather3A_229 = tpu.vector_load_idx %arg30[%broadcast_in_dim3A_228, %add3A_198] : memref<8x128xf32, #tpu.memory_space<vmem>>[vector<16xi32>, vector<16xi32>], vector<16xf32>,
        %get3A_230 = arith.index_cast %scan3A_194 : i32 to index
        %get3A_231 = arith.constant 64 : index
        %get3A_232 = tpu.vector_load %arg28[%get3A_230, %get3A_231] {strides = array<i32>} : memref<128x256xf32, #tpu.memory_space<vmem>>, vector<16xf32>,
        %mul3A_233 = arith.mulf %get3A_232, %gather3A_229 : vector<16xf32>
        %swap3A_234 = arith.index_cast %scan3A_194 : i32 to index
        %swap3A_235 = arith.constant 64 : index
        %swap3A_236 = tpu.vector_load %arg28[%swap3A_234, %swap3A_235] {strides = array<i32>} : memref<128x256xf32, #tpu.memory_space<vmem>>, vector<16xf32>,
        tpu.vector_store %arg28[%swap3A_234, %swap3A_235], %mul3A_233 {strides = array<i32>} : memref<128x256xf32, #tpu.memory_space<vmem>>, vector<16xf32>,
        %get3A_237 = arith.index_cast %scan3A_194 : i32 to index
        %get3A_238 = arith.constant 80 : index
        %get3A_239 = tpu.vector_load %arg28[%get3A_237, %get3A_238] {strides = array<i32>} : memref<128x256xf32, #tpu.memory_space<vmem>>, vector<16xf32>,
        %mul3A_240 = arith.mulf %get3A_239, %gather3A_229 : vector<16xf32>
        %swap3A_241 = arith.index_cast %scan3A_194 : i32 to index
        %swap3A_242 = arith.constant 80 : index
        %swap3A_243 = tpu.vector_load %arg28[%swap3A_241, %swap3A_242] {strides = array<i32>} : memref<128x256xf32, #tpu.memory_space<vmem>>, vector<16xf32>,
        tpu.vector_store %arg28[%swap3A_241, %swap3A_242], %mul3A_240 {strides = array<i32>} : memref<128x256xf32, #tpu.memory_space<vmem>>, vector<16xf32>,
        %get3A_244 = arith.index_cast %scan3A_194 : i32 to index
        %get3A_245 = arith.constant 96 : index
        %get3A_246 = tpu.vector_load %arg28[%get3A_244, %get3A_245] {strides = array<i32>} : memref<128x256xf32, #tpu.memory_space<vmem>>, vector<16xf32>,
        %mul3A_247 = arith.mulf %get3A_246, %gather3A_229 : vector<16xf32>
        %swap3A_248 = arith.index_cast %scan3A_194 : i32 to index
        %swap3A_249 = arith.constant 96 : index
        %swap3A_250 = tpu.vector_load %arg28[%swap3A_248, %swap3A_249] {strides = array<i32>} : memref<128x256xf32, #tpu.memory_space<vmem>>, vector<16xf32>,
        tpu.vector_store %arg28[%swap3A_248, %swap3A_249], %mul3A_247 {strides = array<i32>} : memref<128x256xf32, #tpu.memory_space<vmem>>, vector<16xf32>,
        %get3A_251 = arith.index_cast %scan3A_194 : i32 to index
        %get3A_252 = arith.constant 112 : index
        %get3A_253 = tpu.vector_load %arg28[%get3A_251, %get3A_252] {strides = array<i32>} : memref<128x256xf32, #tpu.memory_space<vmem>>, vector<16xf32>,
        %mul3A_254 = arith.mulf %get3A_253, %gather3A_229 : vector<16xf32>
        %swap3A_255 = arith.index_cast %scan3A_194 : i32 to index
        %swap3A_256 = arith.constant 112 : index
        %swap3A_257 = tpu.vector_load %arg28[%swap3A_255, %swap3A_256] {strides = array<i32>} : memref<128x256xf32, #tpu.memory_space<vmem>>, vector<16xf32>,
        tpu.vector_store %arg28[%swap3A_255, %swap3A_256], %mul3A_254 {strides = array<i32>} : memref<128x256xf32, #tpu.memory_space<vmem>>, vector<16xf32>,
        %broadcast_in_dim3A_258 = arith.constant 2 : i32
        %broadcast_in_dim3A_259 = vector.broadcast %broadcast_in_dim3A_258 : i32 to vector<16xi32>
        %gather3A_260 = tpu.vector_load_idx %arg30[%broadcast_in_dim3A_259, %add3A_198] : memref<8x128xf32, #tpu.memory_space<vmem>>[vector<16xi32>, vector<16xi32>], vector<16xf32>,
        %get3A_261 = arith.index_cast %scan3A_194 : i32 to index
        %get3A_262 = arith.constant 128 : index
        %get3A_263 = tpu.vector_load %arg28[%get3A_261, %get3A_262] {strides = array<i32>} : memref<128x256xf32, #tpu.memory_space<vmem>>, vector<16xf32>,
        %mul3A_264 = arith.mulf %get3A_263, %gather3A_260 : vector<16xf32>
        %swap3A_265 = arith.index_cast %scan3A_194 : i32 to index
        %swap3A_266 = arith.constant 128 : index
        %swap3A_267 = tpu.vector_load %arg28[%swap3A_265, %swap3A_266] {strides = array<i32>} : memref<128x256xf32, #tpu.memory_space<vmem>>, vector<16xf32>,
        tpu.vector_store %arg28[%swap3A_265, %swap3A_266], %mul3A_264 {strides = array<i32>} : memref<128x256xf32, #tpu.memory_space<vmem>>, vector<16xf32>,
        %get3A_268 = arith.index_cast %scan3A_194 : i32 to index
        %get3A_269 = arith.constant 144 : index
        %get3A_270 = tpu.vector_load %arg28[%get3A_268, %get3A_269] {strides = array<i32>} : memref<128x256xf32, #tpu.memory_space<vmem>>, vector<16xf32>,
        %mul3A_271 = arith.mulf %get3A_270, %gather3A_260 : vector<16xf32>
        %swap3A_272 = arith.index_cast %scan3A_194 : i32 to index
        %swap3A_273 = arith.constant 144 : index
        %swap3A_274 = tpu.vector_load %arg28[%swap3A_272, %swap3A_273] {strides = array<i32>} : memref<128x256xf32, #tpu.memory_space<vmem>>, vector<16xf32>,
        tpu.vector_store %arg28[%swap3A_272, %swap3A_273], %mul3A_271 {strides = array<i32>} : memref<128x256xf32, #tpu.memory_space<vmem>>, vector<16xf32>,
        %get3A_275 = arith.index_cast %scan3A_194 : i32 to index
        %get3A_276 = arith.constant 160 : index
        %get3A_277 = tpu.vector_load %arg28[%get3A_275, %get3A_276] {strides = array<i32>} : memref<128x256xf32, #tpu.memory_space<vmem>>, vector<16xf32>,
        %mul3A_278 = arith.mulf %get3A_277, %gather3A_260 : vector<16xf32>
        %swap3A_279 = arith.index_cast %scan3A_194 : i32 to index
        %swap3A_280 = arith.constant 160 : index
        %swap3A_281 = tpu.vector_load %arg28[%swap3A_279, %swap3A_280] {strides = array<i32>} : memref<128x256xf32, #tpu.memory_space<vmem>>, vector<16xf32>,
        tpu.vector_store %arg28[%swap3A_279, %swap3A_280], %mul3A_278 {strides = array<i32>} : memref<128x256xf32, #tpu.memory_space<vmem>>, vector<16xf32>,
        %get3A_282 = arith.index_cast %scan3A_194 : i32 to index
        %get3A_283 = arith.constant 176 : index
        %get3A_284 = tpu.vector_load %arg28[%get3A_282, %get3A_283] {strides = array<i32>} : memref<128x256xf32, #tpu.memory_space<vmem>>, vector<16xf32>,
        %mul3A_285 = arith.mulf %get3A_284, %gather3A_260 : vector<16xf32>
        %swap3A_286 = arith.index_cast %scan3A_194 : i32 to index
        %swap3A_287 = arith.constant 176 : index
        %swap3A_288 = tpu.vector_load %arg28[%swap3A_286, %swap3A_287] {strides = array<i32>} : memref<128x256xf32, #tpu.memory_space<vmem>>, vector<16xf32>,
        tpu.vector_store %arg28[%swap3A_286, %swap3A_287], %mul3A_285 {strides = array<i32>} : memref<128x256xf32, #tpu.memory_space<vmem>>, vector<16xf32>,
        %broadcast_in_dim3A_289 = arith.constant 3 : i32
        %broadcast_in_dim3A_290 = vector.broadcast %broadcast_in_dim3A_289 : i32 to vector<16xi32>
        %gather3A_291 = tpu.vector_load_idx %arg30[%broadcast_in_dim3A_290, %add3A_198] : memref<8x128xf32, #tpu.memory_space<vmem>>[vector<16xi32>, vector<16xi32>], vector<16xf32>,
        %get3A_292 = arith.index_cast %scan3A_194 : i32 to index
        %get3A_293 = arith.constant 192 : index
        %get3A_294 = tpu.vector_load %arg28[%get3A_292, %get3A_293] {strides = array<i32>} : memref<128x256xf32, #tpu.memory_space<vmem>>, vector<16xf32>,
        %mul3A_295 = arith.mulf %get3A_294, %gather3A_291 : vector<16xf32>
        %swap3A_296 = arith.index_cast %scan3A_194 : i32 to index
        %swap3A_297 = arith.constant 192 : index
        %swap3A_298 = tpu.vector_load %arg28[%swap3A_296, %swap3A_297] {strides = array<i32>} : memref<128x256xf32, #tpu.memory_space<vmem>>, vector<16xf32>,
        tpu.vector_store %arg28[%swap3A_296, %swap3A_297], %mul3A_295 {strides = array<i32>} : memref<128x256xf32, #tpu.memory_space<vmem>>, vector<16xf32>,
        %get3A_299 = arith.index_cast %scan3A_194 : i32 to index
        %get3A_300 = arith.constant 208 : index
        %get3A_301 = tpu.vector_load %arg28[%get3A_299, %get3A_300] {strides = array<i32>} : memref<128x256xf32, #tpu.memory_space<vmem>>, vector<16xf32>,
        %mul3A_302 = arith.mulf %get3A_301, %gather3A_291 : vector<16xf32>
        %swap3A_303 = arith.index_cast %scan3A_194 : i32 to index
        %swap3A_304 = arith.constant 208 : index
        %swap3A_305 = tpu.vector_load %arg28[%swap3A_303, %swap3A_304] {strides = array<i32>} : memref<128x256xf32, #tpu.memory_space<vmem>>, vector<16xf32>,
        tpu.vector_store %arg28[%swap3A_303, %swap3A_304], %mul3A_302 {strides = array<i32>} : memref<128x256xf32, #tpu.memory_space<vmem>>, vector<16xf32>,
        %get3A_306 = arith.index_cast %scan3A_194 : i32 to index
        %get3A_307 = arith.constant 224 : index
        %get3A_308 = tpu.vector_load %arg28[%get3A_306, %get3A_307] {strides = array<i32>} : memref<128x256xf32, #tpu.memory_space<vmem>>, vector<16xf32>,
        %mul3A_309 = arith.mulf %get3A_308, %gather3A_291 : vector<16xf32>
        %swap3A_310 = arith.index_cast %scan3A_194 : i32 to index
        %swap3A_311 = arith.constant 224 : index
        %swap3A_312 = tpu.vector_load %arg28[%swap3A_310, %swap3A_311] {strides = array<i32>} : memref<128x256xf32, #tpu.memory_space<vmem>>, vector<16xf32>,
        tpu.vector_store %arg28[%swap3A_310, %swap3A_311], %mul3A_309 {strides = array<i32>} : memref<128x256xf32, #tpu.memory_space<vmem>>, vector<16xf32>,
        %get3A_313 = arith.index_cast %scan3A_194 : i32 to index
        %get3A_314 = arith.constant 240 : index
        %get3A_315 = tpu.vector_load %arg28[%get3A_313, %get3A_314] {strides = array<i32>} : memref<128x256xf32, #tpu.memory_space<vmem>>, vector<16xf32>,
        %mul3A_316 = arith.mulf %get3A_315, %gather3A_291 : vector<16xf32>
        %swap3A_317 = arith.index_cast %scan3A_194 : i32 to index
        %swap3A_318 = arith.constant 240 : index
        %swap3A_319 = tpu.vector_load %arg28[%swap3A_317, %swap3A_318] {strides = array<i32>} : memref<128x256xf32, #tpu.memory_space<vmem>>, vector<16xf32>,
        tpu.vector_store %arg28[%swap3A_317, %swap3A_318], %mul3A_316 {strides = array<i32>} : memref<128x256xf32, #tpu.memory_space<vmem>>, vector<16xf32>,
      }
      %scan3A_143 = arith.constant 128 : i32
      "tpu.region"() ({
        %run_scoped3A = tpu.sem_alloc : memref<!tpu.dma_semaphore, #tpu.memory_space<semaphore_mem>>
        %dma_start3A_194 = arith.constant 0 : i32
        %dma_start3A_195 = arith.constant 0 : i32
        %dma_start3A_196 = tpu.memref_slice %arg31[%dma_start3A_194, %dma_start3A_195] : memref<2500x256xf32, #tpu.memory_space<vmem_shared>> -> memref<2500x256xf32, #tpu.memory_space<vmem_shared>>
        tpu.enqueue_indirect_dma source(%arg28 : memref<128x256xf32, #tpu.memory_space<vmem>>) target(%dma_start3A_196 : memref<2500x256xf32, #tpu.memory_space<vmem_shared>>) offsets(%arg12 : memref<128xi32, #tpu.memory_space<vmem>>) semaphore(%run_scoped3A : memref<!tpu.dma_semaphore, #tpu.memory_space<semaphore_mem>>) {add = true}
        %dma_wait3A_197 = arith.constant 0 : i32
        %dma_wait3A_198 = arith.constant 0 : i32
        %dma_wait3A_199 = tpu.memref_slice %arg31[%dma_wait3A_197, %dma_wait3A_198] : memref<2500x256xf32, #tpu.memory_space<vmem_shared>> -> memref<2500x256xf32, #tpu.memory_space<vmem_shared>>
        tpu.wait_indirect_dma semaphore(%run_scoped3A : memref<!tpu.dma_semaphore, #tpu.memory_space<semaphore_mem>>) src(%arg28 : memref<128x256xf32, #tpu.memory_space<vmem>>) dst(%dma_wait3A_199 : memref<2500x256xf32, #tpu.memory_space<vmem_shared>>)
        tpu.yield
      }) : () -> ()
      %add3A_144 = arith.constant 2 : i32
      %add3A_145 = arith.addi %mul3A_87, %add3A_144 : i32
      %lt3A_146 = arith.constant 80 : i32
      %lt3A_147 = arith.cmpi slt, %add3A_145, %lt3A_146 : i32
      %convert_element_type3A_148 = arith.extui %lt3A_147 : i1 to i32
      %cond3A_149 = arith.constant 0 : i32
      %cond3A_150 = arith.cmpi ne, %convert_element_type3A_148, %cond3A_149 : i32
      scf.if %cond3A_150 {
        %add3A_194 = arith.constant 2 : i32
        %add3A_195 = arith.addi %mul3A_87, %add3A_194 : i32
        %mul3A_196 = arith.constant 128 : i32
        %mul3A_197 = arith.muli %add3A_195, %mul3A_196 : i32
        %add3A_198 = arith.addi %mul3A_25, %mul3A_197 : i32
        %dma_start3A_199 = tpu.memref_slice %arg2[%add3A_198] : memref<163840xi32, #tpu.memory_space<hbm>> -> memref<128xi32, #tpu.memory_space<hbm>>
        %dma_start3A_200 = tpu.memref_slice %arg2[%add3A_198] : memref<163840xi32, #tpu.memory_space<hbm>> -> memref<128xi32, #tpu.memory_space<hbm>>
        tpu.enqueue_dma source(%dma_start3A_200 : memref<128xi32, #tpu.memory_space<hbm>>) target(%arg10 : memref<128xi32, #tpu.memory_space<vmem>>) target_semaphore(%arg32 : memref<!tpu.dma_semaphore, #tpu.memory_space<semaphore_mem>>)
        %dma_start3A_201 = tpu.memref_slice %arg3[%add3A_198] : memref<163840xi32, #tpu.memory_space<hbm>> -> memref<128xi32, #tpu.memory_space<hbm>>
        %dma_start3A_202 = tpu.memref_slice %arg3[%add3A_198] : memref<163840xi32, #tpu.memory_space<hbm>> -> memref<128xi32, #tpu.memory_space<hbm>>
        tpu.enqueue_dma source(%dma_start3A_202 : memref<128xi32, #tpu.memory_space<hbm>>) target(%arg12 : memref<128xi32, #tpu.memory_space<vmem>>) target_semaphore(%arg32 : memref<!tpu.dma_semaphore, #tpu.memory_space<semaphore_mem>>)
        %dma_start3A_203 = tpu.memref_slice %arg4[%add3A_198] : memref<163840xi32, #tpu.memory_space<hbm>> -> memref<128xi32, #tpu.memory_space<hbm>>
        %dma_start3A_204 = tpu.memref_slice %arg4[%add3A_198] : memref<163840xi32, #tpu.memory_space<hbm>> -> memref<128xi32, #tpu.memory_space<hbm>>
        tpu.enqueue_dma source(%dma_start3A_204 : memref<128xi32, #tpu.memory_space<hbm>>) target(%arg14 : memref<128xi32, #tpu.memory_space<vmem>>) target_semaphore(%arg32 : memref<!tpu.dma_semaphore, #tpu.memory_space<semaphore_mem>>)
      } else {
      }
      %add3A_151 = arith.constant 2 : i32
      %add3A_152 = arith.addi %mul3A_87, %add3A_151 : i32
      %lt3A_153 = arith.constant 80 : i32
      %lt3A_154 = arith.cmpi slt, %add3A_152, %lt3A_153 : i32
      %convert_element_type3A_155 = arith.extui %lt3A_154 : i1 to i32
      %cond3A_156 = arith.constant 0 : i32
      %cond3A_157 = arith.cmpi ne, %convert_element_type3A_155, %cond3A_156 : i32
      scf.if %cond3A_157 {
        %add3A_194 = arith.constant 2 : i32
        %add3A_195 = arith.addi %mul3A_87, %add3A_194 : i32
        %mul3A_196 = arith.constant 128 : i32
        %mul3A_197 = arith.muli %add3A_195, %mul3A_196 : i32
        %add3A_198 = arith.addi %mul3A_25, %mul3A_197 : i32
        %dma_wait3A_199 = tpu.memref_slice %arg2[%add3A_198] : memref<163840xi32, #tpu.memory_space<hbm>> -> memref<128xi32, #tpu.memory_space<hbm>>
        %dma_wait3A_200 = tpu.memref_slice %arg2[%add3A_198] : memref<163840xi32, #tpu.memory_space<hbm>> -> memref<128xi32, #tpu.memory_space<hbm>>
        tpu.wait_dma2 semaphore(%arg32 : memref<!tpu.dma_semaphore, #tpu.memory_space<semaphore_mem>>) src(%dma_wait3A_200 : memref<128xi32, #tpu.memory_space<hbm>>) dst(%arg10 : memref<128xi32, #tpu.memory_space<vmem>>)
        %dma_wait3A_201 = tpu.memref_slice %arg3[%add3A_198] : memref<163840xi32, #tpu.memory_space<hbm>> -> memref<128xi32, #tpu.memory_space<hbm>>
        %dma_wait3A_202 = tpu.memref_slice %arg3[%add3A_198] : memref<163840xi32, #tpu.memory_space<hbm>> -> memref<128xi32, #tpu.memory_space<hbm>>
        tpu.wait_dma2 semaphore(%arg32 : memref<!tpu.dma_semaphore, #tpu.memory_space<semaphore_mem>>) src(%dma_wait3A_202 : memref<128xi32, #tpu.memory_space<hbm>>) dst(%arg12 : memref<128xi32, #tpu.memory_space<vmem>>)
        %dma_wait3A_203 = tpu.memref_slice %arg4[%add3A_198] : memref<163840xi32, #tpu.memory_space<hbm>> -> memref<128xi32, #tpu.memory_space<hbm>>
        %dma_wait3A_204 = tpu.memref_slice %arg4[%add3A_198] : memref<163840xi32, #tpu.memory_space<hbm>> -> memref<128xi32, #tpu.memory_space<hbm>>
        tpu.wait_dma2 semaphore(%arg32 : memref<!tpu.dma_semaphore, #tpu.memory_space<semaphore_mem>>) src(%dma_wait3A_204 : memref<128xi32, #tpu.memory_space<hbm>>) dst(%arg14 : memref<128xi32, #tpu.memory_space<vmem>>)
        %scan3A_205 = arith.constant 0 : i32
        %scan3A_206 = arith.constant 0 : i32
        %scan3A_207 = arith.constant 8 : i32
        %scan3A_208 = arith.addi %scan3A_206, %scan3A_207 : i32
        %scan3A_209 = arith.constant 1 : i32
        scf.for %scan3A_223 = %scan3A_206 to %scan3A_208 step %scan3A_209  : i32 {
          %mul3A_224 = arith.constant 16 : i32
          %mul3A_225 = arith.muli %scan3A_223, %mul3A_224 : i32
          %get3A = arith.index_cast %mul3A_225 : i32 to index
          %get3A_226 = tpu.vector_load %arg10[%get3A] {strides = array<i32>} : memref<128xi32, #tpu.memory_space<vmem>>, vector<16xi32>,
          %mul3A_227 = arith.constant 16 : i32
          %mul3A_228 = arith.muli %scan3A_223, %mul3A_227 : i32
          %get3A_229 = arith.index_cast %mul3A_228 : i32 to index
          %get3A_230 = tpu.vector_load %arg12[%get3A_229] {strides = array<i32>} : memref<128xi32, #tpu.memory_space<vmem>>, vector<16xi32>,
          %mul3A_231 = arith.constant 16 : i32
          %mul3A_232 = arith.muli %scan3A_223, %mul3A_231 : i32
          %get3A_233 = arith.index_cast %mul3A_232 : i32 to index
          %get3A_234 = tpu.vector_load %arg14[%get3A_233] {strides = array<i32>} : memref<128xi32, #tpu.memory_space<vmem>>, vector<16xi32>,
          %mul3A_235 = arith.constant 10000 : i32
          %mul3A_236 = vector.broadcast %mul3A_235 : i32 to vector<16xi32>
          %mul3A_237 = arith.muli %get3A_234, %mul3A_236 : vector<16xi32>
          %add3A_238 = arith.addi %mul3A_237, %get3A_226 : vector<16xi32>
          %mul3A_239 = arith.constant 16 : i32
          %mul3A_240 = arith.muli %scan3A_223, %mul3A_239 : i32
          %swap3A = arith.index_cast %mul3A_240 : i32 to index
          %swap3A_241 = tpu.vector_load %arg20[%swap3A] {strides = array<i32>} : memref<128xi32, #tpu.memory_space<vmem>>, vector<16xi32>,
          tpu.vector_store %arg20[%swap3A], %add3A_238 {strides = array<i32>} : memref<128xi32, #tpu.memory_space<vmem>>, vector<16xi32>,
          %mul3A_242 = arith.constant 50000 : i32
          %mul3A_243 = arith.muli %arg0, %mul3A_242 : i32
          %add3A_244 = vector.broadcast %mul3A_243 : i32 to vector<16xi32>
          %add3A_245 = arith.addi %add3A_238, %add3A_244 : vector<16xi32>
          %mul3A_246 = arith.constant 16 : i32
          %mul3A_247 = arith.muli %scan3A_223, %mul3A_246 : i32
          %swap3A_248 = arith.index_cast %mul3A_247 : i32 to index
          %swap3A_249 = tpu.vector_load %arg16[%swap3A_248] {strides = array<i32>} : memref<128xi32, #tpu.memory_space<vmem>>, vector<16xi32>,
          tpu.vector_store %arg16[%swap3A_248], %add3A_245 {strides = array<i32>} : memref<128xi32, #tpu.memory_space<vmem>>, vector<16xi32>,
          %mul3A_250 = arith.constant 2500 : i32
          %mul3A_251 = vector.broadcast %mul3A_250 : i32 to vector<16xi32>
          %mul3A_252 = arith.muli %get3A_234, %mul3A_251 : vector<16xi32>
          %add3A_253 = arith.addi %mul3A_252, %get3A_230 : vector<16xi32>
          %mul3A_254 = arith.constant 16 : i32
          %mul3A_255 = arith.muli %scan3A_223, %mul3A_254 : i32
          %swap3A_256 = arith.index_cast %mul3A_255 : i32 to index
          %swap3A_257 = tpu.vector_load %arg18[%swap3A_256] {strides = array<i32>} : memref<128xi32, #tpu.memory_space<vmem>>, vector<16xi32>,
          tpu.vector_store %arg18[%swap3A_256], %add3A_253 {strides = array<i32>} : memref<128xi32, #tpu.memory_space<vmem>>, vector<16xi32>,
        }
        %scan3A_210 = arith.constant 8 : i32
        %dma_start3A_211 = arith.constant 0 : i32
        %dma_start3A_212 = arith.constant 0 : i32
        %dma_start3A_213 = tpu.memref_slice %arg5[%dma_start3A_211, %dma_start3A_212] : memref<100000x256xf32, #tpu.memory_space<hbm>> -> memref<100000x256xf32, #tpu.memory_space<hbm>>
        tpu.enqueue_indirect_dma source(%dma_start3A_213 : memref<100000x256xf32, #tpu.memory_space<hbm>>) target(%arg28 : memref<128x256xf32, #tpu.memory_space<vmem>>) offsets(%arg16 : memref<128xi32, #tpu.memory_space<vmem>>) semaphore(%arg34 : memref<!tpu.dma_semaphore, #tpu.memory_space<semaphore_mem>>)
        %dma_start3A_214 = arith.constant 0 : i32
        %dma_start3A_215 = arith.constant 0 : i32
        %dma_start3A_216 = tpu.memref_slice %arg6[%dma_start3A_214, %dma_start3A_215] : memref<50000x16xf32, #tpu.memory_space<hbm>> -> memref<50000x16xf32, #tpu.memory_space<hbm>>
        tpu.enqueue_indirect_dma source(%dma_start3A_216 : memref<50000x16xf32, #tpu.memory_space<hbm>>) target(%arg22 : memref<128x16xf32, #tpu.memory_space<vmem>>) offsets(%arg20 : memref<128xi32, #tpu.memory_space<vmem>>) semaphore(%arg34 : memref<!tpu.dma_semaphore, #tpu.memory_space<semaphore_mem>>)
        %dma_start3A_217 = arith.constant 0 : i32
        %dma_start3A_218 = arith.constant 0 : i32
        %dma_start3A_219 = tpu.memref_slice %arg7[%dma_start3A_217, %dma_start3A_218] : memref<12500x16xf32, #tpu.memory_space<hbm>> -> memref<12500x16xf32, #tpu.memory_space<hbm>>
        tpu.enqueue_indirect_dma source(%dma_start3A_219 : memref<12500x16xf32, #tpu.memory_space<hbm>>) target(%arg24 : memref<128x16xf32, #tpu.memory_space<vmem>>) offsets(%arg18 : memref<128xi32, #tpu.memory_space<vmem>>) semaphore(%arg34 : memref<!tpu.dma_semaphore, #tpu.memory_space<semaphore_mem>>)
        %dma_start3A_220 = arith.constant 0 : i32
        %dma_start3A_221 = arith.constant 0 : i32
        %dma_start3A_222 = tpu.memref_slice %arg8[%dma_start3A_220, %dma_start3A_221] : memref<12500x16xf32, #tpu.memory_space<hbm>> -> memref<12500x16xf32, #tpu.memory_space<hbm>>
        tpu.enqueue_indirect_dma source(%dma_start3A_222 : memref<12500x16xf32, #tpu.memory_space<hbm>>) target(%arg26 : memref<128x16xf32, #tpu.memory_space<vmem>>) offsets(%arg18 : memref<128xi32, #tpu.memory_space<vmem>>) semaphore(%arg34 : memref<!tpu.dma_semaphore, #tpu.memory_space<semaphore_mem>>)
      } else {
      }
      %dma_wait3A_158 = arith.constant 0 : i32
      %dma_wait3A_159 = arith.constant 0 : i32
      %dma_wait3A_160 = tpu.memref_slice %arg5[%dma_wait3A_158, %dma_wait3A_159] : memref<100000x256xf32, #tpu.memory_space<hbm>> -> memref<100000x256xf32, #tpu.memory_space<hbm>>
      tpu.wait_indirect_dma semaphore(%arg35 : memref<!tpu.dma_semaphore, #tpu.memory_space<semaphore_mem>>) src(%dma_wait3A_160 : memref<100000x256xf32, #tpu.memory_space<hbm>>) dst(%arg29 : memref<128x256xf32, #tpu.memory_space<vmem>>)
      %dma_wait3A_161 = arith.constant 0 : i32
      %dma_wait3A_162 = arith.constant 0 : i32
      %dma_wait3A_163 = tpu.memref_slice %arg6[%dma_wait3A_161, %dma_wait3A_162] : memref<50000x16xf32, #tpu.memory_space<hbm>> -> memref<50000x16xf32, #tpu.memory_space<hbm>>
      tpu.wait_indirect_dma semaphore(%arg35 : memref<!tpu.dma_semaphore, #tpu.memory_space<semaphore_mem>>) src(%dma_wait3A_163 : memref<50000x16xf32, #tpu.memory_space<hbm>>) dst(%arg23 : memref<128x16xf32, #tpu.memory_space<vmem>>)
      %dma_wait3A_164 = arith.constant 0 : i32
      %dma_wait3A_165 = arith.constant 0 : i32
      %dma_wait3A_166 = tpu.memref_slice %arg7[%dma_wait3A_164, %dma_wait3A_165] : memref<12500x16xf32, #tpu.memory_space<hbm>> -> memref<12500x16xf32, #tpu.memory_space<hbm>>
      tpu.wait_indirect_dma semaphore(%arg35 : memref<!tpu.dma_semaphore, #tpu.memory_space<semaphore_mem>>) src(%dma_wait3A_166 : memref<12500x16xf32, #tpu.memory_space<hbm>>) dst(%arg25 : memref<128x16xf32, #tpu.memory_space<vmem>>)
      %dma_wait3A_167 = arith.constant 0 : i32
      %dma_wait3A_168 = arith.constant 0 : i32
      %dma_wait3A_169 = tpu.memref_slice %arg8[%dma_wait3A_167, %dma_wait3A_168] : memref<12500x16xf32, #tpu.memory_space<hbm>> -> memref<12500x16xf32, #tpu.memory_space<hbm>>
      tpu.wait_indirect_dma semaphore(%arg35 : memref<!tpu.dma_semaphore, #tpu.memory_space<semaphore_mem>>) src(%dma_wait3A_169 : memref<12500x16xf32, #tpu.memory_space<hbm>>) dst(%arg27 : memref<128x16xf32, #tpu.memory_space<vmem>>)
      %add3A_170 = arith.constant 1 : i32
      %add3A_171 = arith.addi %mul3A_87, %add3A_170 : i32
      %mul3A_172 = arith.constant 128 : i32
      %mul3A_173 = arith.muli %add3A_171, %mul3A_172 : i32
      %add3A_174 = arith.addi %mul3A_25, %mul3A_173 : i32
      %scan3A_175 = arith.constant 0 : i32
      %scan3A_176 = arith.constant 0 : i32
      %scan3A_177 = arith.constant 8 : i32
      %scan3A_178 = arith.addi %scan3A_176, %scan3A_177 : i32
      %scan3A_179 = arith.constant 1 : i32
      scf.for %scan3A_194 = %scan3A_176 to %scan3A_178 step %scan3A_179  : i32 {
        %mul3A_195 = arith.constant 16 : i32
        %mul3A_196 = arith.muli %scan3A_194, %mul3A_195 : i32
        %add3A_197 = vector.broadcast %mul3A_196 : i32 to vector<16xi32>
        %add3A_198 = arith.addi %add3A_197, %iota3A : vector<16xi32>
        %add3A_199 = vector.broadcast %add3A_174 : i32 to vector<16xi32>
        %add3A_200 = arith.addi %add3A_199, %add3A_198 : vector<16xi32>
        %lt3A_201 = arith.constant 160000 : i32
        %lt3A_202 = vector.broadcast %lt3A_201 : i32 to vector<16xi32>
        %lt3A_203 = arith.cmpi slt, %add3A_200, %lt3A_202 : vector<16xi32>
        %broadcast_in_dim3A_204 = arith.constant 0 : i32
        %broadcast_in_dim3A_205 = vector.broadcast %broadcast_in_dim3A_204 : i32 to vector<16xi32>
        %mul3A_206 = arith.constant 4 : i32
        %mul3A_207 = arith.muli %arg0, %mul3A_206 : i32
        %add3A_208 = vector.broadcast %mul3A_207 : i32 to vector<16xi32>
        %add3A_209 = arith.addi %broadcast_in_dim3A_205, %add3A_208 : vector<16xi32>
        %gather3A = tpu.vector_load_idx %arg23[%add3A_198, %add3A_209] : memref<128x16xf32, #tpu.memory_space<vmem>>[vector<16xi32>, vector<16xi32>], vector<16xf32>,
        %gather3A_210 = tpu.vector_load_idx %arg25[%add3A_198, %add3A_209] : memref<128x16xf32, #tpu.memory_space<vmem>>[vector<16xi32>, vector<16xi32>], vector<16xf32>,
        %gather3A_211 = tpu.vector_load_idx %arg27[%add3A_198, %add3A_209] : memref<128x16xf32, #tpu.memory_space<vmem>>[vector<16xi32>, vector<16xi32>], vector<16xf32>,
        %add3A_212 = arith.addf %gather3A, %gather3A_210 : vector<16xf32>
        %ge3A = arith.constant 0.000000e+00 : f32
        %ge3A_213 = vector.broadcast %ge3A : f32 to vector<16xf32>
        %ge3A_214 = arith.cmpf oge, %add3A_212, %ge3A_213 : vector<16xf32>
        %mul3A_215 = arith.constant 2.000000e-01 : f32
        %mul3A_216 = vector.broadcast %mul3A_215 : f32 to vector<16xf32>
        %mul3A_217 = arith.mulf %mul3A_216, %add3A_212 : vector<16xf32>
        %select_n3A_218 = arith.select %ge3A_214, %add3A_212, %mul3A_217 : vector<16xi1>, vector<16xf32>
        %exp3A = math.exp %select_n3A_218 : vector<16xf32>
        %mul3A_219 = arith.mulf %exp3A, %gather3A_211 : vector<16xf32>
        %jit3A_220 = arith.constant 0.000000e+00 : f32
        %broadcast_in_dim3A_221 = vector.broadcast %jit3A_220 : f32 to vector<16xf32>
        %select_n3A_222 = arith.select %lt3A_203, %mul3A_219, %broadcast_in_dim3A_221 : vector<16xi1>, vector<16xf32>
        %mul3A_223 = arith.constant 16 : i32
        %mul3A_224 = arith.muli %scan3A_194, %mul3A_223 : i32
        %swap3A = arith.constant 0 : i32
        %swap3A_225 = arith.index_cast %swap3A : i32 to index
        %swap3A_226 = arith.index_cast %mul3A_224 : i32 to index
        %swap3A_227 = tpu.vector_load %arg30[%swap3A_225, %swap3A_226] {strides = array<i32>} : memref<8x128xf32, #tpu.memory_space<vmem>>, vector<16xf32>,
        tpu.vector_store %arg30[%swap3A_225, %swap3A_226], %select_n3A_222 {strides = array<i32>} : memref<8x128xf32, #tpu.memory_space<vmem>>, vector<16xf32>,
        %broadcast_in_dim3A_228 = arith.constant 1 : i32
        %broadcast_in_dim3A_229 = vector.broadcast %broadcast_in_dim3A_228 : i32 to vector<16xi32>
        %mul3A_230 = arith.constant 4 : i32
        %mul3A_231 = arith.muli %arg0, %mul3A_230 : i32
        %add3A_232 = vector.broadcast %mul3A_231 : i32 to vector<16xi32>
        %add3A_233 = arith.addi %broadcast_in_dim3A_229, %add3A_232 : vector<16xi32>
        %gather3A_234 = tpu.vector_load_idx %arg23[%add3A_198, %add3A_233] : memref<128x16xf32, #tpu.memory_space<vmem>>[vector<16xi32>, vector<16xi32>], vector<16xf32>,
        %gather3A_235 = tpu.vector_load_idx %arg25[%add3A_198, %add3A_233] : memref<128x16xf32, #tpu.memory_space<vmem>>[vector<16xi32>, vector<16xi32>], vector<16xf32>,
        %gather3A_236 = tpu.vector_load_idx %arg27[%add3A_198, %add3A_233] : memref<128x16xf32, #tpu.memory_space<vmem>>[vector<16xi32>, vector<16xi32>], vector<16xf32>,
        %add3A_237 = arith.addf %gather3A_234, %gather3A_235 : vector<16xf32>
        %ge3A_238 = arith.constant 0.000000e+00 : f32
        %ge3A_239 = vector.broadcast %ge3A_238 : f32 to vector<16xf32>
        %ge3A_240 = arith.cmpf oge, %add3A_237, %ge3A_239 : vector<16xf32>
        %mul3A_241 = arith.constant 2.000000e-01 : f32
        %mul3A_242 = vector.broadcast %mul3A_241 : f32 to vector<16xf32>
        %mul3A_243 = arith.mulf %mul3A_242, %add3A_237 : vector<16xf32>
        %select_n3A_244 = arith.select %ge3A_240, %add3A_237, %mul3A_243 : vector<16xi1>, vector<16xf32>
        %exp3A_245 = math.exp %select_n3A_244 : vector<16xf32>
        %mul3A_246 = arith.mulf %exp3A_245, %gather3A_236 : vector<16xf32>
        %jit3A_247 = arith.constant 0.000000e+00 : f32
        %broadcast_in_dim3A_248 = vector.broadcast %jit3A_247 : f32 to vector<16xf32>
        %select_n3A_249 = arith.select %lt3A_203, %mul3A_246, %broadcast_in_dim3A_248 : vector<16xi1>, vector<16xf32>
        %mul3A_250 = arith.constant 16 : i32
        %mul3A_251 = arith.muli %scan3A_194, %mul3A_250 : i32
        %swap3A_252 = arith.constant 1 : i32
        %swap3A_253 = arith.index_cast %swap3A_252 : i32 to index
        %swap3A_254 = arith.index_cast %mul3A_251 : i32 to index
        %swap3A_255 = tpu.vector_load %arg30[%swap3A_253, %swap3A_254] {strides = array<i32>} : memref<8x128xf32, #tpu.memory_space<vmem>>, vector<16xf32>,
        tpu.vector_store %arg30[%swap3A_253, %swap3A_254], %select_n3A_249 {strides = array<i32>} : memref<8x128xf32, #tpu.memory_space<vmem>>, vector<16xf32>,
        %broadcast_in_dim3A_256 = arith.constant 2 : i32
        %broadcast_in_dim3A_257 = vector.broadcast %broadcast_in_dim3A_256 : i32 to vector<16xi32>
        %mul3A_258 = arith.constant 4 : i32
        %mul3A_259 = arith.muli %arg0, %mul3A_258 : i32
        %add3A_260 = vector.broadcast %mul3A_259 : i32 to vector<16xi32>
        %add3A_261 = arith.addi %broadcast_in_dim3A_257, %add3A_260 : vector<16xi32>
        %gather3A_262 = tpu.vector_load_idx %arg23[%add3A_198, %add3A_261] : memref<128x16xf32, #tpu.memory_space<vmem>>[vector<16xi32>, vector<16xi32>], vector<16xf32>,
        %gather3A_263 = tpu.vector_load_idx %arg25[%add3A_198, %add3A_261] : memref<128x16xf32, #tpu.memory_space<vmem>>[vector<16xi32>, vector<16xi32>], vector<16xf32>,
        %gather3A_264 = tpu.vector_load_idx %arg27[%add3A_198, %add3A_261] : memref<128x16xf32, #tpu.memory_space<vmem>>[vector<16xi32>, vector<16xi32>], vector<16xf32>,
        %add3A_265 = arith.addf %gather3A_262, %gather3A_263 : vector<16xf32>
        %ge3A_266 = arith.constant 0.000000e+00 : f32
        %ge3A_267 = vector.broadcast %ge3A_266 : f32 to vector<16xf32>
        %ge3A_268 = arith.cmpf oge, %add3A_265, %ge3A_267 : vector<16xf32>
        %mul3A_269 = arith.constant 2.000000e-01 : f32
        %mul3A_270 = vector.broadcast %mul3A_269 : f32 to vector<16xf32>
        %mul3A_271 = arith.mulf %mul3A_270, %add3A_265 : vector<16xf32>
        %select_n3A_272 = arith.select %ge3A_268, %add3A_265, %mul3A_271 : vector<16xi1>, vector<16xf32>
        %exp3A_273 = math.exp %select_n3A_272 : vector<16xf32>
        %mul3A_274 = arith.mulf %exp3A_273, %gather3A_264 : vector<16xf32>
        %jit3A_275 = arith.constant 0.000000e+00 : f32
        %broadcast_in_dim3A_276 = vector.broadcast %jit3A_275 : f32 to vector<16xf32>
        %select_n3A_277 = arith.select %lt3A_203, %mul3A_274, %broadcast_in_dim3A_276 : vector<16xi1>, vector<16xf32>
        %mul3A_278 = arith.constant 16 : i32
        %mul3A_279 = arith.muli %scan3A_194, %mul3A_278 : i32
        %swap3A_280 = arith.constant 2 : i32
        %swap3A_281 = arith.index_cast %swap3A_280 : i32 to index
        %swap3A_282 = arith.index_cast %mul3A_279 : i32 to index
        %swap3A_283 = tpu.vector_load %arg30[%swap3A_281, %swap3A_282] {strides = array<i32>} : memref<8x128xf32, #tpu.memory_space<vmem>>, vector<16xf32>,
        tpu.vector_store %arg30[%swap3A_281, %swap3A_282], %select_n3A_277 {strides = array<i32>} : memref<8x128xf32, #tpu.memory_space<vmem>>, vector<16xf32>,
        %broadcast_in_dim3A_284 = arith.constant 3 : i32
        %broadcast_in_dim3A_285 = vector.broadcast %broadcast_in_dim3A_284 : i32 to vector<16xi32>
        %mul3A_286 = arith.constant 4 : i32
        %mul3A_287 = arith.muli %arg0, %mul3A_286 : i32
        %add3A_288 = vector.broadcast %mul3A_287 : i32 to vector<16xi32>
        %add3A_289 = arith.addi %broadcast_in_dim3A_285, %add3A_288 : vector<16xi32>
        %gather3A_290 = tpu.vector_load_idx %arg23[%add3A_198, %add3A_289] : memref<128x16xf32, #tpu.memory_space<vmem>>[vector<16xi32>, vector<16xi32>], vector<16xf32>,
        %gather3A_291 = tpu.vector_load_idx %arg25[%add3A_198, %add3A_289] : memref<128x16xf32, #tpu.memory_space<vmem>>[vector<16xi32>, vector<16xi32>], vector<16xf32>,
        %gather3A_292 = tpu.vector_load_idx %arg27[%add3A_198, %add3A_289] : memref<128x16xf32, #tpu.memory_space<vmem>>[vector<16xi32>, vector<16xi32>], vector<16xf32>,
        %add3A_293 = arith.addf %gather3A_290, %gather3A_291 : vector<16xf32>
        %ge3A_294 = arith.constant 0.000000e+00 : f32
        %ge3A_295 = vector.broadcast %ge3A_294 : f32 to vector<16xf32>
        %ge3A_296 = arith.cmpf oge, %add3A_293, %ge3A_295 : vector<16xf32>
        %mul3A_297 = arith.constant 2.000000e-01 : f32
        %mul3A_298 = vector.broadcast %mul3A_297 : f32 to vector<16xf32>
        %mul3A_299 = arith.mulf %mul3A_298, %add3A_293 : vector<16xf32>
        %select_n3A_300 = arith.select %ge3A_296, %add3A_293, %mul3A_299 : vector<16xi1>, vector<16xf32>
        %exp3A_301 = math.exp %select_n3A_300 : vector<16xf32>
        %mul3A_302 = arith.mulf %exp3A_301, %gather3A_292 : vector<16xf32>
        %jit3A_303 = arith.constant 0.000000e+00 : f32
        %broadcast_in_dim3A_304 = vector.broadcast %jit3A_303 : f32 to vector<16xf32>
        %select_n3A_305 = arith.select %lt3A_203, %mul3A_302, %broadcast_in_dim3A_304 : vector<16xi1>, vector<16xf32>
        %mul3A_306 = arith.constant 16 : i32
        %mul3A_307 = arith.muli %scan3A_194, %mul3A_306 : i32
        %swap3A_308 = arith.constant 3 : i32
        %swap3A_309 = arith.index_cast %swap3A_308 : i32 to index
        %swap3A_310 = arith.index_cast %mul3A_307 : i32 to index
        %swap3A_311 = tpu.vector_load %arg30[%swap3A_309, %swap3A_310] {strides = array<i32>} : memref<8x128xf32, #tpu.memory_space<vmem>>, vector<16xf32>,
        tpu.vector_store %arg30[%swap3A_309, %swap3A_310], %select_n3A_305 {strides = array<i32>} : memref<8x128xf32, #tpu.memory_space<vmem>>, vector<16xf32>,
      }
      %scan3A_180 = arith.constant 8 : i32
      %scan3A_181 = arith.constant 0 : i32
      %scan3A_182 = arith.constant 0 : i32
      %scan3A_183 = arith.constant 128 : i32
      %scan3A_184 = arith.addi %scan3A_182, %scan3A_183 : i32
      %scan3A_185 = arith.constant 1 : i32
      scf.for %scan3A_194 = %scan3A_182 to %scan3A_184 step %scan3A_185  : i32 {
        %broadcast_in_dim3A_195 = arith.constant 0 : i32
        %broadcast_in_dim3A_196 = vector.broadcast %broadcast_in_dim3A_195 : i32 to vector<16xi32>
        %add3A_197 = vector.broadcast %scan3A_194 : i32 to vector<16xi32>
        %add3A_198 = arith.addi %broadcast_in_dim3A_196, %add3A_197 : vector<16xi32>
        %broadcast_in_dim3A_199 = arith.constant 0 : i32
        %broadcast_in_dim3A_200 = vector.broadcast %broadcast_in_dim3A_199 : i32 to vector<16xi32>
        %gather3A = tpu.vector_load_idx %arg30[%broadcast_in_dim3A_200, %add3A_198] : memref<8x128xf32, #tpu.memory_space<vmem>>[vector<16xi32>, vector<16xi32>], vector<16xf32>,
        %get3A = arith.index_cast %scan3A_194 : i32 to index
        %get3A_201 = arith.constant 0 : index
        %get3A_202 = tpu.vector_load %arg29[%get3A, %get3A_201] {strides = array<i32>} : memref<128x256xf32, #tpu.memory_space<vmem>>, vector<16xf32>,
        %mul3A_203 = arith.mulf %get3A_202, %gather3A : vector<16xf32>
        %swap3A = arith.index_cast %scan3A_194 : i32 to index
        %swap3A_204 = arith.constant 0 : index
        %swap3A_205 = tpu.vector_load %arg29[%swap3A, %swap3A_204] {strides = array<i32>} : memref<128x256xf32, #tpu.memory_space<vmem>>, vector<16xf32>,
        tpu.vector_store %arg29[%swap3A, %swap3A_204], %mul3A_203 {strides = array<i32>} : memref<128x256xf32, #tpu.memory_space<vmem>>, vector<16xf32>,
        %get3A_206 = arith.index_cast %scan3A_194 : i32 to index
        %get3A_207 = arith.constant 16 : index
        %get3A_208 = tpu.vector_load %arg29[%get3A_206, %get3A_207] {strides = array<i32>} : memref<128x256xf32, #tpu.memory_space<vmem>>, vector<16xf32>,
        %mul3A_209 = arith.mulf %get3A_208, %gather3A : vector<16xf32>
        %swap3A_210 = arith.index_cast %scan3A_194 : i32 to index
        %swap3A_211 = arith.constant 16 : index
        %swap3A_212 = tpu.vector_load %arg29[%swap3A_210, %swap3A_211] {strides = array<i32>} : memref<128x256xf32, #tpu.memory_space<vmem>>, vector<16xf32>,
        tpu.vector_store %arg29[%swap3A_210, %swap3A_211], %mul3A_209 {strides = array<i32>} : memref<128x256xf32, #tpu.memory_space<vmem>>, vector<16xf32>,
        %get3A_213 = arith.index_cast %scan3A_194 : i32 to index
        %get3A_214 = arith.constant 32 : index
        %get3A_215 = tpu.vector_load %arg29[%get3A_213, %get3A_214] {strides = array<i32>} : memref<128x256xf32, #tpu.memory_space<vmem>>, vector<16xf32>,
        %mul3A_216 = arith.mulf %get3A_215, %gather3A : vector<16xf32>
        %swap3A_217 = arith.index_cast %scan3A_194 : i32 to index
        %swap3A_218 = arith.constant 32 : index
        %swap3A_219 = tpu.vector_load %arg29[%swap3A_217, %swap3A_218] {strides = array<i32>} : memref<128x256xf32, #tpu.memory_space<vmem>>, vector<16xf32>,
        tpu.vector_store %arg29[%swap3A_217, %swap3A_218], %mul3A_216 {strides = array<i32>} : memref<128x256xf32, #tpu.memory_space<vmem>>, vector<16xf32>,
        %get3A_220 = arith.index_cast %scan3A_194 : i32 to index
        %get3A_221 = arith.constant 48 : index
        %get3A_222 = tpu.vector_load %arg29[%get3A_220, %get3A_221] {strides = array<i32>} : memref<128x256xf32, #tpu.memory_space<vmem>>, vector<16xf32>,
        %mul3A_223 = arith.mulf %get3A_222, %gather3A : vector<16xf32>
        %swap3A_224 = arith.index_cast %scan3A_194 : i32 to index
        %swap3A_225 = arith.constant 48 : index
        %swap3A_226 = tpu.vector_load %arg29[%swap3A_224, %swap3A_225] {strides = array<i32>} : memref<128x256xf32, #tpu.memory_space<vmem>>, vector<16xf32>,
        tpu.vector_store %arg29[%swap3A_224, %swap3A_225], %mul3A_223 {strides = array<i32>} : memref<128x256xf32, #tpu.memory_space<vmem>>, vector<16xf32>,
        %broadcast_in_dim3A_227 = arith.constant 1 : i32
        %broadcast_in_dim3A_228 = vector.broadcast %broadcast_in_dim3A_227 : i32 to vector<16xi32>
        %gather3A_229 = tpu.vector_load_idx %arg30[%broadcast_in_dim3A_228, %add3A_198] : memref<8x128xf32, #tpu.memory_space<vmem>>[vector<16xi32>, vector<16xi32>], vector<16xf32>,
        %get3A_230 = arith.index_cast %scan3A_194 : i32 to index
        %get3A_231 = arith.constant 64 : index
        %get3A_232 = tpu.vector_load %arg29[%get3A_230, %get3A_231] {strides = array<i32>} : memref<128x256xf32, #tpu.memory_space<vmem>>, vector<16xf32>,
        %mul3A_233 = arith.mulf %get3A_232, %gather3A_229 : vector<16xf32>
        %swap3A_234 = arith.index_cast %scan3A_194 : i32 to index
        %swap3A_235 = arith.constant 64 : index
        %swap3A_236 = tpu.vector_load %arg29[%swap3A_234, %swap3A_235] {strides = array<i32>} : memref<128x256xf32, #tpu.memory_space<vmem>>, vector<16xf32>,
        tpu.vector_store %arg29[%swap3A_234, %swap3A_235], %mul3A_233 {strides = array<i32>} : memref<128x256xf32, #tpu.memory_space<vmem>>, vector<16xf32>,
        %get3A_237 = arith.index_cast %scan3A_194 : i32 to index
        %get3A_238 = arith.constant 80 : index
        %get3A_239 = tpu.vector_load %arg29[%get3A_237, %get3A_238] {strides = array<i32>} : memref<128x256xf32, #tpu.memory_space<vmem>>, vector<16xf32>,
        %mul3A_240 = arith.mulf %get3A_239, %gather3A_229 : vector<16xf32>
        %swap3A_241 = arith.index_cast %scan3A_194 : i32 to index
        %swap3A_242 = arith.constant 80 : index
        %swap3A_243 = tpu.vector_load %arg29[%swap3A_241, %swap3A_242] {strides = array<i32>} : memref<128x256xf32, #tpu.memory_space<vmem>>, vector<16xf32>,
        tpu.vector_store %arg29[%swap3A_241, %swap3A_242], %mul3A_240 {strides = array<i32>} : memref<128x256xf32, #tpu.memory_space<vmem>>, vector<16xf32>,
        %get3A_244 = arith.index_cast %scan3A_194 : i32 to index
        %get3A_245 = arith.constant 96 : index
        %get3A_246 = tpu.vector_load %arg29[%get3A_244, %get3A_245] {strides = array<i32>} : memref<128x256xf32, #tpu.memory_space<vmem>>, vector<16xf32>,
        %mul3A_247 = arith.mulf %get3A_246, %gather3A_229 : vector<16xf32>
        %swap3A_248 = arith.index_cast %scan3A_194 : i32 to index
        %swap3A_249 = arith.constant 96 : index
        %swap3A_250 = tpu.vector_load %arg29[%swap3A_248, %swap3A_249] {strides = array<i32>} : memref<128x256xf32, #tpu.memory_space<vmem>>, vector<16xf32>,
        tpu.vector_store %arg29[%swap3A_248, %swap3A_249], %mul3A_247 {strides = array<i32>} : memref<128x256xf32, #tpu.memory_space<vmem>>, vector<16xf32>,
        %get3A_251 = arith.index_cast %scan3A_194 : i32 to index
        %get3A_252 = arith.constant 112 : index
        %get3A_253 = tpu.vector_load %arg29[%get3A_251, %get3A_252] {strides = array<i32>} : memref<128x256xf32, #tpu.memory_space<vmem>>, vector<16xf32>,
        %mul3A_254 = arith.mulf %get3A_253, %gather3A_229 : vector<16xf32>
        %swap3A_255 = arith.index_cast %scan3A_194 : i32 to index
        %swap3A_256 = arith.constant 112 : index
        %swap3A_257 = tpu.vector_load %arg29[%swap3A_255, %swap3A_256] {strides = array<i32>} : memref<128x256xf32, #tpu.memory_space<vmem>>, vector<16xf32>,
        tpu.vector_store %arg29[%swap3A_255, %swap3A_256], %mul3A_254 {strides = array<i32>} : memref<128x256xf32, #tpu.memory_space<vmem>>, vector<16xf32>,
        %broadcast_in_dim3A_258 = arith.constant 2 : i32
        %broadcast_in_dim3A_259 = vector.broadcast %broadcast_in_dim3A_258 : i32 to vector<16xi32>
        %gather3A_260 = tpu.vector_load_idx %arg30[%broadcast_in_dim3A_259, %add3A_198] : memref<8x128xf32, #tpu.memory_space<vmem>>[vector<16xi32>, vector<16xi32>], vector<16xf32>,
        %get3A_261 = arith.index_cast %scan3A_194 : i32 to index
        %get3A_262 = arith.constant 128 : index
        %get3A_263 = tpu.vector_load %arg29[%get3A_261, %get3A_262] {strides = array<i32>} : memref<128x256xf32, #tpu.memory_space<vmem>>, vector<16xf32>,
        %mul3A_264 = arith.mulf %get3A_263, %gather3A_260 : vector<16xf32>
        %swap3A_265 = arith.index_cast %scan3A_194 : i32 to index
        %swap3A_266 = arith.constant 128 : index
        %swap3A_267 = tpu.vector_load %arg29[%swap3A_265, %swap3A_266] {strides = array<i32>} : memref<128x256xf32, #tpu.memory_space<vmem>>, vector<16xf32>,
        tpu.vector_store %arg29[%swap3A_265, %swap3A_266], %mul3A_264 {strides = array<i32>} : memref<128x256xf32, #tpu.memory_space<vmem>>, vector<16xf32>,
        %get3A_268 = arith.index_cast %scan3A_194 : i32 to index
        %get3A_269 = arith.constant 144 : index
        %get3A_270 = tpu.vector_load %arg29[%get3A_268, %get3A_269] {strides = array<i32>} : memref<128x256xf32, #tpu.memory_space<vmem>>, vector<16xf32>,
        %mul3A_271 = arith.mulf %get3A_270, %gather3A_260 : vector<16xf32>
        %swap3A_272 = arith.index_cast %scan3A_194 : i32 to index
        %swap3A_273 = arith.constant 144 : index
        %swap3A_274 = tpu.vector_load %arg29[%swap3A_272, %swap3A_273] {strides = array<i32>} : memref<128x256xf32, #tpu.memory_space<vmem>>, vector<16xf32>,
        tpu.vector_store %arg29[%swap3A_272, %swap3A_273], %mul3A_271 {strides = array<i32>} : memref<128x256xf32, #tpu.memory_space<vmem>>, vector<16xf32>,
        %get3A_275 = arith.index_cast %scan3A_194 : i32 to index
        %get3A_276 = arith.constant 160 : index
        %get3A_277 = tpu.vector_load %arg29[%get3A_275, %get3A_276] {strides = array<i32>} : memref<128x256xf32, #tpu.memory_space<vmem>>, vector<16xf32>,
        %mul3A_278 = arith.mulf %get3A_277, %gather3A_260 : vector<16xf32>
        %swap3A_279 = arith.index_cast %scan3A_194 : i32 to index
        %swap3A_280 = arith.constant 160 : index
        %swap3A_281 = tpu.vector_load %arg29[%swap3A_279, %swap3A_280] {strides = array<i32>} : memref<128x256xf32, #tpu.memory_space<vmem>>, vector<16xf32>,
        tpu.vector_store %arg29[%swap3A_279, %swap3A_280], %mul3A_278 {strides = array<i32>} : memref<128x256xf32, #tpu.memory_space<vmem>>, vector<16xf32>,
        %get3A_282 = arith.index_cast %scan3A_194 : i32 to index
        %get3A_283 = arith.constant 176 : index
        %get3A_284 = tpu.vector_load %arg29[%get3A_282, %get3A_283] {strides = array<i32>} : memref<128x256xf32, #tpu.memory_space<vmem>>, vector<16xf32>,
        %mul3A_285 = arith.mulf %get3A_284, %gather3A_260 : vector<16xf32>
        %swap3A_286 = arith.index_cast %scan3A_194 : i32 to index
        %swap3A_287 = arith.constant 176 : index
        %swap3A_288 = tpu.vector_load %arg29[%swap3A_286, %swap3A_287] {strides = array<i32>} : memref<128x256xf32, #tpu.memory_space<vmem>>, vector<16xf32>,
        tpu.vector_store %arg29[%swap3A_286, %swap3A_287], %mul3A_285 {strides = array<i32>} : memref<128x256xf32, #tpu.memory_space<vmem>>, vector<16xf32>,
        %broadcast_in_dim3A_289 = arith.constant 3 : i32
        %broadcast_in_dim3A_290 = vector.broadcast %broadcast_in_dim3A_289 : i32 to vector<16xi32>
        %gather3A_291 = tpu.vector_load_idx %arg30[%broadcast_in_dim3A_290, %add3A_198] : memref<8x128xf32, #tpu.memory_space<vmem>>[vector<16xi32>, vector<16xi32>], vector<16xf32>,
        %get3A_292 = arith.index_cast %scan3A_194 : i32 to index
        %get3A_293 = arith.constant 192 : index
        %get3A_294 = tpu.vector_load %arg29[%get3A_292, %get3A_293] {strides = array<i32>} : memref<128x256xf32, #tpu.memory_space<vmem>>, vector<16xf32>,
        %mul3A_295 = arith.mulf %get3A_294, %gather3A_291 : vector<16xf32>
        %swap3A_296 = arith.index_cast %scan3A_194 : i32 to index
        %swap3A_297 = arith.constant 192 : index
        %swap3A_298 = tpu.vector_load %arg29[%swap3A_296, %swap3A_297] {strides = array<i32>} : memref<128x256xf32, #tpu.memory_space<vmem>>, vector<16xf32>,
        tpu.vector_store %arg29[%swap3A_296, %swap3A_297], %mul3A_295 {strides = array<i32>} : memref<128x256xf32, #tpu.memory_space<vmem>>, vector<16xf32>,
        %get3A_299 = arith.index_cast %scan3A_194 : i32 to index
        %get3A_300 = arith.constant 208 : index
        %get3A_301 = tpu.vector_load %arg29[%get3A_299, %get3A_300] {strides = array<i32>} : memref<128x256xf32, #tpu.memory_space<vmem>>, vector<16xf32>,
        %mul3A_302 = arith.mulf %get3A_301, %gather3A_291 : vector<16xf32>
        %swap3A_303 = arith.index_cast %scan3A_194 : i32 to index
        %swap3A_304 = arith.constant 208 : index
        %swap3A_305 = tpu.vector_load %arg29[%swap3A_303, %swap3A_304] {strides = array<i32>} : memref<128x256xf32, #tpu.memory_space<vmem>>, vector<16xf32>,
        tpu.vector_store %arg29[%swap3A_303, %swap3A_304], %mul3A_302 {strides = array<i32>} : memref<128x256xf32, #tpu.memory_space<vmem>>, vector<16xf32>,
        %get3A_306 = arith.index_cast %scan3A_194 : i32 to index
        %get3A_307 = arith.constant 224 : index
        %get3A_308 = tpu.vector_load %arg29[%get3A_306, %get3A_307] {strides = array<i32>} : memref<128x256xf32, #tpu.memory_space<vmem>>, vector<16xf32>,
        %mul3A_309 = arith.mulf %get3A_308, %gather3A_291 : vector<16xf32>
        %swap3A_310 = arith.index_cast %scan3A_194 : i32 to index
        %swap3A_311 = arith.constant 224 : index
        %swap3A_312 = tpu.vector_load %arg29[%swap3A_310, %swap3A_311] {strides = array<i32>} : memref<128x256xf32, #tpu.memory_space<vmem>>, vector<16xf32>,
        tpu.vector_store %arg29[%swap3A_310, %swap3A_311], %mul3A_309 {strides = array<i32>} : memref<128x256xf32, #tpu.memory_space<vmem>>, vector<16xf32>,
        %get3A_313 = arith.index_cast %scan3A_194 : i32 to index
        %get3A_314 = arith.constant 240 : index
        %get3A_315 = tpu.vector_load %arg29[%get3A_313, %get3A_314] {strides = array<i32>} : memref<128x256xf32, #tpu.memory_space<vmem>>, vector<16xf32>,
        %mul3A_316 = arith.mulf %get3A_315, %gather3A_291 : vector<16xf32>
        %swap3A_317 = arith.index_cast %scan3A_194 : i32 to index
        %swap3A_318 = arith.constant 240 : index
        %swap3A_319 = tpu.vector_load %arg29[%swap3A_317, %swap3A_318] {strides = array<i32>} : memref<128x256xf32, #tpu.memory_space<vmem>>, vector<16xf32>,
        tpu.vector_store %arg29[%swap3A_317, %swap3A_318], %mul3A_316 {strides = array<i32>} : memref<128x256xf32, #tpu.memory_space<vmem>>, vector<16xf32>,
      }
      %scan3A_186 = arith.constant 128 : i32
      "tpu.region"() ({
        %run_scoped3A = tpu.sem_alloc : memref<!tpu.dma_semaphore, #tpu.memory_space<semaphore_mem>>
        %dma_start3A_194 = arith.constant 0 : i32
        %dma_start3A_195 = arith.constant 0 : i32
        %dma_start3A_196 = tpu.memref_slice %arg31[%dma_start3A_194, %dma_start3A_195] : memref<2500x256xf32, #tpu.memory_space<vmem_shared>> -> memref<2500x256xf32, #tpu.memory_space<vmem_shared>>
        tpu.enqueue_indirect_dma source(%arg29 : memref<128x256xf32, #tpu.memory_space<vmem>>) target(%dma_start3A_196 : memref<2500x256xf32, #tpu.memory_space<vmem_shared>>) offsets(%arg13 : memref<128xi32, #tpu.memory_space<vmem>>) semaphore(%run_scoped3A : memref<!tpu.dma_semaphore, #tpu.memory_space<semaphore_mem>>) {add = true}
        %dma_wait3A_197 = arith.constant 0 : i32
        %dma_wait3A_198 = arith.constant 0 : i32
        %dma_wait3A_199 = tpu.memref_slice %arg31[%dma_wait3A_197, %dma_wait3A_198] : memref<2500x256xf32, #tpu.memory_space<vmem_shared>> -> memref<2500x256xf32, #tpu.memory_space<vmem_shared>>
        tpu.wait_indirect_dma semaphore(%run_scoped3A : memref<!tpu.dma_semaphore, #tpu.memory_space<semaphore_mem>>) src(%arg29 : memref<128x256xf32, #tpu.memory_space<vmem>>) dst(%dma_wait3A_199 : memref<2500x256xf32, #tpu.memory_space<vmem_shared>>)
        tpu.yield
      }) : () -> ()
      %add3A_187 = arith.constant 3 : i32
      %add3A_188 = arith.addi %mul3A_87, %add3A_187 : i32
      %lt3A_189 = arith.constant 80 : i32
      %lt3A_190 = arith.cmpi slt, %add3A_188, %lt3A_189 : i32
      %convert_element_type3A_191 = arith.extui %lt3A_190 : i1 to i32
      %cond3A_192 = arith.constant 0 : i32
      %cond3A_193 = arith.cmpi ne, %convert_element_type3A_191, %cond3A_192 : i32
      scf.if %cond3A_193 {
        %add3A_194 = arith.constant 3 : i32
        %add3A_195 = arith.addi %mul3A_87, %add3A_194 : i32
        %mul3A_196 = arith.constant 128 : i32
        %mul3A_197 = arith.muli %add3A_195, %mul3A_196 : i32
        %add3A_198 = arith.addi %mul3A_25, %mul3A_197 : i32
        %dma_start3A_199 = tpu.memref_slice %arg2[%add3A_198] : memref<163840xi32, #tpu.memory_space<hbm>> -> memref<128xi32, #tpu.memory_space<hbm>>
        %dma_start3A_200 = tpu.memref_slice %arg2[%add3A_198] : memref<163840xi32, #tpu.memory_space<hbm>> -> memref<128xi32, #tpu.memory_space<hbm>>
        tpu.enqueue_dma source(%dma_start3A_200 : memref<128xi32, #tpu.memory_space<hbm>>) target(%arg11 : memref<128xi32, #tpu.memory_space<vmem>>) target_semaphore(%arg33 : memref<!tpu.dma_semaphore, #tpu.memory_space<semaphore_mem>>)
        %dma_start3A_201 = tpu.memref_slice %arg3[%add3A_198] : memref<163840xi32, #tpu.memory_space<hbm>> -> memref<128xi32, #tpu.memory_space<hbm>>
        %dma_start3A_202 = tpu.memref_slice %arg3[%add3A_198] : memref<163840xi32, #tpu.memory_space<hbm>> -> memref<128xi32, #tpu.memory_space<hbm>>
        tpu.enqueue_dma source(%dma_start3A_202 : memref<128xi32, #tpu.memory_space<hbm>>) target(%arg13 : memref<128xi32, #tpu.memory_space<vmem>>) target_semaphore(%arg33 : memref<!tpu.dma_semaphore, #tpu.memory_space<semaphore_mem>>)
        %dma_start3A_203 = tpu.memref_slice %arg4[%add3A_198] : memref<163840xi32, #tpu.memory_space<hbm>> -> memref<128xi32, #tpu.memory_space<hbm>>
        %dma_start3A_204 = tpu.memref_slice %arg4[%add3A_198] : memref<163840xi32, #tpu.memory_space<hbm>> -> memref<128xi32, #tpu.memory_space<hbm>>
        tpu.enqueue_dma source(%dma_start3A_204 : memref<128xi32, #tpu.memory_space<hbm>>) target(%arg15 : memref<128xi32, #tpu.memory_space<vmem>>) target_semaphore(%arg33 : memref<!tpu.dma_semaphore, #tpu.memory_space<semaphore_mem>>)
      } else {
      }
    }
    %scan3A_71 = arith.constant 40 : i32
    %barrier3A_72 = arith.constant 0 : index
    tpu.barrier barrier_id(%barrier3A_72)
    %mul3A_73 = arith.constant 152 : i32
    %mul3A_74 = arith.muli %arg1, %mul3A_73 : i32
    %lt3A_75 = arith.constant 15 : i32
    %lt3A_76 = arith.cmpi slt, %arg1, %lt3A_75 : i32
    %convert_element_type3A_77 = arith.extui %lt3A_76 : i1 to i32
    %cond3A_78 = arith.constant 0 : i32
    %cond3A_79 = arith.cmpi ne, %convert_element_type3A_77, %cond3A_78 : i32
    scf.if %cond3A_79 {
      "tpu.region"() ({
        %run_scoped3A = tpu.sem_alloc : memref<!tpu.dma_semaphore, #tpu.memory_space<semaphore_mem>>
        %dma_start3A_85 = arith.constant 0 : i32
        %dma_start3A_86 = tpu.memref_slice %arg9[%arg0, %mul3A_74, %dma_start3A_85] : memref<2x2500x256xf32, #tpu.memory_space<hbm>> -> memref<1x152x256xf32, #tpu.memory_space<hbm>>
        %dma_start3A_87 = tpu.memref_squeeze %dma_start3A_86 : memref<1x152x256xf32, #tpu.memory_space<hbm>> -> memref<152x256xf32, #tpu.memory_space<hbm>>
        %dma_start3A_88 = arith.constant 0 : i32
        %dma_start3A_89 = tpu.memref_slice %arg31[%mul3A_74, %dma_start3A_88] : memref<2500x256xf32, #tpu.memory_space<vmem_shared>> -> memref<152x256xf32, #tpu.memory_space<vmem_shared>>
        tpu.enqueue_dma source(%dma_start3A_89 : memref<152x256xf32, #tpu.memory_space<vmem_shared>>) target(%dma_start3A_87 : memref<152x256xf32, #tpu.memory_space<hbm>>) target_semaphore(%run_scoped3A : memref<!tpu.dma_semaphore, #tpu.memory_space<semaphore_mem>>)
        %dma_wait3A_90 = arith.constant 0 : i32
        %dma_wait3A_91 = tpu.memref_slice %arg9[%arg0, %mul3A_74, %dma_wait3A_90] : memref<2x2500x256xf32, #tpu.memory_space<hbm>> -> memref<1x152x256xf32, #tpu.memory_space<hbm>>
        %dma_wait3A_92 = tpu.memref_squeeze %dma_wait3A_91 : memref<1x152x256xf32, #tpu.memory_space<hbm>> -> memref<152x256xf32, #tpu.memory_space<hbm>>
        %dma_wait3A_93 = arith.constant 0 : i32
        %dma_wait3A_94 = tpu.memref_slice %arg31[%mul3A_74, %dma_wait3A_93] : memref<2500x256xf32, #tpu.memory_space<vmem_shared>> -> memref<152x256xf32, #tpu.memory_space<vmem_shared>>
        tpu.wait_dma2 semaphore(%run_scoped3A : memref<!tpu.dma_semaphore, #tpu.memory_space<semaphore_mem>>) src(%dma_wait3A_94 : memref<152x256xf32, #tpu.memory_space<vmem_shared>>) dst(%dma_wait3A_92 : memref<152x256xf32, #tpu.memory_space<hbm>>)
        tpu.yield
      }) : () -> ()
    } else {
    }
    %eq3A_80 = arith.constant 15 : i32
    %eq3A_81 = arith.cmpi eq, %arg1, %eq3A_80 : i32
    %convert_element_type3A_82 = arith.extui %eq3A_81 : i1 to i32
    %cond3A_83 = arith.constant 0 : i32
    %cond3A_84 = arith.cmpi ne, %convert_element_type3A_82, %cond3A_83 : i32
    scf.if %cond3A_84 {
      "tpu.region"() ({
        %run_scoped3A = tpu.sem_alloc : memref<!tpu.dma_semaphore, #tpu.memory_space<semaphore_mem>>
        %dma_start3A_85 = arith.constant 2280 : i32
        %dma_start3A_86 = arith.constant 0 : i32
        %dma_start3A_87 = tpu.memref_slice %arg9[%arg0, %dma_start3A_85, %dma_start3A_86] : memref<2x2500x256xf32, #tpu.memory_space<hbm>> -> memref<1x220x256xf32, #tpu.memory_space<hbm>>
        %dma_start3A_88 = tpu.memref_squeeze %dma_start3A_87 : memref<1x220x256xf32, #tpu.memory_space<hbm>> -> memref<220x256xf32, #tpu.memory_space<hbm>>
        %dma_start3A_89 = arith.constant 2280 : i32
        %dma_start3A_90 = arith.constant 0 : i32
        %dma_start3A_91 = tpu.memref_slice %arg31[%dma_start3A_89, %dma_start3A_90] : memref<2500x256xf32, #tpu.memory_space<vmem_shared>> -> memref<220x256xf32, #tpu.memory_space<vmem_shared>>
        tpu.enqueue_dma source(%dma_start3A_91 : memref<220x256xf32, #tpu.memory_space<vmem_shared>>) target(%dma_start3A_88 : memref<220x256xf32, #tpu.memory_space<hbm>>) target_semaphore(%run_scoped3A : memref<!tpu.dma_semaphore, #tpu.memory_space<semaphore_mem>>)
        %dma_wait3A_92 = arith.constant 2280 : i32
        %dma_wait3A_93 = arith.constant 0 : i32
        %dma_wait3A_94 = tpu.memref_slice %arg9[%arg0, %dma_wait3A_92, %dma_wait3A_93] : memref<2x2500x256xf32, #tpu.memory_space<hbm>> -> memref<1x220x256xf32, #tpu.memory_space<hbm>>
        %dma_wait3A_95 = tpu.memref_squeeze %dma_wait3A_94 : memref<1x220x256xf32, #tpu.memory_space<hbm>> -> memref<220x256xf32, #tpu.memory_space<hbm>>
        %dma_wait3A_96 = arith.constant 2280 : i32
        %dma_wait3A_97 = arith.constant 0 : i32
        %dma_wait3A_98 = tpu.memref_slice %arg31[%dma_wait3A_96, %dma_wait3A_97] : memref<2500x256xf32, #tpu.memory_space<vmem_shared>> -> memref<220x256xf32, #tpu.memory_space<vmem_shared>>
        tpu.wait_dma2 semaphore(%run_scoped3A : memref<!tpu.dma_semaphore, #tpu.memory_space<semaphore_mem>>) src(%dma_wait3A_98 : memref<220x256xf32, #tpu.memory_space<vmem_shared>>) dst(%dma_wait3A_95 : memref<220x256xf32, #tpu.memory_space<hbm>>)
        tpu.yield
      }) : () -> ()
    } else {
    }
    return
  }
}

module attributes {stable_mosaic.version = 14 : i64} {
  func.func @_mm_bias_body(%arg0: i32, %arg1: memref<2000x256xf32, #tpu.memory_space<vmem>>, %arg2: memref<256x384xf32, #tpu.memory_space<vmem>>, %arg3: memref<1x384xf32, #tpu.memory_space<vmem>>, %arg4: memref<2000x384xf32, #tpu.memory_space<vmem>>) attributes {dimension_semantics = [#tpu.dimension_semantics<arbitrary>], iteration_bounds = array<i64: 5>, scalar_prefetch = 0 : i64, scratch_operands = 0 : i64, tpu.core_type = #tpu.core_type<tc>, window_params = [{transform_indices = @transform_0, window_bounds = array<i64: 2000, 256>}, {pipeline_mode = #tpu.pipeline_mode<synchronous>, transform_indices = @transform_1, window_bounds = array<i64: 256, 384>}, {pipeline_mode = #tpu.pipeline_mode<synchronous>, transform_indices = @transform_2, window_bounds = array<i64: 1, 384>}, {transform_indices = @transform_3, window_bounds = array<i64: 2000, 384>}]} {
    %get3A = arith.constant 0 : index
    %get3A_0 = arith.constant 0 : index
    %get3A_1 = vector.load %arg1[%get3A, %get3A_0] : memref<2000x256xf32, #tpu.memory_space<vmem>>, vector<2000x256xf32>
    %get3A_2 = arith.constant 0 : index
    %get3A_3 = arith.constant 0 : index
    %get3A_4 = vector.load %arg2[%get3A_2, %get3A_3] : memref<256x384xf32, #tpu.memory_space<vmem>>, vector<256x384xf32>
    %dot_general3A = arith.constant dense<0.000000e+00> : vector<2000x384xf32>
    %dot_general3A_5 = tpu.matmul %get3A_1, %get3A_4, %dot_general3A {dimension_numbers = #tpu.dot_dimension_numbers<[1], [0], [0], [1], [0, 0, 1, 1], [], []>, transpose_lhs_hint = false} : vector<2000x256xf32>, vector<256x384xf32>, vector<2000x384xf32> -> vector<2000x384xf32>
    %get3A_6 = arith.constant 0 : index
    %get3A_7 = arith.constant 0 : index
    %get3A_8 = vector.load %arg3[%get3A_6, %get3A_7] : memref<1x384xf32, #tpu.memory_space<vmem>>, vector<1x384xf32>
    %add3A = vector.broadcast %get3A_8 : vector<1x384xf32> to vector<2000x384xf32>
    %add3A_9 = arith.addf %dot_general3A_5, %add3A : vector<2000x384xf32>
    %swap3A = arith.constant 0 : index
    %swap3A_10 = arith.constant 0 : index
    %swap3A_11 = vector.load %arg4[%swap3A, %swap3A_10] : memref<2000x384xf32, #tpu.memory_space<vmem>>, vector<2000x384xf32>
    tpu.vector_store %arg4[%swap3A, %swap3A_10], %add3A_9 {strides = array<i32>} : memref<2000x384xf32, #tpu.memory_space<vmem>>, vector<2000x384xf32>,
    return
  }
  func.func @transform_0(%arg0: i32) -> (i32, i32) {
    %c0_i32 = arith.constant 0 : i32
    %c0_i32_0 = arith.constant 0 : i32
    return %arg0, %c0_i32 : i32, i32
  }
  func.func @transform_1(%arg0: i32) -> (i32, i32) {
    %c0_i32 = arith.constant 0 : i32
    %c0_i32_0 = arith.constant 0 : i32
    %c0_i32_1 = arith.constant 0 : i32
    return %c0_i32, %c0_i32_0 : i32, i32
  }
  func.func @transform_2(%arg0: i32) -> (i32, i32) {
    %c0_i32 = arith.constant 0 : i32
    %c0_i32_0 = arith.constant 0 : i32
    %c0_i32_1 = arith.constant 0 : i32
    return %c0_i32, %c0_i32_0 : i32, i32
  }
  func.func @transform_3(%arg0: i32) -> (i32, i32) {
    %c0_i32 = arith.constant 0 : i32
    %c0_i32_0 = arith.constant 0 : i32
    return %arg0, %c0_i32 : i32, i32
  }
}

module attributes {stable_mosaic.version = 14 : i64} {
  func.func @_etype_body(%arg0: i32, %arg1: i32, %arg2: memref<2000x256xf32, #tpu.memory_space<vmem>>, %arg3: memref<1x256x16xf32, #tpu.memory_space<vmem>>, %arg4: memref<1x2000x16xf32, #tpu.memory_space<vmem>>) attributes {dimension_semantics = [#tpu.dimension_semantics<arbitrary>, #tpu.dimension_semantics<arbitrary>], iteration_bounds = array<i64: 5, 5>, scalar_prefetch = 0 : i64, scratch_operands = 0 : i64, tpu.core_type = #tpu.core_type<tc>, window_params = [{transform_indices = @transform_0, window_bounds = array<i64: 2000, 256>}, {transform_indices = @transform_1, window_bounds = array<i64: 1, 256, 16>}, {transform_indices = @transform_2, window_bounds = array<i64: 1, 2000, 16>}]} {
    %get3A = arith.constant 0 : index
    %get3A_0 = arith.constant 0 : index
    %get3A_1 = vector.load %arg2[%get3A, %get3A_0] : memref<2000x256xf32, #tpu.memory_space<vmem>>, vector<2000x256xf32>
    %get3A_2 = arith.constant 0 : index
    %get3A_3 = arith.constant 0 : index
    %get3A_4 = arith.constant 0 : index
    %get3A_5 = vector.load %arg3[%get3A_2, %get3A_3, %get3A_4] : memref<1x256x16xf32, #tpu.memory_space<vmem>>, vector<1x256x16xf32>
    %get3A_6 = vector.shape_cast %get3A_5 : vector<1x256x16xf32> to vector<256x16xf32>
    %dot_general3A = arith.constant dense<0.000000e+00> : vector<2000x16xf32>
    %dot_general3A_7 = tpu.matmul %get3A_1, %get3A_6, %dot_general3A {dimension_numbers = #tpu.dot_dimension_numbers<[1], [0], [0], [1], [0, 0, 1, 1], [], []>, transpose_lhs_hint = false} : vector<2000x256xf32>, vector<256x16xf32>, vector<2000x16xf32> -> vector<2000x16xf32>
    %swap3A = arith.constant 0 : index
    %swap3A_8 = arith.constant 0 : index
    %swap3A_9 = arith.constant 0 : index
    %swap3A_10 = vector.load %arg4[%swap3A, %swap3A_8, %swap3A_9] : memref<1x2000x16xf32, #tpu.memory_space<vmem>>, vector<1x2000x16xf32>
    %swap3A_11 = vector.shape_cast %swap3A_10 : vector<1x2000x16xf32> to vector<2000x16xf32>
    %swap3A_12 = vector.shape_cast %dot_general3A_7 : vector<2000x16xf32> to vector<1x2000x16xf32>
    tpu.vector_store %arg4[%swap3A, %swap3A_8, %swap3A_9], %swap3A_12 {strides = array<i32>} : memref<1x2000x16xf32, #tpu.memory_space<vmem>>, vector<1x2000x16xf32>,
    return
  }
  func.func @transform_0(%arg0: i32, %arg1: i32) -> (i32, i32) {
    %c0_i32 = arith.constant 0 : i32
    %c0_i32_0 = arith.constant 0 : i32
    return %arg1, %c0_i32 : i32, i32
  }
  func.func @transform_1(%arg0: i32, %arg1: i32) -> (i32, i32, i32) {
    %c0_i32 = arith.constant 0 : i32
    %c0_i32_0 = arith.constant 0 : i32
    %c0_i32_1 = arith.constant 0 : i32
    return %arg0, %c0_i32, %c0_i32_0 : i32, i32, i32
  }
  func.func @transform_2(%arg0: i32, %arg1: i32) -> (i32, i32, i32) {
    %c0_i32 = arith.constant 0 : i32
    %c0_i32_0 = arith.constant 0 : i32
    return %arg0, %arg1, %c0_i32 : i32, i32, i32
  }
}

module attributes {stable_mosaic.version = 14 : i64} {
  func.func @_etype_body(%arg0: i32, %arg1: i32, %arg2: memref<2500x256xf32, #tpu.memory_space<vmem>>, %arg3: memref<1x256x16xf32, #tpu.memory_space<vmem>>, %arg4: memref<1x2500x16xf32, #tpu.memory_space<vmem>>) attributes {dimension_semantics = [#tpu.dimension_semantics<arbitrary>, #tpu.dimension_semantics<arbitrary>], iteration_bounds = array<i64: 4, 1>, scalar_prefetch = 0 : i64, scratch_operands = 0 : i64, tpu.core_type = #tpu.core_type<tc>, window_params = [{transform_indices = @transform_0, window_bounds = array<i64: 2500, 256>}, {transform_indices = @transform_1, window_bounds = array<i64: 1, 256, 16>}, {transform_indices = @transform_2, window_bounds = array<i64: 1, 2500, 16>}]} {
    %get3A = arith.constant 0 : index
    %get3A_0 = arith.constant 0 : index
    %get3A_1 = vector.load %arg2[%get3A, %get3A_0] : memref<2500x256xf32, #tpu.memory_space<vmem>>, vector<2500x256xf32>
    %get3A_2 = arith.constant 0 : index
    %get3A_3 = arith.constant 0 : index
    %get3A_4 = arith.constant 0 : index
    %get3A_5 = vector.load %arg3[%get3A_2, %get3A_3, %get3A_4] : memref<1x256x16xf32, #tpu.memory_space<vmem>>, vector<1x256x16xf32>
    %get3A_6 = vector.shape_cast %get3A_5 : vector<1x256x16xf32> to vector<256x16xf32>
    %dot_general3A = arith.constant dense<0.000000e+00> : vector<2500x16xf32>
    %dot_general3A_7 = tpu.matmul %get3A_1, %get3A_6, %dot_general3A {dimension_numbers = #tpu.dot_dimension_numbers<[1], [0], [0], [1], [0, 0, 1, 1], [], []>, transpose_lhs_hint = false} : vector<2500x256xf32>, vector<256x16xf32>, vector<2500x16xf32> -> vector<2500x16xf32>
    %swap3A = arith.constant 0 : index
    %swap3A_8 = arith.constant 0 : index
    %swap3A_9 = arith.constant 0 : index
    %swap3A_10 = vector.load %arg4[%swap3A, %swap3A_8, %swap3A_9] : memref<1x2500x16xf32, #tpu.memory_space<vmem>>, vector<1x2500x16xf32>
    %swap3A_11 = vector.shape_cast %swap3A_10 : vector<1x2500x16xf32> to vector<2500x16xf32>
    %swap3A_12 = vector.shape_cast %dot_general3A_7 : vector<2500x16xf32> to vector<1x2500x16xf32>
    tpu.vector_store %arg4[%swap3A, %swap3A_8, %swap3A_9], %swap3A_12 {strides = array<i32>} : memref<1x2500x16xf32, #tpu.memory_space<vmem>>, vector<1x2500x16xf32>,
    return
  }
  func.func @transform_0(%arg0: i32, %arg1: i32) -> (i32, i32) {
    %c0_i32 = arith.constant 0 : i32
    %c0_i32_0 = arith.constant 0 : i32
    return %arg1, %c0_i32 : i32, i32
  }
  func.func @transform_1(%arg0: i32, %arg1: i32) -> (i32, i32, i32) {
    %c0_i32 = arith.constant 0 : i32
    %c0_i32_0 = arith.constant 0 : i32
    %c0_i32_1 = arith.constant 0 : i32
    return %arg0, %c0_i32, %c0_i32_0 : i32, i32, i32
  }
  func.func @transform_2(%arg0: i32, %arg1: i32) -> (i32, i32, i32) {
    %c0_i32 = arith.constant 0 : i32
    %c0_i32_0 = arith.constant 0 : i32
    return %arg0, %arg1, %c0_i32 : i32, i32, i32
  }
}

module attributes {stable_mosaic.version = 14 : i64} {
  func.func @_mm_bias_body(%arg0: i32, %arg1: memref<2500x256xf32, #tpu.memory_space<vmem>>, %arg2: memref<256x16xf32, #tpu.memory_space<vmem>>, %arg3: memref<1x16xf32, #tpu.memory_space<vmem>>, %arg4: memref<2500x16xf32, #tpu.memory_space<vmem>>) attributes {dimension_semantics = [#tpu.dimension_semantics<arbitrary>], iteration_bounds = array<i64: 1>, scalar_prefetch = 0 : i64, scratch_operands = 0 : i64, tpu.core_type = #tpu.core_type<tc>, window_params = [{transform_indices = @transform_0, window_bounds = array<i64: 2500, 256>}, {pipeline_mode = #tpu.pipeline_mode<synchronous>, transform_indices = @transform_1, window_bounds = array<i64: 256, 16>}, {pipeline_mode = #tpu.pipeline_mode<synchronous>, transform_indices = @transform_2, window_bounds = array<i64: 1, 16>}, {transform_indices = @transform_3, window_bounds = array<i64: 2500, 16>}]} {
    %get3A = arith.constant 0 : index
    %get3A_0 = arith.constant 0 : index
    %get3A_1 = vector.load %arg1[%get3A, %get3A_0] : memref<2500x256xf32, #tpu.memory_space<vmem>>, vector<2500x256xf32>
    %get3A_2 = arith.constant 0 : index
    %get3A_3 = arith.constant 0 : index
    %get3A_4 = vector.load %arg2[%get3A_2, %get3A_3] : memref<256x16xf32, #tpu.memory_space<vmem>>, vector<256x16xf32>
    %dot_general3A = arith.constant dense<0.000000e+00> : vector<2500x16xf32>
    %dot_general3A_5 = tpu.matmul %get3A_1, %get3A_4, %dot_general3A {dimension_numbers = #tpu.dot_dimension_numbers<[1], [0], [0], [1], [0, 0, 1, 1], [], []>, transpose_lhs_hint = false} : vector<2500x256xf32>, vector<256x16xf32>, vector<2500x16xf32> -> vector<2500x16xf32>
    %get3A_6 = arith.constant 0 : index
    %get3A_7 = arith.constant 0 : index
    %get3A_8 = vector.load %arg3[%get3A_6, %get3A_7] : memref<1x16xf32, #tpu.memory_space<vmem>>, vector<1x16xf32>
    %add3A = vector.broadcast %get3A_8 : vector<1x16xf32> to vector<2500x16xf32>
    %add3A_9 = arith.addf %dot_general3A_5, %add3A : vector<2500x16xf32>
    %swap3A = arith.constant 0 : index
    %swap3A_10 = arith.constant 0 : index
    %swap3A_11 = vector.load %arg4[%swap3A, %swap3A_10] : memref<2500x16xf32, #tpu.memory_space<vmem>>, vector<2500x16xf32>
    tpu.vector_store %arg4[%swap3A, %swap3A_10], %add3A_9 {strides = array<i32>} : memref<2500x16xf32, #tpu.memory_space<vmem>>, vector<2500x16xf32>,
    return
  }
  func.func @transform_0(%arg0: i32) -> (i32, i32) {
    %c0_i32 = arith.constant 0 : i32
    %c0_i32_0 = arith.constant 0 : i32
    return %arg0, %c0_i32 : i32, i32
  }
  func.func @transform_1(%arg0: i32) -> (i32, i32) {
    %c0_i32 = arith.constant 0 : i32
    %c0_i32_0 = arith.constant 0 : i32
    %c0_i32_1 = arith.constant 0 : i32
    return %c0_i32, %c0_i32_0 : i32, i32
  }
  func.func @transform_2(%arg0: i32) -> (i32, i32) {
    %c0_i32 = arith.constant 0 : i32
    %c0_i32_0 = arith.constant 0 : i32
    %c0_i32_1 = arith.constant 0 : i32
    return %c0_i32, %c0_i32_0 : i32, i32
  }
  func.func @transform_3(%arg0: i32) -> (i32, i32) {
    %c0_i32 = arith.constant 0 : i32
    %c0_i32_0 = arith.constant 0 : i32
    return %arg0, %c0_i32 : i32, i32
  }
}

module attributes {stable_mosaic.version = 14 : i64} {
  func.func @_fs_half_body(%arg0: i32, %arg1: i32, %arg2: i32, %arg3: memref<2000x256xf32, #tpu.memory_space<vmem>>, %arg4: memref<1x1x256x256xf32, #tpu.memory_space<vmem>>, %arg5: memref<1x1x2000x256xf32, #tpu.memory_space<vmem>>) attributes {dimension_semantics = [#tpu.dimension_semantics<arbitrary>, #tpu.dimension_semantics<arbitrary>, #tpu.dimension_semantics<arbitrary>], iteration_bounds = array<i64: 5, 5, 2>, scalar_prefetch = 0 : i64, scratch_operands = 0 : i64, tpu.core_type = #tpu.core_type<tc>, window_params = [{transform_indices = @transform_0, window_bounds = array<i64: 2000, 256>}, {transform_indices = @transform_1, window_bounds = array<i64: 1, 1, 256, 256>}, {transform_indices = @transform_2, window_bounds = array<i64: 1, 1, 2000, 256>}]} {
    %get3A = arith.constant 0 : index
    %get3A_0 = arith.constant 0 : index
    %get3A_1 = vector.load %arg3[%get3A, %get3A_0] : memref<2000x256xf32, #tpu.memory_space<vmem>>, vector<2000x256xf32>
    %get3A_2 = arith.constant 0 : index
    %get3A_3 = arith.constant 0 : index
    %get3A_4 = arith.constant 0 : index
    %get3A_5 = arith.constant 0 : index
    %get3A_6 = vector.load %arg4[%get3A_2, %get3A_3, %get3A_4, %get3A_5] : memref<1x1x256x256xf32, #tpu.memory_space<vmem>>, vector<1x1x256x256xf32>
    %get3A_7 = vector.shape_cast %get3A_6 : vector<1x1x256x256xf32> to vector<256x256xf32>
    %dot_general3A = arith.constant dense<0.000000e+00> : vector<2000x256xf32>
    %dot_general3A_8 = tpu.matmul %get3A_1, %get3A_7, %dot_general3A {dimension_numbers = #tpu.dot_dimension_numbers<[1], [0], [0], [1], [0, 0, 1, 1], [], []>, transpose_lhs_hint = false} : vector<2000x256xf32>, vector<256x256xf32>, vector<2000x256xf32> -> vector<2000x256xf32>
    %swap3A = arith.constant 0 : index
    %swap3A_9 = arith.constant 0 : index
    %swap3A_10 = arith.constant 0 : index
    %swap3A_11 = arith.constant 0 : index
    %swap3A_12 = vector.load %arg5[%swap3A, %swap3A_9, %swap3A_10, %swap3A_11] : memref<1x1x2000x256xf32, #tpu.memory_space<vmem>>, vector<1x1x2000x256xf32>
    %swap3A_13 = vector.shape_cast %swap3A_12 : vector<1x1x2000x256xf32> to vector<2000x256xf32>
    %swap3A_14 = vector.shape_cast %dot_general3A_8 : vector<2000x256xf32> to vector<1x1x2000x256xf32>
    tpu.vector_store %arg5[%swap3A, %swap3A_9, %swap3A_10, %swap3A_11], %swap3A_14 {strides = array<i32>} : memref<1x1x2000x256xf32, #tpu.memory_space<vmem>>, vector<1x1x2000x256xf32>,
    return
  }
  func.func @transform_0(%arg0: i32, %arg1: i32, %arg2: i32) -> (i32, i32) {
    %c0_i32 = arith.constant 0 : i32
    %c0_i32_0 = arith.constant 0 : i32
    return %arg1, %c0_i32 : i32, i32
  }
  func.func @transform_1(%arg0: i32, %arg1: i32, %arg2: i32) -> (i32, i32, i32, i32) {
    %c0_i32 = arith.constant 0 : i32
    %c0_i32_0 = arith.constant 0 : i32
    %c0_i32_1 = arith.constant 0 : i32
    return %arg2, %arg0, %c0_i32, %c0_i32_0 : i32, i32, i32, i32
  }
  func.func @transform_2(%arg0: i32, %arg1: i32, %arg2: i32) -> (i32, i32, i32, i32) {
    %c0_i32 = arith.constant 0 : i32
    %c0_i32_0 = arith.constant 0 : i32
    return %arg2, %arg0, %arg1, %c0_i32 : i32, i32, i32, i32
  }
}

module attributes {stable_mosaic.version = 14 : i64} {
  func.func @_denr_body(%arg0: memref<2x12500x16xf32, #tpu.memory_space<vmem>>, %arg1: memref<12500x16xf32, #tpu.memory_space<vmem>>) attributes {dimension_semantics = [], scalar_prefetch = 0 : i64, scratch_operands = 0 : i64, tpu.core_type = #tpu.core_type<tc>} {
    %get3A = arith.constant 0 : index
    %get3A_0 = arith.constant 0 : index
    %get3A_1 = arith.constant 0 : index
    %get3A_2 = vector.load %arg0[%get3A, %get3A_0, %get3A_1] : memref<2x12500x16xf32, #tpu.memory_space<vmem>>, vector<1x12500x16xf32>
    %get3A_3 = vector.shape_cast %get3A_2 : vector<1x12500x16xf32> to vector<12500x16xf32>
    %get3A_4 = arith.constant 1 : index
    %get3A_5 = arith.constant 0 : index
    %get3A_6 = arith.constant 0 : index
    %get3A_7 = vector.load %arg0[%get3A_4, %get3A_5, %get3A_6] : memref<2x12500x16xf32, #tpu.memory_space<vmem>>, vector<1x12500x16xf32>
    %get3A_8 = vector.shape_cast %get3A_7 : vector<1x12500x16xf32> to vector<12500x16xf32>
    %add3A = arith.addf %get3A_3, %get3A_8 : vector<12500x16xf32>
    %max3A = arith.constant 9.99999971E-10 : f32
    %max3A_9 = vector.broadcast %max3A : f32 to vector<12500x16xf32>
    %max3A_10 = arith.maximumf %add3A, %max3A_9 : vector<12500x16xf32>
    %div3A = arith.constant 1.000000e+00 : f32
    %div3A_11 = vector.broadcast %div3A : f32 to vector<12500x16xf32>
    %div3A_12 = arith.divf %div3A_11, %max3A_10 : vector<12500x16xf32>
    %swap3A = arith.constant 0 : index
    %swap3A_13 = arith.constant 0 : index
    %swap3A_14 = vector.load %arg1[%swap3A, %swap3A_13] : memref<12500x16xf32, #tpu.memory_space<vmem>>, vector<12500x16xf32>
    tpu.vector_store %arg1[%swap3A, %swap3A_13], %div3A_12 {strides = array<i32>} : memref<12500x16xf32, #tpu.memory_space<vmem>>, vector<12500x16xf32>,
    return
  }
}

module attributes {stable_mosaic.version = 14 : i64} {
  func.func @_mm_bias_body(%arg0: i32, %arg1: memref<2500x256xf32, #tpu.memory_space<vmem>>, %arg2: memref<256x512xf32, #tpu.memory_space<vmem>>, %arg3: memref<1x512xf32, #tpu.memory_space<vmem>>, %arg4: memref<2500x512xf32, #tpu.memory_space<vmem>>) attributes {dimension_semantics = [#tpu.dimension_semantics<arbitrary>], iteration_bounds = array<i64: 1>, scalar_prefetch = 0 : i64, scratch_operands = 0 : i64, tpu.core_type = #tpu.core_type<tc>, window_params = [{transform_indices = @transform_0, window_bounds = array<i64: 2500, 256>}, {pipeline_mode = #tpu.pipeline_mode<synchronous>, transform_indices = @transform_1, window_bounds = array<i64: 256, 512>}, {pipeline_mode = #tpu.pipeline_mode<synchronous>, transform_indices = @transform_2, window_bounds = array<i64: 1, 512>}, {transform_indices = @transform_3, window_bounds = array<i64: 2500, 512>}]} {
    %get3A = arith.constant 0 : index
    %get3A_0 = arith.constant 0 : index
    %get3A_1 = vector.load %arg1[%get3A, %get3A_0] : memref<2500x256xf32, #tpu.memory_space<vmem>>, vector<2500x256xf32>
    %get3A_2 = arith.constant 0 : index
    %get3A_3 = arith.constant 0 : index
    %get3A_4 = vector.load %arg2[%get3A_2, %get3A_3] : memref<256x512xf32, #tpu.memory_space<vmem>>, vector<256x512xf32>
    %dot_general3A = arith.constant dense<0.000000e+00> : vector<2500x512xf32>
    %dot_general3A_5 = tpu.matmul %get3A_1, %get3A_4, %dot_general3A {dimension_numbers = #tpu.dot_dimension_numbers<[1], [0], [0], [1], [0, 0, 1, 1], [], []>, transpose_lhs_hint = false} : vector<2500x256xf32>, vector<256x512xf32>, vector<2500x512xf32> -> vector<2500x512xf32>
    %get3A_6 = arith.constant 0 : index
    %get3A_7 = arith.constant 0 : index
    %get3A_8 = vector.load %arg3[%get3A_6, %get3A_7] : memref<1x512xf32, #tpu.memory_space<vmem>>, vector<1x512xf32>
    %add3A = vector.broadcast %get3A_8 : vector<1x512xf32> to vector<2500x512xf32>
    %add3A_9 = arith.addf %dot_general3A_5, %add3A : vector<2500x512xf32>
    %swap3A = arith.constant 0 : index
    %swap3A_10 = arith.constant 0 : index
    %swap3A_11 = vector.load %arg4[%swap3A, %swap3A_10] : memref<2500x512xf32, #tpu.memory_space<vmem>>, vector<2500x512xf32>
    tpu.vector_store %arg4[%swap3A, %swap3A_10], %add3A_9 {strides = array<i32>} : memref<2500x512xf32, #tpu.memory_space<vmem>>, vector<2500x512xf32>,
    return
  }
  func.func @transform_0(%arg0: i32) -> (i32, i32) {
    %c0_i32 = arith.constant 0 : i32
    %c0_i32_0 = arith.constant 0 : i32
    return %arg0, %c0_i32 : i32, i32
  }
  func.func @transform_1(%arg0: i32) -> (i32, i32) {
    %c0_i32 = arith.constant 0 : i32
    %c0_i32_0 = arith.constant 0 : i32
    %c0_i32_1 = arith.constant 0 : i32
    return %c0_i32, %c0_i32_0 : i32, i32
  }
  func.func @transform_2(%arg0: i32) -> (i32, i32) {
    %c0_i32 = arith.constant 0 : i32
    %c0_i32_0 = arith.constant 0 : i32
    %c0_i32_1 = arith.constant 0 : i32
    return %c0_i32, %c0_i32_0 : i32, i32
  }
  func.func @transform_3(%arg0: i32) -> (i32, i32) {
    %c0_i32 = arith.constant 0 : i32
    %c0_i32_0 = arith.constant 0 : i32
    return %arg0, %c0_i32 : i32, i32
  }
}

module attributes {stable_mosaic.version = 14 : i64} {
  func.func @_final_body(%arg0: i32, %arg1: memref<2x512x256xf32, #tpu.memory_space<vmem>>, %arg2: memref<512x512xf32, #tpu.memory_space<vmem>>, %arg3: memref<1x512xf32, #tpu.memory_space<vmem>>, %arg4: memref<1x512xf32, #tpu.memory_space<vmem>>, %arg5: memref<512x512xf32, #tpu.memory_space<vmem>>, %arg6: memref<1x512xf32, #tpu.memory_space<vmem>>, %arg7: memref<1x512xf32, #tpu.memory_space<vmem>>, %arg8: memref<1x512xf32, #tpu.memory_space<vmem>>, %arg9: memref<512x153xf32, #tpu.memory_space<vmem>>, %arg10: memref<1x153xf32, #tpu.memory_space<vmem>>, %arg11: memref<512x153xf32, #tpu.memory_space<vmem>>) attributes {dimension_semantics = [#tpu.dimension_semantics<arbitrary>], iteration_bounds = array<i64: 5>, scalar_prefetch = 0 : i64, scratch_operands = 0 : i64, tpu.core_type = #tpu.core_type<tc>, window_params = [{transform_indices = @transform_0, window_bounds = array<i64: 2, 512, 256>}, {transform_indices = @transform_1, window_bounds = array<i64: 512, 512>}, {pipeline_mode = #tpu.pipeline_mode<synchronous>, transform_indices = @transform_2, window_bounds = array<i64: 1, 512>}, {pipeline_mode = #tpu.pipeline_mode<synchronous>, transform_indices = @transform_3, window_bounds = array<i64: 1, 512>}, {pipeline_mode = #tpu.pipeline_mode<synchronous>, transform_indices = @transform_4, window_bounds = array<i64: 512, 512>}, {pipeline_mode = #tpu.pipeline_mode<synchronous>, transform_indices = @transform_5, window_bounds = array<i64: 1, 512>}, {pipeline_mode = #tpu.pipeline_mode<synchronous>, transform_indices = @transform_6, window_bounds = array<i64: 1, 512>}, {pipeline_mode = #tpu.pipeline_mode<synchronous>, transform_indices = @transform_7, window_bounds = array<i64: 1, 512>}, {pipeline_mode = #tpu.pipeline_mode<synchronous>, transform_indices = @transform_8, window_bounds = array<i64: 512, 153>}, {pipeline_mode = #tpu.pipeline_mode<synchronous>, transform_indices = @transform_9, window_bounds = array<i64: 1, 153>}, {transform_indices = @transform_10, window_bounds = array<i64: 512, 153>}]} {
    %get3A = arith.constant 0 : index
    %get3A_0 = arith.constant 0 : index
    %get3A_1 = arith.constant 0 : index
    %get3A_2 = vector.load %arg1[%get3A, %get3A_0, %get3A_1] : memref<2x512x256xf32, #tpu.memory_space<vmem>>, vector<1x512x256xf32>
    %get3A_3 = vector.shape_cast %get3A_2 : vector<1x512x256xf32> to vector<512x256xf32>
    %get3A_4 = arith.constant 1 : index
    %get3A_5 = arith.constant 0 : index
    %get3A_6 = arith.constant 0 : index
    %get3A_7 = vector.load %arg1[%get3A_4, %get3A_5, %get3A_6] : memref<2x512x256xf32, #tpu.memory_space<vmem>>, vector<1x512x256xf32>
    %get3A_8 = vector.shape_cast %get3A_7 : vector<1x512x256xf32> to vector<512x256xf32>
    %concatenate3A = tpu.concatenate %get3A_3, %get3A_8 in 1 : vector<512x256xf32>, vector<512x256xf32> -> vector<512x512xf32>
    %get3A_9 = arith.constant 0 : index
    %get3A_10 = arith.constant 0 : index
    %get3A_11 = vector.load %arg2[%get3A_9, %get3A_10] : memref<512x512xf32, #tpu.memory_space<vmem>>, vector<512x512xf32>
    %add3A = arith.addf %concatenate3A, %get3A_11 : vector<512x512xf32>
    %get3A_12 = arith.constant 0 : index
    %get3A_13 = arith.constant 0 : index
    %get3A_14 = vector.load %arg3[%get3A_12, %get3A_13] : memref<1x512xf32, #tpu.memory_space<vmem>>, vector<1x512xf32>
    %mul3A = vector.broadcast %get3A_14 : vector<1x512xf32> to vector<512x512xf32>
    %mul3A_15 = arith.mulf %add3A, %mul3A : vector<512x512xf32>
    %get3A_16 = arith.constant 0 : index
    %get3A_17 = arith.constant 0 : index
    %get3A_18 = vector.load %arg4[%get3A_16, %get3A_17] : memref<1x512xf32, #tpu.memory_space<vmem>>, vector<1x512xf32>
    %add3A_19 = vector.broadcast %get3A_18 : vector<1x512xf32> to vector<512x512xf32>
    %add3A_20 = arith.addf %mul3A_15, %add3A_19 : vector<512x512xf32>
    %gt3A = arith.constant 0.000000e+00 : f32
    %gt3A_21 = vector.broadcast %gt3A : f32 to vector<512x512xf32>
    %gt3A_22 = arith.cmpf ogt, %add3A_20, %gt3A_21 : vector<512x512xf32>
    %exp3A = math.exp %add3A_20 : vector<512x512xf32>
    %sub3A = arith.constant 1.000000e+00 : f32
    %sub3A_23 = vector.broadcast %sub3A : f32 to vector<512x512xf32>
    %sub3A_24 = arith.subf %exp3A, %sub3A_23 : vector<512x512xf32>
    %select_n3A = arith.select %gt3A_22, %add3A_20, %sub3A_24 : vector<512x512xi1>, vector<512x512xf32>
    %get3A_25 = arith.constant 0 : index
    %get3A_26 = arith.constant 0 : index
    %get3A_27 = vector.load %arg5[%get3A_25, %get3A_26] : memref<512x512xf32, #tpu.memory_space<vmem>>, vector<512x512xf32>
    %dot_general3A = arith.constant dense<0.000000e+00> : vector<512x512xf32>
    %dot_general3A_28 = tpu.matmul %select_n3A, %get3A_27, %dot_general3A {dimension_numbers = #tpu.dot_dimension_numbers<[1], [0], [0], [1], [0, 0, 1, 1], [], []>, transpose_lhs_hint = false} : vector<512x512xf32>, vector<512x512xf32>, vector<512x512xf32> -> vector<512x512xf32>
    %get3A_29 = arith.constant 0 : index
    %get3A_30 = arith.constant 0 : index
    %get3A_31 = vector.load %arg6[%get3A_29, %get3A_30] : memref<1x512xf32, #tpu.memory_space<vmem>>, vector<1x512xf32>
    %add3A_32 = vector.broadcast %get3A_31 : vector<1x512xf32> to vector<512x512xf32>
    %add3A_33 = arith.addf %dot_general3A_28, %add3A_32 : vector<512x512xf32>
    %get3A_34 = arith.constant 0 : index
    %get3A_35 = arith.constant 0 : index
    %get3A_36 = vector.load %arg7[%get3A_34, %get3A_35] : memref<1x512xf32, #tpu.memory_space<vmem>>, vector<1x512xf32>
    %mul3A_37 = vector.broadcast %get3A_36 : vector<1x512xf32> to vector<512x512xf32>
    %mul3A_38 = arith.mulf %add3A_33, %mul3A_37 : vector<512x512xf32>
    %get3A_39 = arith.constant 0 : index
    %get3A_40 = arith.constant 0 : index
    %get3A_41 = vector.load %arg8[%get3A_39, %get3A_40] : memref<1x512xf32, #tpu.memory_space<vmem>>, vector<1x512xf32>
    %add3A_42 = vector.broadcast %get3A_41 : vector<1x512xf32> to vector<512x512xf32>
    %add3A_43 = arith.addf %mul3A_38, %add3A_42 : vector<512x512xf32>
    %max3A = arith.constant 0.000000e+00 : f32
    %max3A_44 = vector.broadcast %max3A : f32 to vector<512x512xf32>
    %max3A_45 = arith.maximumf %add3A_43, %max3A_44 : vector<512x512xf32>
    %get3A_46 = arith.constant 0 : index
    %get3A_47 = arith.constant 0 : index
    %get3A_48 = vector.load %arg9[%get3A_46, %get3A_47] : memref<512x153xf32, #tpu.memory_space<vmem>>, vector<512x153xf32>
    %dot_general3A_49 = arith.constant dense<0.000000e+00> : vector<512x153xf32>
    %dot_general3A_50 = tpu.matmul %max3A_45, %get3A_48, %dot_general3A_49 {dimension_numbers = #tpu.dot_dimension_numbers<[1], [0], [0], [1], [0, 0, 1, 1], [], []>, transpose_lhs_hint = false} : vector<512x512xf32>, vector<512x153xf32>, vector<512x153xf32> -> vector<512x153xf32>
    %get3A_51 = arith.constant 0 : index
    %get3A_52 = arith.constant 0 : index
    %get3A_53 = vector.load %arg10[%get3A_51, %get3A_52] : memref<1x153xf32, #tpu.memory_space<vmem>>, vector<1x153xf32>
    %add3A_54 = vector.broadcast %get3A_53 : vector<1x153xf32> to vector<512x153xf32>
    %add3A_55 = arith.addf %dot_general3A_50, %add3A_54 : vector<512x153xf32>
    %swap3A = arith.constant 0 : index
    %swap3A_56 = arith.constant 0 : index
    %swap3A_57 = vector.load %arg11[%swap3A, %swap3A_56] : memref<512x153xf32, #tpu.memory_space<vmem>>, vector<512x153xf32>
    tpu.vector_store %arg11[%swap3A, %swap3A_56], %add3A_55 {strides = array<i32>} : memref<512x153xf32, #tpu.memory_space<vmem>>, vector<512x153xf32>,
    return
  }
  func.func @transform_0(%arg0: i32) -> (i32, i32, i32) {
    %c0_i32 = arith.constant 0 : i32
    %c0_i32_0 = arith.constant 0 : i32
    %c0_i32_1 = arith.constant 0 : i32
    return %c0_i32, %arg0, %c0_i32_0 : i32, i32, i32
  }
  func.func @transform_1(%arg0: i32) -> (i32, i32) {
    %c0_i32 = arith.constant 0 : i32
    %c0_i32_0 = arith.constant 0 : i32
    return %arg0, %c0_i32 : i32, i32
  }
  func.func @transform_2(%arg0: i32) -> (i32, i32) {
    %c0_i32 = arith.constant 0 : i32
    %c0_i32_0 = arith.constant 0 : i32
    %c0_i32_1 = arith.constant 0 : i32
    return %c0_i32, %c0_i32_0 : i32, i32
  }
  func.func @transform_3(%arg0: i32) -> (i32, i32) {
    %c0_i32 = arith.constant 0 : i32
    %c0_i32_0 = arith.constant 0 : i32
    %c0_i32_1 = arith.constant 0 : i32
    return %c0_i32, %c0_i32_0 : i32, i32
  }
  func.func @transform_4(%arg0: i32) -> (i32, i32) {
    %c0_i32 = arith.constant 0 : i32
    %c0_i32_0 = arith.constant 0 : i32
    %c0_i32_1 = arith.constant 0 : i32
    return %c0_i32, %c0_i32_0 : i32, i32
  }
  func.func @transform_5(%arg0: i32) -> (i32, i32) {
    %c0_i32 = arith.constant 0 : i32
    %c0_i32_0 = arith.constant 0 : i32
    %c0_i32_1 = arith.constant 0 : i32
    return %c0_i32, %c0_i32_0 : i32, i32
  }
  func.func @transform_6(%arg0: i32) -> (i32, i32) {
    %c0_i32 = arith.constant 0 : i32
    %c0_i32_0 = arith.constant 0 : i32
    %c0_i32_1 = arith.constant 0 : i32
    return %c0_i32, %c0_i32_0 : i32, i32
  }
  func.func @transform_7(%arg0: i32) -> (i32, i32) {
    %c0_i32 = arith.constant 0 : i32
    %c0_i32_0 = arith.constant 0 : i32
    %c0_i32_1 = arith.constant 0 : i32
    return %c0_i32, %c0_i32_0 : i32, i32
  }
  func.func @transform_8(%arg0: i32) -> (i32, i32) {
    %c0_i32 = arith.constant 0 : i32
    %c0_i32_0 = arith.constant 0 : i32
    %c0_i32_1 = arith.constant 0 : i32
    return %c0_i32, %c0_i32_0 : i32, i32
  }
  func.func @transform_9(%arg0: i32) -> (i32, i32) {
    %c0_i32 = arith.constant 0 : i32
    %c0_i32_0 = arith.constant 0 : i32
    %c0_i32_1 = arith.constant 0 : i32
    return %c0_i32, %c0_i32_0 : i32, i32
  }
  func.func @transform_10(%arg0: i32) -> (i32, i32) {
    %c0_i32 = arith.constant 0 : i32
    %c0_i32_0 = arith.constant 0 : i32
    return %arg0, %c0_i32 : i32, i32
  }
}

</mosaic_0001>

<sc_bundles>
// kernel: kernel.13.cloned.1.call-start
scs
__scs_entry_jumppad:
0x0: {  	(pc) =	sbr.rel $0x88, $3  }
0x1: {  	(tag) =	ssettag $0x0;
	lr =	simm.s32 $0x1  }
0x2: {  	[smem:$0x3F8B] =	sst lr;
	_ =	strace $0xD0000000  }
0x3: {  	_ = 	snop  }
0x4: {  	_ = 	snop  }
0x5: {  	_ = 	snop  }
0x6: {  	_ = 	snop  }
0x7: {  	_ = 	snop  }
__scs_overlays_trampoline_lowered:
0x8: {  	[smem:$0x3F9A] =	sst s0  }
0x9: {  	[smem:$0x3F9B] =	sst s1  }
0xa: {  	[smem:$0x3F9C] =	sst s2  }
0xb: {  	[smem:$0x3F9D] =	sst s3  }
0xc: {  	[smem:$0x3F9E] =	sst s4  }
0xd: {  	[smem:$0x3F9F] =	sst s5  }
0xe: {  	[smem:$0x3FA0] =	sst s6  }
0xf: {  	[smem:$0x3FA1] =	sst s7  }
0x10: {  	[smem:$0x3FA2] =	sst s8  }
0x11: {  	[smem:$0x3FA3] =	sst s9;
	s0 =	simm.s32 @!p0 $0x0  }
0x12: {  	s1 =	sld [smem:$0x3F89];
	s0 =	simm.s32 @p0 $0x1  }
0x13: {  	[smem:$0x3FA4] =	sst s0;
	s0 =	simm.s32 @!p1 $0x0  }
0x14: {  	s2 =	sld [smem:$0x3F88];
	s0 =	simm.s32 @p1 $0x1  }
0x15: {  	[smem:$0x3FA5] =	sst s0;
	s0 =	simm.s32 @!p2 $0x0  }
0x16: {  	s3 =	sld [smem:$0x3FDB];
	s0 =	simm.s32 @p2 $0x1  }
0x17: {  	s4 =	simm.s32 $0x1BF5;
	[smem:$0x3FA7] =	sst s0  }
0x18: {  	s0 =	sld [smem:$0x3F8A];
	_ =	swait.ge [sflag:s4], $0x0  }
0x19: {  	s7 =	sld [smem:$0x3F8B]  }
0x1a: {  	s8 =	sadd.s32 $0xFFFFE003, lr  }
0x1b: {  	s9 =	sadd.s32 $0xFFFFFEF7, lr;
	s5 =	simm.s32 $0xFFFFFFFF;
	p2 =	slt.u32 s8, $0xFFFFF086  }
0x1c: {  	p1 =	slt.u32 s9, $0xF7A;
	s5 =	simm.s32 @!p2 $0x0  }
0x1d: {  	s5 =	simm.s32 @p1 $0x1;
	p0 =	seq.s32 s7, s2  }
0x1e: {  	s7 =	smul.u32 @!p0 $0xF7A, s2;
	p2 =	seq.s32 @!p0 s5, $0x0  }
0x1f: {  	s9 =	smul.u32 $0xF7A, s1;
	s8 =	simm.s32 @!p0 $0x1BF5;
	p2 =	por !p2, p0  }
0x20: {  	[sflag:s8] =	ssyncset.s32 @!p0 $0xFFFFF086;
	s6 =	sadd.s32 @!p0 s3, s7;
	s7 =	simm.s32 @!p0 $0x108  }
0x21: {  	s3 =	sadd.s32 s3, s9;
	s6 =	sadd.s32 @!p0 $0x88, s6;
	s7 =	simm.s32 @p2 $0x1082  }
0x22: {  	[simem:s7], [sflag:s8] =	dma.local @!p0 [hbm:s6], $0xF7A  }
0x23: {  	s9 =	sor.u32 $0xD0000000, s2;
	s6 =	simm.s32 $0x108;
	_ =	swait.ge @!p0 [sflag:s8], $0x0  }
0x24: {  	s3 =	sadd.s32 $0x88, s3;
	s6 =	simm.s32 @!p1 $0x1082;
	[sflag:s4] =	ssyncset.s32 $0xFFFFF086  }
0x25: {  	[simem:s6], [sflag:s4] =	dma.local [hbm:s3], $0xF7A  }
0x26: {  	[smem:$0x3F8B] =	sst s1;
	(tag) =	ssettag s2;
	_ =	strace s9  }
0x27: {  	s1 =	sld [smem:$0x3F9B]  }
0x28: {  	s2 =	sld [smem:$0x3F9C]  }
0x29: {  	s4 =	sld [smem:$0x3F9E]  }
0x2a: {  	p0 =	seq.s32 s5, $0x0;
	s5 =	sld [smem:$0x3F9F]  }
0x2b: {  	s6 =	sld [smem:$0x3FA0]  }
0x2c: {  	s7 =	sld [smem:$0x3FA1]  }
0x2d: {  	s3 =	simm.s32 $0x108;
	s8 =	sld [smem:$0x3FA2]  }
0x2e: {  	s3 =	simm.s32 @!p0 $0x1082;
	s9 =	sld [smem:$0x3FA3]  }
0x2f: {  	lr =	sadd.s32 s0, s3;
	s0 =	sld [smem:$0x3F9A]  }
0x30: {  	s3 =	sld [smem:$0x3F9D]  }
0x31: {  	[smem:$0x3FA6] =	sst s10  }
0x32: {  	s10 =	sld [smem:$0x3FA4];
	_ =	sdelay $0x3  }
0x33: {  	p0 =	seq.s32 s10, $0x1;
	s10 =	sld [smem:$0x3FA6];
	_ =	sdelay $0x3  }
0x34: {  	[smem:$0x3FA6] =	sst s10  }
0x35: {  	s10 =	sld [smem:$0x3FA5];
	_ =	sdelay $0x3  }
0x36: {  	p1 =	seq.s32 s10, $0x1;
	s10 =	sld [smem:$0x3FA6];
	_ =	sdelay $0x3  }
0x37: {  	[smem:$0x3FA6] =	sst s10  }
0x38: {  	s10 =	sld [smem:$0x3FA7]  }
0x39: {  	_ = 	snop;
	(pc) =	sbr.ind lr, $3  }
0x3a: {  	_ = 	snop  }
0x3b: {  	_ = 	snop  }
0x3c: {  	p2 =	seq.s32 s10, $0x1;
	s10 =	sld [smem:$0x3FA6]  }
0x3d: {  	_ =	shalt  }
0x3e: {  	_ =	shalt  }
0x3f: {  	_ =	shalt  }
0x40: {  	_ =	shalt  }
0x41: {  	_ =	shalt  }
0x42: {  	_ =	shalt  }
0x43: {  	_ =	shalt  }
0x44: {  	_ =	shalt  }
0x45: {  	_ =	shalt  }
0x46: {  	_ =	shalt  }
0x47: {  	_ =	shalt  }
0x48: {  	_ =	shalt  }
0x49: {  	_ =	shalt  }
0x4a: {  	_ =	shalt  }
0x4b: {  	_ =	shalt  }
0x4c: {  	_ =	shalt  }
0x4d: {  	_ =	shalt  }
0x4e: {  	_ =	shalt  }
0x4f: {  	_ =	shalt  }
0x50: {  	_ =	shalt  }
0x51: {  	_ =	shalt  }
0x52: {  	_ =	shalt  }
0x53: {  	_ =	shalt  }
0x54: {  	_ =	shalt  }
0x55: {  	_ =	shalt  }
0x56: {  	_ =	shalt  }
0x57: {  	_ =	shalt  }
0x58: {  	_ =	shalt  }
0x59: {  	_ =	shalt  }
0x5a: {  	_ =	shalt  }
0x5b: {  	_ =	shalt  }
0x5c: {  	_ =	shalt  }
0x5d: {  	_ =	shalt  }
0x5e: {  	_ =	shalt  }
0x5f: {  	_ =	shalt  }
0x60: {  	_ =	shalt  }
0x61: {  	_ =	shalt  }
0x62: {  	_ =	shalt  }
0x63: {  	_ =	shalt  }
0x64: {  	_ =	shalt  }
0x65: {  	_ =	shalt  }
0x66: {  	_ =	shalt  }
0x67: {  	_ =	shalt  }
0x68: {  	_ =	shalt  }
0x69: {  	_ =	shalt  }
0x6a: {  	_ =	shalt  }
0x6b: {  	_ =	shalt  }
0x6c: {  	_ =	shalt  }
0x6d: {  	_ =	shalt  }
0x6e: {  	_ =	shalt  }
0x6f: {  	_ =	shalt  }
0x70: {  	_ =	shalt  }
0x71: {  	_ =	shalt  }
0x72: {  	_ =	shalt  }
0x73: {  	_ =	shalt  }
0x74: {  	_ =	shalt  }
0x75: {  	_ =	shalt  }
0x76: {  	_ =	shalt  }
0x77: {  	_ =	shalt  }
0x78: {  	_ =	shalt  }
0x79: {  	_ =	shalt  }
0x7a: {  	_ =	shalt  }
0x7b: {  	_ =	shalt  }
0x7c: {  	_ =	shalt  }
0x7d: {  	_ =	shalt  }
0x7e: {  	_ =	shalt  }
0x7f: {  	_ =	shalt  }
0x80: {  	_ =	shalt  }
0x81: {  	_ =	shalt  }
0x82: {  	_ =	shalt  }
0x83: {  	_ =	shalt  }
0x84: {  	_ =	shalt  }
0x85: {  	_ =	shalt  }
0x86: {  	_ =	shalt  }
0x87: {  	_ =	shalt  }
.Lfunc_end0:
.L_simem_size_0:
called_computation.1_lowered:
.L_overlay_start_0:
0x88: {  	s2 =	sld [smem:$0x3FD9]  }
0x89: {  	s3 =	sld [smem:$0x3FFE];
	_ =	sdelay $0x1  }
0x8a: {  	s1 =	srdreg.scid  }
0x8b: {  	s0 =	sand.u32 $0x1, s1  }
0x8c: {  	s17 =	sshll.u32 s0, $0xA;
	s2 =	sadd.s32 s3, s2  }
0x8d: {  	s2 =	sadd.s32 s2, s17  }
0x8e: {  	[smem:$0x3FB2] =	sst s2  }
0x8f: {  	_ = 	snop  }
0x90: {  	s2 =	sld [smem:$0x3FC6]  }
0x91: {  	s18 =	sld [smem:$0x3FD0];
	(tm) =	ssettm $0x1  }
0x92: {  	s4 =	sld [smem:$0x3FFB];
	_ =	sdelay $0x3  }
0x93: {  	_ =	strace s4  }
0x94: {  	s4 =	sld [smem:$0x3FFC];
	_ =	sdelay $0x3  }
0x95: {  	_ =	strace s4  }
0x96: {  	s4 =	sld [smem:$0x3FFD];
	_ =	sdelay $0x3  }
0x97: {  	_ =	strace s4  }
0x98: {  	_ =	strace $0x8FFFFFFF  }
0x99: {  	s19 =	sld [smem:$0x3FDB];
	_ =	sdelay $0x1  }
0x9a: {  	s5 =	simm.s32 $_scs_section_size  }
0x9b: {  	s6 =	simm.s32 $_size__tile_overlayer_lowered;
	s7 =	simm.s32 $_tile_overlayer_lowered  }
0x9c: {  	s22 =	simm.s32 $0x1BFF;
	s21 =	sshll.u32 s7, $0x1;
	s4 =	sadd.s32 s5, s19  }
0x9d: {  	s8 =	simm.s32 $0x0;
	s20 =	sshll.u32 s6, $0x1;
	s6 =	sadd.s32 s21, s4  }
0x9e: {  	[timem:s8], [sflag:s22] =	dma.local [hbm:s6], s20  }
0x9f: {  	_ =	swait.ge [sflag:s22], s20  }
0xa0: {  	s5 =	ssub.s32 $0x0, s20;
	[sflag:s22] =	ssyncset.done $0x0  }
0xa1: {  	[sflag:s22] =	ssyncadd.s32 s5;
	_ =	sdelay $0x1  }
0xa2: {  	s23 =	simm.s32 $0x1B8B  }
0xa3: {  	_ =	swait.ge [sflag:s23], $0x1  }
0xa4: {  	[sflag:s23] =	ssyncset.done $0x0  }
0xa5: {  	s25 =	simm.s32 $0x1B8E;
	s24 =	sld [smem:$0x3FFE];
	[sflag:s23] =	ssyncadd.s32 $0xFFFFFFFF  }
0xa6: {  	s26 =	simm.s32 $execute0_lowered;
	[smem:$0x3FD2] =	sst s25  }
0xa7: {  	s6 =	sshll.u32 s26, $0x1;
	_ =	strace $0x80000046;
	[dreg:$0x1] =	wrdreg $0xFFFFFFFF  }
0xa8: {  	s28 =	simm.s32 $_size_execute0_lowered;
	s4 =	sadd.s32 s4, s6;
	[dreg:$0x0] =	wrdreg $0x0  }
0xa9: {  	s6 =	sshll.u32 s28, $0x1;
	[dreg:$0x2] =	wrdreg s4  }
0xaa: {  	[dreg:$0x3] =	wrdreg s6  }
0xab: {  	[dreg:$0x4] =	wrdreg $0xC0  }
0xac: {  	_ =	task [dreg:s8], $0x5FFFF  }
0xad: {  	[dreg:$0x1] =	wrdreg $0xFFFFFFFF  }
0xae: {  	[dreg:$0x0] =	wrdreg $0x60  }
0xaf: {  	[dreg:$0x2] =	wrdreg s24  }
0xb0: {  	[dreg:$0x3] =	wrdreg s2  }
0xb1: {  	[dreg:$0x4] =	wrdreg s18  }
0xb2: {  	[dreg:$0x5] =	wrdreg $0xD2200  }
0xb3: {  	[dreg:$0x6] =	wrdreg $0x9  }
0xb4: {  	_ =	task.clear_ibuf [dreg:s8], $0x7FFFF;
	_ =	strace $0x90000046  }
0xb5: {  	s29 =	simm.s32 $0x9;
	_ =	strace $0x80000048  }
0xb6: {  	_ =	swait.ge [sflag:s29], $0x1  }
0xb7: {  	[sflag:s29] =	ssyncadd.s32 $0xFFFFFFFF  }
0xb8: {  	_ =	strace $0x90000048  }
0xb9: {  	_ =	sfence  }
0xba: {  	s30 =	sld [smem:$0x0];
	_ =	sdelay $0x2  }
0xbb: {  	s31 =	sshll.u32 s1, $0xD;
	s1 =	sshrl.u32 s1, $0x2  }
0xbc: {  	s3 =	sand.u32 $0x4000, s31;
	s1 =	sadd.s32 s1, s30  }
0xbd: {  	s0 =	sor.u32 s3, s0;
	s1 =	sshll.u32 s1, $0x11  }
0xbe: {  	s0 =	sor.u32 s1, s0  }
0xbf: {  	s0 =	sadd.s32 $0x8F2B, s0  }
0xc0: {  	[sflag:s0] =	ssyncadd.remote.s32 $0x1  }
0xc1: {  	_ =	sfence.sel $0xFFFF  }
0xc2: {  	[dreg:$0x0] =	wrdreg $0xFFFFFFFF;
	(pc) =	sbr.abs _section_cstart, $3  }
0xc3: {  	[dreg:$0x1] =	wrdreg $0xFFFFFFFF  }
0xc4: {  	_ =	task.clear_ibuf [dreg:s8], $0x2FFFF;
	_ =	strace $0x9FFFFFFF  }
0xc5: {  	(tm) =	ssettm $0x7FFFFFFF  }
tec
execute0_lowered:
.L_overlay_start_1:
0x0: {  	(tag) =	ssettag $0x1  }
0x1: {  	s0 =	rddreg [dreg:$0x0]  }
0x2: {  	s3 =	rddreg [dreg:$0x3];
	s4 =	simm.s32 $0x0  }
0x3: {  	s1 =	srdreg.scid;
	s13 =	stileid.u32;
	s11 =	simm.s32 $0xC  }
0x4: {  	s29 =	simm.s32 $0x5220;
	s30 =	simm.s32 $0x5;
	s31 =	simm.s32 $0x300  }
0x5: {  	s16 =	simm.s32 $0x2;
	s17 =	simm.s32 $0x9220;
	[smem:$0x7FF] =	sst s4  }
0x6: {  	s6 =	sadd.s32 $0x2E00, s0;
	s7 =	sadd.s32 $0x7E00, s0;
	s2 =	sand.u32 $0x1, s1  }
0x7: {  	s8 =	sadd.s32 $0xCE00, s0;
	s9 =	sadd.s32 $0x11E00, s0;
	s10 =	smul.u32 $0x14000, s13  }
0x8: {  	s0 =	sadd.s32 $0x60000, s0;
	p0 =	seq.s32 s13, $0xF;
	s14 =	smul.u32 $0x2800, s13  }
0x9: {  	s20 =	sadd.s32 $0x4E000, s3;
	s22 =	smul.u32 $0x4C00, s13;
	p1 =	sne.s32 s13, $0xF  }
0xa: {  	s13 =	simm.s32 $0x80;
	_ =	strace $0x80000047;
	s1 =	ssub.s32 $0x2, s2  }
0xb: {  	s11 =	simm.s32 @!p0 $0x14;
	s19 =	smul.u32 $0x4E200, s2;
	[dreg:$0x8] =	wrdreg s20  }
0xc: {  	s20 =	simm.s32 $0x4;
	s5 =	sshrl.u32 s1, $0x1;
	[dreg:$0x5] =	wrdreg s11  }
0xd: {  	s18 =	sshrl.u32 s10, $0x2;
	s21 =	sshrl.u32 s14, $0x3;
	[dreg:$0x6] =	wrdreg s14  }
0xe: {  	s28 =	sor.u32 $0x80, s14;
	s11 =	simm.s32 $0x0;
	s1 =	ssub.s32 s1, s5  }
0xf: {  	s5 =	sadd.s32 s18, s3;
	s12 =	sadd.s32 s6, s21;
	[dreg:$0x14] =	wrdreg s28  }
0x10: {  	s23 =	sadd.s32 s7, s21;
	s24 =	sor.u32 $0x10, s21;
	[dreg:$0x7] =	wrdreg s5  }
0x11: {  	s10 =	sadd.s32 s8, s21;
	s26 =	sadd.s32 s22, s19;
	[dreg:$0x9] =	wrdreg s12  }
0x12: {  	s18 =	simm.s32 $0x3;
	s21 =	simm.s32 $0x51A0;
	[dreg:$0xa] =	wrdreg s23  }
0x13: {  	[dreg:$0xb] =	wrdreg s10;
	s25 =	sadd.s32 s6, s24;
	s15 =	sadd.s32 s7, s24  }
0x14: {  	s10 =	sshrl.u32 s26, $0x3;
	s5 =	sshrl.u32 s19, $0x3;
	s12 =	sadd.s32 s8, s24  }
0x15: {  	s1 =	smax.u32 s1, $0x1;
	s24 =	sor.u32 $0x100, s14;
	[dreg:$0xc] =	wrdreg s25  }
0x16: {  	s26 =	sor.u32 $0x180, s14;
	s14 =	simm.s32 $0x180;
	[dreg:$0xd] =	wrdreg s15  }
0x17: {  	[dreg:$0xe] =	wrdreg s12;
	s10 =	sadd.s32 s0, s10;
	s0 =	sadd.s32 s0, s5  }
.Ltmp0:
0x18: {  	[dreg:$0x11] =	wrdreg s1;
	s0 =	sadd.s32 $0x8E80, s0;
	(pc) =	sbr.rel .LBB2_1-.Ltmp0, $4  }
0x19: {  	s19 =	simm.s32 $0x5120;
	[dreg:$0x10] =	wrdreg s0;
	s0 =	sadd.s32 $0x47400, s3  }
0x1a: {  	s5 =	sadd.s32 s22, s3;
	[dreg:$0xf] =	wrdreg s10;
	s0 =	sshrl.u32 @p0 s0, $0x3  }
0x1b: {  	s1 =	simm.s32 $0x100;
	[dreg:$0x12] =	wrdreg s0;
	s0 =	sshrl.u32 @!p0 s5, $0x3  }
0x1c: {  	v1 =	vimm.f32 $0.0e+00;
	vm0 =	vmxor vm0, vm0;
	v0 =	vmov s2;
	s5 =	simm.s32 $0x1;
	[dreg:$0x13] =	wrdreg s0;
	s0 =	simm.s32 $0x2A10  }
.LBB2_20:
0x1d: {  	[bflag:$0x0] =	sbarrier.arrive $0xFFFF  }
0x1e: {  	s10 =	rddreg [dreg:$0x10]  }
0x1f: {  	s2 =	simm.s32 @p0 $0x1FC5;
	s11 =	rddreg [dreg:$0x12]  }
0x20: {  	[hbm:s10], [sflag:s2] =	dma.local @p0 [spmem:s11], $0xDC0  }
0x21: {  	s2 =	simm.s32 @p0 $0x5  }
0x22: {  	s10 =	stileid.u32;
	_ =	swait.ge @p0 [sflag:s2], $0xDC0  }
0x23: {  	s10 =	sshll.u32 @!p0 s10, $0x6;
	[sflag:s2] =	ssyncset.done @p0 $0x0;
	s11 =	rddreg [dreg:$0x13]  }
0x24: {  	[sflag:s2] =	ssyncadd.s32 @p0 $0xFFFFF240;
	s2 =	sor.u32 @!p0 $0x1C05, s10;
	s10 =	rddreg [dreg:$0xf]  }
0x25: {  	[hbm:s10], [sflag:s2] =	dma.local @!p0 [spmem:s11], $0x980  }
0x26: {  	s2 =	simm.s32 @!p0 $0x5  }
0x27: {  	_ =	swait.ge @!p0 [sflag:s2], $0x980  }
0x28: {  	s25 =	rddreg [dreg:$0x15]  }
0x29: {  	s28 =	rddreg [dreg:$0x11];
	s11 =	sadd.s32 $0x1, s25  }
0x2a: {  	p2 =	sne.s32 s11, s28  }
.Ltmp1:
0x2b: {  	_ = 	snop;
	(pc) =	sbr.rel @!p2 .LBB2_21-.Ltmp1, $3  }
0x2c: {  	_ =	sdelay $0x1  }
0x2d: {  	[sflag:s2] =	ssyncset.done @!p0 $0x0  }
0x2e: {  	[sflag:s2] =	ssyncadd.s32 @!p0 $0xFFFFF680  }
.LBB2_1:
0x2f: {  	s2 =	simm.s32 $0x0;
	s10 =	simm.s32 $0x200  }
.LBB2_2:
0x30: {  	p2 =	sne.s32 s10, $0x2600;
	[tilespmem:s2+$0x5290] =	vst v1  }
0x31: {  	[tilespmem:s2+$0x5220] =	vst v1  }
0x32: {  	[tilespmem:s2+$0x5230] =	vst v1  }
.Ltmp2:
0x33: {  	[tilespmem:s2+$0x5240] =	vst v1;
	(pc) =	sbr.rel @p2 .LBB2_2-.Ltmp2, $4  }
0x34: {  	[tilespmem:s2+$0x5250] =	vst v1  }
0x35: {  	[tilespmem:s2+$0x5260] =	vst v1  }
0x36: {  	[tilespmem:s2+$0x5270] =	vst v1  }
0x37: {  	[tilespmem:s2+$0x5280] =	vst v1;
	s2 =	sshra.s32 s10, $0x2;
	s10 =	sadd.s32 $0x200, s10  }
0x38: {  	[tilespmem:s2+$0x5290] =	vst v1  }
0x39: {  	[tilespmem:s2+$0x5220] =	vst v1  }
0x3a: {  	[tilespmem:s2+$0x5230] =	vst v1  }
0x3b: {  	[tilespmem:s2+$0x5240] =	vst v1  }
0x3c: {  	[tilespmem:s2+$0x5250] =	vst v1;
	s28 =	rddreg [dreg:$0x5]  }
0x3d: {  	[tilespmem:s2+$0x5260] =	vst v1;
	p2 =	sne.s32 s28, $0x1  }
.Ltmp3:
0x3e: {  	[dreg:$0x15] =	wrdreg s11;
	[tilespmem:s2+$0x5270] =	vst v1;
	(pc) =	sbr.rel @!p2 .LBB2_5-.Ltmp3, $4  }
0x3f: {  	[tilespmem:s2+$0x5280] =	vst v1;
	s10 =	rddreg [dreg:$0x7]  }
0x40: {  	[spmem:s10] =	stream.linear.scatter [tilespmem:s29], [sflag:$0x5], $0x400, $0x38;
	[tilespmem:$0x12040] =	vst v63  }
0x41: {  	_ =	swait.ge [sflag:s30], $0x400  }
0x42: {  	s2 =	sadd.s32 $0xFFFFFFFF, s28;
	[sflag:s30] =	ssyncset.done $0x0  }
.LBB2_4:
0x43: {  	p2 =	sne.s32 s2, $0x1;
	[sflag:s30] =	ssyncadd.s32 $0xFFFFFC00;
	s10 =	sadd.s32 $0x400, s10  }
.Ltmp4:
0x44: {  	s2 =	sadd.s32 $0xFFFFFFFF, s2;
	(pc) =	sbr.rel @p2 .LBB2_4-.Ltmp4, $4  }
0x45: {  	_ = 	snop  }
0x46: {  	[spmem:s10] =	stream.linear.scatter [tilespmem:s29], [sflag:$0x5], $0x400, $0x38;
	[tilespmem:$0x12040] =	vst v63  }
0x47: {  	_ =	swait.ge [sflag:s30], $0x400  }
0x48: {  	[sflag:s30] =	ssyncset.done $0x0  }
.LBB2_5:
0x49: {  	[sflag:s30] =	ssyncadd.s32 $0xFFFFFC00;
	s2 =	simm.s32 @!p1 $0x5220;
	s10 =	rddreg [dreg:$0x8]  }
0x4a: {  	[spmem:s10] =	stream.linear.scatter @!p1 [tilespmem:s2], [sflag:$0x5], $0x200, $0x38;
	[tilespmem:$0x12040] =	vst v63  }
0x4b: {  	s2 =	simm.s32 @!p1 $0x5  }
0x4c: {  	_ =	swait.ge @!p1 [sflag:s2], $0x200  }
0x4d: {  	[sflag:s2] =	ssyncset.done @!p1 $0x0  }
0x4e: {  	[sflag:s2] =	ssyncadd.s32 @!p1 $0xFFFFFE00  }
0x4f: {  	s12 =	simm.s32 $0x0;
	s15 =	rddreg [dreg:$0x1]  }
0x50: {  	[tilespmem:s31], [sflag:$0x5] =	stream.linear.gather [hbm4b:s15+s12], $0x2710, $0x38;
	[tilespmem:$0x12040] =	vst v63  }
0x51: {  	_ =	swait.ge [sflag:s30], $0x2710  }
0x52: {  	[sflag:s30] =	ssyncset.done $0x0  }
0x53: {  	[sflag:s30] =	ssyncadd.s32 $0xFFFFD8F0  }
0x54: {  	s22 =	rddreg [dreg:$0x2]  }
0x55: {  	[tilespmem:s0], [sflag:$0x5] =	stream.linear.gather [hbm4b:s22+s12], $0x2710, $0x38;
	[tilespmem:$0x12040] =	vst v63  }
0x56: {  	_ =	swait.ge [sflag:s30], $0x2710  }
0x57: {  	[sflag:s30] =	ssyncset.done $0x0  }
0x58: {  	[sflag:s30] =	ssyncadd.s32 $0xFFFFD8F0  }
0x59: {  	[bflag:$0x0] =	sbarrier.arrive $0xFFFF  }
0x5a: {  	s23 =	rddreg [dreg:$0x9]  }
0x5b: {  	[tilespmem:s12], [sflag:$0x1] =	stream.linear.gather [hbm4b:s23+s12], $0x80, $0x38;
	[tilespmem:$0x12040] =	vst v63  }
0x5c: {  	s25 =	rddreg [dreg:$0xa]  }
0x5d: {  	[tilespmem:s1], [sflag:$0x1] =	stream.linear.gather [hbm4b:s25+s12], $0x80, $0x38;
	[tilespmem:$0x12040] =	vst v63  }
0x5e: {  	s11 =	simm.s32 $0x200;
	s28 =	rddreg [dreg:$0xb]  }
0x5f: {  	[tilespmem:s11], [sflag:$0x1] =	stream.linear.gather [hbm4b:s28+s12], $0x80, $0x38;
	[tilespmem:$0x12040] =	vst v63  }
0x60: {  	_ =	swait.ge [sflag:s5], $0x80  }
0x61: {  	[sflag:s5] =	ssyncset.done $0x0  }
0x62: {  	[sflag:s5] =	ssyncadd.s32 $0xFFFFFF80  }
0x63: {  	_ =	swait.ge [sflag:s5], $0x80  }
0x64: {  	[sflag:s5] =	ssyncset.done $0x0  }
0x65: {  	[sflag:s5] =	ssyncadd.s32 $0xFFFFFF80  }
0x66: {  	_ =	swait.ge [sflag:s5], $0x80  }
0x67: {  	[sflag:s5] =	ssyncset.done $0x0  }
0x68: {  	s10 =	simm.s32 $0x0;
	[sflag:s5] =	ssyncadd.s32 $0xFFFFFF80  }
0x69: {  	v2 =	vld [tilespmem:s10+$0x0]  }
0x6a: {  	v3 =	vld [tilespmem:s10+$0x100];
	_ =	sdelay $0x6  }
0x6b: {  	v4 =	vld.idx.msk [tilespmem:v2+s31+$0x0], $0xffff  }
0x6c: {  	v3 =	vld.idx.msk [tilespmem:v3+s31+$0x0], $0xffff;
	_ =	sdelay $0x4  }
0x6d: {  	v3 =	vsub.s32 v4, v3  }
0x6e: {  	v3 =	vcvt.s32.f32 v3;
	_ =	sdelay $0x1  }
0x6f: {  	v3 =	vand.u32 $0x7FFFFFFF, v3  }
0x70: {  	v3 =	vsub.f32 $0.0e+00, v3;
	_ =	sdelay $0x1  }
0x71: {  	v3 =	vmul.f32 $1.442695020e+00, v3;
	_ =	sdelay $0x1  }
0x72: {  	(erf) = vpow2.f32 v3;
	_ =	sdelay $0x4  }
0x73: {  	v3 =	vld.idx.msk [tilespmem:v2+s0+$0x0], $0xffff  }
0x74: {  	v2 =	vshll.u32 v2, $0x1  }
0x75: {  	v4 =	vld [tilespmem:s10+$0x200];
	v2 =	vor.u32 v0, v2  }
0x76: {  	s11 =	simm.s32 $0x10;
	[tilespmem:s10+$0x0] =	vst v2  }
0x77: {  	v2 =	vld [tilespmem:s11+$0x0];
	v5 =	vpop (erf)  }
0x78: {  	v6 =	vmul.f32 v5, v3  }
0x79: {  	s12 =	rddreg [dreg:$0x6];
	v5 =	vld [tilespmem:s11+$0x100]  }
0x7a: {  	vm1 =	vmmov vm0;
	p2 =	slt.u32 s12, $0x27100;
	vm2 =	veq.s32 v4, $0x4;
	v4 =	vld [tilespmem:s11+$0x200];
	v7 =	vmul.f32 $2.000000030e-01, v6  }
0x7b: {  	vm1 =	vmneg @p2 vm1;
	vm3 =	vge.f32 v6, $0.0e+00  }
0x7c: {  	s22 =	simm.s32 $0x80;
	vm1 =	vmand vm1, vm2;
	v3 =	vshll.u32 v2, $0x1;
	v6 =	vsel vm3, v6, v7  }
.LBB2_6:
0x7d: {  	p2 =	sne.s32 s22, $0x1C0  }
0x7e: {  	v6 =	vnsel vm1, $0x0, v6;
	s12 =	sadd.s32 $0x10, s12;
	s2 =	smov.u32 s22;
	s22 =	sadd.s32 $0x40, s22  }
0x7f: {  	vm1 =	veq.s32 v4, $0x4;
	[tilespmem:s10+$0x5120] =	vst v6;
	s10 =	smov.u32 s11  }
0x80: {  	v4 =	vld.idx.msk [tilespmem:v2+s31+$0x0], $0xffff  }
0x81: {  	v5 =	vld.idx.msk [tilespmem:v5+s31+$0x0], $0xffff;
	_ =	sdelay $0x5  }
0x82: {  	v4 =	vsub.s32 v4, v5  }
0x83: {  	v4 =	vcvt.s32.f32 v4;
	_ =	sdelay $0x1  }
0x84: {  	v4 =	vand.u32 $0x7FFFFFFF, v4  }
0x85: {  	v4 =	vsub.f32 $0.0e+00, v4;
	_ =	sdelay $0x1  }
0x86: {  	v4 =	vmul.f32 $1.442695020e+00, v4;
	_ =	sdelay $0x1  }
0x87: {  	(erf) = vpow2.f32 v4;
	_ =	sdelay $0x2  }
0x88: {  	v4 =	vld.idx.msk [tilespmem:v2+s0+$0x0], $0xffff;
	v2 =	vor.u32 v0, v3  }
0x89: {  	[tilespmem:s10+$0x0] =	vst v2;
	_ =	sdelay $0x3  }
0x8a: {  	s11 =	sshra.s32 s2, $0x2  }
0x8b: {  	v2 =	vld [tilespmem:s11+$0x0];
	v3 =	vpop (erf)  }
.Ltmp5:
0x8c: {  	v5 =	vld [tilespmem:s11+$0x100];
	v6 =	vmul.f32 v3, v4;
	(pc) =	sbr.rel @p2 .LBB2_6-.Ltmp5, $4  }
0x8d: {  	vm3 =	vmmov vm0;
	p3 =	slt.u32 s12, $0x27100;
	v4 =	vld [tilespmem:s11+$0x200]  }
0x8e: {  	vm3 =	vmneg @p3 vm3;
	vm2 =	vge.f32 v6, $0.0e+00;
	v7 =	vmul.f32 $2.000000030e-01, v6  }
0x8f: {  	vm1 =	vmand vm3, vm1  }
0x90: {  	v3 =	vshll.u32 v2, $0x1;
	v6 =	vsel vm2, v6, v7  }
0x91: {  	_ =	sdelay $0x1  }
0x92: {  	v6 =	vnsel vm1, $0x0, v6  }
0x93: {  	[tilespmem:s10+$0x5120] =	vst v6  }
0x94: {  	v6 =	vld.idx.msk [tilespmem:v2+s31+$0x0], $0xffff  }
0x95: {  	v5 =	vld.idx.msk [tilespmem:v5+s31+$0x0], $0xffff;
	_ =	sdelay $0x4  }
0x96: {  	v5 =	vsub.s32 v6, v5  }
0x97: {  	v5 =	vcvt.s32.f32 v5;
	_ =	sdelay $0x1  }
0x98: {  	v5 =	vand.u32 $0x7FFFFFFF, v5  }
0x99: {  	v5 =	vsub.f32 $0.0e+00, v5;
	_ =	sdelay $0x1  }
0x9a: {  	v5 =	vmul.f32 $1.442695020e+00, v5;
	_ =	sdelay $0x1  }
0x9b: {  	(erf) = vpow2.f32 v5;
	_ =	sdelay $0x4  }
0x9c: {  	v2 =	vld.idx.msk [tilespmem:v2+s0+$0x0], $0xffff;
	_ =	sdelay $0x3  }
0x9d: {  	v5 =	vpop (erf)  }
0x9e: {  	v2 =	vmul.f32 v5, v2  }
0x9f: {  	s2 =	sadd.s32 $0x10, s12  }
0xa0: {  	vm1 =	vmmov vm0;
	p2 =	slt.u32 s2, $0x27100;
	v5 =	vmul.f32 $2.000000030e-01, v2  }
0xa1: {  	vm2 =	veq.s32 v4, $0x4;
	vm1 =	vmneg @p2 vm1;
	vm3 =	vge.f32 v2, $0.0e+00  }
0xa2: {  	v3 =	vor.u32 v0, v3;
	vm1 =	vmand vm1, vm2;
	v2 =	vsel vm3, v2, v5  }
0xa3: {  	[tilespmem:s11+$0x0] =	vst v3;
	v2 =	vnsel vm1, $0x0, v2  }
0xa4: {  	s23 =	simm.s32 $0x0;
	[tilespmem:s11+$0x5120] =	vst v2  }
0xa5: {  	[tilespmem:s29], [sflag:$0x3] =	stream.indirect.gather [hbm4b:s9+s13], $0x80, s23, s13, $0xb8;
	[tilespmem:$0x12040] =	vst v63  }
0xa6: {  	s15 =	rddreg [dreg:$0xc]  }
0xa7: {  	[tilespmem:s13], [sflag:$0x2] =	stream.linear.gather [hbm4b:s15+s23], $0x80, $0x38;
	[tilespmem:$0x12040] =	vst v63  }
0xa8: {  	s22 =	rddreg [dreg:$0xd]  }
0xa9: {  	[tilespmem:s14], [sflag:$0x2] =	stream.linear.gather [hbm4b:s22+s23], $0x80, $0x38;
	[tilespmem:$0x12040] =	vst v63  }
0xaa: {  	s25 =	rddreg [dreg:$0xe];
	s28 =	simm.s32 $0x280  }
0xab: {  	[tilespmem:s28], [sflag:$0x2] =	stream.linear.gather [hbm4b:s25+s23], $0x80, $0x38;
	[tilespmem:$0x12040] =	vst v63  }
0xac: {  	s11 =	rddreg [dreg:$0x14];
	s25 =	smov.u32 s24  }
.LBB2_8:
0xad: {  	_ =	swait.ge [sflag:s16], $0x80  }
0xae: {  	[sflag:s16] =	ssyncset.done $0x0  }
0xaf: {  	[sflag:s16] =	ssyncadd.s32 $0xFFFFFF80  }
0xb0: {  	_ =	swait.ge [sflag:s16], $0x80  }
0xb1: {  	[sflag:s16] =	ssyncset.done $0x0  }
0xb2: {  	[sflag:s16] =	ssyncadd.s32 $0xFFFFFF80  }
0xb3: {  	_ =	swait.ge [sflag:s16], $0x80  }
0xb4: {  	[sflag:s16] =	ssyncset.done $0x0  }
0xb5: {  	s10 =	simm.s32 $0x0;
	[sflag:s16] =	ssyncadd.s32 $0xFFFFFF80  }
0xb6: {  	v2 =	vld [tilespmem:s10+$0x80]  }
0xb7: {  	v3 =	vld [tilespmem:s10+$0x180];
	_ =	sdelay $0x6  }
0xb8: {  	v4 =	vld.idx.msk [tilespmem:v2+s31+$0x0], $0xffff  }
0xb9: {  	v3 =	vld.idx.msk [tilespmem:v3+s31+$0x0], $0xffff;
	_ =	sdelay $0x4  }
0xba: {  	v3 =	vsub.s32 v4, v3  }
0xbb: {  	v3 =	vcvt.s32.f32 v3;
	_ =	sdelay $0x1  }
0xbc: {  	v3 =	vand.u32 $0x7FFFFFFF, v3  }
0xbd: {  	v3 =	vsub.f32 $0.0e+00, v3;
	_ =	sdelay $0x1  }
0xbe: {  	v3 =	vmul.f32 $1.442695020e+00, v3;
	_ =	sdelay $0x1  }
0xbf: {  	(erf) = vpow2.f32 v3;
	_ =	sdelay $0x4  }
0xc0: {  	v3 =	vld.idx.msk [tilespmem:v2+s0+$0x0], $0xffff  }
0xc1: {  	v2 =	vshll.u32 v2, $0x1  }
0xc2: {  	v4 =	vld [tilespmem:s10+$0x280];
	v2 =	vor.u32 v0, v2  }
0xc3: {  	s22 =	simm.s32 $0x10;
	[tilespmem:s10+$0x80] =	vst v2  }
0xc4: {  	v2 =	vld [tilespmem:s22+$0x80];
	v5 =	vpop (erf)  }
0xc5: {  	v6 =	vmul.f32 v5, v3  }
0xc6: {  	v5 =	vld [tilespmem:s22+$0x180]  }
0xc7: {  	p2 =	slt.u32 s11, $0x27100;
	vm1 =	vmmov vm0;
	vm2 =	veq.s32 v4, $0x4;
	v4 =	vld [tilespmem:s22+$0x280];
	v7 =	vmul.f32 $2.000000030e-01, v6  }
0xc8: {  	vm1 =	vmneg @p2 vm1;
	vm3 =	vge.f32 v6, $0.0e+00  }
0xc9: {  	s12 =	sshll.u32 s23, $0x8;
	s2 =	simm.s32 $0x80;
	s28 =	smov.u32 s11;
	vm1 =	vmand vm1, vm2;
	v3 =	vshll.u32 v2, $0x1;
	v6 =	vsel vm3, v6, v7  }
.LBB2_9:
0xca: {  	p2 =	sne.s32 s2, $0x1C0  }
0xcb: {  	v6 =	vnsel vm1, $0x0, v6;
	s28 =	sadd.s32 $0x10, s28;
	s15 =	smov.u32 s2;
	s2 =	sadd.s32 $0x40, s2  }
0xcc: {  	vm1 =	veq.s32 v4, $0x4;
	[tilespmem:s10+$0x51A0] =	vst v6;
	s10 =	smov.u32 s22  }
0xcd: {  	v4 =	vld.idx.msk [tilespmem:v2+s31+$0x0], $0xffff  }
0xce: {  	v5 =	vld.idx.msk [tilespmem:v5+s31+$0x0], $0xffff;
	_ =	sdelay $0x5  }
0xcf: {  	v4 =	vsub.s32 v4, v5  }
0xd0: {  	v4 =	vcvt.s32.f32 v4;
	_ =	sdelay $0x1  }
0xd1: {  	v4 =	vand.u32 $0x7FFFFFFF, v4  }
0xd2: {  	v4 =	vsub.f32 $0.0e+00, v4;
	_ =	sdelay $0x1  }
0xd3: {  	v4 =	vmul.f32 $1.442695020e+00, v4;
	_ =	sdelay $0x1  }
0xd4: {  	(erf) = vpow2.f32 v4;
	_ =	sdelay $0x2  }
0xd5: {  	v4 =	vld.idx.msk [tilespmem:v2+s0+$0x0], $0xffff;
	v2 =	vor.u32 v0, v3  }
0xd6: {  	[tilespmem:s10+$0x80] =	vst v2;
	_ =	sdelay $0x3  }
0xd7: {  	s22 =	sshra.s32 s15, $0x2  }
0xd8: {  	v2 =	vld [tilespmem:s22+$0x80];
	v3 =	vpop (erf)  }
.Ltmp6:
0xd9: {  	v5 =	vld [tilespmem:s22+$0x180];
	v6 =	vmul.f32 v3, v4;
	(pc) =	sbr.rel @p2 .LBB2_9-.Ltmp6, $4  }
0xda: {  	vm3 =	vmmov vm0;
	p3 =	slt.u32 s28, $0x27100;
	v4 =	vld [tilespmem:s22+$0x280]  }
0xdb: {  	vm3 =	vmneg @p3 vm3;
	vm2 =	vge.f32 v6, $0.0e+00;
	v7 =	vmul.f32 $2.000000030e-01, v6  }
0xdc: {  	vm1 =	vmand vm3, vm1  }
0xdd: {  	v3 =	vshll.u32 v2, $0x1;
	v6 =	vsel vm2, v6, v7  }
0xde: {  	_ =	sdelay $0x1  }
0xdf: {  	v6 =	vnsel vm1, $0x0, v6  }
0xe0: {  	[tilespmem:s10+$0x51A0] =	vst v6  }
0xe1: {  	v6 =	vld.idx.msk [tilespmem:v2+s31+$0x0], $0xffff  }
0xe2: {  	v5 =	vld.idx.msk [tilespmem:v5+s31+$0x0], $0xffff;
	_ =	sdelay $0x4  }
0xe3: {  	v5 =	vsub.s32 v6, v5  }
0xe4: {  	v5 =	vcvt.s32.f32 v5;
	_ =	sdelay $0x1  }
0xe5: {  	v5 =	vand.u32 $0x7FFFFFFF, v5  }
0xe6: {  	v5 =	vsub.f32 $0.0e+00, v5;
	_ =	sdelay $0x1  }
0xe7: {  	v5 =	vmul.f32 $1.442695020e+00, v5;
	_ =	sdelay $0x1  }
0xe8: {  	(erf) = vpow2.f32 v5;
	_ =	sdelay $0x4  }
0xe9: {  	v2 =	vld.idx.msk [tilespmem:v2+s0+$0x0], $0xffff;
	_ =	sdelay $0x3  }
0xea: {  	v5 =	vpop (erf)  }
0xeb: {  	v2 =	vmul.f32 v5, v2  }
0xec: {  	s2 =	sadd.s32 $0x10, s28  }
0xed: {  	vm1 =	vmmov vm0;
	p2 =	slt.u32 s2, $0x27100;
	v5 =	vmul.f32 $2.000000030e-01, v2  }
0xee: {  	vm2 =	veq.s32 v4, $0x4;
	vm1 =	vmneg @p2 vm1;
	vm3 =	vge.f32 v2, $0.0e+00  }
0xef: {  	v3 =	vor.u32 v0, v3;
	vm1 =	vmand vm1, vm2;
	v2 =	vsel vm3, v2, v5  }
0xf0: {  	[tilespmem:s22+$0x80] =	vst v3;
	v2 =	vnsel vm1, $0x0, v2  }
0xf1: {  	[tilespmem:s22+$0x51A0] =	vst v2  }
0xf2: {  	[tilespmem:s17], [sflag:$0x4] =	stream.indirect.gather [hbm4b:s9+s13], $0x80, s13, s13, $0xb8;
	[tilespmem:$0x12040] =	vst v63  }
0xf3: {  	s28 =	simm.s32 $0x0;
	_ =	swait.ge [sflag:s18], $0x4000  }
0xf4: {  	v2 =	vmov s28;
	[sflag:s18] =	ssyncset.done $0x0  }
0xf5: {  	s10 =	simm.s32 $0x5260;
	[sflag:s18] =	ssyncadd.s32 $0xFFFFC000  }
0xf6: {  	v6 =	vld [tilespmem:s10+$0x30]  }
0xf7: {  	v9 =	vld [tilespmem:s10+$0x10]  }
0xf8: {  	v7 =	vld [tilespmem:s10+$0xFFFFFFC0]  }
0xf9: {  	v3 =	vld.idx.msk [tilespmem:v2+s19+$0x0], $0xffff  }
0xfa: {  	v11 =	vld [tilespmem:s10+$0xFFFFFFE0]  }
0xfb: {  	v2 =	vld [tilespmem:s10+$0xFFFFFFF0]  }
0xfc: {  	v4 =	vld [tilespmem:s10+$0x20]  }
0xfd: {  	v5 =	vld [tilespmem:s10+$0xFFFFFFD0]  }
0xfe: {  	v10 =	vmul.f32 v6, v3;
	v6 =	vld [tilespmem:s10+$0x0]  }
0xff: {  	v8 =	vmul.f32 v7, v3  }
0x100: {  	s2 =	simm.s32 $0x1;
	s22 =	simm.s32 $0x5260;
	v7 =	vmul.f32 v11, v3;
	v9 =	vmul.f32 v9, v3  }
.LBB2_11:
0x101: {  	p2 =	sne.s32 s2, $0x7F  }
0x102: {  	v5 =	vmul.f32 v5, v3;
	v4 =	vmul.f32 v4, v3;
	[tilespmem:s10+$0x30] =	vst v10;
	s22 =	sadd.s32 $0x80, s22;
	s15 =	smov.u32 s2;
	s2 =	sadd.s32 $0x1, s2  }
0x103: {  	[tilespmem:s10+$0xFFFFFFC0] =	vst v8;
	v8 =	vmul.f32 v2, v3;
	v3 =	vmul.f32 v6, v3  }
0x104: {  	[tilespmem:s10+$0x10] =	vst v9  }
0x105: {  	v6 =	vmov s15;
	[tilespmem:s10+$0xFFFFFFE0] =	vst v7  }
0x106: {  	v2 =	vld [tilespmem:s22+$0xFFFFFFF0];
	[tilespmem:s10+$0xFFFFFFF0] =	vst v8  }
0x107: {  	v7 =	vld [tilespmem:s22+$0x30];
	[tilespmem:s10+$0x0] =	vst v3  }
0x108: {  	v9 =	vld [tilespmem:s22+$0x10];
	[tilespmem:s10+$0x20] =	vst v4  }
0x109: {  	v8 =	vld [tilespmem:s22+$0xFFFFFFC0];
	[tilespmem:s10+$0xFFFFFFD0] =	vst v5;
	s10 =	smov.u32 s22  }
0x10a: {  	v3 =	vld.idx.msk [tilespmem:v6+s19+$0x0], $0xffff  }
0x10b: {  	v11 =	vld [tilespmem:s22+$0xFFFFFFE0]  }
0x10c: {  	v4 =	vld [tilespmem:s22+$0x20]  }
.Ltmp7:
0x10d: {  	v5 =	vld [tilespmem:s22+$0xFFFFFFD0];
	(pc) =	sbr.rel @p2 .LBB2_11-.Ltmp7, $3  }
0x10e: {  	v6 =	vld [tilespmem:s22+$0x0];
	_ =	sdelay $0x1  }
0x10f: {  	v8 =	vmul.f32 v8, v3;
	v10 =	vmul.f32 v7, v3  }
0x110: {  	v9 =	vmul.f32 v9, v3;
	v7 =	vmul.f32 v11, v3  }
0x111: {  	[tilespmem:s10+$0x30] =	vst v10  }
0x112: {  	[tilespmem:s10+$0xFFFFFFC0] =	vst v8  }
0x113: {  	v2 =	vmul.f32 v2, v3;
	[tilespmem:s10+$0x10] =	vst v9  }
0x114: {  	v4 =	vmul.f32 v4, v3;
	[tilespmem:s10+$0xFFFFFFE0] =	vst v7  }
0x115: {  	v6 =	vmul.f32 v6, v3;
	[tilespmem:s10+$0xFFFFFFF0] =	vst v2  }
0x116: {  	v2 =	vmul.f32 v5, v3;
	[tilespmem:s10+$0x20] =	vst v4  }
0x117: {  	p2 =	seq.s32 s23, $0x27;
	[tilespmem:s10+$0x0] =	vst v6  }
.Ltmp8:
0x118: {  	[tilespmem:s10+$0xFFFFFFD0] =	vst v2;
	(pc) =	sbr.rel @p2 .LBB2_16-.Ltmp8, $4  }
0x119: {  	[spmem:s3] =	stream.indirect.scatter.add.f32 [tilespmem:s29], [sflag:$0x5], $0x80, s1, s13, $0xb8;
	[tilespmem:$0x12040] =	vst v63  }
0x11a: {  	_ =	swait.ge [sflag:s30], $0x4000  }
0x11b: {  	[sflag:s30] =	ssyncset.done $0x0  }
0x11c: {  	[sflag:s30] =	ssyncadd.s32 $0xFFFFC000  }
0x11d: {  	s2 =	sadd.s32 s12, s24  }
0x11e: {  	s2 =	sshrl.u32 s2, $0x3  }
0x11f: {  	s15 =	simm.s32 $0x0;
	s10 =	sadd.s32 s6, s2  }
0x120: {  	[tilespmem:s15], [sflag:$0x1] =	stream.linear.gather [hbm4b:s10+s15], $0x80, $0x38;
	[tilespmem:$0x12040] =	vst v63  }
0x121: {  	s22 =	sadd.s32 s7, s2  }
0x122: {  	[tilespmem:s1], [sflag:$0x1] =	stream.linear.gather [hbm4b:s22+s15], $0x80, $0x38;
	[tilespmem:$0x12040] =	vst v63  }
0x123: {  	s2 =	sadd.s32 s8, s2;
	s22 =	simm.s32 $0x200  }
0x124: {  	[tilespmem:s22], [sflag:$0x1] =	stream.linear.gather [hbm4b:s2+s15], $0x80, $0x38;
	[tilespmem:$0x12040] =	vst v63  }
0x125: {  	_ =	swait.ge [sflag:s5], $0x80  }
0x126: {  	[sflag:s5] =	ssyncset.done $0x0  }
0x127: {  	[sflag:s5] =	ssyncadd.s32 $0xFFFFFF80  }
0x128: {  	_ =	swait.ge [sflag:s5], $0x80  }
0x129: {  	[sflag:s5] =	ssyncset.done $0x0  }
0x12a: {  	[sflag:s5] =	ssyncadd.s32 $0xFFFFFF80  }
0x12b: {  	_ =	swait.ge [sflag:s5], $0x80  }
0x12c: {  	[sflag:s5] =	ssyncset.done $0x0  }
0x12d: {  	s10 =	simm.s32 $0x0;
	[sflag:s5] =	ssyncadd.s32 $0xFFFFFF80  }
0x12e: {  	v2 =	vld [tilespmem:s10+$0x0]  }
0x12f: {  	v3 =	vld [tilespmem:s10+$0x100];
	_ =	sdelay $0x6  }
0x130: {  	v4 =	vld.idx.msk [tilespmem:v2+s31+$0x0], $0xffff  }
0x131: {  	v3 =	vld.idx.msk [tilespmem:v3+s31+$0x0], $0xffff;
	_ =	sdelay $0x4  }
0x132: {  	v3 =	vsub.s32 v4, v3  }
0x133: {  	v3 =	vcvt.s32.f32 v3;
	_ =	sdelay $0x1  }
0x134: {  	v3 =	vand.u32 $0x7FFFFFFF, v3  }
0x135: {  	v3 =	vsub.f32 $0.0e+00, v3;
	_ =	sdelay $0x1  }
0x136: {  	v3 =	vmul.f32 $1.442695020e+00, v3;
	_ =	sdelay $0x1  }
0x137: {  	(erf) = vpow2.f32 v3;
	_ =	sdelay $0x4  }
0x138: {  	v3 =	vld.idx.msk [tilespmem:v2+s0+$0x0], $0xffff  }
0x139: {  	v2 =	vshll.u32 v2, $0x1  }
0x13a: {  	v4 =	vld [tilespmem:s10+$0x200];
	v2 =	vor.u32 v0, v2  }
0x13b: {  	s22 =	simm.s32 $0x10;
	[tilespmem:s10+$0x0] =	vst v2  }
0x13c: {  	v2 =	vld [tilespmem:s22+$0x0];
	v5 =	vpop (erf)  }
0x13d: {  	v6 =	vmul.f32 v5, v3  }
0x13e: {  	v5 =	vld [tilespmem:s22+$0x100]  }
0x13f: {  	p3 =	slt.u32 s25, $0x27100;
	vm1 =	vmmov vm0;
	vm2 =	veq.s32 v4, $0x4;
	v4 =	vld [tilespmem:s22+$0x200];
	v7 =	vmul.f32 $2.000000030e-01, v6  }
0x140: {  	vm1 =	vmneg @p3 vm1;
	vm3 =	vge.f32 v6, $0.0e+00  }
0x141: {  	s28 =	smov.u32 s25;
	s2 =	simm.s32 $0x80;
	vm1 =	vmand vm1, vm2;
	v3 =	vshll.u32 v2, $0x1;
	v6 =	vsel vm3, v6, v7  }
.LBB2_14:
0x142: {  	p3 =	sne.s32 s2, $0x1C0  }
0x143: {  	v6 =	vnsel vm1, $0x0, v6;
	s28 =	sadd.s32 $0x10, s28;
	s15 =	smov.u32 s2;
	s2 =	sadd.s32 $0x40, s2  }
0x144: {  	vm1 =	veq.s32 v4, $0x4;
	[tilespmem:s10+$0x5120] =	vst v6;
	s10 =	smov.u32 s22  }
0x145: {  	v4 =	vld.idx.msk [tilespmem:v2+s31+$0x0], $0xffff  }
0x146: {  	v5 =	vld.idx.msk [tilespmem:v5+s31+$0x0], $0xffff;
	_ =	sdelay $0x5  }
0x147: {  	v4 =	vsub.s32 v4, v5  }
0x148: {  	v4 =	vcvt.s32.f32 v4;
	_ =	sdelay $0x1  }
0x149: {  	v4 =	vand.u32 $0x7FFFFFFF, v4  }
0x14a: {  	v4 =	vsub.f32 $0.0e+00, v4;
	_ =	sdelay $0x1  }
0x14b: {  	v4 =	vmul.f32 $1.442695020e+00, v4;
	_ =	sdelay $0x1  }
0x14c: {  	(erf) = vpow2.f32 v4;
	_ =	sdelay $0x2  }
0x14d: {  	v4 =	vld.idx.msk [tilespmem:v2+s0+$0x0], $0xffff;
	v2 =	vor.u32 v0, v3  }
0x14e: {  	[tilespmem:s10+$0x0] =	vst v2;
	_ =	sdelay $0x3  }
0x14f: {  	s22 =	sshra.s32 s15, $0x2  }
0x150: {  	v2 =	vld [tilespmem:s22+$0x0];
	v3 =	vpop (erf)  }
.Ltmp9:
0x151: {  	v5 =	vld [tilespmem:s22+$0x100];
	v6 =	vmul.f32 v3, v4;
	(pc) =	sbr.rel @p3 .LBB2_14-.Ltmp9, $4  }
0x152: {  	vm3 =	vmmov vm0;
	p4 =	slt.u32 s28, $0x27100;
	v4 =	vld [tilespmem:s22+$0x200]  }
0x153: {  	vm3 =	vmneg @p4 vm3;
	vm2 =	vge.f32 v6, $0.0e+00;
	v7 =	vmul.f32 $2.000000030e-01, v6  }
0x154: {  	vm1 =	vmand vm3, vm1  }
0x155: {  	v3 =	vshll.u32 v2, $0x1;
	v6 =	vsel vm2, v6, v7  }
0x156: {  	_ =	sdelay $0x1  }
0x157: {  	v6 =	vnsel vm1, $0x0, v6  }
0x158: {  	[tilespmem:s10+$0x5120] =	vst v6  }
0x159: {  	v6 =	vld.idx.msk [tilespmem:v2+s31+$0x0], $0xffff  }
0x15a: {  	v5 =	vld.idx.msk [tilespmem:v5+s31+$0x0], $0xffff;
	_ =	sdelay $0x4  }
0x15b: {  	v5 =	vsub.s32 v6, v5  }
0x15c: {  	v5 =	vcvt.s32.f32 v5;
	_ =	sdelay $0x1  }
0x15d: {  	v5 =	vand.u32 $0x7FFFFFFF, v5  }
0x15e: {  	v5 =	vsub.f32 $0.0e+00, v5;
	_ =	sdelay $0x1  }
0x15f: {  	v5 =	vmul.f32 $1.442695020e+00, v5;
	_ =	sdelay $0x1  }
0x160: {  	(erf) = vpow2.f32 v5;
	_ =	sdelay $0x4  }
0x161: {  	v2 =	vld.idx.msk [tilespmem:v2+s0+$0x0], $0xffff;
	_ =	sdelay $0x3  }
0x162: {  	v5 =	vpop (erf)  }
0x163: {  	v2 =	vmul.f32 v5, v2  }
0x164: {  	s2 =	sadd.s32 $0x10, s28  }
0x165: {  	vm1 =	vmmov vm0;
	p3 =	slt.u32 s2, $0x27100;
	v5 =	vmul.f32 $2.000000030e-01, v2  }
0x166: {  	vm2 =	veq.s32 v4, $0x4;
	vm1 =	vmneg @p3 vm1;
	vm3 =	vge.f32 v2, $0.0e+00  }
0x167: {  	v3 =	vor.u32 v0, v3;
	vm1 =	vmand vm1, vm2;
	v2 =	vsel vm3, v2, v5  }
0x168: {  	[tilespmem:s22+$0x0] =	vst v3;
	v2 =	vnsel vm1, $0x0, v2  }
0x169: {  	[tilespmem:s22+$0x5120] =	vst v2  }
0x16a: {  	[tilespmem:s29], [sflag:$0x3] =	stream.indirect.gather [hbm4b:s9+s13], $0x80, s4, s13, $0xb8;
	[tilespmem:$0x12040] =	vst v63  }
.LBB2_16:
0x16b: {  	_ =	swait.ge [sflag:s20], $0x4000;
	s2 =	simm.s32 $0x0  }
0x16c: {  	[sflag:s20] =	ssyncset.done $0x0;
	v2 =	vmov s2  }
0x16d: {  	s10 =	simm.s32 $0x9260;
	[sflag:s20] =	ssyncadd.s32 $0xFFFFC000  }
0x16e: {  	v6 =	vld [tilespmem:s10+$0x30]  }
0x16f: {  	v9 =	vld [tilespmem:s10+$0x10]  }
0x170: {  	v7 =	vld [tilespmem:s10+$0xFFFFFFC0]  }
0x171: {  	v3 =	vld.idx.msk [tilespmem:v2+s21+$0x0], $0xffff  }
0x172: {  	v11 =	vld [tilespmem:s10+$0xFFFFFFE0]  }
0x173: {  	v4 =	vld [tilespmem:s10+$0x20]  }
0x174: {  	v5 =	vld [tilespmem:s10+$0xFFFFFFD0]  }
0x175: {  	v2 =	vld [tilespmem:s10+$0xFFFFFFF0]  }
0x176: {  	v10 =	vmul.f32 v6, v3;
	v6 =	vld [tilespmem:s10+$0x0]  }
0x177: {  	v8 =	vmul.f32 v7, v3  }
0x178: {  	s22 =	simm.s32 $0x9260;
	s2 =	simm.s32 $0x1;
	v7 =	vmul.f32 v11, v3;
	v9 =	vmul.f32 v9, v3  }
.LBB2_17:
0x179: {  	p3 =	sne.s32 s2, $0x7F  }
0x17a: {  	v5 =	vmul.f32 v5, v3;
	v4 =	vmul.f32 v4, v3;
	[tilespmem:s10+$0x30] =	vst v10;
	s22 =	sadd.s32 $0x80, s22;
	s15 =	smov.u32 s2;
	s2 =	sadd.s32 $0x1, s2  }
0x17b: {  	[tilespmem:s10+$0xFFFFFFC0] =	vst v8;
	v8 =	vmul.f32 v2, v3;
	v3 =	vmul.f32 v6, v3  }
0x17c: {  	[tilespmem:s10+$0x10] =	vst v9  }
0x17d: {  	v6 =	vmov s15;
	[tilespmem:s10+$0xFFFFFFE0] =	vst v7  }
0x17e: {  	v2 =	vld [tilespmem:s22+$0xFFFFFFF0];
	[tilespmem:s10+$0xFFFFFFF0] =	vst v8  }
0x17f: {  	v7 =	vld [tilespmem:s22+$0x30];
	[tilespmem:s10+$0x0] =	vst v3  }
0x180: {  	v9 =	vld [tilespmem:s22+$0x10];
	[tilespmem:s10+$0x20] =	vst v4  }
0x181: {  	v8 =	vld [tilespmem:s22+$0xFFFFFFC0];
	[tilespmem:s10+$0xFFFFFFD0] =	vst v5;
	s10 =	smov.u32 s22  }
0x182: {  	v3 =	vld.idx.msk [tilespmem:v6+s21+$0x0], $0xffff  }
0x183: {  	v11 =	vld [tilespmem:s22+$0xFFFFFFE0]  }
0x184: {  	v4 =	vld [tilespmem:s22+$0x20]  }
.Ltmp10:
0x185: {  	v5 =	vld [tilespmem:s22+$0xFFFFFFD0];
	(pc) =	sbr.rel @p3 .LBB2_17-.Ltmp10, $3  }
0x186: {  	v6 =	vld [tilespmem:s22+$0x0];
	_ =	sdelay $0x1  }
0x187: {  	v8 =	vmul.f32 v8, v3;
	v10 =	vmul.f32 v7, v3  }
0x188: {  	v9 =	vmul.f32 v9, v3;
	v7 =	vmul.f32 v11, v3  }
0x189: {  	[tilespmem:s10+$0x30] =	vst v10  }
0x18a: {  	[tilespmem:s10+$0xFFFFFFC0] =	vst v8  }
0x18b: {  	v2 =	vmul.f32 v2, v3;
	[tilespmem:s10+$0x10] =	vst v9  }
0x18c: {  	v4 =	vmul.f32 v4, v3;
	[tilespmem:s10+$0xFFFFFFE0] =	vst v7  }
0x18d: {  	v6 =	vmul.f32 v6, v3;
	[tilespmem:s10+$0xFFFFFFF0] =	vst v2  }
0x18e: {  	v2 =	vmul.f32 v5, v3;
	[tilespmem:s10+$0x20] =	vst v4  }
0x18f: {  	[tilespmem:s10+$0x0] =	vst v6  }
.Ltmp11:
0x190: {  	[tilespmem:s10+$0xFFFFFFD0] =	vst v2;
	(pc) =	sbr.rel @p2 .LBB2_20-.Ltmp11, $4  }
0x191: {  	[spmem:s3] =	stream.indirect.scatter.add.f32 [tilespmem:s17], [sflag:$0x5], $0x80, s14, s13, $0xb8;
	[tilespmem:$0x12040] =	vst v63  }
0x192: {  	_ =	swait.ge [sflag:s30], $0x4000  }
0x193: {  	[sflag:s30] =	ssyncset.done $0x0  }
0x194: {  	[sflag:s30] =	ssyncadd.s32 $0xFFFFC000  }
0x195: {  	s2 =	sadd.s32 s12, s26  }
0x196: {  	s2 =	sshrl.u32 s2, $0x3  }
0x197: {  	s10 =	sadd.s32 s6, s2  }
0x198: {  	[tilespmem:s13], [sflag:$0x2] =	stream.linear.gather [hbm4b:s10+s4], $0x80, $0x38;
	[tilespmem:$0x12040] =	vst v63  }
.Ltmp12:
0x199: {  	_ = 	snop;
	(pc) =	sbr.rel .LBB2_8-.Ltmp12, $4  }
0x19a: {  	s28 =	simm.s32 $0x280;
	s23 =	sadd.s32 $0x1, s23;
	s22 =	sadd.s32 s7, s2  }
0x19b: {  	[tilespmem:s14], [sflag:$0x2] =	stream.linear.gather [hbm4b:s22+s4], $0x80, $0x38;
	[tilespmem:$0x12040] =	vst v63  }
0x19c: {  	s11 =	sadd.s32 $0x100, s11;
	s25 =	sadd.s32 $0x100, s25;
	s2 =	sadd.s32 s8, s2  }
0x19d: {  	[tilespmem:s28], [sflag:$0x2] =	stream.linear.gather [hbm4b:s2+s4], $0x80, $0x38;
	[tilespmem:$0x12040] =	vst v63  }
.LBB2_21:
0x19e: {  	_ =	sfence.sel $0x180000  }
0x19f: {  	[bflag:$0x0] =	sbarrier.arrive $0xFFFF  }
0x1a0: {  	_ =	strace $0x90000047  }
0x1a1: {  	s0 =	stileid.u32;
	[bflag:$0x2] =	sbarrier.arrive $0xFFFF  }
0x1a2: {  	p0 =	sne.s32 s0, $0x0;
	s0 =	rddreg [dreg:$0x4]  }
0x1a3: {  	s0 =	sadd.s32 @!p0 $0x100000, s0  }
0x1a4: {  	[sflag:s0] =	ssyncadd.tile.s32 @!p0 $0x1;
	_ =	shalt  }
.Lfunc_end2:
_tile_overlayer_lowered:
.L_overlay_start_2:
0x1a5: {  	(tag) =	ssettag $0x2  }
0x1a6: {  	s0 =	rddreg [dreg:$0x0];
	s2 =	stileid.u32  }
0x1a7: {  	s1 =	rddreg [dreg:$0x1];
	p0 =	sne.s32 s2, $0x0  }
0x1a8: {  	s3 =	rddreg [dreg:$0x2];
	[bflag:$0x3] =	sbarrier.arrive $0xFFFF;
	s2 =	simm.s32 @!p0 $0x1C05  }
0x1a9: {  	[timem:s3], [sflag:s2] =	dma.local @!p0 [hbm:s0], s1  }
0x1aa: {  	s0 =	simm.s32 @!p0 $0x5  }
0x1ab: {  	_ =	swait.ge @!p0 [sflag:s0], s1  }
0x1ac: {  	s1 =	ssub.s32 @!p0 $0x0, s1;
	[sflag:s0] =	ssyncset.done @!p0 $0x0  }
0x1ad: {  	[sflag:s0] =	ssyncadd.s32 @!p0 s1  }
0x1ae: {  	[bflag:$0x3] =	sbarrier.arrive $0xFFFF  }
0x1af: {  	_ =	shalt  }

// kernel: kernel.16.cloned.1.call-start
scs
__scs_entry_jumppad:
0x0: {  	(pc) =	sbr.rel $0x88, $3  }
0x1: {  	(tag) =	ssettag $0x0;
	lr =	simm.s32 $0x1  }
0x2: {  	[smem:$0x3F8B] =	sst lr;
	_ =	strace $0xD0000000  }
0x3: {  	_ = 	snop  }
0x4: {  	_ = 	snop  }
0x5: {  	_ = 	snop  }
0x6: {  	_ = 	snop  }
0x7: {  	_ = 	snop  }
__scs_overlays_trampoline_lowered:
0x8: {  	[smem:$0x3F9A] =	sst s0  }
0x9: {  	[smem:$0x3F9B] =	sst s1  }
0xa: {  	[smem:$0x3F9C] =	sst s2  }
0xb: {  	[smem:$0x3F9D] =	sst s3  }
0xc: {  	[smem:$0x3F9E] =	sst s4  }
0xd: {  	[smem:$0x3F9F] =	sst s5  }
0xe: {  	[smem:$0x3FA0] =	sst s6  }
0xf: {  	[smem:$0x3FA1] =	sst s7  }
0x10: {  	[smem:$0x3FA2] =	sst s8  }
0x11: {  	[smem:$0x3FA3] =	sst s9;
	s0 =	simm.s32 @!p0 $0x0  }
0x12: {  	s1 =	sld [smem:$0x3F89];
	s0 =	simm.s32 @p0 $0x1  }
0x13: {  	[smem:$0x3FA4] =	sst s0;
	s0 =	simm.s32 @!p1 $0x0  }
0x14: {  	s2 =	sld [smem:$0x3F88];
	s0 =	simm.s32 @p1 $0x1  }
0x15: {  	[smem:$0x3FA5] =	sst s0;
	s0 =	simm.s32 @!p2 $0x0  }
0x16: {  	s3 =	sld [smem:$0x3FDB];
	s0 =	simm.s32 @p2 $0x1  }
0x17: {  	s4 =	simm.s32 $0x1BF5;
	[smem:$0x3FA7] =	sst s0  }
0x18: {  	s0 =	sld [smem:$0x3F8A];
	_ =	swait.ge [sflag:s4], $0x0  }
0x19: {  	s7 =	sld [smem:$0x3F8B]  }
0x1a: {  	s8 =	sadd.s32 $0xFFFFE003, lr  }
0x1b: {  	s9 =	sadd.s32 $0xFFFFFEF7, lr;
	s5 =	simm.s32 $0xFFFFFFFF;
	p2 =	slt.u32 s8, $0xFFFFF086  }
0x1c: {  	p1 =	slt.u32 s9, $0xF7A;
	s5 =	simm.s32 @!p2 $0x0  }
0x1d: {  	s5 =	simm.s32 @p1 $0x1;
	p0 =	seq.s32 s7, s2  }
0x1e: {  	s7 =	smul.u32 @!p0 $0xF7A, s2;
	p2 =	seq.s32 @!p0 s5, $0x0  }
0x1f: {  	s9 =	smul.u32 $0xF7A, s1;
	s8 =	simm.s32 @!p0 $0x1BF5;
	p2 =	por !p2, p0  }
0x20: {  	[sflag:s8] =	ssyncset.s32 @!p0 $0xFFFFF086;
	s6 =	sadd.s32 @!p0 s3, s7;
	s7 =	simm.s32 @!p0 $0x108  }
0x21: {  	s3 =	sadd.s32 s3, s9;
	s6 =	sadd.s32 @!p0 $0x88, s6;
	s7 =	simm.s32 @p2 $0x1082  }
0x22: {  	[simem:s7], [sflag:s8] =	dma.local @!p0 [hbm:s6], $0xF7A  }
0x23: {  	s9 =	sor.u32 $0xD0000000, s2;
	s6 =	simm.s32 $0x108;
	_ =	swait.ge @!p0 [sflag:s8], $0x0  }
0x24: {  	s3 =	sadd.s32 $0x88, s3;
	s6 =	simm.s32 @!p1 $0x1082;
	[sflag:s4] =	ssyncset.s32 $0xFFFFF086  }
0x25: {  	[simem:s6], [sflag:s4] =	dma.local [hbm:s3], $0xF7A  }
0x26: {  	[smem:$0x3F8B] =	sst s1;
	(tag) =	ssettag s2;
	_ =	strace s9  }
0x27: {  	s1 =	sld [smem:$0x3F9B]  }
0x28: {  	s2 =	sld [smem:$0x3F9C]  }
0x29: {  	s4 =	sld [smem:$0x3F9E]  }
0x2a: {  	p0 =	seq.s32 s5, $0x0;
	s5 =	sld [smem:$0x3F9F]  }
0x2b: {  	s6 =	sld [smem:$0x3FA0]  }
0x2c: {  	s7 =	sld [smem:$0x3FA1]  }
0x2d: {  	s3 =	simm.s32 $0x108;
	s8 =	sld [smem:$0x3FA2]  }
0x2e: {  	s3 =	simm.s32 @!p0 $0x1082;
	s9 =	sld [smem:$0x3FA3]  }
0x2f: {  	lr =	sadd.s32 s0, s3;
	s0 =	sld [smem:$0x3F9A]  }
0x30: {  	s3 =	sld [smem:$0x3F9D]  }
0x31: {  	[smem:$0x3FA6] =	sst s10  }
0x32: {  	s10 =	sld [smem:$0x3FA4];
	_ =	sdelay $0x3  }
0x33: {  	p0 =	seq.s32 s10, $0x1;
	s10 =	sld [smem:$0x3FA6];
	_ =	sdelay $0x3  }
0x34: {  	[smem:$0x3FA6] =	sst s10  }
0x35: {  	s10 =	sld [smem:$0x3FA5];
	_ =	sdelay $0x3  }
0x36: {  	p1 =	seq.s32 s10, $0x1;
	s10 =	sld [smem:$0x3FA6];
	_ =	sdelay $0x3  }
0x37: {  	[smem:$0x3FA6] =	sst s10  }
0x38: {  	s10 =	sld [smem:$0x3FA7]  }
0x39: {  	_ = 	snop;
	(pc) =	sbr.ind lr, $3  }
0x3a: {  	_ = 	snop  }
0x3b: {  	_ = 	snop  }
0x3c: {  	p2 =	seq.s32 s10, $0x1;
	s10 =	sld [smem:$0x3FA6]  }
0x3d: {  	_ =	shalt  }
0x3e: {  	_ =	shalt  }
0x3f: {  	_ =	shalt  }
0x40: {  	_ =	shalt  }
0x41: {  	_ =	shalt  }
0x42: {  	_ =	shalt  }
0x43: {  	_ =	shalt  }
0x44: {  	_ =	shalt  }
0x45: {  	_ =	shalt  }
0x46: {  	_ =	shalt  }
0x47: {  	_ =	shalt  }
0x48: {  	_ =	shalt  }
0x49: {  	_ =	shalt  }
0x4a: {  	_ =	shalt  }
0x4b: {  	_ =	shalt  }
0x4c: {  	_ =	shalt  }
0x4d: {  	_ =	shalt  }
0x4e: {  	_ =	shalt  }
0x4f: {  	_ =	shalt  }
0x50: {  	_ =	shalt  }
0x51: {  	_ =	shalt  }
0x52: {  	_ =	shalt  }
0x53: {  	_ =	shalt  }
0x54: {  	_ =	shalt  }
0x55: {  	_ =	shalt  }
0x56: {  	_ =	shalt  }
0x57: {  	_ =	shalt  }
0x58: {  	_ =	shalt  }
0x59: {  	_ =	shalt  }
0x5a: {  	_ =	shalt  }
0x5b: {  	_ =	shalt  }
0x5c: {  	_ =	shalt  }
0x5d: {  	_ =	shalt  }
0x5e: {  	_ =	shalt  }
0x5f: {  	_ =	shalt  }
0x60: {  	_ =	shalt  }
0x61: {  	_ =	shalt  }
0x62: {  	_ =	shalt  }
0x63: {  	_ =	shalt  }
0x64: {  	_ =	shalt  }
0x65: {  	_ =	shalt  }
0x66: {  	_ =	shalt  }
0x67: {  	_ =	shalt  }
0x68: {  	_ =	shalt  }
0x69: {  	_ =	shalt  }
0x6a: {  	_ =	shalt  }
0x6b: {  	_ =	shalt  }
0x6c: {  	_ =	shalt  }
0x6d: {  	_ =	shalt  }
0x6e: {  	_ =	shalt  }
0x6f: {  	_ =	shalt  }
0x70: {  	_ =	shalt  }
0x71: {  	_ =	shalt  }
0x72: {  	_ =	shalt  }
0x73: {  	_ =	shalt  }
0x74: {  	_ =	shalt  }
0x75: {  	_ =	shalt  }
0x76: {  	_ =	shalt  }
0x77: {  	_ =	shalt  }
0x78: {  	_ =	shalt  }
0x79: {  	_ =	shalt  }
0x7a: {  	_ =	shalt  }
0x7b: {  	_ =	shalt  }
0x7c: {  	_ =	shalt  }
0x7d: {  	_ =	shalt  }
0x7e: {  	_ =	shalt  }
0x7f: {  	_ =	shalt  }
0x80: {  	_ =	shalt  }
0x81: {  	_ =	shalt  }
0x82: {  	_ =	shalt  }
0x83: {  	_ =	shalt  }
0x84: {  	_ =	shalt  }
0x85: {  	_ =	shalt  }
0x86: {  	_ =	shalt  }
0x87: {  	_ =	shalt  }
.Lfunc_end0:
.L_simem_size_0:
called_computation.2_lowered:
.L_overlay_start_0:
0x88: {  	s2 =	sld [smem:$0x3FD9]  }
0x89: {  	s3 =	sld [smem:$0x3FFE];
	_ =	sdelay $0x1  }
0x8a: {  	s1 =	srdreg.scid  }
0x8b: {  	s0 =	sand.u32 $0x1, s1  }
0x8c: {  	s17 =	sshll.u32 s0, $0xA;
	s2 =	sadd.s32 s3, s2  }
0x8d: {  	s2 =	sadd.s32 s2, s17  }
0x8e: {  	[smem:$0x3FB2] =	sst s2  }
0x8f: {  	_ = 	snop  }
0x90: {  	s2 =	sld [smem:$0x3FD0];
	(tm) =	ssettm $0x1  }
0x91: {  	s18 =	sld [smem:$0x3FFB];
	_ =	sdelay $0x3  }
0x92: {  	_ =	strace s18  }
0x93: {  	s3 =	sld [smem:$0x3FFC];
	_ =	sdelay $0x3  }
0x94: {  	_ =	strace s3  }
0x95: {  	s3 =	sld [smem:$0x3FFD];
	_ =	sdelay $0x3  }
0x96: {  	_ =	strace s3  }
0x97: {  	_ =	strace $0x8FFFFFFF  }
0x98: {  	s19 =	sld [smem:$0x3FDB];
	_ =	sdelay $0x1  }
0x99: {  	s4 =	simm.s32 $_scs_section_size  }
0x9a: {  	s5 =	simm.s32 $_size__tile_overlayer_lowered;
	s6 =	simm.s32 $_tile_overlayer_lowered  }
0x9b: {  	s22 =	simm.s32 $0x1BFF;
	s21 =	sshll.u32 s6, $0x1;
	s3 =	sadd.s32 s4, s19  }
0x9c: {  	s7 =	simm.s32 $0x0;
	s20 =	sshll.u32 s5, $0x1;
	s5 =	sadd.s32 s21, s3  }
0x9d: {  	[timem:s7], [sflag:s22] =	dma.local [hbm:s5], s20  }
0x9e: {  	_ =	swait.ge [sflag:s22], s20  }
0x9f: {  	s4 =	ssub.s32 $0x0, s20;
	[sflag:s22] =	ssyncset.done $0x0  }
0xa0: {  	[sflag:s22] =	ssyncadd.s32 s4;
	_ =	sdelay $0x1  }
0xa1: {  	s23 =	simm.s32 $0x1B8B  }
0xa2: {  	_ =	swait.ge [sflag:s23], $0x1  }
0xa3: {  	[sflag:s23] =	ssyncset.done $0x0  }
0xa4: {  	s25 =	simm.s32 $0x1B8E;
	s24 =	sld [smem:$0x3FFE];
	[sflag:s23] =	ssyncadd.s32 $0xFFFFFFFF  }
0xa5: {  	s26 =	simm.s32 $execute0_lowered;
	[smem:$0x3FD2] =	sst s25  }
0xa6: {  	s5 =	sshll.u32 s26, $0x1;
	_ =	strace $0x80000049;
	[dreg:$0x1] =	wrdreg $0xFFFFFFFF  }
0xa7: {  	s28 =	simm.s32 $_size_execute0_lowered;
	s3 =	sadd.s32 s3, s5;
	[dreg:$0x0] =	wrdreg $0x0  }
0xa8: {  	s5 =	sshll.u32 s28, $0x1;
	[dreg:$0x2] =	wrdreg s3  }
0xa9: {  	[dreg:$0x3] =	wrdreg s5  }
0xaa: {  	[dreg:$0x4] =	wrdreg $0xC0  }
0xab: {  	_ =	task [dreg:s7], $0x5FFFF  }
0xac: {  	[dreg:$0x1] =	wrdreg $0xFFFFFFFF  }
0xad: {  	[dreg:$0x0] =	wrdreg $0x60  }
0xae: {  	[dreg:$0x2] =	wrdreg s24  }
0xaf: {  	[dreg:$0x3] =	wrdreg s2  }
0xb0: {  	[dreg:$0x4] =	wrdreg $0x31000  }
0xb1: {  	[dreg:$0x5] =	wrdreg $0xA  }
0xb2: {  	_ =	task.clear_ibuf [dreg:s7], $0x6FFFF;
	_ =	strace $0x90000049  }
0xb3: {  	s29 =	simm.s32 $0xA;
	_ =	strace $0x8000004B  }
0xb4: {  	_ =	swait.ge [sflag:s29], $0x1  }
0xb5: {  	[sflag:s29] =	ssyncadd.s32 $0xFFFFFFFF  }
0xb6: {  	_ =	strace $0x9000004B  }
0xb7: {  	_ =	sfence  }
0xb8: {  	s30 =	sld [smem:$0x0];
	_ =	sdelay $0x2  }
0xb9: {  	s31 =	sshll.u32 s1, $0xD;
	s1 =	sshrl.u32 s1, $0x2  }
0xba: {  	s3 =	sand.u32 $0x4000, s31;
	s1 =	sadd.s32 s1, s30  }
0xbb: {  	s0 =	sor.u32 s3, s0;
	s1 =	sshll.u32 s1, $0x11  }
0xbc: {  	s0 =	sor.u32 s1, s0  }
0xbd: {  	s0 =	sadd.s32 $0x8F2B, s0  }
0xbe: {  	[sflag:s0] =	ssyncadd.remote.s32 $0x1  }
0xbf: {  	_ =	sfence.sel $0xFFFF  }
0xc0: {  	[dreg:$0x0] =	wrdreg $0xFFFFFFFF;
	(pc) =	sbr.abs _section_cstart, $3  }
0xc1: {  	[dreg:$0x1] =	wrdreg $0xFFFFFFFF  }
0xc2: {  	_ =	task.clear_ibuf [dreg:s7], $0x2FFFF;
	_ =	strace $0x9FFFFFFF  }
0xc3: {  	(tm) =	ssettm $0x7FFFFFFF  }
tec
execute0_lowered:
.L_overlay_start_1:
0x0: {  	(tag) =	ssettag $0x1  }
0x1: {  	s0 =	rddreg [dreg:$0x0]  }
0x2: {  	s4 =	rddreg [dreg:$0x1]  }
0x3: {  	s1 =	rddreg [dreg:$0x2];
	s2 =	simm.s32 $0x0  }
0x4: {  	s8 =	srdreg.scid;
	s13 =	stileid.u32;
	s14 =	simm.s32 $0x6B  }
0x5: {  	s28 =	simm.s32 $0x2900;
	s29 =	simm.s32 $0x5;
	s30 =	simm.s32 $0x0  }
0x6: {  	[smem:$0x7FF] =	sst s2;
	s3 =	sadd.s32 $0x2E00, s0;
	s5 =	sadd.s32 $0x7E00, s0  }
0x7: {  	s6 =	sadd.s32 $0xCE00, s0;
	s7 =	sadd.s32 $0x14AA00, s0;
	s9 =	sand.u32 $0x1, s8  }
0x8: {  	s8 =	sadd.s32 $0x11E00, s0;
	s10 =	sshll.u32 s13, $0x1;
	s12 =	smul.u32 $0xC200, s13  }
0x9: {  	p0 =	seq.s32 s13, $0xF;
	s17 =	sadd.s32 $0x30D00, s1;
	s22 =	smul.u32 $0x3080, s13  }
0xa: {  	p1 =	sne.s32 s13, $0xF;
	s13 =	simm.s32 $0x500;
	_ =	strace $0x8000004A  }
0xb: {  	s15 =	ssub.s32 $0x2, s9;
	s10 =	sor.u32 s9, s10;
	s14 =	simm.s32 @!p0 $0x61  }
0xc: {  	[dreg:$0x6] =	wrdreg s17;
	s9 =	smul.u32 $0x30D40, s9;
	s11 =	sshrl.u32 s15, $0x1  }
0xd: {  	s10 =	smul.u32 $0x1400, s10;
	[dreg:$0x4] =	wrdreg s14;
	s16 =	sshrl.u32 s12, $0x2  }
0xe: {  	s14 =	simm.s32 $0x0;
	s0 =	ssub.s32 s15, s11;
	s11 =	sadd.s32 s16, s1  }
0xf: {  	s25 =	sadd.s32 s22, s9;
	[dreg:$0x5] =	wrdreg s11;
	s26 =	sor.u32 $0x100, s10  }
0x10: {  	s9 =	sshrl.u32 s9, $0x3;
	s0 =	smax.u32 s0, $0x1;
	[dreg:$0xd] =	wrdreg s26  }
0x11: {  	s18 =	sshrl.u32 s10, $0x3;
	s31 =	sor.u32 $0x180, s10;
	[dreg:$0x10] =	wrdreg s0  }
0x12: {  	s15 =	simm.s32 $0x1500;
	s19 =	sadd.s32 s3, s18;
	[dreg:$0x13] =	wrdreg s31  }
0x13: {  	s9 =	sadd.s32 s4, s9;
	s20 =	sadd.s32 s5, s18;
	[dreg:$0x7] =	wrdreg s19  }
0x14: {  	s21 =	sadd.s32 s6, s18;
	s11 =	sor.u32 $0x10, s18;
	[dreg:$0x8] =	wrdreg s20  }
0x15: {  	s9 =	sadd.s32 $0x5AF0, s9;
	s26 =	smov.u32 s1;
	[dreg:$0x9] =	wrdreg s21  }
0x16: {  	s18 =	simm.s32 $0x2;
	s23 =	sadd.s32 s3, s11;
	[dreg:$0xf] =	wrdreg s9  }
0x17: {  	s24 =	sadd.s32 s5, s11;
	s11 =	sadd.s32 s6, s11;
	[dreg:$0xa] =	wrdreg s23  }
0x18: {  	s19 =	sor.u32 $0x80, s10;
	s9 =	sadd.s32 $0x2D780, s1;
	[dreg:$0xb] =	wrdreg s24  }
0x19: {  	[dreg:$0xc] =	wrdreg s11;
	s11 =	sshrl.u32 s25, $0x3;
	s0 =	sshrl.u32 @p0 s9, $0x3  }
.Ltmp0:
0x1a: {  	s23 =	simm.s32 $0x480;
	s24 =	simm.s32 $0x1D00;
	(pc) =	sbr.rel .LBB2_1-.Ltmp0, $4  }
0x1b: {  	s25 =	simm.s32 $0x3;
	s4 =	sadd.s32 s4, s11;
	[dreg:$0x11] =	wrdreg s0  }
0x1c: {  	v1 =	vlaneseq.u32;
	s9 =	simm.s32 $0x4;
	[dreg:$0xe] =	wrdreg s4;
	s4 =	sadd.s32 s22, s1  }
0x1d: {  	v0 =	vimm.f32 $0.0e+00;
	v2 =	vand.u32 $0x7, v1;
	s11 =	simm.s32 $0x2500;
	s22 =	simm.s32 $0xD00;
	s0 =	sshrl.u32 @!p0 s4, $0x3  }
0x1e: {  	vm0 =	vmmov $0xff;
	v1 =	vmul.u32 $0x10, v1;
	v2 =	vmul.u32 $0x80, v2;
	s4 =	simm.s32 $0x80;
	[dreg:$0x12] =	wrdreg s0;
	s0 =	simm.s32 $0x1  }
.LBB2_16:
0x1f: {  	[bflag:$0x0] =	sbarrier.arrive $0xFFFF  }
0x20: {  	s12 =	rddreg [dreg:$0xf]  }
0x21: {  	s1 =	simm.s32 @p0 $0x1FC5;
	s14 =	rddreg [dreg:$0x11]  }
0x22: {  	[hbm:s12], [sflag:s1] =	dma.local @p0 [spmem:s14], $0x6B8  }
0x23: {  	s1 =	simm.s32 @p0 $0x5  }
0x24: {  	s12 =	stileid.u32;
	_ =	swait.ge @p0 [sflag:s1], $0x6B8  }
0x25: {  	s12 =	sshll.u32 @!p0 s12, $0x6;
	[sflag:s1] =	ssyncset.done @p0 $0x0;
	s14 =	rddreg [dreg:$0x12]  }
0x26: {  	[sflag:s1] =	ssyncadd.s32 @p0 $0xFFFFF948;
	s1 =	sor.u32 @!p0 $0x1C05, s12;
	s12 =	rddreg [dreg:$0xe]  }
0x27: {  	[hbm:s12], [sflag:s1] =	dma.local @!p0 [spmem:s14], $0x610  }
0x28: {  	s1 =	simm.s32 @!p0 $0x5  }
0x29: {  	_ =	swait.ge @!p0 [sflag:s1], $0x610  }
0x2a: {  	s21 =	rddreg [dreg:$0x14]  }
0x2b: {  	s31 =	rddreg [dreg:$0x10];
	s14 =	sadd.s32 $0x1, s21  }
0x2c: {  	p2 =	sne.s32 s14, s31  }
.Ltmp1:
0x2d: {  	_ = 	snop;
	(pc) =	sbr.rel @!p2 .LBB2_17-.Ltmp1, $3  }
0x2e: {  	_ =	sdelay $0x1  }
0x2f: {  	[sflag:s1] =	ssyncset.done @!p0 $0x0  }
0x30: {  	[sflag:s1] =	ssyncadd.s32 @!p0 $0xFFFFF9F0  }
.LBB2_1:
0x31: {  	[tilespmem:$0x2900] =	vst v0  }
0x32: {  	[tilespmem:$0x2910] =	vst v0  }
0x33: {  	[tilespmem:$0x2920] =	vst v0  }
0x34: {  	[tilespmem:$0x2930] =	vst v0  }
0x35: {  	[tilespmem:$0x2940] =	vst v0  }
0x36: {  	[tilespmem:$0x2950] =	vst v0  }
0x37: {  	[tilespmem:$0x2960] =	vst v0  }
0x38: {  	[tilespmem:$0x2970] =	vst v0  }
0x39: {  	[tilespmem:$0x2980] =	vst v0  }
0x3a: {  	[tilespmem:$0x2990] =	vst v0  }
0x3b: {  	[tilespmem:$0x29A0] =	vst v0  }
0x3c: {  	[tilespmem:$0x29B0] =	vst v0  }
0x3d: {  	[tilespmem:$0x29C0] =	vst v0  }
0x3e: {  	[tilespmem:$0x29D0] =	vst v0  }
0x3f: {  	[tilespmem:$0x29E0] =	vst v0  }
0x40: {  	[tilespmem:$0x29F0] =	vst v0  }
0x41: {  	[tilespmem:$0x2A00] =	vst v0;
	s1 =	rddreg [dreg:$0x4]  }
0x42: {  	[tilespmem:$0x2A10] =	vst v0;
	p2 =	sne.s32 s1, $0x1  }
.Ltmp2:
0x43: {  	[dreg:$0x14] =	wrdreg s14;
	[tilespmem:$0x2A20] =	vst v0;
	(pc) =	sbr.rel @!p2 .LBB2_3-.Ltmp2, $4  }
0x44: {  	[tilespmem:$0x2A30] =	vst v0;
	s14 =	rddreg [dreg:$0x5]  }
0x45: {  	[spmem:s14] =	stream.linear.scatter [tilespmem:s28], [sflag:$0x5], $0x80, $0x38;
	[tilespmem:$0x61D8] =	vst v63  }
0x46: {  	_ =	swait.ge [sflag:s29], $0x80  }
0x47: {  	s12 =	sadd.s32 $0xFFFFFFFF, s1;
	[sflag:s29] =	ssyncset.done $0x0  }
.LBB2_2:
0x48: {  	p2 =	sne.s32 s12, $0x1;
	[sflag:s29] =	ssyncadd.s32 $0xFFFFFF80;
	s14 =	sadd.s32 $0x80, s14  }
.Ltmp3:
0x49: {  	s12 =	sadd.s32 $0xFFFFFFFF, s12;
	(pc) =	sbr.rel @p2 .LBB2_2-.Ltmp3, $4  }
0x4a: {  	_ = 	snop  }
0x4b: {  	[spmem:s14] =	stream.linear.scatter [tilespmem:s28], [sflag:$0x5], $0x80, $0x38;
	[tilespmem:$0x61D8] =	vst v63  }
0x4c: {  	_ =	swait.ge [sflag:s29], $0x80  }
0x4d: {  	[sflag:s29] =	ssyncset.done $0x0  }
.LBB2_3:
0x4e: {  	[sflag:s29] =	ssyncadd.s32 $0xFFFFFF80;
	s12 =	simm.s32 @!p1 $0x2900;
	s1 =	rddreg [dreg:$0x6]  }
0x4f: {  	[spmem:s1] =	stream.linear.scatter @!p1 [tilespmem:s12], [sflag:$0x5], $0x40, $0x38;
	[tilespmem:$0x61D8] =	vst v63  }
0x50: {  	s12 =	simm.s32 @!p1 $0x5  }
0x51: {  	_ =	swait.ge @!p1 [sflag:s12], $0x40  }
0x52: {  	[sflag:s12] =	ssyncset.done @!p1 $0x0  }
0x53: {  	[sflag:s12] =	ssyncadd.s32 @!p1 $0xFFFFFFC0  }
0x54: {  	[bflag:$0x0] =	sbarrier.arrive $0xFFFF  }
0x55: {  	s12 =	rddreg [dreg:$0x7]  }
0x56: {  	[tilespmem:s30], [sflag:$0x1] =	stream.linear.gather [hbm4b:s12+s30], $0x80, $0x38;
	[tilespmem:$0x61D8] =	vst v63  }
0x57: {  	s16 =	simm.s32 $0x100;
	s14 =	rddreg [dreg:$0x8]  }
0x58: {  	[tilespmem:s16], [sflag:$0x1] =	stream.linear.gather [hbm4b:s14+s30], $0x80, $0x38;
	[tilespmem:$0x61D8] =	vst v63  }
0x59: {  	s20 =	simm.s32 $0x200;
	s17 =	rddreg [dreg:$0x9]  }
0x5a: {  	[tilespmem:s20], [sflag:$0x1] =	stream.linear.gather [hbm4b:s17+s30], $0x80, $0x38;
	[tilespmem:$0x61D8] =	vst v63  }
0x5b: {  	_ =	swait.ge [sflag:s0], $0x80  }
0x5c: {  	[sflag:s0] =	ssyncset.done $0x0  }
0x5d: {  	[sflag:s0] =	ssyncadd.s32 $0xFFFFFF80  }
0x5e: {  	_ =	swait.ge [sflag:s0], $0x80  }
0x5f: {  	[sflag:s0] =	ssyncset.done $0x0  }
0x60: {  	[sflag:s0] =	ssyncadd.s32 $0xFFFFFF80  }
0x61: {  	_ =	swait.ge [sflag:s0], $0x80  }
0x62: {  	[sflag:s0] =	ssyncset.done $0x0  }
0x63: {  	[sflag:s0] =	ssyncadd.s32 $0xFFFFFF80  }
0x64: {  	v3 =	vld [tilespmem:$0x0]  }
0x65: {  	v4 =	vld [tilespmem:$0x100]  }
0x66: {  	v5 =	vld [tilespmem:$0x200]  }
0x67: {  	v6 =	vld [tilespmem:$0x10]  }
0x68: {  	v7 =	vld [tilespmem:$0x110]  }
0x69: {  	v8 =	vld [tilespmem:$0x210]  }
0x6a: {  	v9 =	vld [tilespmem:$0x20]  }
0x6b: {  	v10 =	vld [tilespmem:$0x120]  }
0x6c: {  	v11 =	vld [tilespmem:$0x220]  }
0x6d: {  	v12 =	vld [tilespmem:$0x30]  }
0x6e: {  	v13 =	vld [tilespmem:$0x130]  }
0x6f: {  	v15 =	vld [tilespmem:$0x230];
	v14 =	vmul.u32 $0x2710, v5  }
0x70: {  	v16 =	vld [tilespmem:$0x40];
	v5 =	vmul.u32 $0x9C4, v5  }
0x71: {  	v17 =	vld [tilespmem:$0x140];
	v40 =	vmul.u32 $0x2710, v8;
	v3 =	vadd.s32 v3, v14  }
0x72: {  	v42 =	vld [tilespmem:$0x240];
	v41 =	vmul.u32 $0x9C4, v8;
	[tilespmem:$0x300] =	vst v3;
	v3 =	vadd.s32 v4, v5  }
0x73: {  	v44 =	vld [tilespmem:$0x50];
	v43 =	vmul.u32 $0x2710, v11;
	[tilespmem:$0x400] =	vst v3;
	v3 =	vadd.s32 v6, v40  }
0x74: {  	v46 =	vld [tilespmem:$0x250];
	v45 =	vmul.u32 $0x9C4, v11;
	[tilespmem:$0x310] =	vst v3;
	v3 =	vadd.s32 v7, v41  }
0x75: {  	v48 =	vld [tilespmem:$0x150];
	v47 =	vmul.u32 $0x2710, v15;
	[tilespmem:$0x410] =	vst v3;
	v3 =	vadd.s32 v9, v43  }
0x76: {  	v50 =	vld [tilespmem:$0x260];
	v49 =	vmul.u32 $0x9C4, v15;
	[tilespmem:$0x320] =	vst v3;
	v3 =	vadd.s32 v10, v45  }
0x77: {  	v52 =	vld [tilespmem:$0x60];
	v51 =	vmul.u32 $0x2710, v42;
	[tilespmem:$0x420] =	vst v3;
	v3 =	vadd.s32 v12, v47  }
0x78: {  	v54 =	vld [tilespmem:$0x270];
	v53 =	vmul.u32 $0x9C4, v42;
	[tilespmem:$0x330] =	vst v3;
	v3 =	vadd.s32 v13, v49  }
0x79: {  	v56 =	vld [tilespmem:$0x160];
	v55 =	vmul.u32 $0x2710, v46;
	[tilespmem:$0x430] =	vst v3;
	v3 =	vadd.s32 v16, v51  }
0x7a: {  	v58 =	vld [tilespmem:$0x70];
	v57 =	vmul.u32 $0x9C4, v46;
	[tilespmem:$0x340] =	vst v3;
	v3 =	vadd.s32 v17, v53  }
0x7b: {  	v60 =	vld [tilespmem:$0x170];
	v59 =	vmul.u32 $0x2710, v50;
	[tilespmem:$0x440] =	vst v3;
	v3 =	vadd.s32 v44, v55  }
0x7c: {  	v61 =	vmul.u32 $0x9C4, v50;
	[tilespmem:$0x350] =	vst v3;
	v3 =	vadd.s32 v48, v57  }
0x7d: {  	v62 =	vmul.u32 $0x2710, v54;
	[tilespmem:$0x450] =	vst v3;
	v3 =	vadd.s32 v52, v59  }
0x7e: {  	v63 =	vmul.u32 $0x9C4, v54;
	[tilespmem:$0x360] =	vst v3;
	v3 =	vadd.s32 v56, v61  }
0x7f: {  	[tilespmem:$0x460] =	vst v3;
	v3 =	vadd.s32 v58, v62  }
0x80: {  	[tilespmem:$0x370] =	vst v3;
	v3 =	vadd.s32 v60, v63  }
0x81: {  	s21 =	simm.s32 $0x300;
	[tilespmem:$0x470] =	vst v3  }
0x82: {  	[tilespmem:s13], [sflag:$0x3] =	stream.indirect.gather [hbm4b:s7+s4], $0x10, s21, s4, $0xb8;
	[tilespmem:$0x61D8] =	vst v63  }
0x83: {  	s12 =	simm.s32 $0x400  }
0x84: {  	[tilespmem:s15], [sflag:$0x3] =	stream.indirect.gather [hbm4b:s8+s4], $0x10, s12, s4, $0xb8;
	[tilespmem:$0x61D8] =	vst v63  }
0x85: {  	s14 =	rddreg [dreg:$0xa]  }
0x86: {  	[tilespmem:s4], [sflag:$0x2] =	stream.linear.gather [hbm4b:s14+s30], $0x80, $0x38;
	[tilespmem:$0x61D8] =	vst v63  }
0x87: {  	s17 =	simm.s32 $0x180;
	s16 =	rddreg [dreg:$0xb]  }
0x88: {  	[tilespmem:s17], [sflag:$0x2] =	stream.linear.gather [hbm4b:s16+s30], $0x80, $0x38;
	[tilespmem:$0x61D8] =	vst v63  }
0x89: {  	s31 =	simm.s32 $0x0;
	s20 =	rddreg [dreg:$0xc];
	s21 =	simm.s32 $0x280  }
0x8a: {  	[tilespmem:s21], [sflag:$0x2] =	stream.linear.gather [hbm4b:s20+s30], $0x80, $0x38;
	[tilespmem:$0x61D8] =	vst v63  }
.LBB2_4:
0x8b: {  	_ =	swait.ge [sflag:s18], $0x80  }
0x8c: {  	[sflag:s18] =	ssyncset.done $0x0  }
0x8d: {  	[sflag:s18] =	ssyncadd.s32 $0xFFFFFF80  }
0x8e: {  	_ =	swait.ge [sflag:s18], $0x80  }
0x8f: {  	[sflag:s18] =	ssyncset.done $0x0  }
0x90: {  	[sflag:s18] =	ssyncadd.s32 $0xFFFFFF80  }
0x91: {  	_ =	swait.ge [sflag:s18], $0x80  }
0x92: {  	[sflag:s18] =	ssyncset.done $0x0  }
0x93: {  	[sflag:s18] =	ssyncadd.s32 $0xFFFFFF80  }
0x94: {  	v3 =	vld [tilespmem:$0x80]  }
0x95: {  	v4 =	vld [tilespmem:$0x180]  }
0x96: {  	v5 =	vld [tilespmem:$0x280]  }
0x97: {  	v6 =	vld [tilespmem:$0x90]  }
0x98: {  	v7 =	vld [tilespmem:$0x190]  }
0x99: {  	v8 =	vld [tilespmem:$0x290]  }
0x9a: {  	v9 =	vld [tilespmem:$0xA0]  }
0x9b: {  	v10 =	vld [tilespmem:$0x1A0]  }
0x9c: {  	v11 =	vld [tilespmem:$0x2A0]  }
0x9d: {  	v12 =	vld [tilespmem:$0xB0]  }
0x9e: {  	v13 =	vld [tilespmem:$0x1B0]  }
0x9f: {  	v15 =	vld [tilespmem:$0x2B0];
	v14 =	vmul.u32 $0x2710, v5  }
0xa0: {  	v16 =	vld [tilespmem:$0xC0];
	v5 =	vmul.u32 $0x9C4, v5  }
0xa1: {  	v17 =	vld [tilespmem:$0x1C0];
	v26 =	vmul.u32 $0x2710, v8;
	v3 =	vadd.s32 v3, v14  }
0xa2: {  	v28 =	vld [tilespmem:$0x2C0];
	v27 =	vmul.u32 $0x9C4, v8;
	[tilespmem:$0x380] =	vst v3;
	v3 =	vadd.s32 v4, v5  }
0xa3: {  	v30 =	vld [tilespmem:$0xD0];
	v29 =	vmul.u32 $0x2710, v11;
	[tilespmem:$0x480] =	vst v3;
	v3 =	vadd.s32 v6, v26  }
0xa4: {  	v32 =	vld [tilespmem:$0x2D0];
	v31 =	vmul.u32 $0x9C4, v11;
	[tilespmem:$0x390] =	vst v3;
	v3 =	vadd.s32 v7, v27  }
0xa5: {  	v34 =	vld [tilespmem:$0x1D0];
	v33 =	vmul.u32 $0x2710, v15;
	[tilespmem:$0x490] =	vst v3;
	v3 =	vadd.s32 v9, v29  }
0xa6: {  	v36 =	vld [tilespmem:$0x2E0];
	v35 =	vmul.u32 $0x9C4, v15;
	[tilespmem:$0x3A0] =	vst v3;
	v3 =	vadd.s32 v10, v31  }
0xa7: {  	v38 =	vld [tilespmem:$0xE0];
	v37 =	vmul.u32 $0x2710, v28;
	[tilespmem:$0x4A0] =	vst v3;
	v3 =	vadd.s32 v12, v33  }
0xa8: {  	v40 =	vld [tilespmem:$0x2F0];
	v39 =	vmul.u32 $0x9C4, v28;
	[tilespmem:$0x3B0] =	vst v3;
	v3 =	vadd.s32 v13, v35  }
0xa9: {  	v42 =	vld [tilespmem:$0x1E0];
	v41 =	vmul.u32 $0x2710, v32;
	[tilespmem:$0x4B0] =	vst v3;
	v3 =	vadd.s32 v16, v37  }
0xaa: {  	v44 =	vld [tilespmem:$0xF0];
	v43 =	vmul.u32 $0x9C4, v32;
	[tilespmem:$0x3C0] =	vst v3;
	v3 =	vadd.s32 v17, v39  }
0xab: {  	v46 =	vld [tilespmem:$0x1F0];
	v45 =	vmul.u32 $0x2710, v36;
	[tilespmem:$0x4C0] =	vst v3;
	v3 =	vadd.s32 v30, v41  }
0xac: {  	v47 =	vmul.u32 $0x9C4, v36;
	[tilespmem:$0x3D0] =	vst v3;
	v3 =	vadd.s32 v34, v43  }
0xad: {  	v48 =	vmul.u32 $0x2710, v40;
	[tilespmem:$0x4D0] =	vst v3;
	v3 =	vadd.s32 v38, v45  }
0xae: {  	v49 =	vmul.u32 $0x9C4, v40;
	[tilespmem:$0x3E0] =	vst v3;
	v3 =	vadd.s32 v42, v47  }
0xaf: {  	[tilespmem:$0x4E0] =	vst v3;
	v3 =	vadd.s32 v44, v48  }
0xb0: {  	[tilespmem:$0x3F0] =	vst v3;
	v3 =	vadd.s32 v46, v49  }
0xb1: {  	s1 =	simm.s32 $0x380;
	[tilespmem:$0x4F0] =	vst v3  }
0xb2: {  	[tilespmem:s22], [sflag:$0x4] =	stream.indirect.gather [hbm4b:s7+s4], $0x10, s1, s4, $0xb8;
	[tilespmem:$0x61D8] =	vst v63  }
0xb3: {  	_ = 	snop  }
0xb4: {  	v3 =	vmov s30;
	[tilespmem:s24], [sflag:$0x4] =	stream.indirect.gather [hbm4b:s8+s4], $0x10, s23, s4, $0xb8;
	[tilespmem:$0x61D8] =	vst v63  }
0xb5: {  	v3 =	vshll.u32 v3, $0x4;
	_ =	swait.ge [sflag:s25], $0x800  }
0xb6: {  	v3 =	vor.u32 v1, v3;
	[sflag:s25] =	ssyncset.done $0x0  }
0xb7: {  	[sflag:s25] =	ssyncadd.s32 $0xFFFFF800  }
0xb8: {  	_ =	swait.ge [sflag:s25], $0x800  }
0xb9: {  	[sflag:s25] =	ssyncset.done $0x0  }
0xba: {  	[sflag:s25] =	ssyncadd.s32 $0xFFFFF800  }
0xbb: {  	v50 =	vld.idx.msk [tilespmem:v3+s13+$0x0], $0xffff  }
0xbc: {  	v51 =	vld.idx.msk [tilespmem:v3+s15+$0x0], $0xffff;
	_ =	sdelay $0x4  }
0xbd: {  	v4 =	vadd.f32 v51, v50;
	_ =	sdelay $0x1  }
0xbe: {  	v5 =	vmul.f32 $2.000000030e-01, v4  }
0xbf: {  	vm1 =	vge.f32 v4, $0.0e+00  }
0xc0: {  	v4 =	vsel vm1, v4, v5  }
0xc1: {  	v4 =	vmul.f32 $1.442695020e+00, v4;
	_ =	sdelay $0x1  }
0xc2: {  	(erf) = vpow2.f32 v4;
	_ =	sdelay $0x5  }
0xc3: {  	s12 =	sshll.u32 s31, $0x8  }
0xc4: {  	s20 =	sadd.s32 s10, s12;
	v52 =	vor.u32 $0x1, v3  }
0xc5: {  	s14 =	sor.u32 s20, s30  }
0xc6: {  	p2 =	slt.u32 s14, $0x27100;
	v53 =	vpop (erf)  }
0xc7: {  	s16 =	simm.s32 $0x2700;
	v5 =	vpsel !p2, $0x0, v53  }
0xc8: {  	[tilespmem:s16+$0xFFFFFE00] =	vst v5  }
0xc9: {  	v5 =	vld.idx.msk [tilespmem:v52+s13+$0x0], $0xffff  }
0xca: {  	v4 =	vld.idx.msk [tilespmem:v52+s15+$0x0], $0xffff;
	_ =	sdelay $0x4  }
0xcb: {  	v4 =	vadd.f32 v4, v5;
	_ =	sdelay $0x1  }
0xcc: {  	v5 =	vmul.f32 $2.000000030e-01, v4  }
0xcd: {  	vm1 =	vge.f32 v4, $0.0e+00  }
0xce: {  	v4 =	vsel vm1, v4, v5  }
0xcf: {  	v4 =	vmul.f32 $1.442695020e+00, v4;
	_ =	sdelay $0x1  }
0xd0: {  	(erf) = vpow2.f32 v4;
	_ =	sdelay $0x6  }
0xd1: {  	v54 =	vor.u32 $0x2, v3;
	_ =	sdelay $0x1  }
0xd2: {  	v55 =	vpop (erf)  }
0xd3: {  	v5 =	vpsel !p2, $0x0, v55  }
0xd4: {  	[tilespmem:s16+$0xFFFFFE80] =	vst v5  }
0xd5: {  	v5 =	vld.idx.msk [tilespmem:v54+s13+$0x0], $0xffff  }
0xd6: {  	v4 =	vld.idx.msk [tilespmem:v54+s15+$0x0], $0xffff;
	_ =	sdelay $0x4  }
0xd7: {  	v4 =	vadd.f32 v4, v5;
	_ =	sdelay $0x1  }
0xd8: {  	v5 =	vmul.f32 $2.000000030e-01, v4  }
0xd9: {  	vm1 =	vge.f32 v4, $0.0e+00  }
0xda: {  	v4 =	vsel vm1, v4, v5  }
0xdb: {  	v4 =	vmul.f32 $1.442695020e+00, v4;
	_ =	sdelay $0x1  }
0xdc: {  	(erf) = vpow2.f32 v4;
	_ =	sdelay $0x6  }
0xdd: {  	v56 =	vor.u32 $0x3, v3;
	_ =	sdelay $0x1  }
0xde: {  	v57 =	vpop (erf)  }
0xdf: {  	v5 =	vpsel !p2, $0x0, v57  }
0xe0: {  	[tilespmem:s16+$0xFFFFFF00] =	vst v5  }
0xe1: {  	v5 =	vld.idx.msk [tilespmem:v56+s13+$0x0], $0xffff  }
0xe2: {  	v4 =	vld.idx.msk [tilespmem:v56+s15+$0x0], $0xffff;
	_ =	sdelay $0x4  }
0xe3: {  	v4 =	vadd.f32 v4, v5;
	_ =	sdelay $0x1  }
0xe4: {  	v5 =	vmul.f32 $2.000000030e-01, v4  }
0xe5: {  	vm1 =	vge.f32 v4, $0.0e+00  }
0xe6: {  	v4 =	vsel vm1, v4, v5  }
0xe7: {  	v4 =	vmul.f32 $1.442695020e+00, v4;
	_ =	sdelay $0x1  }
0xe8: {  	(erf) = vpow2.f32 v4;
	_ =	sdelay $0x6  }
0xe9: {  	v58 =	vor.u32 $0x4, v3;
	_ =	sdelay $0x1  }
0xea: {  	v59 =	vpop (erf)  }
0xeb: {  	v5 =	vpsel !p2, $0x0, v59  }
0xec: {  	[tilespmem:s16+$0xFFFFFF80] =	vst v5  }
0xed: {  	v5 =	vld.idx.msk [tilespmem:v58+s13+$0x0], $0xffff  }
0xee: {  	v4 =	vld.idx.msk [tilespmem:v58+s15+$0x0], $0xffff;
	_ =	sdelay $0x4  }
0xef: {  	v4 =	vadd.f32 v4, v5;
	_ =	sdelay $0x1  }
0xf0: {  	v5 =	vmul.f32 $2.000000030e-01, v4  }
0xf1: {  	vm1 =	vge.f32 v4, $0.0e+00  }
0xf2: {  	v4 =	vsel vm1, v4, v5  }
0xf3: {  	v4 =	vmul.f32 $1.442695020e+00, v4;
	_ =	sdelay $0x1  }
0xf4: {  	(erf) = vpow2.f32 v4;
	_ =	sdelay $0x6  }
0xf5: {  	v60 =	vor.u32 $0x5, v3;
	_ =	sdelay $0x1  }
0xf6: {  	v61 =	vpop (erf)  }
0xf7: {  	v5 =	vpsel !p2, $0x0, v61  }
0xf8: {  	[tilespmem:s16+$0x0] =	vst v5  }
0xf9: {  	v5 =	vld.idx.msk [tilespmem:v60+s13+$0x0], $0xffff  }
0xfa: {  	v4 =	vld.idx.msk [tilespmem:v60+s15+$0x0], $0xffff;
	_ =	sdelay $0x4  }
0xfb: {  	v4 =	vadd.f32 v4, v5;
	_ =	sdelay $0x1  }
0xfc: {  	v5 =	vmul.f32 $2.000000030e-01, v4  }
0xfd: {  	vm1 =	vge.f32 v4, $0.0e+00  }
0xfe: {  	v4 =	vsel vm1, v4, v5  }
0xff: {  	v4 =	vmul.f32 $1.442695020e+00, v4;
	_ =	sdelay $0x1  }
0x100: {  	(erf) = vpow2.f32 v4;
	_ =	sdelay $0x6  }
0x101: {  	v62 =	vor.u32 $0x6, v3;
	_ =	sdelay $0x1  }
0x102: {  	v63 =	vpop (erf)  }
0x103: {  	v5 =	vpsel !p2, $0x0, v63  }
0x104: {  	[tilespmem:s16+$0x80] =	vst v5  }
0x105: {  	v5 =	vld.idx.msk [tilespmem:v62+s13+$0x0], $0xffff  }
0x106: {  	v4 =	vld.idx.msk [tilespmem:v62+s15+$0x0], $0xffff;
	_ =	sdelay $0x4  }
0x107: {  	v4 =	vadd.f32 v4, v5;
	_ =	sdelay $0x1  }
0x108: {  	v5 =	vmul.f32 $2.000000030e-01, v4  }
0x109: {  	vm1 =	vge.f32 v4, $0.0e+00  }
0x10a: {  	v4 =	vsel vm1, v4, v5  }
0x10b: {  	v4 =	vmul.f32 $1.442695020e+00, v4;
	_ =	sdelay $0x1  }
0x10c: {  	(erf) = vpow2.f32 v4;
	_ =	sdelay $0x6  }
0x10d: {  	v3 =	vor.u32 $0x7, v3;
	_ =	sdelay $0x1  }
0x10e: {  	v4 =	vpop (erf)  }
0x10f: {  	v4 =	vpsel !p2, $0x0, v4  }
0x110: {  	[tilespmem:s16+$0x100] =	vst v4  }
0x111: {  	v4 =	vld.idx.msk [tilespmem:v3+s13+$0x0], $0xffff  }
0x112: {  	v3 =	vld.idx.msk [tilespmem:v3+s15+$0x0], $0xffff;
	_ =	sdelay $0x4  }
0x113: {  	v3 =	vadd.f32 v3, v4;
	_ =	sdelay $0x1  }
0x114: {  	v4 =	vmul.f32 $2.000000030e-01, v3  }
0x115: {  	vm1 =	vge.f32 v3, $0.0e+00  }
0x116: {  	v3 =	vsel vm1, v3, v4  }
0x117: {  	v3 =	vmul.f32 $1.442695020e+00, v3;
	_ =	sdelay $0x1  }
0x118: {  	s21 =	simm.s32 $0x10;
	s17 =	simm.s32 $0x2700;
	(erf) = vpow2.f32 v3  }
.LBB2_5:
0x119: {  	_ = 	snop  }
0x11a: {  	p3 =	sne.s32 s21, $0x70  }
0x11b: {  	s16 =	sadd.s32 $0x10, s16;
	s14 =	smov.u32 s21;
	s21 =	sadd.s32 $0x10, s21  }
0x11c: {  	_ = 	snop  }
0x11d: {  	v3 =	vmov s14  }
0x11e: {  	v3 =	vshll.u32 v3, $0x4  }
0x11f: {  	v3 =	vor.u32 v1, v3;
	_ =	sdelay $0x1  }
0x120: {  	v4 =	vpop (erf)  }
0x121: {  	v4 =	vpsel !p2, $0x0, v4  }
0x122: {  	[tilespmem:s17+$0x180] =	vst v4;
	s17 =	smov.u32 s16  }
0x123: {  	v4 =	vld.idx.msk [tilespmem:v3+s13+$0x0], $0xffff  }
0x124: {  	v5 =	vld.idx.msk [tilespmem:v3+s15+$0x0], $0xffff;
	_ =	sdelay $0x5  }
0x125: {  	v4 =	vadd.f32 v5, v4;
	_ =	sdelay $0x1  }
0x126: {  	vm1 =	vge.f32 v4, $0.0e+00;
	v5 =	vmul.f32 $2.000000030e-01, v4;
	_ =	sdelay $0x1  }
0x127: {  	v4 =	vsel vm1, v4, v5  }
0x128: {  	v4 =	vmul.f32 $1.442695020e+00, v4;
	_ =	sdelay $0x1  }
0x129: {  	(erf) = vpow2.f32 v4;
	_ =	sdelay $0x6  }
0x12a: {  	s14 =	sor.u32 s20, s14;
	v4 =	vor.u32 $0x1, v3  }
0x12b: {  	p2 =	slt.u32 s14, $0x27100  }
0x12c: {  	v5 =	vpop (erf)  }
0x12d: {  	v5 =	vpsel !p2, $0x0, v5  }
0x12e: {  	[tilespmem:s16+$0xFFFFFE00] =	vst v5  }
0x12f: {  	v5 =	vld.idx.msk [tilespmem:v4+s13+$0x0], $0xffff  }
0x130: {  	v4 =	vld.idx.msk [tilespmem:v4+s15+$0x0], $0xffff;
	_ =	sdelay $0x5  }
0x131: {  	v4 =	vadd.f32 v4, v5;
	_ =	sdelay $0x1  }
0x132: {  	vm1 =	vge.f32 v4, $0.0e+00;
	v5 =	vmul.f32 $2.000000030e-01, v4;
	_ =	sdelay $0x1  }
0x133: {  	v4 =	vsel vm1, v4, v5  }
0x134: {  	v4 =	vmul.f32 $1.442695020e+00, v4;
	_ =	sdelay $0x1  }
0x135: {  	(erf) = vpow2.f32 v4;
	_ =	sdelay $0x6  }
0x136: {  	v4 =	vor.u32 $0x2, v3;
	_ =	sdelay $0x1  }
0x137: {  	v5 =	vpop (erf)  }
0x138: {  	v5 =	vpsel !p2, $0x0, v5  }
0x139: {  	[tilespmem:s16+$0xFFFFFE80] =	vst v5  }
0x13a: {  	v5 =	vld.idx.msk [tilespmem:v4+s13+$0x0], $0xffff  }
0x13b: {  	v4 =	vld.idx.msk [tilespmem:v4+s15+$0x0], $0xffff;
	_ =	sdelay $0x5  }
0x13c: {  	v4 =	vadd.f32 v4, v5;
	_ =	sdelay $0x1  }
0x13d: {  	vm1 =	vge.f32 v4, $0.0e+00;
	v5 =	vmul.f32 $2.000000030e-01, v4;
	_ =	sdelay $0x1  }
0x13e: {  	v4 =	vsel vm1, v4, v5  }
0x13f: {  	v4 =	vmul.f32 $1.442695020e+00, v4;
	_ =	sdelay $0x1  }
0x140: {  	(erf) = vpow2.f32 v4;
	_ =	sdelay $0x6  }
0x141: {  	v4 =	vor.u32 $0x3, v3;
	_ =	sdelay $0x1  }
0x142: {  	v5 =	vpop (erf)  }
0x143: {  	v5 =	vpsel !p2, $0x0, v5  }
0x144: {  	[tilespmem:s16+$0xFFFFFF00] =	vst v5  }
0x145: {  	v5 =	vld.idx.msk [tilespmem:v4+s13+$0x0], $0xffff  }
0x146: {  	v4 =	vld.idx.msk [tilespmem:v4+s15+$0x0], $0xffff;
	_ =	sdelay $0x5  }
0x147: {  	v4 =	vadd.f32 v4, v5;
	_ =	sdelay $0x1  }
0x148: {  	vm1 =	vge.f32 v4, $0.0e+00;
	v5 =	vmul.f32 $2.000000030e-01, v4;
	_ =	sdelay $0x1  }
0x149: {  	v4 =	vsel vm1, v4, v5  }
0x14a: {  	v4 =	vmul.f32 $1.442695020e+00, v4;
	_ =	sdelay $0x1  }
0x14b: {  	(erf) = vpow2.f32 v4;
	_ =	sdelay $0x6  }
0x14c: {  	v4 =	vor.u32 $0x4, v3;
	_ =	sdelay $0x1  }
0x14d: {  	v5 =	vpop (erf)  }
0x14e: {  	v5 =	vpsel !p2, $0x0, v5  }
0x14f: {  	[tilespmem:s16+$0xFFFFFF80] =	vst v5  }
0x150: {  	v5 =	vld.idx.msk [tilespmem:v4+s13+$0x0], $0xffff  }
0x151: {  	v4 =	vld.idx.msk [tilespmem:v4+s15+$0x0], $0xffff;
	_ =	sdelay $0x5  }
0x152: {  	v4 =	vadd.f32 v4, v5;
	_ =	sdelay $0x1  }
0x153: {  	vm1 =	vge.f32 v4, $0.0e+00;
	v5 =	vmul.f32 $2.000000030e-01, v4;
	_ =	sdelay $0x1  }
0x154: {  	v4 =	vsel vm1, v4, v5  }
0x155: {  	v4 =	vmul.f32 $1.442695020e+00, v4;
	_ =	sdelay $0x1  }
0x156: {  	(erf) = vpow2.f32 v4;
	_ =	sdelay $0x6  }
0x157: {  	v4 =	vor.u32 $0x5, v3;
	_ =	sdelay $0x1  }
0x158: {  	v5 =	vpop (erf)  }
0x159: {  	v5 =	vpsel !p2, $0x0, v5  }
0x15a: {  	[tilespmem:s16+$0x0] =	vst v5  }
0x15b: {  	v5 =	vld.idx.msk [tilespmem:v4+s13+$0x0], $0xffff  }
0x15c: {  	v4 =	vld.idx.msk [tilespmem:v4+s15+$0x0], $0xffff;
	_ =	sdelay $0x5  }
0x15d: {  	v4 =	vadd.f32 v4, v5;
	_ =	sdelay $0x1  }
0x15e: {  	vm1 =	vge.f32 v4, $0.0e+00;
	v5 =	vmul.f32 $2.000000030e-01, v4;
	_ =	sdelay $0x1  }
0x15f: {  	v4 =	vsel vm1, v4, v5  }
0x160: {  	v4 =	vmul.f32 $1.442695020e+00, v4;
	_ =	sdelay $0x1  }
0x161: {  	(erf) = vpow2.f32 v4;
	_ =	sdelay $0x6  }
0x162: {  	v4 =	vor.u32 $0x6, v3;
	_ =	sdelay $0x1  }
0x163: {  	v5 =	vpop (erf)  }
0x164: {  	v5 =	vpsel !p2, $0x0, v5  }
0x165: {  	[tilespmem:s16+$0x80] =	vst v5  }
0x166: {  	v5 =	vld.idx.msk [tilespmem:v4+s13+$0x0], $0xffff  }
0x167: {  	v4 =	vld.idx.msk [tilespmem:v4+s15+$0x0], $0xffff;
	_ =	sdelay $0x5  }
0x168: {  	v4 =	vadd.f32 v4, v5;
	_ =	sdelay $0x1  }
0x169: {  	vm1 =	vge.f32 v4, $0.0e+00;
	v5 =	vmul.f32 $2.000000030e-01, v4;
	_ =	sdelay $0x1  }
0x16a: {  	v4 =	vsel vm1, v4, v5  }
0x16b: {  	v4 =	vmul.f32 $1.442695020e+00, v4;
	_ =	sdelay $0x1  }
0x16c: {  	(erf) = vpow2.f32 v4;
	_ =	sdelay $0x6  }
0x16d: {  	v3 =	vor.u32 $0x7, v3;
	_ =	sdelay $0x1  }
0x16e: {  	v4 =	vpop (erf)  }
0x16f: {  	v4 =	vpsel !p2, $0x0, v4  }
0x170: {  	[tilespmem:s16+$0x100] =	vst v4  }
0x171: {  	v4 =	vld.idx.msk [tilespmem:v3+s13+$0x0], $0xffff  }
0x172: {  	v3 =	vld.idx.msk [tilespmem:v3+s15+$0x0], $0xffff;
	_ =	sdelay $0x5  }
0x173: {  	v3 =	vadd.f32 v3, v4;
	_ =	sdelay $0x1  }
0x174: {  	vm1 =	vge.f32 v3, $0.0e+00;
	v4 =	vmul.f32 $2.000000030e-01, v3  }
.Ltmp4:
0x175: {  	(pc) =	sbr.rel @p3 .LBB2_5-.Ltmp4, $3  }
0x176: {  	v3 =	vsel vm1, v3, v4  }
0x177: {  	v3 =	vmul.f32 $1.442695020e+00, v3;
	_ =	sdelay $0x1  }
0x178: {  	(erf) = vpow2.f32 v3  }
0x179: {  	_ = 	snop  }
0x17a: {  	s14 =	simm.s32 $0x0  }
0x17b: {  	v3 =	vmov s14  }
0x17c: {  	v3 =	vand.u32 $0x7F, v3  }
0x17d: {  	v3 =	vbroadcast v3, $0x0;
	_ =	sdelay $0x1  }
0x17e: {  	v3 =	vor.u32 v2, v3;
	_ =	sdelay $0x1  }
0x17f: {  	v4 =	vpop (erf)  }
0x180: {  	v4 =	vpsel !p2, $0x0, v4  }
0x181: {  	[tilespmem:s17+$0x180] =	vst v4  }
0x182: {  	s21 =	simm.s32 $0x1;
	v3 =	vld.idx.msk [tilespmem:v3+s11+$0x0], $0xffff  }
0x183: {  	v4 =	vmov s21  }
0x184: {  	v4 =	vand.u32 $0x7F, v4  }
0x185: {  	v4 =	vbroadcast v4, $0x0;
	_ =	sdelay $0x1  }
0x186: {  	v5 =	vnsel vm0, $0x0, v3;
	v3 =	vor.u32 v2, v4;
	_ =	sdelay $0x2  }
0x187: {  	s16 =	simm.s32 $0x2;
	s14 =	simm.s32 $0x2900  }
0x188: {  	v4 =	vmov s16;
	s16 =	simm.s32 $0x3;
	[tilespmem:s14+$0x0] =	vst v5  }
.LBB2_7:
0x189: {  	p2 =	sne.s32 s16, $0x7F;
	v4 =	vand.u32 $0x7F, v4;
	v5 =	vld.idx.msk [tilespmem:v3+s11+$0x0], $0xffff  }
0x18a: {  	v3 =	vbroadcast v4, $0x0;
	_ =	sdelay $0x1  }
.Ltmp5:
0x18b: {  	v3 =	vor.u32 v2, v3;
	(pc) =	sbr.rel @p2 .LBB2_7-.Ltmp5, $3  }
0x18c: {  	_ =	sdelay $0x1  }
0x18d: {  	s14 =	sadd.s32 $0x10, s14;
	v5 =	vnsel vm0, $0x0, v5  }
0x18e: {  	v4 =	vmov s16;
	s16 =	sadd.s32 $0x1, s16;
	[tilespmem:s14+$0x0] =	vst v5  }
0x18f: {  	_ =	sdelay $0x2  }
0x190: {  	v4 =	vand.u32 $0x7F, v4  }
0x191: {  	v3 =	vld.idx.msk [tilespmem:v3+s11+$0x0], $0xffff;
	v4 =	vbroadcast v4, $0x0;
	_ =	sdelay $0x1  }
0x192: {  	v4 =	vor.u32 v2, v4;
	_ =	sdelay $0x2  }
0x193: {  	s14 =	sadd.s32 $0x10, s14;
	v3 =	vnsel vm0, $0x0, v3  }
0x194: {  	[tilespmem:s14+$0x0] =	vst v3  }
0x195: {  	v3 =	vld.idx.msk [tilespmem:v4+s11+$0x0], $0xffff;
	_ =	sdelay $0x4  }
0x196: {  	p2 =	seq.s32 s31, $0x13;
	s14 =	sadd.s32 $0x10, s14;
	v3 =	vnsel vm0, $0x0, v3  }
.Ltmp6:
0x197: {  	s1 =	simm.s32 $0x400;
	[tilespmem:s14+$0x0] =	vst v3;
	(pc) =	sbr.rel @p2 .LBB2_10-.Ltmp6, $4  }
0x198: {  	[spmem:s26] =	stream.indirect.scatter.add.f32 [tilespmem:s28], [sflag:$0x5], $0x10, s1, s4, $0xb8;
	[tilespmem:$0x61D8] =	vst v63  }
0x199: {  	_ =	swait.ge [sflag:s29], $0x800  }
0x19a: {  	[sflag:s29] =	ssyncset.done $0x0  }
0x19b: {  	[sflag:s29] =	ssyncadd.s32 $0xFFFFF800  }
0x19c: {  	s1 =	rddreg [dreg:$0xd]  }
0x19d: {  	s14 =	sadd.s32 s12, s1  }
0x19e: {  	s14 =	sshrl.u32 s14, $0x3  }
0x19f: {  	s16 =	sadd.s32 s3, s14  }
0x1a0: {  	[tilespmem:s2], [sflag:$0x1] =	stream.linear.gather [hbm4b:s16+s2], $0x80, $0x38;
	[tilespmem:$0x61D8] =	vst v63  }
0x1a1: {  	s21 =	simm.s32 $0x100;
	s20 =	sadd.s32 s5, s14  }
0x1a2: {  	[tilespmem:s21], [sflag:$0x1] =	stream.linear.gather [hbm4b:s20+s2], $0x80, $0x38;
	[tilespmem:$0x61D8] =	vst v63  }
0x1a3: {  	s17 =	simm.s32 $0x200;
	s14 =	sadd.s32 s6, s14  }
0x1a4: {  	[tilespmem:s17], [sflag:$0x1] =	stream.linear.gather [hbm4b:s14+s2], $0x80, $0x38;
	[tilespmem:$0x61D8] =	vst v63  }
0x1a5: {  	_ =	swait.ge [sflag:s0], $0x80  }
0x1a6: {  	[sflag:s0] =	ssyncset.done $0x0  }
0x1a7: {  	[sflag:s0] =	ssyncadd.s32 $0xFFFFFF80  }
0x1a8: {  	_ =	swait.ge [sflag:s0], $0x80  }
0x1a9: {  	[sflag:s0] =	ssyncset.done $0x0  }
0x1aa: {  	[sflag:s0] =	ssyncadd.s32 $0xFFFFFF80  }
0x1ab: {  	_ =	swait.ge [sflag:s0], $0x80  }
0x1ac: {  	[sflag:s0] =	ssyncset.done $0x0  }
0x1ad: {  	[sflag:s0] =	ssyncadd.s32 $0xFFFFFF80  }
0x1ae: {  	v3 =	vld [tilespmem:$0x0]  }
0x1af: {  	v4 =	vld [tilespmem:$0x100]  }
0x1b0: {  	v5 =	vld [tilespmem:$0x200]  }
0x1b1: {  	v6 =	vld [tilespmem:$0x10]  }
0x1b2: {  	v7 =	vld [tilespmem:$0x110]  }
0x1b3: {  	v8 =	vld [tilespmem:$0x210]  }
0x1b4: {  	v9 =	vld [tilespmem:$0x20]  }
0x1b5: {  	v10 =	vld [tilespmem:$0x120]  }
0x1b6: {  	v11 =	vld [tilespmem:$0x220]  }
0x1b7: {  	v12 =	vld [tilespmem:$0x30]  }
0x1b8: {  	v13 =	vld [tilespmem:$0x130]  }
0x1b9: {  	v15 =	vld [tilespmem:$0x230];
	v14 =	vmul.u32 $0x2710, v5  }
0x1ba: {  	v16 =	vld [tilespmem:$0x40];
	v5 =	vmul.u32 $0x9C4, v5  }
0x1bb: {  	v17 =	vld [tilespmem:$0x140];
	v40 =	vmul.u32 $0x2710, v8;
	v3 =	vadd.s32 v3, v14  }
0x1bc: {  	v42 =	vld [tilespmem:$0x240];
	v41 =	vmul.u32 $0x9C4, v8;
	[tilespmem:$0x300] =	vst v3;
	v3 =	vadd.s32 v4, v5  }
0x1bd: {  	v44 =	vld [tilespmem:$0x50];
	v43 =	vmul.u32 $0x2710, v11;
	[tilespmem:$0x400] =	vst v3;
	v3 =	vadd.s32 v6, v40  }
0x1be: {  	v46 =	vld [tilespmem:$0x250];
	v45 =	vmul.u32 $0x9C4, v11;
	[tilespmem:$0x310] =	vst v3;
	v3 =	vadd.s32 v7, v41  }
0x1bf: {  	v48 =	vld [tilespmem:$0x150];
	v47 =	vmul.u32 $0x2710, v15;
	[tilespmem:$0x410] =	vst v3;
	v3 =	vadd.s32 v9, v43  }
0x1c0: {  	v50 =	vld [tilespmem:$0x260];
	v49 =	vmul.u32 $0x9C4, v15;
	[tilespmem:$0x320] =	vst v3;
	v3 =	vadd.s32 v10, v45  }
0x1c1: {  	v52 =	vld [tilespmem:$0x60];
	v51 =	vmul.u32 $0x2710, v42;
	[tilespmem:$0x420] =	vst v3;
	v3 =	vadd.s32 v12, v47  }
0x1c2: {  	v54 =	vld [tilespmem:$0x270];
	v53 =	vmul.u32 $0x9C4, v42;
	[tilespmem:$0x330] =	vst v3;
	v3 =	vadd.s32 v13, v49  }
0x1c3: {  	v56 =	vld [tilespmem:$0x160];
	v55 =	vmul.u32 $0x2710, v46;
	[tilespmem:$0x430] =	vst v3;
	v3 =	vadd.s32 v16, v51  }
0x1c4: {  	v58 =	vld [tilespmem:$0x70];
	v57 =	vmul.u32 $0x9C4, v46;
	[tilespmem:$0x340] =	vst v3;
	v3 =	vadd.s32 v17, v53  }
0x1c5: {  	v60 =	vld [tilespmem:$0x170];
	v59 =	vmul.u32 $0x2710, v50;
	[tilespmem:$0x440] =	vst v3;
	v3 =	vadd.s32 v44, v55  }
0x1c6: {  	v61 =	vmul.u32 $0x9C4, v50;
	[tilespmem:$0x350] =	vst v3;
	v3 =	vadd.s32 v48, v57  }
0x1c7: {  	v62 =	vmul.u32 $0x2710, v54;
	[tilespmem:$0x450] =	vst v3;
	v3 =	vadd.s32 v52, v59  }
0x1c8: {  	v63 =	vmul.u32 $0x9C4, v54;
	[tilespmem:$0x360] =	vst v3;
	v3 =	vadd.s32 v56, v61  }
0x1c9: {  	[tilespmem:$0x460] =	vst v3;
	v3 =	vadd.s32 v58, v62  }
0x1ca: {  	[tilespmem:$0x370] =	vst v3;
	v3 =	vadd.s32 v60, v63  }
0x1cb: {  	s20 =	simm.s32 $0x300;
	[tilespmem:$0x470] =	vst v3  }
0x1cc: {  	[tilespmem:s13], [sflag:$0x3] =	stream.indirect.gather [hbm4b:s7+s4], $0x10, s20, s4, $0xb8;
	[tilespmem:$0x61D8] =	vst v63  }
0x1cd: {  	s21 =	simm.s32 $0x400  }
0x1ce: {  	[tilespmem:s15], [sflag:$0x3] =	stream.indirect.gather [hbm4b:s8+s4], $0x10, s21, s4, $0xb8;
	[tilespmem:$0x61D8] =	vst v63  }
.LBB2_10:
0x1cf: {  	s20 =	simm.s32 $0x0  }
0x1d0: {  	v3 =	vmov s20  }
0x1d1: {  	_ =	swait.ge [sflag:s9], $0x800;
	v3 =	vshll.u32 v3, $0x4  }
0x1d2: {  	[sflag:s9] =	ssyncset.done $0x0;
	v3 =	vor.u32 v1, v3  }
0x1d3: {  	[sflag:s9] =	ssyncadd.s32 $0xFFFFF800  }
0x1d4: {  	_ =	swait.ge [sflag:s9], $0x800  }
0x1d5: {  	[sflag:s9] =	ssyncset.done $0x0  }
0x1d6: {  	[sflag:s9] =	ssyncadd.s32 $0xFFFFF800  }
0x1d7: {  	v4 =	vld.idx.msk [tilespmem:v3+s22+$0x0], $0xffff  }
0x1d8: {  	v5 =	vld.idx.msk [tilespmem:v3+s24+$0x0], $0xffff;
	_ =	sdelay $0x4  }
0x1d9: {  	v4 =	vadd.f32 v5, v4;
	_ =	sdelay $0x1  }
0x1da: {  	v5 =	vmul.f32 $2.000000030e-01, v4  }
0x1db: {  	vm1 =	vge.f32 v4, $0.0e+00  }
0x1dc: {  	v4 =	vsel vm1, v4, v5  }
0x1dd: {  	v4 =	vmul.f32 $1.442695020e+00, v4;
	_ =	sdelay $0x1  }
0x1de: {  	(erf) = vpow2.f32 v4;
	_ =	sdelay $0x6  }
0x1df: {  	s16 =	sadd.s32 s12, s19;
	v52 =	vor.u32 $0x1, v3  }
0x1e0: {  	s14 =	sor.u32 s16, s20  }
0x1e1: {  	p3 =	slt.u32 s14, $0x27100;
	v53 =	vpop (erf)  }
0x1e2: {  	s17 =	simm.s32 $0x2700;
	v5 =	vpsel !p3, $0x0, v53  }
0x1e3: {  	[tilespmem:s17+$0xFFFFFE00] =	vst v5  }
0x1e4: {  	v5 =	vld.idx.msk [tilespmem:v52+s22+$0x0], $0xffff  }
0x1e5: {  	v4 =	vld.idx.msk [tilespmem:v52+s24+$0x0], $0xffff;
	_ =	sdelay $0x4  }
0x1e6: {  	v4 =	vadd.f32 v4, v5;
	_ =	sdelay $0x1  }
0x1e7: {  	v5 =	vmul.f32 $2.000000030e-01, v4  }
0x1e8: {  	vm1 =	vge.f32 v4, $0.0e+00  }
0x1e9: {  	v4 =	vsel vm1, v4, v5  }
0x1ea: {  	v4 =	vmul.f32 $1.442695020e+00, v4;
	_ =	sdelay $0x1  }
0x1eb: {  	(erf) = vpow2.f32 v4;
	_ =	sdelay $0x6  }
0x1ec: {  	v54 =	vor.u32 $0x2, v3;
	_ =	sdelay $0x1  }
0x1ed: {  	v55 =	vpop (erf)  }
0x1ee: {  	v5 =	vpsel !p3, $0x0, v55  }
0x1ef: {  	[tilespmem:s17+$0xFFFFFE80] =	vst v5  }
0x1f0: {  	v5 =	vld.idx.msk [tilespmem:v54+s22+$0x0], $0xffff  }
0x1f1: {  	v4 =	vld.idx.msk [tilespmem:v54+s24+$0x0], $0xffff;
	_ =	sdelay $0x4  }
0x1f2: {  	v4 =	vadd.f32 v4, v5;
	_ =	sdelay $0x1  }
0x1f3: {  	v5 =	vmul.f32 $2.000000030e-01, v4  }
0x1f4: {  	vm1 =	vge.f32 v4, $0.0e+00  }
0x1f5: {  	v4 =	vsel vm1, v4, v5  }
0x1f6: {  	v4 =	vmul.f32 $1.442695020e+00, v4;
	_ =	sdelay $0x1  }
0x1f7: {  	(erf) = vpow2.f32 v4;
	_ =	sdelay $0x6  }
0x1f8: {  	v56 =	vor.u32 $0x3, v3;
	_ =	sdelay $0x1  }
0x1f9: {  	v57 =	vpop (erf)  }
0x1fa: {  	v5 =	vpsel !p3, $0x0, v57  }
0x1fb: {  	[tilespmem:s17+$0xFFFFFF00] =	vst v5  }
0x1fc: {  	v5 =	vld.idx.msk [tilespmem:v56+s22+$0x0], $0xffff  }
0x1fd: {  	v4 =	vld.idx.msk [tilespmem:v56+s24+$0x0], $0xffff;
	_ =	sdelay $0x4  }
0x1fe: {  	v4 =	vadd.f32 v4, v5;
	_ =	sdelay $0x1  }
0x1ff: {  	v5 =	vmul.f32 $2.000000030e-01, v4  }
0x200: {  	vm1 =	vge.f32 v4, $0.0e+00  }
0x201: {  	v4 =	vsel vm1, v4, v5  }
0x202: {  	v4 =	vmul.f32 $1.442695020e+00, v4;
	_ =	sdelay $0x1  }
0x203: {  	(erf) = vpow2.f32 v4;
	_ =	sdelay $0x6  }
0x204: {  	v58 =	vor.u32 $0x4, v3;
	_ =	sdelay $0x1  }
0x205: {  	v59 =	vpop (erf)  }
0x206: {  	v5 =	vpsel !p3, $0x0, v59  }
0x207: {  	[tilespmem:s17+$0xFFFFFF80] =	vst v5  }
0x208: {  	v5 =	vld.idx.msk [tilespmem:v58+s22+$0x0], $0xffff  }
0x209: {  	v4 =	vld.idx.msk [tilespmem:v58+s24+$0x0], $0xffff;
	_ =	sdelay $0x4  }
0x20a: {  	v4 =	vadd.f32 v4, v5;
	_ =	sdelay $0x1  }
0x20b: {  	v5 =	vmul.f32 $2.000000030e-01, v4  }
0x20c: {  	vm1 =	vge.f32 v4, $0.0e+00  }
0x20d: {  	v4 =	vsel vm1, v4, v5  }
0x20e: {  	v4 =	vmul.f32 $1.442695020e+00, v4;
	_ =	sdelay $0x1  }
0x20f: {  	(erf) = vpow2.f32 v4;
	_ =	sdelay $0x6  }
0x210: {  	v60 =	vor.u32 $0x5, v3;
	_ =	sdelay $0x1  }
0x211: {  	v61 =	vpop (erf)  }
0x212: {  	v5 =	vpsel !p3, $0x0, v61  }
0x213: {  	[tilespmem:s17+$0x0] =	vst v5  }
0x214: {  	v5 =	vld.idx.msk [tilespmem:v60+s22+$0x0], $0xffff  }
0x215: {  	v4 =	vld.idx.msk [tilespmem:v60+s24+$0x0], $0xffff;
	_ =	sdelay $0x4  }
0x216: {  	v4 =	vadd.f32 v4, v5;
	_ =	sdelay $0x1  }
0x217: {  	v5 =	vmul.f32 $2.000000030e-01, v4  }
0x218: {  	vm1 =	vge.f32 v4, $0.0e+00  }
0x219: {  	v4 =	vsel vm1, v4, v5  }
0x21a: {  	v4 =	vmul.f32 $1.442695020e+00, v4;
	_ =	sdelay $0x1  }
0x21b: {  	(erf) = vpow2.f32 v4;
	_ =	sdelay $0x6  }
0x21c: {  	v62 =	vor.u32 $0x6, v3;
	_ =	sdelay $0x1  }
0x21d: {  	v63 =	vpop (erf)  }
0x21e: {  	v5 =	vpsel !p3, $0x0, v63  }
0x21f: {  	[tilespmem:s17+$0x80] =	vst v5  }
0x220: {  	v5 =	vld.idx.msk [tilespmem:v62+s22+$0x0], $0xffff  }
0x221: {  	v4 =	vld.idx.msk [tilespmem:v62+s24+$0x0], $0xffff;
	_ =	sdelay $0x4  }
0x222: {  	v4 =	vadd.f32 v4, v5;
	_ =	sdelay $0x1  }
0x223: {  	v5 =	vmul.f32 $2.000000030e-01, v4  }
0x224: {  	vm1 =	vge.f32 v4, $0.0e+00  }
0x225: {  	v4 =	vsel vm1, v4, v5  }
0x226: {  	v4 =	vmul.f32 $1.442695020e+00, v4;
	_ =	sdelay $0x1  }
0x227: {  	(erf) = vpow2.f32 v4;
	_ =	sdelay $0x6  }
0x228: {  	v3 =	vor.u32 $0x7, v3;
	_ =	sdelay $0x1  }
0x229: {  	v4 =	vpop (erf)  }
0x22a: {  	v4 =	vpsel !p3, $0x0, v4  }
0x22b: {  	[tilespmem:s17+$0x100] =	vst v4  }
0x22c: {  	v4 =	vld.idx.msk [tilespmem:v3+s22+$0x0], $0xffff  }
0x22d: {  	v3 =	vld.idx.msk [tilespmem:v3+s24+$0x0], $0xffff;
	_ =	sdelay $0x4  }
0x22e: {  	v3 =	vadd.f32 v3, v4;
	_ =	sdelay $0x1  }
0x22f: {  	v4 =	vmul.f32 $2.000000030e-01, v3  }
0x230: {  	vm1 =	vge.f32 v3, $0.0e+00  }
0x231: {  	v3 =	vsel vm1, v3, v4  }
0x232: {  	v3 =	vmul.f32 $1.442695020e+00, v3;
	_ =	sdelay $0x1  }
0x233: {  	s21 =	simm.s32 $0x2700;
	s14 =	simm.s32 $0x10;
	(erf) = vpow2.f32 v3  }
.LBB2_11:
0x234: {  	_ = 	snop  }
0x235: {  	p4 =	sne.s32 s14, $0x70  }
0x236: {  	s17 =	sadd.s32 $0x10, s17;
	s1 =	smov.u32 s14;
	s14 =	sadd.s32 $0x10, s14  }
0x237: {  	_ = 	snop  }
0x238: {  	v3 =	vmov s1  }
0x239: {  	v3 =	vshll.u32 v3, $0x4  }
0x23a: {  	v3 =	vor.u32 v1, v3;
	_ =	sdelay $0x1  }
0x23b: {  	v4 =	vpop (erf)  }
0x23c: {  	v4 =	vpsel !p3, $0x0, v4  }
0x23d: {  	[tilespmem:s21+$0x180] =	vst v4;
	s21 =	smov.u32 s17  }
0x23e: {  	v4 =	vld.idx.msk [tilespmem:v3+s22+$0x0], $0xffff  }
0x23f: {  	v5 =	vld.idx.msk [tilespmem:v3+s24+$0x0], $0xffff;
	_ =	sdelay $0x5  }
0x240: {  	v4 =	vadd.f32 v5, v4;
	_ =	sdelay $0x1  }
0x241: {  	vm1 =	vge.f32 v4, $0.0e+00;
	v5 =	vmul.f32 $2.000000030e-01, v4;
	_ =	sdelay $0x1  }
0x242: {  	v4 =	vsel vm1, v4, v5  }
0x243: {  	v4 =	vmul.f32 $1.442695020e+00, v4;
	_ =	sdelay $0x1  }
0x244: {  	(erf) = vpow2.f32 v4;
	_ =	sdelay $0x6  }
0x245: {  	s1 =	sor.u32 s16, s1;
	v4 =	vor.u32 $0x1, v3  }
0x246: {  	p3 =	slt.u32 s1, $0x27100  }
0x247: {  	v5 =	vpop (erf)  }
0x248: {  	v5 =	vpsel !p3, $0x0, v5  }
0x249: {  	[tilespmem:s17+$0xFFFFFE00] =	vst v5  }
0x24a: {  	v5 =	vld.idx.msk [tilespmem:v4+s22+$0x0], $0xffff  }
0x24b: {  	v4 =	vld.idx.msk [tilespmem:v4+s24+$0x0], $0xffff;
	_ =	sdelay $0x5  }
0x24c: {  	v4 =	vadd.f32 v4, v5;
	_ =	sdelay $0x1  }
0x24d: {  	vm1 =	vge.f32 v4, $0.0e+00;
	v5 =	vmul.f32 $2.000000030e-01, v4;
	_ =	sdelay $0x1  }
0x24e: {  	v4 =	vsel vm1, v4, v5  }
0x24f: {  	v4 =	vmul.f32 $1.442695020e+00, v4;
	_ =	sdelay $0x1  }
0x250: {  	(erf) = vpow2.f32 v4;
	_ =	sdelay $0x6  }
0x251: {  	v4 =	vor.u32 $0x2, v3;
	_ =	sdelay $0x1  }
0x252: {  	v5 =	vpop (erf)  }
0x253: {  	v5 =	vpsel !p3, $0x0, v5  }
0x254: {  	[tilespmem:s17+$0xFFFFFE80] =	vst v5  }
0x255: {  	v5 =	vld.idx.msk [tilespmem:v4+s22+$0x0], $0xffff  }
0x256: {  	v4 =	vld.idx.msk [tilespmem:v4+s24+$0x0], $0xffff;
	_ =	sdelay $0x5  }
0x257: {  	v4 =	vadd.f32 v4, v5;
	_ =	sdelay $0x1  }
0x258: {  	vm1 =	vge.f32 v4, $0.0e+00;
	v5 =	vmul.f32 $2.000000030e-01, v4;
	_ =	sdelay $0x1  }
0x259: {  	v4 =	vsel vm1, v4, v5  }
0x25a: {  	v4 =	vmul.f32 $1.442695020e+00, v4;
	_ =	sdelay $0x1  }
0x25b: {  	(erf) = vpow2.f32 v4;
	_ =	sdelay $0x6  }
0x25c: {  	v4 =	vor.u32 $0x3, v3;
	_ =	sdelay $0x1  }
0x25d: {  	v5 =	vpop (erf)  }
0x25e: {  	v5 =	vpsel !p3, $0x0, v5  }
0x25f: {  	[tilespmem:s17+$0xFFFFFF00] =	vst v5  }
0x260: {  	v5 =	vld.idx.msk [tilespmem:v4+s22+$0x0], $0xffff  }
0x261: {  	v4 =	vld.idx.msk [tilespmem:v4+s24+$0x0], $0xffff;
	_ =	sdelay $0x5  }
0x262: {  	v4 =	vadd.f32 v4, v5;
	_ =	sdelay $0x1  }
0x263: {  	vm1 =	vge.f32 v4, $0.0e+00;
	v5 =	vmul.f32 $2.000000030e-01, v4;
	_ =	sdelay $0x1  }
0x264: {  	v4 =	vsel vm1, v4, v5  }
0x265: {  	v4 =	vmul.f32 $1.442695020e+00, v4;
	_ =	sdelay $0x1  }
0x266: {  	(erf) = vpow2.f32 v4;
	_ =	sdelay $0x6  }
0x267: {  	v4 =	vor.u32 $0x4, v3;
	_ =	sdelay $0x1  }
0x268: {  	v5 =	vpop (erf)  }
0x269: {  	v5 =	vpsel !p3, $0x0, v5  }
0x26a: {  	[tilespmem:s17+$0xFFFFFF80] =	vst v5  }
0x26b: {  	v5 =	vld.idx.msk [tilespmem:v4+s22+$0x0], $0xffff  }
0x26c: {  	v4 =	vld.idx.msk [tilespmem:v4+s24+$0x0], $0xffff;
	_ =	sdelay $0x5  }
0x26d: {  	v4 =	vadd.f32 v4, v5;
	_ =	sdelay $0x1  }
0x26e: {  	vm1 =	vge.f32 v4, $0.0e+00;
	v5 =	vmul.f32 $2.000000030e-01, v4;
	_ =	sdelay $0x1  }
0x26f: {  	v4 =	vsel vm1, v4, v5  }
0x270: {  	v4 =	vmul.f32 $1.442695020e+00, v4;
	_ =	sdelay $0x1  }
0x271: {  	(erf) = vpow2.f32 v4;
	_ =	sdelay $0x6  }
0x272: {  	v4 =	vor.u32 $0x5, v3;
	_ =	sdelay $0x1  }
0x273: {  	v5 =	vpop (erf)  }
0x274: {  	v5 =	vpsel !p3, $0x0, v5  }
0x275: {  	[tilespmem:s17+$0x0] =	vst v5  }
0x276: {  	v5 =	vld.idx.msk [tilespmem:v4+s22+$0x0], $0xffff  }
0x277: {  	v4 =	vld.idx.msk [tilespmem:v4+s24+$0x0], $0xffff;
	_ =	sdelay $0x5  }
0x278: {  	v4 =	vadd.f32 v4, v5;
	_ =	sdelay $0x1  }
0x279: {  	vm1 =	vge.f32 v4, $0.0e+00;
	v5 =	vmul.f32 $2.000000030e-01, v4;
	_ =	sdelay $0x1  }
0x27a: {  	v4 =	vsel vm1, v4, v5  }
0x27b: {  	v4 =	vmul.f32 $1.442695020e+00, v4;
	_ =	sdelay $0x1  }
0x27c: {  	(erf) = vpow2.f32 v4;
	_ =	sdelay $0x6  }
0x27d: {  	v4 =	vor.u32 $0x6, v3;
	_ =	sdelay $0x1  }
0x27e: {  	v5 =	vpop (erf)  }
0x27f: {  	v5 =	vpsel !p3, $0x0, v5  }
0x280: {  	[tilespmem:s17+$0x80] =	vst v5  }
0x281: {  	v5 =	vld.idx.msk [tilespmem:v4+s22+$0x0], $0xffff  }
0x282: {  	v4 =	vld.idx.msk [tilespmem:v4+s24+$0x0], $0xffff;
	_ =	sdelay $0x5  }
0x283: {  	v4 =	vadd.f32 v4, v5;
	_ =	sdelay $0x1  }
0x284: {  	vm1 =	vge.f32 v4, $0.0e+00;
	v5 =	vmul.f32 $2.000000030e-01, v4;
	_ =	sdelay $0x1  }
0x285: {  	v4 =	vsel vm1, v4, v5  }
0x286: {  	v4 =	vmul.f32 $1.442695020e+00, v4;
	_ =	sdelay $0x1  }
0x287: {  	(erf) = vpow2.f32 v4;
	_ =	sdelay $0x6  }
0x288: {  	v3 =	vor.u32 $0x7, v3;
	_ =	sdelay $0x1  }
0x289: {  	v4 =	vpop (erf)  }
0x28a: {  	v4 =	vpsel !p3, $0x0, v4  }
0x28b: {  	[tilespmem:s17+$0x100] =	vst v4  }
0x28c: {  	v4 =	vld.idx.msk [tilespmem:v3+s22+$0x0], $0xffff  }
0x28d: {  	v3 =	vld.idx.msk [tilespmem:v3+s24+$0x0], $0xffff;
	_ =	sdelay $0x5  }
0x28e: {  	v3 =	vadd.f32 v3, v4;
	_ =	sdelay $0x1  }
0x28f: {  	vm1 =	vge.f32 v3, $0.0e+00;
	v4 =	vmul.f32 $2.000000030e-01, v3  }
.Ltmp7:
0x290: {  	(pc) =	sbr.rel @p4 .LBB2_11-.Ltmp7, $3  }
0x291: {  	v3 =	vsel vm1, v3, v4  }
0x292: {  	v3 =	vmul.f32 $1.442695020e+00, v3;
	_ =	sdelay $0x1  }
0x293: {  	(erf) = vpow2.f32 v3  }
0x294: {  	_ =	sdelay $0x1  }
0x295: {  	v3 =	vmov s20  }
0x296: {  	v3 =	vand.u32 $0x7F, v3  }
0x297: {  	v3 =	vbroadcast v3, $0x0;
	_ =	sdelay $0x1  }
0x298: {  	v3 =	vor.u32 v2, v3;
	_ =	sdelay $0x1  }
0x299: {  	v4 =	vpop (erf)  }
0x29a: {  	v4 =	vpsel !p3, $0x0, v4  }
0x29b: {  	[tilespmem:s21+$0x180] =	vst v4  }
0x29c: {  	s1 =	simm.s32 $0x1;
	v3 =	vld.idx.msk [tilespmem:v3+s11+$0x0], $0xffff  }
0x29d: {  	v4 =	vmov s1  }
0x29e: {  	v4 =	vand.u32 $0x7F, v4  }
0x29f: {  	v4 =	vbroadcast v4, $0x0;
	_ =	sdelay $0x1  }
0x2a0: {  	v5 =	vnsel vm0, $0x0, v3;
	v3 =	vor.u32 v2, v4;
	_ =	sdelay $0x2  }
0x2a1: {  	s14 =	simm.s32 $0x2900;
	s21 =	simm.s32 $0x2  }
0x2a2: {  	s16 =	simm.s32 $0x3;
	v4 =	vmov s21;
	[tilespmem:s14+$0x0] =	vst v5  }
.LBB2_13:
0x2a3: {  	p3 =	sne.s32 s16, $0x7F;
	v4 =	vand.u32 $0x7F, v4;
	v5 =	vld.idx.msk [tilespmem:v3+s11+$0x0], $0xffff  }
0x2a4: {  	v3 =	vbroadcast v4, $0x0;
	_ =	sdelay $0x1  }
.Ltmp8:
0x2a5: {  	v3 =	vor.u32 v2, v3;
	(pc) =	sbr.rel @p3 .LBB2_13-.Ltmp8, $3  }
0x2a6: {  	_ =	sdelay $0x1  }
0x2a7: {  	s14 =	sadd.s32 $0x10, s14;
	v5 =	vnsel vm0, $0x0, v5  }
0x2a8: {  	v4 =	vmov s16;
	s16 =	sadd.s32 $0x1, s16;
	[tilespmem:s14+$0x0] =	vst v5  }
0x2a9: {  	_ =	sdelay $0x2  }
0x2aa: {  	v4 =	vand.u32 $0x7F, v4  }
0x2ab: {  	v3 =	vld.idx.msk [tilespmem:v3+s11+$0x0], $0xffff;
	v4 =	vbroadcast v4, $0x0;
	_ =	sdelay $0x1  }
0x2ac: {  	v4 =	vor.u32 v2, v4;
	_ =	sdelay $0x2  }
0x2ad: {  	s1 =	sadd.s32 $0x10, s14;
	v3 =	vnsel vm0, $0x0, v3  }
0x2ae: {  	[tilespmem:s1+$0x0] =	vst v3  }
0x2af: {  	v3 =	vld.idx.msk [tilespmem:v4+s11+$0x0], $0xffff;
	_ =	sdelay $0x4  }
0x2b0: {  	s1 =	sadd.s32 $0x10, s1;
	v3 =	vnsel vm0, $0x0, v3  }
.Ltmp9:
0x2b1: {  	[tilespmem:s1+$0x0] =	vst v3;
	(pc) =	sbr.rel @p2 .LBB2_16-.Ltmp9, $4  }
0x2b2: {  	[spmem:s26] =	stream.indirect.scatter.add.f32 [tilespmem:s28], [sflag:$0x5], $0x10, s23, s4, $0xb8;
	[tilespmem:$0x61D8] =	vst v63  }
0x2b3: {  	_ =	swait.ge [sflag:s29], $0x800  }
0x2b4: {  	[sflag:s29] =	ssyncset.done $0x0  }
0x2b5: {  	[sflag:s29] =	ssyncadd.s32 $0xFFFFF800  }
0x2b6: {  	s1 =	rddreg [dreg:$0x13]  }
0x2b7: {  	s1 =	sadd.s32 s12, s1  }
0x2b8: {  	s1 =	sshrl.u32 s1, $0x3  }
0x2b9: {  	s17 =	sadd.s32 s3, s1  }
0x2ba: {  	[tilespmem:s4], [sflag:$0x2] =	stream.linear.gather [hbm4b:s17+s2], $0x80, $0x38;
	[tilespmem:$0x61D8] =	vst v63  }
.Ltmp10:
0x2bb: {  	_ = 	snop;
	(pc) =	sbr.rel .LBB2_4-.Ltmp10, $4  }
0x2bc: {  	s14 =	simm.s32 $0x180;
	s20 =	sadd.s32 s5, s1  }
0x2bd: {  	[tilespmem:s14], [sflag:$0x2] =	stream.linear.gather [hbm4b:s20+s2], $0x80, $0x38;
	[tilespmem:$0x61D8] =	vst v63  }
0x2be: {  	s21 =	simm.s32 $0x280;
	s31 =	sadd.s32 $0x1, s31;
	s1 =	sadd.s32 s6, s1  }
0x2bf: {  	[tilespmem:s21], [sflag:$0x2] =	stream.linear.gather [hbm4b:s1+s2], $0x80, $0x38;
	[tilespmem:$0x61D8] =	vst v63  }
.LBB2_17:
0x2c0: {  	_ =	sfence.sel $0x180000  }
0x2c1: {  	[bflag:$0x0] =	sbarrier.arrive $0xFFFF  }
0x2c2: {  	_ =	strace $0x9000004A  }
0x2c3: {  	s0 =	stileid.u32;
	[bflag:$0x2] =	sbarrier.arrive $0xFFFF  }
0x2c4: {  	p0 =	sne.s32 s0, $0x0;
	s0 =	rddreg [dreg:$0x3]  }
0x2c5: {  	s0 =	sadd.s32 @!p0 $0x100000, s0  }
0x2c6: {  	[sflag:s0] =	ssyncadd.tile.s32 @!p0 $0x1;
	_ =	shalt  }
.Lfunc_end2:
_tile_overlayer_lowered:
.L_overlay_start_2:
0x2c7: {  	(tag) =	ssettag $0x2  }
0x2c8: {  	s0 =	rddreg [dreg:$0x0];
	s2 =	stileid.u32  }
0x2c9: {  	s1 =	rddreg [dreg:$0x1];
	p0 =	sne.s32 s2, $0x0  }
0x2ca: {  	s3 =	rddreg [dreg:$0x2];
	[bflag:$0x3] =	sbarrier.arrive $0xFFFF;
	s2 =	simm.s32 @!p0 $0x1C05  }
0x2cb: {  	[timem:s3], [sflag:s2] =	dma.local @!p0 [hbm:s0], s1  }
0x2cc: {  	s0 =	simm.s32 @!p0 $0x5  }
0x2cd: {  	_ =	swait.ge @!p0 [sflag:s0], s1  }
0x2ce: {  	s1 =	ssub.s32 @!p0 $0x0, s1;
	[sflag:s0] =	ssyncset.done @!p0 $0x0  }
0x2cf: {  	[sflag:s0] =	ssyncadd.s32 @!p0 s1  }
0x2d0: {  	[bflag:$0x3] =	sbarrier.arrive $0xFFFF  }
0x2d1: {  	_ =	shalt  }

// kernel: kernel.19.cloned.1.call-start
scs
__scs_entry_jumppad:
0x0: {  	(pc) =	sbr.rel $0x88, $3  }
0x1: {  	(tag) =	ssettag $0x0;
	lr =	simm.s32 $0x1  }
0x2: {  	[smem:$0x3F8B] =	sst lr;
	_ =	strace $0xD0000000  }
0x3: {  	_ = 	snop  }
0x4: {  	_ = 	snop  }
0x5: {  	_ = 	snop  }
0x6: {  	_ = 	snop  }
0x7: {  	_ = 	snop  }
__scs_overlays_trampoline_lowered:
0x8: {  	[smem:$0x3F9A] =	sst s0  }
0x9: {  	[smem:$0x3F9B] =	sst s1  }
0xa: {  	[smem:$0x3F9C] =	sst s2  }
0xb: {  	[smem:$0x3F9D] =	sst s3  }
0xc: {  	[smem:$0x3F9E] =	sst s4  }
0xd: {  	[smem:$0x3F9F] =	sst s5  }
0xe: {  	[smem:$0x3FA0] =	sst s6  }
0xf: {  	[smem:$0x3FA1] =	sst s7  }
0x10: {  	[smem:$0x3FA2] =	sst s8  }
0x11: {  	[smem:$0x3FA3] =	sst s9;
	s0 =	simm.s32 @!p0 $0x0  }
0x12: {  	s1 =	sld [smem:$0x3F89];
	s0 =	simm.s32 @p0 $0x1  }
0x13: {  	[smem:$0x3FA4] =	sst s0;
	s0 =	simm.s32 @!p1 $0x0  }
0x14: {  	s2 =	sld [smem:$0x3F88];
	s0 =	simm.s32 @p1 $0x1  }
0x15: {  	[smem:$0x3FA5] =	sst s0;
	s0 =	simm.s32 @!p2 $0x0  }
0x16: {  	s3 =	sld [smem:$0x3FDB];
	s0 =	simm.s32 @p2 $0x1  }
0x17: {  	s4 =	simm.s32 $0x1BF5;
	[smem:$0x3FA7] =	sst s0  }
0x18: {  	s0 =	sld [smem:$0x3F8A];
	_ =	swait.ge [sflag:s4], $0x0  }
0x19: {  	s7 =	sld [smem:$0x3F8B]  }
0x1a: {  	s8 =	sadd.s32 $0xFFFFE003, lr  }
0x1b: {  	s9 =	sadd.s32 $0xFFFFFEF7, lr;
	s5 =	simm.s32 $0xFFFFFFFF;
	p2 =	slt.u32 s8, $0xFFFFF086  }
0x1c: {  	p1 =	slt.u32 s9, $0xF7A;
	s5 =	simm.s32 @!p2 $0x0  }
0x1d: {  	s5 =	simm.s32 @p1 $0x1;
	p0 =	seq.s32 s7, s2  }
0x1e: {  	s7 =	smul.u32 @!p0 $0xF7A, s2;
	p2 =	seq.s32 @!p0 s5, $0x0  }
0x1f: {  	s9 =	smul.u32 $0xF7A, s1;
	s8 =	simm.s32 @!p0 $0x1BF5;
	p2 =	por !p2, p0  }
0x20: {  	[sflag:s8] =	ssyncset.s32 @!p0 $0xFFFFF086;
	s6 =	sadd.s32 @!p0 s3, s7;
	s7 =	simm.s32 @!p0 $0x108  }
0x21: {  	s3 =	sadd.s32 s3, s9;
	s6 =	sadd.s32 @!p0 $0x88, s6;
	s7 =	simm.s32 @p2 $0x1082  }
0x22: {  	[simem:s7], [sflag:s8] =	dma.local @!p0 [hbm:s6], $0xF7A  }
0x23: {  	s9 =	sor.u32 $0xD0000000, s2;
	s6 =	simm.s32 $0x108;
	_ =	swait.ge @!p0 [sflag:s8], $0x0  }
0x24: {  	s3 =	sadd.s32 $0x88, s3;
	s6 =	simm.s32 @!p1 $0x1082;
	[sflag:s4] =	ssyncset.s32 $0xFFFFF086  }
0x25: {  	[simem:s6], [sflag:s4] =	dma.local [hbm:s3], $0xF7A  }
0x26: {  	[smem:$0x3F8B] =	sst s1;
	(tag) =	ssettag s2;
	_ =	strace s9  }
0x27: {  	s1 =	sld [smem:$0x3F9B]  }
0x28: {  	s2 =	sld [smem:$0x3F9C]  }
0x29: {  	s4 =	sld [smem:$0x3F9E]  }
0x2a: {  	p0 =	seq.s32 s5, $0x0;
	s5 =	sld [smem:$0x3F9F]  }
0x2b: {  	s6 =	sld [smem:$0x3FA0]  }
0x2c: {  	s7 =	sld [smem:$0x3FA1]  }
0x2d: {  	s3 =	simm.s32 $0x108;
	s8 =	sld [smem:$0x3FA2]  }
0x2e: {  	s3 =	simm.s32 @!p0 $0x1082;
	s9 =	sld [smem:$0x3FA3]  }
0x2f: {  	lr =	sadd.s32 s0, s3;
	s0 =	sld [smem:$0x3F9A]  }
0x30: {  	s3 =	sld [smem:$0x3F9D]  }
0x31: {  	[smem:$0x3FA6] =	sst s10  }
0x32: {  	s10 =	sld [smem:$0x3FA4];
	_ =	sdelay $0x3  }
0x33: {  	p0 =	seq.s32 s10, $0x1;
	s10 =	sld [smem:$0x3FA6];
	_ =	sdelay $0x3  }
0x34: {  	[smem:$0x3FA6] =	sst s10  }
0x35: {  	s10 =	sld [smem:$0x3FA5];
	_ =	sdelay $0x3  }
0x36: {  	p1 =	seq.s32 s10, $0x1;
	s10 =	sld [smem:$0x3FA6];
	_ =	sdelay $0x3  }
0x37: {  	[smem:$0x3FA6] =	sst s10  }
0x38: {  	s10 =	sld [smem:$0x3FA7]  }
0x39: {  	_ = 	snop;
	(pc) =	sbr.ind lr, $3  }
0x3a: {  	_ = 	snop  }
0x3b: {  	_ = 	snop  }
0x3c: {  	p2 =	seq.s32 s10, $0x1;
	s10 =	sld [smem:$0x3FA6]  }
0x3d: {  	_ =	shalt  }
0x3e: {  	_ =	shalt  }
0x3f: {  	_ =	shalt  }
0x40: {  	_ =	shalt  }
0x41: {  	_ =	shalt  }
0x42: {  	_ =	shalt  }
0x43: {  	_ =	shalt  }
0x44: {  	_ =	shalt  }
0x45: {  	_ =	shalt  }
0x46: {  	_ =	shalt  }
0x47: {  	_ =	shalt  }
0x48: {  	_ =	shalt  }
0x49: {  	_ =	shalt  }
0x4a: {  	_ =	shalt  }
0x4b: {  	_ =	shalt  }
0x4c: {  	_ =	shalt  }
0x4d: {  	_ =	shalt  }
0x4e: {  	_ =	shalt  }
0x4f: {  	_ =	shalt  }
0x50: {  	_ =	shalt  }
0x51: {  	_ =	shalt  }
0x52: {  	_ =	shalt  }
0x53: {  	_ =	shalt  }
0x54: {  	_ =	shalt  }
0x55: {  	_ =	shalt  }
0x56: {  	_ =	shalt  }
0x57: {  	_ =	shalt  }
0x58: {  	_ =	shalt  }
0x59: {  	_ =	shalt  }
0x5a: {  	_ =	shalt  }
0x5b: {  	_ =	shalt  }
0x5c: {  	_ =	shalt  }
0x5d: {  	_ =	shalt  }
0x5e: {  	_ =	shalt  }
0x5f: {  	_ =	shalt  }
0x60: {  	_ =	shalt  }
0x61: {  	_ =	shalt  }
0x62: {  	_ =	shalt  }
0x63: {  	_ =	shalt  }
0x64: {  	_ =	shalt  }
0x65: {  	_ =	shalt  }
0x66: {  	_ =	shalt  }
0x67: {  	_ =	shalt  }
0x68: {  	_ =	shalt  }
0x69: {  	_ =	shalt  }
0x6a: {  	_ =	shalt  }
0x6b: {  	_ =	shalt  }
0x6c: {  	_ =	shalt  }
0x6d: {  	_ =	shalt  }
0x6e: {  	_ =	shalt  }
0x6f: {  	_ =	shalt  }
0x70: {  	_ =	shalt  }
0x71: {  	_ =	shalt  }
0x72: {  	_ =	shalt  }
0x73: {  	_ =	shalt  }
0x74: {  	_ =	shalt  }
0x75: {  	_ =	shalt  }
0x76: {  	_ =	shalt  }
0x77: {  	_ =	shalt  }
0x78: {  	_ =	shalt  }
0x79: {  	_ =	shalt  }
0x7a: {  	_ =	shalt  }
0x7b: {  	_ =	shalt  }
0x7c: {  	_ =	shalt  }
0x7d: {  	_ =	shalt  }
0x7e: {  	_ =	shalt  }
0x7f: {  	_ =	shalt  }
0x80: {  	_ =	shalt  }
0x81: {  	_ =	shalt  }
0x82: {  	_ =	shalt  }
0x83: {  	_ =	shalt  }
0x84: {  	_ =	shalt  }
0x85: {  	_ =	shalt  }
0x86: {  	_ =	shalt  }
0x87: {  	_ =	shalt  }
.Lfunc_end0:
.L_simem_size_0:
called_computation.3_lowered:
.L_overlay_start_0:
0x88: {  	s2 =	sld [smem:$0x3FD9]  }
0x89: {  	s3 =	sld [smem:$0x3FFE];
	_ =	sdelay $0x1  }
0x8a: {  	s1 =	srdreg.scid  }
0x8b: {  	s0 =	sand.u32 $0x1, s1  }
0x8c: {  	s17 =	sshll.u32 s0, $0xA;
	s2 =	sadd.s32 s3, s2  }
0x8d: {  	s2 =	sadd.s32 s2, s17  }
0x8e: {  	[smem:$0x3FB2] =	sst s2  }
0x8f: {  	_ = 	snop  }
0x90: {  	s2 =	sld [smem:$0x3FD0];
	(tm) =	ssettm $0x1  }
0x91: {  	s18 =	sld [smem:$0x3FFB];
	_ =	sdelay $0x3  }
0x92: {  	_ =	strace s18  }
0x93: {  	s3 =	sld [smem:$0x3FFC];
	_ =	sdelay $0x3  }
0x94: {  	_ =	strace s3  }
0x95: {  	s3 =	sld [smem:$0x3FFD];
	_ =	sdelay $0x3  }
0x96: {  	_ =	strace s3  }
0x97: {  	_ =	strace $0x8FFFFFFF  }
0x98: {  	s19 =	sld [smem:$0x3FDB];
	_ =	sdelay $0x1  }
0x99: {  	s4 =	simm.s32 $_scs_section_size  }
0x9a: {  	s5 =	simm.s32 $_size__tile_overlayer_lowered;
	s6 =	simm.s32 $_tile_overlayer_lowered  }
0x9b: {  	s22 =	simm.s32 $0x1BFF;
	s21 =	sshll.u32 s6, $0x1;
	s3 =	sadd.s32 s4, s19  }
0x9c: {  	s7 =	simm.s32 $0x0;
	s20 =	sshll.u32 s5, $0x1;
	s5 =	sadd.s32 s21, s3  }
0x9d: {  	[timem:s7], [sflag:s22] =	dma.local [hbm:s5], s20  }
0x9e: {  	_ =	swait.ge [sflag:s22], s20  }
0x9f: {  	s4 =	ssub.s32 $0x0, s20;
	[sflag:s22] =	ssyncset.done $0x0  }
0xa0: {  	[sflag:s22] =	ssyncadd.s32 s4;
	_ =	sdelay $0x1  }
0xa1: {  	s23 =	simm.s32 $0x1B8B  }
0xa2: {  	_ =	swait.ge [sflag:s23], $0x1  }
0xa3: {  	[sflag:s23] =	ssyncset.done $0x0  }
0xa4: {  	s25 =	simm.s32 $0x1B8E;
	s24 =	sld [smem:$0x3FFE];
	[sflag:s23] =	ssyncadd.s32 $0xFFFFFFFF  }
0xa5: {  	s26 =	simm.s32 $execute0_lowered;
	[smem:$0x3FD2] =	sst s25  }
0xa6: {  	s5 =	sshll.u32 s26, $0x1;
	_ =	strace $0x8000004F;
	[dreg:$0x1] =	wrdreg $0xFFFFFFFF  }
0xa7: {  	s28 =	simm.s32 $_size_execute0_lowered;
	s3 =	sadd.s32 s3, s5;
	[dreg:$0x0] =	wrdreg $0x0  }
0xa8: {  	s5 =	sshll.u32 s28, $0x1;
	[dreg:$0x2] =	wrdreg s3  }
0xa9: {  	[dreg:$0x3] =	wrdreg s5  }
0xaa: {  	[dreg:$0x4] =	wrdreg $0xC0  }
0xab: {  	_ =	task [dreg:s7], $0x5FFFF  }
0xac: {  	[dreg:$0x1] =	wrdreg $0xFFFFFFFF  }
0xad: {  	[dreg:$0x0] =	wrdreg $0x60  }
0xae: {  	[dreg:$0x2] =	wrdreg s24  }
0xaf: {  	[dreg:$0x3] =	wrdreg s2  }
0xb0: {  	[dreg:$0x4] =	wrdreg $0x13A000  }
0xb1: {  	[dreg:$0x5] =	wrdreg $0x9  }
0xb2: {  	_ =	task.clear_ibuf [dreg:s7], $0x6FFFF;
	_ =	strace $0x9000004F  }
0xb3: {  	s29 =	simm.s32 $0x9;
	_ =	strace $0x80000051  }
0xb4: {  	_ =	swait.ge [sflag:s29], $0x1  }
0xb5: {  	[sflag:s29] =	ssyncadd.s32 $0xFFFFFFFF  }
0xb6: {  	_ =	strace $0x90000051  }
0xb7: {  	_ =	sfence  }
0xb8: {  	s30 =	sld [smem:$0x0];
	_ =	sdelay $0x2  }
0xb9: {  	s31 =	sshll.u32 s1, $0xD;
	s1 =	sshrl.u32 s1, $0x2  }
0xba: {  	s3 =	sand.u32 $0x4000, s31;
	s1 =	sadd.s32 s1, s30  }
0xbb: {  	s0 =	sor.u32 s3, s0;
	s1 =	sshll.u32 s1, $0x11  }
0xbc: {  	s0 =	sor.u32 s1, s0  }
0xbd: {  	s0 =	sadd.s32 $0x8F2B, s0  }
0xbe: {  	[sflag:s0] =	ssyncadd.remote.s32 $0x1  }
0xbf: {  	_ =	sfence.sel $0xFFFF  }
0xc0: {  	[dreg:$0x0] =	wrdreg $0xFFFFFFFF;
	(pc) =	sbr.abs _section_cstart, $3  }
0xc1: {  	[dreg:$0x1] =	wrdreg $0xFFFFFFFF  }
0xc2: {  	_ =	task.clear_ibuf [dreg:s7], $0x2FFFF;
	_ =	strace $0x9FFFFFFF  }
0xc3: {  	(tm) =	ssettm $0x7FFFFFFF  }
tec
execute0_lowered:
.L_overlay_start_1:
0x0: {  	(tag) =	ssettag $0x1  }
0x1: {  	s0 =	rddreg [dreg:$0x0]  }
0x2: {  	s19 =	rddreg [dreg:$0x2]  }
0x3: {  	s3 =	simm.s32 $0x0;
	s1 =	srdreg.scid;
	s17 =	stileid.u32  }
0x4: {  	s5 =	simm.s32 $0xC;
	s30 =	simm.s32 $0x3600;
	s31 =	simm.s32 $0x5  }
0x5: {  	s28 =	simm.s32 $0x2E00;
	[smem:$0x7FF] =	sst s3;
	s4 =	sadd.s32 $0x2E00, s0  }
0x6: {  	s15 =	sadd.s32 $0x7E00, s0;
	s16 =	sadd.s32 $0xCE00, s0;
	s8 =	sadd.s32 $0x470600, s0  }
0x7: {  	s1 =	sand.u32 $0x1, s1;
	s9 =	sadd.s32 $0x14AA00, s0;
	s25 =	smul.u32 $0x28000, s17  }
0x8: {  	s10 =	sadd.s32 $0x11E00, s0;
	s0 =	sadd.s32 $0x18000, s0;
	s18 =	smul.u32 $0x2800, s17  }
0x9: {  	p0 =	seq.s32 s17, $0xF;
	s12 =	smul.u32 $0x9800, s17;
	p1 =	sne.s32 s17, $0xF  }
0xa: {  	s24 =	sadd.s32 $0x9C000, s19;
	s17 =	simm.s32 $0x1E00;
	_ =	strace $0x80000050  }
0xb: {  	s2 =	ssub.s32 $0x2, s1;
	s5 =	simm.s32 @!p0 $0x14;
	[dreg:$0x4] =	wrdreg s4  }
0xc: {  	s11 =	smul.u32 $0x9C400, s1;
	[dreg:$0x13] =	wrdreg s24;
	s24 =	simm.s32 $0x2  }
0xd: {  	s7 =	sshrl.u32 s2, $0x1;
	[dreg:$0x5] =	wrdreg s5;
	s29 =	sshrl.u32 s18, $0x3  }
0xe: {  	s5 =	smov.u32 s16;
	[dreg:$0x6] =	wrdreg s18;
	s6 =	sadd.s32 s4, s29  }
0xf: {  	s2 =	ssub.s32 s2, s7;
	s13 =	sadd.s32 s15, s29;
	[dreg:$0x8] =	wrdreg s6  }
0x10: {  	s7 =	sshrl.u32 s25, $0x2;
	s14 =	sadd.s32 s16, s29;
	[dreg:$0x9] =	wrdreg s13  }
0x11: {  	s25 =	sor.u32 $0x80, s18;
	s26 =	sadd.s32 s7, s19;
	[dreg:$0xa] =	wrdreg s14  }
0x12: {  	s13 =	smul.u32 $0xC350, s1;
	s7 =	sor.u32 $0x10, s29;
	s14 =	sadd.s32 s12, s11  }
0x13: {  	s11 =	sshrl.u32 s11, $0x3;
	s6 =	smov.u32 s15;
	s1 =	sshll.u32 s1, $0x2  }
0x14: {  	s23 =	smax.u32 s2, $0x1;
	[dreg:$0x14] =	wrdreg s25;
	s29 =	sor.u32 $0x180, s18  }
0x15: {  	s25 =	simm.s32 $0x13600;
	s2 =	simm.s32 $0x0;
	[dreg:$0x7] =	wrdreg s26  }
0x16: {  	s4 =	sadd.s32 s4, s7;
	s14 =	sshrl.u32 s14, $0x3;
	[dreg:$0x10] =	wrdreg s23  }
0x17: {  	s21 =	sadd.s32 s15, s7;
	s22 =	sadd.s32 s16, s7;
	[dreg:$0x16] =	wrdreg s29  }
0x18: {  	s7 =	sadd.s32 s12, s19;
	s26 =	sor.u32 $0x100, s18;
	[dreg:$0xb] =	wrdreg s4  }
0x19: {  	s15 =	simm.s32 $0x80;
	s18 =	simm.s32 $0x600;
	[dreg:$0xd] =	wrdreg s21  }
0x1a: {  	s12 =	simm.s32 $0xB600;
	s23 =	simm.s32 $0x3;
	[dreg:$0xe] =	wrdreg s22  }
0x1b: {  	s20 =	sadd.s32 s0, s14;
	s0 =	sadd.s32 s0, s11;
	[dreg:$0x15] =	wrdreg s26  }
.Ltmp0:
0x1c: {  	s14 =	simm.s32 $0x1;
	s0 =	sadd.s32 $0x11D00, s0;
	(pc) =	sbr.rel .LBB2_1-.Ltmp0, $4  }
0x1d: {  	s21 =	simm.s32 $0x2600;
	[dreg:$0xf] =	wrdreg s0;
	s0 =	sadd.s32 $0x8E800, s19  }
0x1e: {  	v6 =	vlaneseq.u32;
	v5 =	vimm.f32 $0.0e+00;
	s4 =	simm.s32 $0x180;
	[dreg:$0xc] =	wrdreg s20;
	s0 =	sshrl.u32 @p0 s0, $0x3  }
0x1f: {  	v6 =	vmul.u32 $0x10, v6;
	v1 =	vmov s1;
	v0 =	vmov s13;
	s11 =	simm.s32 $0x4;
	[dreg:$0x11] =	wrdreg s0;
	s0 =	sshrl.u32 @!p0 s7, $0x3  }
0x20: {  	v2 =	vor.u32 $0x1, v1;
	v3 =	vor.u32 $0x2, v1;
	v4 =	vor.u32 $0x3, v1;
	s20 =	simm.s32 $0x1600;
	s7 =	simm.s32 $0xE00;
	[dreg:$0x12] =	wrdreg s0  }
.LBB2_18:
0x21: {  	[bflag:$0x0] =	sbarrier.arrive $0xFFFF  }
0x22: {  	s1 =	rddreg [dreg:$0xf]  }
0x23: {  	s0 =	simm.s32 @p0 $0x1FC5;
	s2 =	rddreg [dreg:$0x11]  }
0x24: {  	[hbm:s1], [sflag:s0] =	dma.local @p0 [spmem:s2], $0x1B80  }
0x25: {  	s0 =	simm.s32 @p0 $0x5  }
0x26: {  	s1 =	stileid.u32;
	_ =	swait.ge @p0 [sflag:s0], $0x1B80  }
0x27: {  	s1 =	sshll.u32 @!p0 s1, $0x6;
	[sflag:s0] =	ssyncset.done @p0 $0x0;
	s2 =	rddreg [dreg:$0x12]  }
0x28: {  	[sflag:s0] =	ssyncadd.s32 @p0 $0xFFFFE480;
	s0 =	sor.u32 @!p0 $0x1C05, s1;
	s1 =	rddreg [dreg:$0xc]  }
0x29: {  	[hbm:s1], [sflag:s0] =	dma.local @!p0 [spmem:s2], $0x1300  }
0x2a: {  	s0 =	simm.s32 @!p0 $0x5  }
0x2b: {  	_ =	swait.ge @!p0 [sflag:s0], $0x1300  }
0x2c: {  	s26 =	rddreg [dreg:$0x17]  }
0x2d: {  	s29 =	rddreg [dreg:$0x10];
	s2 =	sadd.s32 $0x1, s26  }
0x2e: {  	p2 =	sne.s32 s2, s29  }
.Ltmp1:
0x2f: {  	_ = 	snop;
	(pc) =	sbr.rel @!p2 .LBB2_19-.Ltmp1, $3  }
0x30: {  	_ =	sdelay $0x1  }
0x31: {  	[sflag:s0] =	ssyncset.done @!p0 $0x0  }
0x32: {  	[sflag:s0] =	ssyncadd.s32 @!p0 $0xFFFFED00  }
.LBB2_1:
0x33: {  	s0 =	simm.s32 $0x0;
	s1 =	simm.s32 $0x400  }
.LBB2_2:
0x34: {  	p2 =	sne.s32 s1, $0x4C00;
	[tilespmem:s0+$0x36F0] =	vst v5  }
0x35: {  	[tilespmem:s0+$0x3600] =	vst v5  }
0x36: {  	[tilespmem:s0+$0x3610] =	vst v5  }
0x37: {  	[tilespmem:s0+$0x3620] =	vst v5  }
0x38: {  	[tilespmem:s0+$0x3630] =	vst v5  }
0x39: {  	[tilespmem:s0+$0x3640] =	vst v5  }
0x3a: {  	[tilespmem:s0+$0x3650] =	vst v5  }
0x3b: {  	[tilespmem:s0+$0x3660] =	vst v5  }
0x3c: {  	[tilespmem:s0+$0x3670] =	vst v5  }
0x3d: {  	[tilespmem:s0+$0x3680] =	vst v5  }
0x3e: {  	[tilespmem:s0+$0x3690] =	vst v5  }
.Ltmp2:
0x3f: {  	[tilespmem:s0+$0x36A0] =	vst v5;
	(pc) =	sbr.rel @p2 .LBB2_2-.Ltmp2, $4  }
0x40: {  	[tilespmem:s0+$0x36B0] =	vst v5  }
0x41: {  	[tilespmem:s0+$0x36C0] =	vst v5  }
0x42: {  	[tilespmem:s0+$0x36D0] =	vst v5  }
0x43: {  	[tilespmem:s0+$0x36E0] =	vst v5;
	s0 =	sshra.s32 s1, $0x2;
	s1 =	sadd.s32 $0x400, s1  }
0x44: {  	[tilespmem:s0+$0x36F0] =	vst v5  }
0x45: {  	[tilespmem:s0+$0x3600] =	vst v5  }
0x46: {  	[tilespmem:s0+$0x3610] =	vst v5  }
0x47: {  	[tilespmem:s0+$0x3620] =	vst v5  }
0x48: {  	[tilespmem:s0+$0x3630] =	vst v5  }
0x49: {  	[tilespmem:s0+$0x3640] =	vst v5  }
0x4a: {  	[tilespmem:s0+$0x3650] =	vst v5  }
0x4b: {  	[tilespmem:s0+$0x3660] =	vst v5  }
0x4c: {  	[tilespmem:s0+$0x3670] =	vst v5  }
0x4d: {  	[tilespmem:s0+$0x3680] =	vst v5  }
0x4e: {  	[tilespmem:s0+$0x3690] =	vst v5  }
0x4f: {  	[tilespmem:s0+$0x36A0] =	vst v5  }
0x50: {  	[tilespmem:s0+$0x36B0] =	vst v5;
	s29 =	rddreg [dreg:$0x5]  }
0x51: {  	[tilespmem:s0+$0x36C0] =	vst v5;
	p2 =	sne.s32 s29, $0x1  }
.Ltmp3:
0x52: {  	[dreg:$0x17] =	wrdreg s2;
	[tilespmem:s0+$0x36D0] =	vst v5;
	(pc) =	sbr.rel @!p2 .LBB2_5-.Ltmp3, $4  }
0x53: {  	[tilespmem:s0+$0x36E0] =	vst v5;
	s1 =	rddreg [dreg:$0x7]  }
0x54: {  	[spmem:s1] =	stream.linear.scatter [tilespmem:s30], [sflag:$0x5], $0x800, $0x38;
	[tilespmem:$0x1D640] =	vst v63  }
0x55: {  	_ =	swait.ge [sflag:s31], $0x800  }
0x56: {  	s0 =	sadd.s32 $0xFFFFFFFF, s29;
	[sflag:s31] =	ssyncset.done $0x0  }
.LBB2_4:
0x57: {  	p2 =	sne.s32 s0, $0x1;
	[sflag:s31] =	ssyncadd.s32 $0xFFFFF800;
	s1 =	sadd.s32 $0x800, s1  }
.Ltmp4:
0x58: {  	s0 =	sadd.s32 $0xFFFFFFFF, s0;
	(pc) =	sbr.rel @p2 .LBB2_4-.Ltmp4, $4  }
0x59: {  	_ = 	snop  }
0x5a: {  	[spmem:s1] =	stream.linear.scatter [tilespmem:s30], [sflag:$0x5], $0x800, $0x38;
	[tilespmem:$0x1D640] =	vst v63  }
0x5b: {  	_ =	swait.ge [sflag:s31], $0x800  }
0x5c: {  	[sflag:s31] =	ssyncset.done $0x0  }
.LBB2_5:
0x5d: {  	[sflag:s31] =	ssyncadd.s32 $0xFFFFF800;
	s0 =	simm.s32 @!p1 $0x3600;
	s1 =	rddreg [dreg:$0x13]  }
0x5e: {  	[spmem:s1] =	stream.linear.scatter @!p1 [tilespmem:s0], [sflag:$0x5], $0x400, $0x38;
	[tilespmem:$0x1D640] =	vst v63  }
0x5f: {  	s0 =	simm.s32 @!p1 $0x5  }
0x60: {  	_ =	swait.ge @!p1 [sflag:s0], $0x400  }
0x61: {  	[sflag:s0] =	ssyncset.done @!p1 $0x0  }
0x62: {  	[sflag:s0] =	ssyncadd.s32 @!p1 $0xFFFFFC00  }
0x63: {  	[bflag:$0x0] =	sbarrier.arrive $0xFFFF  }
0x64: {  	s2 =	simm.s32 $0x0;
	s29 =	rddreg [dreg:$0x8]  }
0x65: {  	[tilespmem:s2], [sflag:$0x1] =	stream.linear.gather [hbm4b:s29+s2], $0x80, $0x38;
	[tilespmem:$0x1D640] =	vst v63  }
0x66: {  	s13 =	simm.s32 $0x100;
	s1 =	rddreg [dreg:$0x9]  }
0x67: {  	[tilespmem:s13], [sflag:$0x1] =	stream.linear.gather [hbm4b:s1+s2], $0x80, $0x38;
	[tilespmem:$0x1D640] =	vst v63  }
0x68: {  	s22 =	simm.s32 $0x200;
	s16 =	rddreg [dreg:$0xa]  }
0x69: {  	[tilespmem:s22], [sflag:$0x1] =	stream.linear.gather [hbm4b:s16+s2], $0x80, $0x38;
	[tilespmem:$0x1D640] =	vst v63  }
0x6a: {  	_ =	swait.ge [sflag:s14], $0x80  }
0x6b: {  	[sflag:s14] =	ssyncset.done $0x0  }
0x6c: {  	[sflag:s14] =	ssyncadd.s32 $0xFFFFFF80  }
0x6d: {  	_ =	swait.ge [sflag:s14], $0x80  }
0x6e: {  	[sflag:s14] =	ssyncset.done $0x0  }
0x6f: {  	[sflag:s14] =	ssyncadd.s32 $0xFFFFFF80  }
0x70: {  	_ =	swait.ge [sflag:s14], $0x80  }
0x71: {  	[sflag:s14] =	ssyncset.done $0x0  }
0x72: {  	[sflag:s14] =	ssyncadd.s32 $0xFFFFFF80  }
0x73: {  	v7 =	vld [tilespmem:$0x200];
	_ =	sdelay $0x1  }
0x74: {  	v8 =	vld [tilespmem:$0x0]  }
0x75: {  	v9 =	vld [tilespmem:$0x210]  }
0x76: {  	v10 =	vld [tilespmem:$0x100]  }
0x77: {  	v12 =	vld [tilespmem:$0x10];
	v11 =	vmul.u32 $0x2710, v7  }
0x78: {  	v13 =	vld [tilespmem:$0x220]  }
0x79: {  	v42 =	vld [tilespmem:$0x110];
	v7 =	vmul.u32 $0x9C4, v7;
	v8 =	vadd.s32 v8, v11  }
0x7a: {  	v15 =	vld [tilespmem:$0x20];
	v14 =	vmul.u32 $0x2710, v9;
	[tilespmem:$0x500] =	vst v8;
	v8 =	vadd.s32 v0, v8  }
0x7b: {  	v7 =	vadd.s32 v10, v7;
	[tilespmem:$0x300] =	vst v8;
	v8 =	vld [tilespmem:$0x230]  }
0x7c: {  	v43 =	vld [tilespmem:$0x120];
	v9 =	vmul.u32 $0x9C4, v9;
	[tilespmem:$0x400] =	vst v7;
	v7 =	vadd.s32 v12, v14  }
0x7d: {  	v45 =	vld [tilespmem:$0x30];
	v44 =	vmul.u32 $0x2710, v13;
	[tilespmem:$0x510] =	vst v7;
	v7 =	vadd.s32 v0, v7  }
0x7e: {  	v46 =	vld [tilespmem:$0x240];
	[tilespmem:$0x310] =	vst v7;
	v7 =	vadd.s32 v42, v9  }
0x7f: {  	v48 =	vld [tilespmem:$0x130];
	v47 =	vmul.u32 $0x9C4, v13;
	[tilespmem:$0x410] =	vst v7;
	v7 =	vadd.s32 v15, v44  }
0x80: {  	v50 =	vld [tilespmem:$0x40];
	[tilespmem:$0x520] =	vst v7;
	v7 =	vadd.s32 v0, v7;
	v49 =	vmul.u32 $0x2710, v8  }
0x81: {  	v51 =	vld [tilespmem:$0x250];
	[tilespmem:$0x320] =	vst v7;
	v7 =	vadd.s32 v43, v47  }
0x82: {  	v52 =	vld [tilespmem:$0x140];
	[tilespmem:$0x420] =	vst v7;
	v8 =	vmul.u32 $0x9C4, v8;
	v7 =	vadd.s32 v45, v49  }
0x83: {  	v54 =	vld [tilespmem:$0x50];
	v53 =	vmul.u32 $0x2710, v46;
	[tilespmem:$0x530] =	vst v7;
	v7 =	vadd.s32 v0, v7  }
0x84: {  	[tilespmem:$0x330] =	vst v7;
	v7 =	vadd.s32 v48, v8;
	v8 =	vld [tilespmem:$0x260]  }
0x85: {  	v55 =	vld [tilespmem:$0x150];
	v9 =	vmul.u32 $0x9C4, v46;
	[tilespmem:$0x430] =	vst v7;
	v7 =	vadd.s32 v50, v53  }
0x86: {  	v57 =	vld [tilespmem:$0x60];
	v56 =	vmul.u32 $0x2710, v51;
	[tilespmem:$0x540] =	vst v7;
	v7 =	vadd.s32 v0, v7  }
0x87: {  	v58 =	vld [tilespmem:$0x270];
	[tilespmem:$0x340] =	vst v7;
	v7 =	vadd.s32 v52, v9  }
0x88: {  	v59 =	vld [tilespmem:$0x160];
	v10 =	vmul.u32 $0x9C4, v51;
	[tilespmem:$0x440] =	vst v7;
	v7 =	vadd.s32 v54, v56  }
0x89: {  	v61 =	vld [tilespmem:$0x70];
	[tilespmem:$0x550] =	vst v7;
	v7 =	vadd.s32 v0, v7;
	v60 =	vmul.u32 $0x2710, v8  }
0x8a: {  	[tilespmem:$0x350] =	vst v7;
	v7 =	vadd.s32 v55, v10  }
0x8b: {  	v62 =	vld [tilespmem:$0x170];
	v8 =	vmul.u32 $0x9C4, v8;
	[tilespmem:$0x450] =	vst v7;
	v7 =	vadd.s32 v57, v60  }
0x8c: {  	v63 =	vmul.u32 $0x2710, v58;
	[tilespmem:$0x560] =	vst v7;
	v7 =	vadd.s32 v0, v7  }
0x8d: {  	[tilespmem:$0x360] =	vst v7;
	v7 =	vadd.s32 v59, v8  }
0x8e: {  	v8 =	vmul.u32 $0x9C4, v58;
	[tilespmem:$0x460] =	vst v7;
	v7 =	vadd.s32 v61, v63  }
0x8f: {  	[tilespmem:$0x570] =	vst v7;
	v7 =	vadd.s32 v0, v7  }
0x90: {  	[tilespmem:$0x370] =	vst v7;
	v7 =	vadd.s32 v62, v8  }
0x91: {  	s26 =	simm.s32 $0x300;
	[tilespmem:$0x470] =	vst v7  }
0x92: {  	[tilespmem:s30], [sflag:$0x3] =	stream.indirect.gather [hbm4b:s8+s15], $0x100, s26, s15, $0xb8;
	[tilespmem:$0x1D640] =	vst v63  }
0x93: {  	s29 =	simm.s32 $0x500  }
0x94: {  	[tilespmem:s18], [sflag:$0x3] =	stream.indirect.gather [hbm4b:s9+s15], $0x10, s29, s15, $0xb8;
	[tilespmem:$0x1D640] =	vst v63  }
0x95: {  	s0 =	simm.s32 $0x400  }
0x96: {  	[tilespmem:s20], [sflag:$0x3] =	stream.indirect.gather [hbm4b:s10+s15], $0x10, s0, s15, $0xb8;
	[tilespmem:$0x1D640] =	vst v63  }
0x97: {  	s13 =	rddreg [dreg:$0x1]  }
0x98: {  	[tilespmem:s21], [sflag:$0x3] =	stream.indirect.gather [hbm4b:s13+s15], $0x10, s0, s15, $0xb8;
	[tilespmem:$0x1D640] =	vst v63  }
0x99: {  	s16 =	rddreg [dreg:$0xb]  }
0x9a: {  	[tilespmem:s15], [sflag:$0x2] =	stream.linear.gather [hbm4b:s16+s2], $0x80, $0x38;
	[tilespmem:$0x1D640] =	vst v63  }
0x9b: {  	s22 =	rddreg [dreg:$0xd]  }
0x9c: {  	[tilespmem:s4], [sflag:$0x2] =	stream.linear.gather [hbm4b:s22+s2], $0x80, $0x38;
	[tilespmem:$0x1D640] =	vst v63  }
0x9d: {  	s1 =	simm.s32 $0x0;
	s26 =	rddreg [dreg:$0xe];
	s29 =	simm.s32 $0x280  }
0x9e: {  	[tilespmem:s29], [sflag:$0x2] =	stream.linear.gather [hbm4b:s26+s2], $0x80, $0x38;
	[tilespmem:$0x1D640] =	vst v63  }
.LBB2_6:
0x9f: {  	_ =	swait.ge [sflag:s24], $0x80  }
0xa0: {  	[sflag:s24] =	ssyncset.done $0x0  }
0xa1: {  	[sflag:s24] =	ssyncadd.s32 $0xFFFFFF80  }
0xa2: {  	_ =	swait.ge [sflag:s24], $0x80  }
0xa3: {  	[sflag:s24] =	ssyncset.done $0x0  }
0xa4: {  	[sflag:s24] =	ssyncadd.s32 $0xFFFFFF80  }
0xa5: {  	_ =	swait.ge [sflag:s24], $0x80  }
0xa6: {  	[sflag:s24] =	ssyncset.done $0x0  }
0xa7: {  	[sflag:s24] =	ssyncadd.s32 $0xFFFFFF80  }
0xa8: {  	v7 =	vld [tilespmem:$0x280];
	_ =	sdelay $0x1  }
0xa9: {  	v8 =	vld [tilespmem:$0x80]  }
0xaa: {  	v9 =	vld [tilespmem:$0x290]  }
0xab: {  	v10 =	vld [tilespmem:$0x180]  }
0xac: {  	v12 =	vld [tilespmem:$0x90];
	v11 =	vmul.u32 $0x2710, v7  }
0xad: {  	v13 =	vld [tilespmem:$0x2A0]  }
0xae: {  	v7 =	vmul.u32 $0x9C4, v7;
	v8 =	vadd.s32 v8, v11;
	v11 =	vld [tilespmem:$0x190]  }
0xaf: {  	v15 =	vld [tilespmem:$0xA0];
	v14 =	vmul.u32 $0x2710, v9;
	[tilespmem:$0x580] =	vst v8;
	v8 =	vadd.s32 v0, v8  }
0xb0: {  	v7 =	vadd.s32 v10, v7;
	[tilespmem:$0x380] =	vst v8;
	v8 =	vld [tilespmem:$0x2B0]  }
0xb1: {  	v9 =	vmul.u32 $0x9C4, v9;
	v10 =	vld [tilespmem:$0x1A0];
	[tilespmem:$0x480] =	vst v7;
	v7 =	vadd.s32 v12, v14  }
0xb2: {  	v52 =	vld [tilespmem:$0xB0];
	v51 =	vmul.u32 $0x2710, v13;
	[tilespmem:$0x590] =	vst v7;
	v7 =	vadd.s32 v0, v7  }
0xb3: {  	[tilespmem:$0x390] =	vst v7;
	v7 =	vadd.s32 v11, v9;
	v9 =	vld [tilespmem:$0x2C0]  }
0xb4: {  	v53 =	vld [tilespmem:$0x1B0];
	v11 =	vmul.u32 $0x9C4, v13;
	[tilespmem:$0x490] =	vst v7;
	v7 =	vadd.s32 v15, v51  }
0xb5: {  	v55 =	vld [tilespmem:$0xC0];
	[tilespmem:$0x5A0] =	vst v7;
	v7 =	vadd.s32 v0, v7;
	v54 =	vmul.u32 $0x2710, v8  }
0xb6: {  	[tilespmem:$0x3A0] =	vst v7;
	v7 =	vadd.s32 v10, v11;
	v10 =	vld [tilespmem:$0x2D0]  }
0xb7: {  	v8 =	vmul.u32 $0x9C4, v8;
	v11 =	vld [tilespmem:$0x1C0];
	[tilespmem:$0x4A0] =	vst v7;
	v7 =	vadd.s32 v52, v54  }
0xb8: {  	v57 =	vld [tilespmem:$0xD0];
	[tilespmem:$0x5B0] =	vst v7;
	v7 =	vadd.s32 v0, v7;
	v56 =	vmul.u32 $0x2710, v9  }
0xb9: {  	[tilespmem:$0x3B0] =	vst v7;
	v7 =	vadd.s32 v53, v8;
	v8 =	vld [tilespmem:$0x2E0]  }
0xba: {  	v58 =	vld [tilespmem:$0x1D0];
	v9 =	vmul.u32 $0x9C4, v9;
	[tilespmem:$0x4B0] =	vst v7;
	v7 =	vadd.s32 v55, v56  }
0xbb: {  	v60 =	vld [tilespmem:$0xE0];
	[tilespmem:$0x5C0] =	vst v7;
	v7 =	vadd.s32 v0, v7;
	v59 =	vmul.u32 $0x2710, v10  }
0xbc: {  	[tilespmem:$0x3C0] =	vst v7;
	v7 =	vadd.s32 v11, v9;
	v9 =	vld [tilespmem:$0x2F0]  }
0xbd: {  	v10 =	vmul.u32 $0x9C4, v10;
	v11 =	vld [tilespmem:$0x1E0];
	[tilespmem:$0x4C0] =	vst v7;
	v7 =	vadd.s32 v57, v59  }
0xbe: {  	v62 =	vld [tilespmem:$0xF0];
	[tilespmem:$0x5D0] =	vst v7;
	v7 =	vadd.s32 v0, v7;
	v61 =	vmul.u32 $0x2710, v8  }
0xbf: {  	[tilespmem:$0x3D0] =	vst v7;
	v7 =	vadd.s32 v58, v10  }
0xc0: {  	v8 =	vmul.u32 $0x9C4, v8;
	v10 =	vld [tilespmem:$0x1F0];
	[tilespmem:$0x4D0] =	vst v7;
	v7 =	vadd.s32 v60, v61  }
0xc1: {  	[tilespmem:$0x5E0] =	vst v7;
	v7 =	vadd.s32 v0, v7;
	v63 =	vmul.u32 $0x2710, v9  }
0xc2: {  	[tilespmem:$0x3E0] =	vst v7;
	v7 =	vadd.s32 v11, v8  }
0xc3: {  	v8 =	vmul.u32 $0x9C4, v9;
	[tilespmem:$0x4E0] =	vst v7;
	v7 =	vadd.s32 v62, v63  }
0xc4: {  	[tilespmem:$0x5F0] =	vst v7;
	v7 =	vadd.s32 v0, v7  }
0xc5: {  	[tilespmem:$0x3F0] =	vst v7;
	v7 =	vadd.s32 v10, v8  }
0xc6: {  	s0 =	simm.s32 $0x380;
	[tilespmem:$0x4F0] =	vst v7  }
0xc7: {  	[tilespmem:s12], [sflag:$0x4] =	stream.indirect.gather [hbm4b:s8+s15], $0x100, s0, s15, $0xb8;
	[tilespmem:$0x1D640] =	vst v63  }
0xc8: {  	s13 =	simm.s32 $0x580  }
0xc9: {  	[tilespmem:s7], [sflag:$0x4] =	stream.indirect.gather [hbm4b:s9+s15], $0x10, s13, s15, $0xb8;
	[tilespmem:$0x1D640] =	vst v63  }
0xca: {  	s2 =	simm.s32 $0x480  }
0xcb: {  	[tilespmem:s17], [sflag:$0x4] =	stream.indirect.gather [hbm4b:s10+s15], $0x10, s2, s15, $0xb8;
	[tilespmem:$0x1D640] =	vst v63  }
0xcc: {  	s16 =	rddreg [dreg:$0x1]  }
0xcd: {  	[tilespmem:s28], [sflag:$0x4] =	stream.indirect.gather [hbm4b:s16+s15], $0x10, s2, s15, $0xb8;
	[tilespmem:$0x1D640] =	vst v63  }
0xce: {  	_ =	swait.ge [sflag:s23], $0x8000  }
0xcf: {  	[sflag:s23] =	ssyncset.done $0x0  }
0xd0: {  	[sflag:s23] =	ssyncadd.s32 $0xFFFF8000  }
0xd1: {  	s4 =	simm.s32 $0x0;
	_ =	swait.ge [sflag:s23], $0x800  }
0xd2: {  	v7 =	vmov s4;
	[sflag:s23] =	ssyncset.done $0x0  }
0xd3: {  	v7 =	vshll.u32 v7, $0x4;
	[sflag:s23] =	ssyncadd.s32 $0xFFFFF800  }
0xd4: {  	v7 =	vor.u32 v6, v7;
	_ =	swait.ge [sflag:s23], $0x800  }
0xd5: {  	v8 =	vor.u32 v1, v7;
	[sflag:s23] =	ssyncset.done $0x0  }
0xd6: {  	[sflag:s23] =	ssyncadd.s32 $0xFFFFF800  }
0xd7: {  	_ =	swait.ge [sflag:s23], $0x800  }
0xd8: {  	[sflag:s23] =	ssyncset.done $0x0  }
0xd9: {  	[sflag:s23] =	ssyncadd.s32 $0xFFFFF800  }
0xda: {  	v9 =	vld.idx.msk [tilespmem:v8+s18+$0x0], $0xffff  }
0xdb: {  	v10 =	vld.idx.msk [tilespmem:v8+s20+$0x0], $0xffff;
	_ =	sdelay $0x4  }
0xdc: {  	v9 =	vadd.f32 v10, v9;
	_ =	sdelay $0x1  }
0xdd: {  	v10 =	vmul.f32 $2.000000030e-01, v9  }
0xde: {  	vm0 =	vge.f32 v9, $0.0e+00  }
0xdf: {  	v9 =	vsel vm0, v9, v10  }
0xe0: {  	v9 =	vmul.f32 $1.442695020e+00, v9;
	_ =	sdelay $0x1  }
0xe1: {  	(erf) = vpow2.f32 v9;
	_ =	sdelay $0x4  }
0xe2: {  	v8 =	vld.idx.msk [tilespmem:v8+s21+$0x0], $0xffff;
	_ =	sdelay $0x2  }
0xe3: {  	s0 =	sshll.u32 s1, $0x8;
	s22 =	rddreg [dreg:$0x6]  }
0xe4: {  	s2 =	sadd.s32 s22, s0;
	v9 =	vor.u32 v2, v7;
	v10 =	vpop (erf)  }
0xe5: {  	s26 =	sor.u32 s2, s4;
	v8 =	vmul.f32 v10, v8  }
0xe6: {  	p2 =	slt.u32 s26, $0x27100  }
0xe7: {  	s29 =	simm.s32 $0x13700;
	v8 =	vpsel !p2, $0x0, v8  }
0xe8: {  	[tilespmem:s29+$0xFFFFFF00] =	vst v8  }
0xe9: {  	v8 =	vld.idx.msk [tilespmem:v9+s18+$0x0], $0xffff  }
0xea: {  	v10 =	vld.idx.msk [tilespmem:v9+s20+$0x0], $0xffff;
	_ =	sdelay $0x4  }
0xeb: {  	v8 =	vadd.f32 v10, v8;
	_ =	sdelay $0x1  }
0xec: {  	v10 =	vmul.f32 $2.000000030e-01, v8  }
0xed: {  	vm13 =	vge.f32 v8, $0.0e+00  }
0xee: {  	v8 =	vsel vm13, v8, v10  }
0xef: {  	v8 =	vmul.f32 $1.442695020e+00, v8;
	_ =	sdelay $0x1  }
0xf0: {  	(erf) = vpow2.f32 v8;
	_ =	sdelay $0x4  }
0xf1: {  	v8 =	vld.idx.msk [tilespmem:v9+s21+$0x0], $0xffff;
	_ =	sdelay $0x3  }
0xf2: {  	v9 =	vor.u32 v3, v7;
	v10 =	vpop (erf)  }
0xf3: {  	v8 =	vmul.f32 v10, v8;
	_ =	sdelay $0x1  }
0xf4: {  	v8 =	vpsel !p2, $0x0, v8  }
0xf5: {  	[tilespmem:s29+$0xFFFFFF80] =	vst v8  }
0xf6: {  	v8 =	vld.idx.msk [tilespmem:v9+s18+$0x0], $0xffff  }
0xf7: {  	v10 =	vld.idx.msk [tilespmem:v9+s20+$0x0], $0xffff;
	_ =	sdelay $0x4  }
0xf8: {  	v8 =	vadd.f32 v10, v8;
	_ =	sdelay $0x1  }
0xf9: {  	v10 =	vmul.f32 $2.000000030e-01, v8  }
0xfa: {  	vm14 =	vge.f32 v8, $0.0e+00  }
0xfb: {  	v8 =	vsel vm14, v8, v10  }
0xfc: {  	v8 =	vmul.f32 $1.442695020e+00, v8;
	_ =	sdelay $0x1  }
0xfd: {  	(erf) = vpow2.f32 v8;
	_ =	sdelay $0x4  }
0xfe: {  	v8 =	vld.idx.msk [tilespmem:v9+s21+$0x0], $0xffff;
	_ =	sdelay $0x3  }
0xff: {  	v7 =	vor.u32 v4, v7;
	v9 =	vpop (erf)  }
0x100: {  	v8 =	vmul.f32 v9, v8;
	_ =	sdelay $0x1  }
0x101: {  	v8 =	vpsel !p2, $0x0, v8  }
0x102: {  	[tilespmem:s29+$0x0] =	vst v8  }
0x103: {  	v8 =	vld.idx.msk [tilespmem:v7+s18+$0x0], $0xffff  }
0x104: {  	v9 =	vld.idx.msk [tilespmem:v7+s20+$0x0], $0xffff;
	_ =	sdelay $0x4  }
0x105: {  	v8 =	vadd.f32 v9, v8;
	_ =	sdelay $0x1  }
0x106: {  	v9 =	vmul.f32 $2.000000030e-01, v8  }
0x107: {  	vm15 =	vge.f32 v8, $0.0e+00  }
0x108: {  	v8 =	vsel vm15, v8, v9  }
0x109: {  	v9 =	vmul.f32 $1.442695020e+00, v8;
	_ =	sdelay $0x1  }
0x10a: {  	(erf) = vpow2.f32 v9;
	_ =	sdelay $0x2  }
0x10b: {  	s12 =	simm.s32 $0x10  }
0x10c: {  	v8 =	vmov s12  }
0x10d: {  	v10 =	vshll.u32 v8, $0x4;
	v8 =	vld.idx.msk [tilespmem:v7+s21+$0x0], $0xffff;
	_ =	sdelay $0x1  }
0x10e: {  	s22 =	simm.s32 $0x20;
	s26 =	simm.s32 $0x13700;
	v7 =	vor.u32 v6, v10  }
.LBB2_7:
0x10f: {  	p3 =	sne.s32 s22, $0x70  }
0x110: {  	v9 =	vor.u32 v1, v7;
	s29 =	sadd.s32 $0x10, s29;
	v10 =	vpop (erf);
	s13 =	smov.u32 s22;
	s22 =	sadd.s32 $0x10, s22  }
0x111: {  	v8 =	vmul.f32 v10, v8;
	_ =	sdelay $0x1  }
0x112: {  	v8 =	vpsel !p2, $0x0, v8  }
0x113: {  	[tilespmem:s26+$0x80] =	vst v8;
	s26 =	smov.u32 s29  }
0x114: {  	v8 =	vld.idx.msk [tilespmem:v9+s18+$0x0], $0xffff  }
0x115: {  	v10 =	vld.idx.msk [tilespmem:v9+s20+$0x0], $0xffff;
	_ =	sdelay $0x5  }
0x116: {  	v8 =	vadd.f32 v10, v8;
	_ =	sdelay $0x1  }
0x117: {  	vm0 =	vge.f32 v8, $0.0e+00;
	v10 =	vmul.f32 $2.000000030e-01, v8;
	_ =	sdelay $0x1  }
0x118: {  	v8 =	vsel vm0, v8, v10  }
0x119: {  	v8 =	vmul.f32 $1.442695020e+00, v8;
	_ =	sdelay $0x1  }
0x11a: {  	(erf) = vpow2.f32 v8;
	_ =	sdelay $0x2  }
0x11b: {  	v8 =	vld.idx.msk [tilespmem:v9+s21+$0x0], $0xffff;
	_ =	sdelay $0x5  }
0x11c: {  	s16 =	sor.u32 s2, s12;
	s12 =	smov.u32 s13;
	v9 =	vor.u32 v2, v7;
	v10 =	vpop (erf)  }
0x11d: {  	p2 =	slt.u32 s16, $0x27100;
	v8 =	vmul.f32 v10, v8;
	_ =	sdelay $0x1  }
0x11e: {  	v8 =	vpsel !p2, $0x0, v8  }
0x11f: {  	[tilespmem:s29+$0xFFFFFF00] =	vst v8  }
0x120: {  	v8 =	vld.idx.msk [tilespmem:v9+s18+$0x0], $0xffff  }
0x121: {  	v10 =	vld.idx.msk [tilespmem:v9+s20+$0x0], $0xffff;
	_ =	sdelay $0x5  }
0x122: {  	v8 =	vadd.f32 v10, v8;
	_ =	sdelay $0x1  }
0x123: {  	vm0 =	vge.f32 v8, $0.0e+00;
	v10 =	vmul.f32 $2.000000030e-01, v8;
	_ =	sdelay $0x1  }
0x124: {  	v8 =	vsel vm0, v8, v10  }
0x125: {  	v8 =	vmul.f32 $1.442695020e+00, v8;
	_ =	sdelay $0x1  }
0x126: {  	(erf) = vpow2.f32 v8;
	_ =	sdelay $0x1  }
0x127: {  	v8 =	vld.idx.msk [tilespmem:v9+s21+$0x0], $0xffff;
	_ =	sdelay $0x6  }
0x128: {  	v9 =	vor.u32 v3, v7;
	v10 =	vpop (erf)  }
0x129: {  	v8 =	vmul.f32 v10, v8;
	_ =	sdelay $0x1  }
0x12a: {  	v8 =	vpsel !p2, $0x0, v8  }
0x12b: {  	[tilespmem:s29+$0xFFFFFF80] =	vst v8  }
0x12c: {  	v8 =	vld.idx.msk [tilespmem:v9+s18+$0x0], $0xffff  }
0x12d: {  	v10 =	vld.idx.msk [tilespmem:v9+s20+$0x0], $0xffff;
	_ =	sdelay $0x5  }
0x12e: {  	v8 =	vadd.f32 v10, v8;
	_ =	sdelay $0x1  }
0x12f: {  	vm0 =	vge.f32 v8, $0.0e+00;
	v10 =	vmul.f32 $2.000000030e-01, v8;
	_ =	sdelay $0x1  }
0x130: {  	v8 =	vsel vm0, v8, v10  }
0x131: {  	v8 =	vmul.f32 $1.442695020e+00, v8;
	_ =	sdelay $0x1  }
0x132: {  	(erf) = vpow2.f32 v8  }
0x133: {  	v8 =	vld.idx.msk [tilespmem:v9+s21+$0x0], $0xffff;
	_ =	sdelay $0x7  }
0x134: {  	v7 =	vor.u32 v4, v7;
	v9 =	vpop (erf)  }
0x135: {  	v8 =	vmul.f32 v9, v8;
	_ =	sdelay $0x1  }
0x136: {  	v8 =	vpsel !p2, $0x0, v8  }
0x137: {  	[tilespmem:s29+$0x0] =	vst v8  }
0x138: {  	v9 =	vld.idx.msk [tilespmem:v7+s18+$0x0], $0xffff  }
0x139: {  	v10 =	vld.idx.msk [tilespmem:v7+s20+$0x0], $0xffff  }
0x13a: {  	v8 =	vld.idx.msk [tilespmem:v7+s21+$0x0], $0xffff;
	_ =	sdelay $0x4  }
0x13b: {  	v7 =	vadd.f32 v10, v9;
	_ =	sdelay $0x1  }
0x13c: {  	vm0 =	vge.f32 v7, $0.0e+00;
	v9 =	vmul.f32 $2.000000030e-01, v7;
	_ =	sdelay $0x1  }
0x13d: {  	v7 =	vsel vm0, v7, v9  }
0x13e: {  	v7 =	vmul.f32 $1.442695020e+00, v7;
	_ =	sdelay $0x1  }
0x13f: {  	(erf) = vpow2.f32 v7;
	_ =	sdelay $0x3  }
.Ltmp5:
0x140: {  	(pc) =	sbr.rel @p3 .LBB2_7-.Ltmp5, $4  }
0x141: {  	_ = 	snop  }
0x142: {  	v7 =	vmov s12  }
0x143: {  	v7 =	vshll.u32 v7, $0x4  }
0x144: {  	v7 =	vor.u32 v6, v7  }
0x145: {  	v9 =	vor.u32 v1, v7;
	v10 =	vpop (erf)  }
0x146: {  	v8 =	vmul.f32 v10, v8;
	_ =	sdelay $0x1  }
0x147: {  	v8 =	vpsel !p2, $0x0, v8  }
0x148: {  	[tilespmem:s26+$0x80] =	vst v8  }
0x149: {  	v8 =	vld.idx.msk [tilespmem:v9+s18+$0x0], $0xffff  }
0x14a: {  	v10 =	vld.idx.msk [tilespmem:v9+s20+$0x0], $0xffff;
	_ =	sdelay $0x4  }
0x14b: {  	v8 =	vadd.f32 v10, v8;
	_ =	sdelay $0x1  }
0x14c: {  	v10 =	vmul.f32 $2.000000030e-01, v8  }
0x14d: {  	vm0 =	vge.f32 v8, $0.0e+00  }
0x14e: {  	v8 =	vsel vm0, v8, v10  }
0x14f: {  	v8 =	vmul.f32 $1.442695020e+00, v8;
	_ =	sdelay $0x1  }
0x150: {  	(erf) = vpow2.f32 v8;
	_ =	sdelay $0x4  }
0x151: {  	v8 =	vld.idx.msk [tilespmem:v9+s21+$0x0], $0xffff;
	_ =	sdelay $0x3  }
0x152: {  	v9 =	vor.u32 v2, v7;
	v10 =	vpop (erf)  }
0x153: {  	s2 =	sor.u32 s2, s12;
	v8 =	vmul.f32 v10, v8  }
0x154: {  	p6 =	slt.u32 s2, $0x27100  }
0x155: {  	s26 =	sadd.s32 $0x10, s29;
	v8 =	vpsel !p6, $0x0, v8  }
0x156: {  	[tilespmem:s26+$0xFFFFFF00] =	vst v8  }
0x157: {  	v8 =	vld.idx.msk [tilespmem:v9+s18+$0x0], $0xffff  }
0x158: {  	v10 =	vld.idx.msk [tilespmem:v9+s20+$0x0], $0xffff;
	_ =	sdelay $0x4  }
0x159: {  	v8 =	vadd.f32 v10, v8;
	_ =	sdelay $0x1  }
0x15a: {  	v10 =	vmul.f32 $2.000000030e-01, v8  }
0x15b: {  	vm13 =	vge.f32 v8, $0.0e+00  }
0x15c: {  	v8 =	vsel vm13, v8, v10  }
0x15d: {  	v8 =	vmul.f32 $1.442695020e+00, v8;
	_ =	sdelay $0x1  }
0x15e: {  	(erf) = vpow2.f32 v8;
	_ =	sdelay $0x4  }
0x15f: {  	v8 =	vld.idx.msk [tilespmem:v9+s21+$0x0], $0xffff;
	_ =	sdelay $0x3  }
0x160: {  	v9 =	vor.u32 v3, v7;
	v10 =	vpop (erf)  }
0x161: {  	v8 =	vmul.f32 v10, v8;
	_ =	sdelay $0x1  }
0x162: {  	v8 =	vpsel !p6, $0x0, v8  }
0x163: {  	[tilespmem:s26+$0xFFFFFF80] =	vst v8  }
0x164: {  	v8 =	vld.idx.msk [tilespmem:v9+s18+$0x0], $0xffff  }
0x165: {  	v10 =	vld.idx.msk [tilespmem:v9+s20+$0x0], $0xffff;
	_ =	sdelay $0x4  }
0x166: {  	v8 =	vadd.f32 v10, v8;
	_ =	sdelay $0x1  }
0x167: {  	v10 =	vmul.f32 $2.000000030e-01, v8  }
0x168: {  	vm14 =	vge.f32 v8, $0.0e+00  }
0x169: {  	v8 =	vsel vm14, v8, v10  }
0x16a: {  	v8 =	vmul.f32 $1.442695020e+00, v8;
	_ =	sdelay $0x1  }
0x16b: {  	(erf) = vpow2.f32 v8;
	_ =	sdelay $0x4  }
0x16c: {  	v8 =	vld.idx.msk [tilespmem:v9+s21+$0x0], $0xffff;
	_ =	sdelay $0x3  }
0x16d: {  	v7 =	vor.u32 v4, v7;
	v9 =	vpop (erf)  }
0x16e: {  	v8 =	vmul.f32 v9, v8;
	_ =	sdelay $0x1  }
0x16f: {  	v8 =	vpsel !p6, $0x0, v8  }
0x170: {  	[tilespmem:s26+$0x0] =	vst v8  }
0x171: {  	v8 =	vld.idx.msk [tilespmem:v7+s18+$0x0], $0xffff  }
0x172: {  	v9 =	vld.idx.msk [tilespmem:v7+s20+$0x0], $0xffff;
	_ =	sdelay $0x4  }
0x173: {  	v8 =	vadd.f32 v9, v8;
	_ =	sdelay $0x1  }
0x174: {  	v9 =	vmul.f32 $2.000000030e-01, v8  }
0x175: {  	vm15 =	vge.f32 v8, $0.0e+00  }
0x176: {  	v8 =	vsel vm15, v8, v9  }
0x177: {  	v8 =	vmul.f32 $1.442695020e+00, v8;
	_ =	sdelay $0x1  }
0x178: {  	(erf) = vpow2.f32 v8;
	_ =	sdelay $0x4  }
0x179: {  	v7 =	vld.idx.msk [tilespmem:v7+s21+$0x0], $0xffff;
	_ =	sdelay $0x2  }
0x17a: {  	s29 =	simm.s32 $0x0  }
0x17b: {  	v9 =	vmov s29;
	v8 =	vpop (erf)  }
0x17c: {  	v7 =	vmul.f32 v8, v7;
	_ =	sdelay $0x1  }
0x17d: {  	v7 =	vpsel !p6, $0x0, v7  }
0x17e: {  	[tilespmem:s26+$0x80] =	vst v7  }
0x17f: {  	s2 =	simm.s32 $0x3680;
	v7 =	vld.idx.msk [tilespmem:v9+s25+$0x0], $0xffff  }
0x180: {  	v8 =	vld [tilespmem:s2+$0xFFFFFF80]  }
0x181: {  	v10 =	vld [tilespmem:s2+$0xFFFFFFB0]  }
0x182: {  	v11 =	vld [tilespmem:s2+$0xFFFFFF90]  }
0x183: {  	v12 =	vld [tilespmem:s2+$0xFFFFFFA0];
	_ =	sdelay $0x1  }
0x184: {  	v13 =	vand.u32 $0x7F, v9;
	v8 =	vmul.f32 v8, v7  }
0x185: {  	v9 =	vmul.f32 v10, v7;
	v10 =	vor.u32 $0x80, v13  }
0x186: {  	[tilespmem:s2+$0xFFFFFF80] =	vst v8;
	v8 =	vmul.f32 v11, v7  }
0x187: {  	v7 =	vmul.f32 v12, v7;
	[tilespmem:s2+$0xFFFFFFB0] =	vst v9  }
0x188: {  	[tilespmem:s2+$0xFFFFFF90] =	vst v8  }
0x189: {  	[tilespmem:s2+$0xFFFFFFA0] =	vst v7;
	v8 =	vld [tilespmem:s2+$0xFFFFFFC0]  }
0x18a: {  	v7 =	vld.idx.msk [tilespmem:v10+s25+$0x0], $0xffff;
	_ =	sdelay $0x1  }
0x18b: {  	v9 =	vld [tilespmem:s2+$0xFFFFFFD0]  }
0x18c: {  	v10 =	vld [tilespmem:s2+$0xFFFFFFF0]  }
0x18d: {  	v11 =	vld [tilespmem:s2+$0xFFFFFFE0]  }
0x18e: {  	v8 =	vmul.f32 v8, v7;
	_ =	sdelay $0x1  }
0x18f: {  	v9 =	vmul.f32 v9, v7;
	[tilespmem:s2+$0xFFFFFFC0] =	vst v8;
	v8 =	vor.u32 $0x100, v13  }
0x190: {  	v10 =	vmul.f32 v10, v7  }
0x191: {  	v7 =	vmul.f32 v11, v7;
	[tilespmem:s2+$0xFFFFFFD0] =	vst v9  }
0x192: {  	[tilespmem:s2+$0xFFFFFFF0] =	vst v10  }
0x193: {  	[tilespmem:s2+$0xFFFFFFE0] =	vst v7;
	v7 =	vld [tilespmem:s2+$0x0]  }
0x194: {  	v8 =	vld.idx.msk [tilespmem:v8+s25+$0x0], $0xffff  }
0x195: {  	v9 =	vld [tilespmem:s2+$0x30]  }
0x196: {  	v11 =	vld [tilespmem:s2+$0x20]  }
0x197: {  	v10 =	vld [tilespmem:s2+$0x10];
	_ =	sdelay $0x1  }
0x198: {  	v7 =	vmul.f32 v7, v8  }
0x199: {  	v63 =	vmul.f32 v9, v8  }
0x19a: {  	[tilespmem:s2+$0x0] =	vst v7;
	v7 =	vor.u32 $0x180, v13  }
0x19b: {  	s12 =	simm.s32 $0x1;
	s13 =	simm.s32 $0x3680;
	v9 =	vmul.f32 v10, v8;
	v8 =	vmul.f32 v11, v8;
	[tilespmem:s2+$0x30] =	vst v63  }
.LBB2_9:
0x19c: {  	p2 =	sne.s32 s12, $0x7F  }
0x19d: {  	[tilespmem:s2+$0x10] =	vst v9;
	v9 =	vld [tilespmem:s2+$0x70];
	s13 =	sadd.s32 $0x100, s13;
	s16 =	smov.u32 s12;
	s12 =	sadd.s32 $0x1, s12  }
0x19e: {  	[tilespmem:s2+$0x20] =	vst v8;
	v8 =	vld [tilespmem:s2+$0x40]  }
0x19f: {  	v7 =	vld.idx.msk [tilespmem:v7+s25+$0x0], $0xffff  }
0x1a0: {  	v10 =	vld [tilespmem:s2+$0x50]  }
0x1a1: {  	v11 =	vld [tilespmem:s2+$0x60];
	_ =	sdelay $0x3  }
0x1a2: {  	v12 =	vmov s16;
	v8 =	vmul.f32 v8, v7;
	v10 =	vmul.f32 v10, v7  }
0x1a3: {  	v13 =	vand.u32 $0x7F, v12;
	v11 =	vmul.f32 v11, v7;
	v7 =	vmul.f32 v9, v7  }
0x1a4: {  	[tilespmem:s2+$0x40] =	vst v8  }
0x1a5: {  	[tilespmem:s2+$0x60] =	vst v11  }
0x1a6: {  	v8 =	vld [tilespmem:s13+$0xFFFFFFB0];
	[tilespmem:s2+$0x70] =	vst v7  }
0x1a7: {  	v7 =	vld [tilespmem:s13+$0xFFFFFFA0];
	[tilespmem:s2+$0x50] =	vst v10;
	s2 =	smov.u32 s13  }
0x1a8: {  	v9 =	vld.idx.msk [tilespmem:v12+s25+$0x0], $0xffff  }
0x1a9: {  	v10 =	vld [tilespmem:s13+$0xFFFFFF80]  }
0x1aa: {  	v11 =	vld [tilespmem:s13+$0xFFFFFF90];
	_ =	sdelay $0x3  }
0x1ab: {  	v7 =	vmul.f32 v7, v9;
	v10 =	vmul.f32 v10, v9  }
0x1ac: {  	v8 =	vmul.f32 v8, v9;
	v11 =	vmul.f32 v11, v9;
	v9 =	vor.u32 $0x80, v13  }
0x1ad: {  	[tilespmem:s13+$0xFFFFFF80] =	vst v10  }
0x1ae: {  	[tilespmem:s13+$0xFFFFFFB0] =	vst v8  }
0x1af: {  	[tilespmem:s13+$0xFFFFFF90] =	vst v11;
	v8 =	vld [tilespmem:s13+$0xFFFFFFF0]  }
0x1b0: {  	[tilespmem:s13+$0xFFFFFFA0] =	vst v7;
	v7 =	vld [tilespmem:s13+$0xFFFFFFD0]  }
0x1b1: {  	v9 =	vld.idx.msk [tilespmem:v9+s25+$0x0], $0xffff  }
0x1b2: {  	v10 =	vld [tilespmem:s13+$0xFFFFFFC0]  }
0x1b3: {  	v11 =	vld [tilespmem:s13+$0xFFFFFFE0];
	_ =	sdelay $0x3  }
0x1b4: {  	v7 =	vmul.f32 v7, v9;
	v10 =	vmul.f32 v10, v9  }
0x1b5: {  	v8 =	vmul.f32 v8, v9;
	v11 =	vmul.f32 v11, v9;
	v9 =	vor.u32 $0x100, v13  }
0x1b6: {  	[tilespmem:s13+$0xFFFFFFC0] =	vst v10  }
0x1b7: {  	[tilespmem:s13+$0xFFFFFFD0] =	vst v7  }
0x1b8: {  	[tilespmem:s13+$0xFFFFFFF0] =	vst v8;
	v7 =	vld [tilespmem:s13+$0x30]  }
0x1b9: {  	[tilespmem:s13+$0xFFFFFFE0] =	vst v11;
	v8 =	vld [tilespmem:s13+$0x0]  }
0x1ba: {  	v10 =	vld.idx.msk [tilespmem:v9+s25+$0x0], $0xffff  }
0x1bb: {  	v9 =	vld [tilespmem:s13+$0x10]  }
0x1bc: {  	v11 =	vld [tilespmem:s13+$0x20];
	_ =	sdelay $0x2  }
.Ltmp6:
0x1bd: {  	(pc) =	sbr.rel @p2 .LBB2_9-.Ltmp6, $4  }
0x1be: {  	v12 =	vmul.f32 v8, v10;
	v9 =	vmul.f32 v9, v10  }
0x1bf: {  	v8 =	vmul.f32 v11, v10;
	v10 =	vmul.f32 v7, v10;
	v7 =	vor.u32 $0x180, v13  }
0x1c0: {  	[tilespmem:s13+$0x0] =	vst v12  }
0x1c1: {  	[tilespmem:s13+$0x30] =	vst v10  }
0x1c2: {  	_ =	sdelay $0x1  }
0x1c3: {  	[tilespmem:s2+$0x10] =	vst v9  }
0x1c4: {  	[tilespmem:s2+$0x20] =	vst v8;
	v8 =	vld [tilespmem:s2+$0x40]  }
0x1c5: {  	v7 =	vld.idx.msk [tilespmem:v7+s25+$0x0], $0xffff  }
0x1c6: {  	v63 =	vld [tilespmem:s2+$0x60]  }
0x1c7: {  	v10 =	vld [tilespmem:s2+$0x70]  }
0x1c8: {  	v11 =	vld [tilespmem:s2+$0x50];
	_ =	sdelay $0x1  }
0x1c9: {  	v8 =	vmul.f32 v8, v7  }
0x1ca: {  	v9 =	vmul.f32 v63, v7  }
0x1cb: {  	v10 =	vmul.f32 v10, v7;
	[tilespmem:s2+$0x40] =	vst v8  }
0x1cc: {  	v7 =	vmul.f32 v11, v7;
	[tilespmem:s2+$0x60] =	vst v9  }
0x1cd: {  	p2 =	seq.s32 s1, $0x27;
	[tilespmem:s2+$0x70] =	vst v10  }
.Ltmp7:
0x1ce: {  	s29 =	simm.s32 $0x100;
	[tilespmem:s2+$0x50] =	vst v7;
	(pc) =	sbr.rel @p2 .LBB2_12-.Ltmp7, $4  }
0x1cf: {  	[spmem:s19] =	stream.indirect.scatter.add.f32 [tilespmem:s30], [sflag:$0x5], $0x100, s29, s15, $0xb8;
	[tilespmem:$0x1D640] =	vst v63  }
0x1d0: {  	_ =	swait.ge [sflag:s31], $0x8000  }
0x1d1: {  	[sflag:s31] =	ssyncset.done $0x0  }
0x1d2: {  	s4 =	smov.u32 s19;
	[sflag:s31] =	ssyncadd.s32 $0xFFFF8000  }
0x1d3: {  	s2 =	rddreg [dreg:$0x15]  }
0x1d4: {  	s2 =	sadd.s32 s0, s2  }
0x1d5: {  	s12 =	rddreg [dreg:$0x4];
	s2 =	sshrl.u32 s2, $0x3  }
0x1d6: {  	s12 =	sadd.s32 s12, s2  }
0x1d7: {  	[tilespmem:s3], [sflag:$0x1] =	stream.linear.gather [hbm4b:s12+s3], $0x80, $0x38;
	[tilespmem:$0x1D640] =	vst v63  }
0x1d8: {  	s13 =	simm.s32 $0x100;
	s29 =	sadd.s32 s6, s2  }
0x1d9: {  	[tilespmem:s13], [sflag:$0x1] =	stream.linear.gather [hbm4b:s29+s3], $0x80, $0x38;
	[tilespmem:$0x1D640] =	vst v63  }
0x1da: {  	s16 =	simm.s32 $0x200;
	s2 =	sadd.s32 s5, s2  }
0x1db: {  	[tilespmem:s16], [sflag:$0x1] =	stream.linear.gather [hbm4b:s2+s3], $0x80, $0x38;
	[tilespmem:$0x1D640] =	vst v63  }
0x1dc: {  	_ =	swait.ge [sflag:s14], $0x80  }
0x1dd: {  	[sflag:s14] =	ssyncset.done $0x0  }
0x1de: {  	[sflag:s14] =	ssyncadd.s32 $0xFFFFFF80  }
0x1df: {  	_ =	swait.ge [sflag:s14], $0x80  }
0x1e0: {  	[sflag:s14] =	ssyncset.done $0x0  }
0x1e1: {  	[sflag:s14] =	ssyncadd.s32 $0xFFFFFF80  }
0x1e2: {  	_ =	swait.ge [sflag:s14], $0x80  }
0x1e3: {  	[sflag:s14] =	ssyncset.done $0x0  }
0x1e4: {  	[sflag:s14] =	ssyncadd.s32 $0xFFFFFF80  }
0x1e5: {  	v7 =	vld [tilespmem:$0x200];
	_ =	sdelay $0x1  }
0x1e6: {  	v8 =	vld [tilespmem:$0x0]  }
0x1e7: {  	v9 =	vld [tilespmem:$0x210]  }
0x1e8: {  	v10 =	vld [tilespmem:$0x100]  }
0x1e9: {  	v12 =	vld [tilespmem:$0x10];
	v11 =	vmul.u32 $0x2710, v7  }
0x1ea: {  	v13 =	vld [tilespmem:$0x220]  }
0x1eb: {  	v42 =	vld [tilespmem:$0x110];
	v7 =	vmul.u32 $0x9C4, v7;
	v8 =	vadd.s32 v8, v11  }
0x1ec: {  	v15 =	vld [tilespmem:$0x20];
	v14 =	vmul.u32 $0x2710, v9;
	[tilespmem:$0x500] =	vst v8;
	v8 =	vadd.s32 v0, v8  }
0x1ed: {  	v7 =	vadd.s32 v10, v7;
	[tilespmem:$0x300] =	vst v8;
	v8 =	vld [tilespmem:$0x230]  }
0x1ee: {  	v43 =	vld [tilespmem:$0x120];
	v9 =	vmul.u32 $0x9C4, v9;
	[tilespmem:$0x400] =	vst v7;
	v7 =	vadd.s32 v12, v14  }
0x1ef: {  	v45 =	vld [tilespmem:$0x30];
	v44 =	vmul.u32 $0x2710, v13;
	[tilespmem:$0x510] =	vst v7;
	v7 =	vadd.s32 v0, v7  }
0x1f0: {  	v46 =	vld [tilespmem:$0x240];
	[tilespmem:$0x310] =	vst v7;
	v7 =	vadd.s32 v42, v9  }
0x1f1: {  	v48 =	vld [tilespmem:$0x130];
	v47 =	vmul.u32 $0x9C4, v13;
	[tilespmem:$0x410] =	vst v7;
	v7 =	vadd.s32 v15, v44  }
0x1f2: {  	v50 =	vld [tilespmem:$0x40];
	[tilespmem:$0x520] =	vst v7;
	v7 =	vadd.s32 v0, v7;
	v49 =	vmul.u32 $0x2710, v8  }
0x1f3: {  	v51 =	vld [tilespmem:$0x250];
	[tilespmem:$0x320] =	vst v7;
	v7 =	vadd.s32 v43, v47  }
0x1f4: {  	v52 =	vld [tilespmem:$0x140];
	[tilespmem:$0x420] =	vst v7;
	v8 =	vmul.u32 $0x9C4, v8;
	v7 =	vadd.s32 v45, v49  }
0x1f5: {  	v54 =	vld [tilespmem:$0x50];
	v53 =	vmul.u32 $0x2710, v46;
	[tilespmem:$0x530] =	vst v7;
	v7 =	vadd.s32 v0, v7  }
0x1f6: {  	[tilespmem:$0x330] =	vst v7;
	v7 =	vadd.s32 v48, v8;
	v8 =	vld [tilespmem:$0x260]  }
0x1f7: {  	v55 =	vld [tilespmem:$0x150];
	v9 =	vmul.u32 $0x9C4, v46;
	[tilespmem:$0x430] =	vst v7;
	v7 =	vadd.s32 v50, v53  }
0x1f8: {  	v57 =	vld [tilespmem:$0x60];
	v56 =	vmul.u32 $0x2710, v51;
	[tilespmem:$0x540] =	vst v7;
	v7 =	vadd.s32 v0, v7  }
0x1f9: {  	v58 =	vld [tilespmem:$0x270];
	[tilespmem:$0x340] =	vst v7;
	v7 =	vadd.s32 v52, v9  }
0x1fa: {  	v59 =	vld [tilespmem:$0x160];
	v10 =	vmul.u32 $0x9C4, v51;
	[tilespmem:$0x440] =	vst v7;
	v7 =	vadd.s32 v54, v56  }
0x1fb: {  	v61 =	vld [tilespmem:$0x70];
	[tilespmem:$0x550] =	vst v7;
	v7 =	vadd.s32 v0, v7;
	v60 =	vmul.u32 $0x2710, v8  }
0x1fc: {  	[tilespmem:$0x350] =	vst v7;
	v7 =	vadd.s32 v55, v10  }
0x1fd: {  	v62 =	vld [tilespmem:$0x170];
	v8 =	vmul.u32 $0x9C4, v8;
	[tilespmem:$0x450] =	vst v7;
	v7 =	vadd.s32 v57, v60  }
0x1fe: {  	v63 =	vmul.u32 $0x2710, v58;
	[tilespmem:$0x560] =	vst v7;
	v7 =	vadd.s32 v0, v7  }
0x1ff: {  	[tilespmem:$0x360] =	vst v7;
	v7 =	vadd.s32 v59, v8  }
0x200: {  	v8 =	vmul.u32 $0x9C4, v58;
	[tilespmem:$0x460] =	vst v7;
	v7 =	vadd.s32 v61, v63  }
0x201: {  	[tilespmem:$0x570] =	vst v7;
	v7 =	vadd.s32 v0, v7  }
0x202: {  	[tilespmem:$0x370] =	vst v7;
	v7 =	vadd.s32 v62, v8  }
0x203: {  	s19 =	simm.s32 $0x300;
	[tilespmem:$0x470] =	vst v7  }
0x204: {  	[tilespmem:s30], [sflag:$0x3] =	stream.indirect.gather [hbm4b:s8+s15], $0x100, s19, s15, $0xb8;
	[tilespmem:$0x1D640] =	vst v63  }
0x205: {  	s22 =	simm.s32 $0x500  }
0x206: {  	[tilespmem:s18], [sflag:$0x3] =	stream.indirect.gather [hbm4b:s9+s15], $0x10, s22, s15, $0xb8;
	[tilespmem:$0x1D640] =	vst v63  }
0x207: {  	s26 =	simm.s32 $0x400  }
0x208: {  	[tilespmem:s20], [sflag:$0x3] =	stream.indirect.gather [hbm4b:s10+s15], $0x10, s26, s15, $0xb8;
	[tilespmem:$0x1D640] =	vst v63  }
0x209: {  	s29 =	rddreg [dreg:$0x1]  }
0x20a: {  	[tilespmem:s21], [sflag:$0x3] =	stream.indirect.gather [hbm4b:s29+s15], $0x10, s26, s15, $0xb8;
	[tilespmem:$0x1D640] =	vst v63  }
.LBB2_12:
0x20b: {  	_ =	swait.ge [sflag:s11], $0x8000  }
0x20c: {  	[sflag:s11] =	ssyncset.done $0x0  }
0x20d: {  	[sflag:s11] =	ssyncadd.s32 $0xFFFF8000  }
0x20e: {  	s2 =	simm.s32 $0x0;
	_ =	swait.ge [sflag:s11], $0x800  }
0x20f: {  	v7 =	vmov s2;
	[sflag:s11] =	ssyncset.done $0x0  }
0x210: {  	v7 =	vshll.u32 v7, $0x4;
	[sflag:s11] =	ssyncadd.s32 $0xFFFFF800  }
0x211: {  	v7 =	vor.u32 v6, v7;
	_ =	swait.ge [sflag:s11], $0x800  }
0x212: {  	v8 =	vor.u32 v1, v7;
	[sflag:s11] =	ssyncset.done $0x0  }
0x213: {  	[sflag:s11] =	ssyncadd.s32 $0xFFFFF800  }
0x214: {  	_ =	swait.ge [sflag:s11], $0x800  }
0x215: {  	[sflag:s11] =	ssyncset.done $0x0  }
0x216: {  	[sflag:s11] =	ssyncadd.s32 $0xFFFFF800  }
0x217: {  	v9 =	vld.idx.msk [tilespmem:v8+s7+$0x0], $0xffff  }
0x218: {  	v10 =	vld.idx.msk [tilespmem:v8+s17+$0x0], $0xffff;
	_ =	sdelay $0x4  }
0x219: {  	v9 =	vadd.f32 v10, v9;
	_ =	sdelay $0x1  }
0x21a: {  	v10 =	vmul.f32 $2.000000030e-01, v9  }
0x21b: {  	vm0 =	vge.f32 v9, $0.0e+00  }
0x21c: {  	v9 =	vsel vm0, v9, v10  }
0x21d: {  	v9 =	vmul.f32 $1.442695020e+00, v9;
	_ =	sdelay $0x1  }
0x21e: {  	(erf) = vpow2.f32 v9;
	_ =	sdelay $0x4  }
0x21f: {  	v8 =	vld.idx.msk [tilespmem:v8+s28+$0x0], $0xffff;
	_ =	sdelay $0x2  }
0x220: {  	s12 =	rddreg [dreg:$0x14]  }
0x221: {  	s29 =	sadd.s32 s0, s12;
	v9 =	vor.u32 v2, v7;
	v10 =	vpop (erf)  }
0x222: {  	s12 =	sor.u32 s29, s2;
	v8 =	vmul.f32 v10, v8  }
0x223: {  	p3 =	slt.u32 s12, $0x27100  }
0x224: {  	s12 =	simm.s32 $0x13700;
	v8 =	vpsel !p3, $0x0, v8  }
0x225: {  	[tilespmem:s12+$0xFFFFFF00] =	vst v8  }
0x226: {  	v8 =	vld.idx.msk [tilespmem:v9+s7+$0x0], $0xffff  }
0x227: {  	v10 =	vld.idx.msk [tilespmem:v9+s17+$0x0], $0xffff;
	_ =	sdelay $0x4  }
0x228: {  	v8 =	vadd.f32 v10, v8;
	_ =	sdelay $0x1  }
0x229: {  	v10 =	vmul.f32 $2.000000030e-01, v8  }
0x22a: {  	vm13 =	vge.f32 v8, $0.0e+00  }
0x22b: {  	v8 =	vsel vm13, v8, v10  }
0x22c: {  	v8 =	vmul.f32 $1.442695020e+00, v8;
	_ =	sdelay $0x1  }
0x22d: {  	(erf) = vpow2.f32 v8;
	_ =	sdelay $0x4  }
0x22e: {  	v8 =	vld.idx.msk [tilespmem:v9+s28+$0x0], $0xffff;
	_ =	sdelay $0x3  }
0x22f: {  	v9 =	vor.u32 v3, v7;
	v10 =	vpop (erf)  }
0x230: {  	v8 =	vmul.f32 v10, v8;
	_ =	sdelay $0x1  }
0x231: {  	v8 =	vpsel !p3, $0x0, v8  }
0x232: {  	[tilespmem:s12+$0xFFFFFF80] =	vst v8  }
0x233: {  	v8 =	vld.idx.msk [tilespmem:v9+s7+$0x0], $0xffff  }
0x234: {  	v10 =	vld.idx.msk [tilespmem:v9+s17+$0x0], $0xffff;
	_ =	sdelay $0x4  }
0x235: {  	v8 =	vadd.f32 v10, v8;
	_ =	sdelay $0x1  }
0x236: {  	v10 =	vmul.f32 $2.000000030e-01, v8  }
0x237: {  	vm14 =	vge.f32 v8, $0.0e+00  }
0x238: {  	v8 =	vsel vm14, v8, v10  }
0x239: {  	v8 =	vmul.f32 $1.442695020e+00, v8;
	_ =	sdelay $0x1  }
0x23a: {  	(erf) = vpow2.f32 v8;
	_ =	sdelay $0x4  }
0x23b: {  	v8 =	vld.idx.msk [tilespmem:v9+s28+$0x0], $0xffff;
	_ =	sdelay $0x3  }
0x23c: {  	v7 =	vor.u32 v4, v7;
	v9 =	vpop (erf)  }
0x23d: {  	v8 =	vmul.f32 v9, v8;
	_ =	sdelay $0x1  }
0x23e: {  	v8 =	vpsel !p3, $0x0, v8  }
0x23f: {  	[tilespmem:s12+$0x0] =	vst v8  }
0x240: {  	v8 =	vld.idx.msk [tilespmem:v7+s7+$0x0], $0xffff  }
0x241: {  	v9 =	vld.idx.msk [tilespmem:v7+s17+$0x0], $0xffff;
	_ =	sdelay $0x4  }
0x242: {  	v8 =	vadd.f32 v9, v8;
	_ =	sdelay $0x1  }
0x243: {  	v9 =	vmul.f32 $2.000000030e-01, v8  }
0x244: {  	vm15 =	vge.f32 v8, $0.0e+00  }
0x245: {  	v8 =	vsel vm15, v8, v9  }
0x246: {  	v9 =	vmul.f32 $1.442695020e+00, v8;
	_ =	sdelay $0x1  }
0x247: {  	(erf) = vpow2.f32 v9;
	_ =	sdelay $0x2  }
0x248: {  	s26 =	simm.s32 $0x10  }
0x249: {  	v8 =	vmov s26  }
0x24a: {  	v10 =	vshll.u32 v8, $0x4;
	v8 =	vld.idx.msk [tilespmem:v7+s28+$0x0], $0xffff;
	_ =	sdelay $0x1  }
0x24b: {  	s13 =	simm.s32 $0x20;
	s22 =	simm.s32 $0x13700;
	v7 =	vor.u32 v6, v10  }
.LBB2_13:
0x24c: {  	p4 =	sne.s32 s13, $0x70  }
0x24d: {  	v9 =	vor.u32 v1, v7;
	s12 =	sadd.s32 $0x10, s12;
	v10 =	vpop (erf);
	s16 =	smov.u32 s13;
	s13 =	sadd.s32 $0x10, s13  }
0x24e: {  	v8 =	vmul.f32 v10, v8;
	_ =	sdelay $0x1  }
0x24f: {  	v8 =	vpsel !p3, $0x0, v8  }
0x250: {  	[tilespmem:s22+$0x80] =	vst v8;
	s22 =	smov.u32 s12  }
0x251: {  	v8 =	vld.idx.msk [tilespmem:v9+s7+$0x0], $0xffff  }
0x252: {  	v10 =	vld.idx.msk [tilespmem:v9+s17+$0x0], $0xffff;
	_ =	sdelay $0x5  }
0x253: {  	v8 =	vadd.f32 v10, v8;
	_ =	sdelay $0x1  }
0x254: {  	vm0 =	vge.f32 v8, $0.0e+00;
	v10 =	vmul.f32 $2.000000030e-01, v8;
	_ =	sdelay $0x1  }
0x255: {  	v8 =	vsel vm0, v8, v10  }
0x256: {  	v8 =	vmul.f32 $1.442695020e+00, v8;
	_ =	sdelay $0x1  }
0x257: {  	(erf) = vpow2.f32 v8;
	_ =	sdelay $0x2  }
0x258: {  	v8 =	vld.idx.msk [tilespmem:v9+s28+$0x0], $0xffff;
	_ =	sdelay $0x5  }
0x259: {  	s19 =	sor.u32 s29, s26;
	s26 =	smov.u32 s16;
	v9 =	vor.u32 v2, v7;
	v10 =	vpop (erf)  }
0x25a: {  	p3 =	slt.u32 s19, $0x27100;
	v8 =	vmul.f32 v10, v8;
	_ =	sdelay $0x1  }
0x25b: {  	v8 =	vpsel !p3, $0x0, v8  }
0x25c: {  	[tilespmem:s12+$0xFFFFFF00] =	vst v8  }
0x25d: {  	v8 =	vld.idx.msk [tilespmem:v9+s7+$0x0], $0xffff  }
0x25e: {  	v10 =	vld.idx.msk [tilespmem:v9+s17+$0x0], $0xffff;
	_ =	sdelay $0x5  }
0x25f: {  	v8 =	vadd.f32 v10, v8;
	_ =	sdelay $0x1  }
0x260: {  	vm0 =	vge.f32 v8, $0.0e+00;
	v10 =	vmul.f32 $2.000000030e-01, v8;
	_ =	sdelay $0x1  }
0x261: {  	v8 =	vsel vm0, v8, v10  }
0x262: {  	v8 =	vmul.f32 $1.442695020e+00, v8;
	_ =	sdelay $0x1  }
0x263: {  	(erf) = vpow2.f32 v8;
	_ =	sdelay $0x1  }
0x264: {  	v8 =	vld.idx.msk [tilespmem:v9+s28+$0x0], $0xffff;
	_ =	sdelay $0x6  }
0x265: {  	v9 =	vor.u32 v3, v7;
	v10 =	vpop (erf)  }
0x266: {  	v8 =	vmul.f32 v10, v8;
	_ =	sdelay $0x1  }
0x267: {  	v8 =	vpsel !p3, $0x0, v8  }
0x268: {  	[tilespmem:s12+$0xFFFFFF80] =	vst v8  }
0x269: {  	v8 =	vld.idx.msk [tilespmem:v9+s7+$0x0], $0xffff  }
0x26a: {  	v10 =	vld.idx.msk [tilespmem:v9+s17+$0x0], $0xffff;
	_ =	sdelay $0x5  }
0x26b: {  	v8 =	vadd.f32 v10, v8;
	_ =	sdelay $0x1  }
0x26c: {  	vm0 =	vge.f32 v8, $0.0e+00;
	v10 =	vmul.f32 $2.000000030e-01, v8;
	_ =	sdelay $0x1  }
0x26d: {  	v8 =	vsel vm0, v8, v10  }
0x26e: {  	v8 =	vmul.f32 $1.442695020e+00, v8;
	_ =	sdelay $0x1  }
0x26f: {  	(erf) = vpow2.f32 v8  }
0x270: {  	v8 =	vld.idx.msk [tilespmem:v9+s28+$0x0], $0xffff;
	_ =	sdelay $0x7  }
0x271: {  	v7 =	vor.u32 v4, v7;
	v9 =	vpop (erf)  }
0x272: {  	v8 =	vmul.f32 v9, v8;
	_ =	sdelay $0x1  }
0x273: {  	v8 =	vpsel !p3, $0x0, v8  }
0x274: {  	[tilespmem:s12+$0x0] =	vst v8  }
0x275: {  	v9 =	vld.idx.msk [tilespmem:v7+s7+$0x0], $0xffff  }
0x276: {  	v10 =	vld.idx.msk [tilespmem:v7+s17+$0x0], $0xffff  }
0x277: {  	v8 =	vld.idx.msk [tilespmem:v7+s28+$0x0], $0xffff;
	_ =	sdelay $0x4  }
0x278: {  	v7 =	vadd.f32 v10, v9;
	_ =	sdelay $0x1  }
0x279: {  	vm0 =	vge.f32 v7, $0.0e+00;
	v9 =	vmul.f32 $2.000000030e-01, v7;
	_ =	sdelay $0x1  }
0x27a: {  	v7 =	vsel vm0, v7, v9  }
0x27b: {  	v7 =	vmul.f32 $1.442695020e+00, v7;
	_ =	sdelay $0x1  }
0x27c: {  	(erf) = vpow2.f32 v7;
	_ =	sdelay $0x3  }
.Ltmp8:
0x27d: {  	(pc) =	sbr.rel @p4 .LBB2_13-.Ltmp8, $4  }
0x27e: {  	_ = 	snop  }
0x27f: {  	v7 =	vmov s26  }
0x280: {  	v7 =	vshll.u32 v7, $0x4  }
0x281: {  	v7 =	vor.u32 v6, v7  }
0x282: {  	v9 =	vor.u32 v1, v7;
	v10 =	vpop (erf)  }
0x283: {  	v8 =	vmul.f32 v10, v8;
	_ =	sdelay $0x1  }
0x284: {  	v8 =	vpsel !p3, $0x0, v8  }
0x285: {  	[tilespmem:s22+$0x80] =	vst v8  }
0x286: {  	v8 =	vld.idx.msk [tilespmem:v9+s7+$0x0], $0xffff  }
0x287: {  	v10 =	vld.idx.msk [tilespmem:v9+s17+$0x0], $0xffff;
	_ =	sdelay $0x4  }
0x288: {  	v8 =	vadd.f32 v10, v8;
	_ =	sdelay $0x1  }
0x289: {  	v10 =	vmul.f32 $2.000000030e-01, v8  }
0x28a: {  	vm0 =	vge.f32 v8, $0.0e+00  }
0x28b: {  	v8 =	vsel vm0, v8, v10  }
0x28c: {  	v8 =	vmul.f32 $1.442695020e+00, v8;
	_ =	sdelay $0x1  }
0x28d: {  	(erf) = vpow2.f32 v8;
	_ =	sdelay $0x4  }
0x28e: {  	v8 =	vld.idx.msk [tilespmem:v9+s28+$0x0], $0xffff;
	_ =	sdelay $0x3  }
0x28f: {  	v9 =	vor.u32 v2, v7;
	v10 =	vpop (erf)  }
0x290: {  	s13 =	sor.u32 s29, s26;
	v8 =	vmul.f32 v10, v8  }
0x291: {  	p6 =	slt.u32 s13, $0x27100  }
0x292: {  	s12 =	sadd.s32 $0x10, s12;
	v8 =	vpsel !p6, $0x0, v8  }
0x293: {  	[tilespmem:s12+$0xFFFFFF00] =	vst v8  }
0x294: {  	v8 =	vld.idx.msk [tilespmem:v9+s7+$0x0], $0xffff  }
0x295: {  	v10 =	vld.idx.msk [tilespmem:v9+s17+$0x0], $0xffff;
	_ =	sdelay $0x4  }
0x296: {  	v8 =	vadd.f32 v10, v8;
	_ =	sdelay $0x1  }
0x297: {  	v10 =	vmul.f32 $2.000000030e-01, v8  }
0x298: {  	vm13 =	vge.f32 v8, $0.0e+00  }
0x299: {  	v8 =	vsel vm13, v8, v10  }
0x29a: {  	v8 =	vmul.f32 $1.442695020e+00, v8;
	_ =	sdelay $0x1  }
0x29b: {  	(erf) = vpow2.f32 v8;
	_ =	sdelay $0x4  }
0x29c: {  	v8 =	vld.idx.msk [tilespmem:v9+s28+$0x0], $0xffff;
	_ =	sdelay $0x3  }
0x29d: {  	v9 =	vor.u32 v3, v7;
	v10 =	vpop (erf)  }
0x29e: {  	v8 =	vmul.f32 v10, v8;
	_ =	sdelay $0x1  }
0x29f: {  	v8 =	vpsel !p6, $0x0, v8  }
0x2a0: {  	[tilespmem:s12+$0xFFFFFF80] =	vst v8  }
0x2a1: {  	v8 =	vld.idx.msk [tilespmem:v9+s7+$0x0], $0xffff  }
0x2a2: {  	v10 =	vld.idx.msk [tilespmem:v9+s17+$0x0], $0xffff;
	_ =	sdelay $0x4  }
0x2a3: {  	v8 =	vadd.f32 v10, v8;
	_ =	sdelay $0x1  }
0x2a4: {  	v10 =	vmul.f32 $2.000000030e-01, v8  }
0x2a5: {  	vm14 =	vge.f32 v8, $0.0e+00  }
0x2a6: {  	v8 =	vsel vm14, v8, v10  }
0x2a7: {  	v8 =	vmul.f32 $1.442695020e+00, v8;
	_ =	sdelay $0x1  }
0x2a8: {  	(erf) = vpow2.f32 v8;
	_ =	sdelay $0x4  }
0x2a9: {  	v8 =	vld.idx.msk [tilespmem:v9+s28+$0x0], $0xffff;
	_ =	sdelay $0x3  }
0x2aa: {  	v7 =	vor.u32 v4, v7;
	v9 =	vpop (erf)  }
0x2ab: {  	v8 =	vmul.f32 v9, v8;
	_ =	sdelay $0x1  }
0x2ac: {  	v8 =	vpsel !p6, $0x0, v8  }
0x2ad: {  	[tilespmem:s12+$0x0] =	vst v8  }
0x2ae: {  	v8 =	vld.idx.msk [tilespmem:v7+s7+$0x0], $0xffff  }
0x2af: {  	v9 =	vld.idx.msk [tilespmem:v7+s17+$0x0], $0xffff;
	_ =	sdelay $0x4  }
0x2b0: {  	v8 =	vadd.f32 v9, v8;
	_ =	sdelay $0x1  }
0x2b1: {  	v9 =	vmul.f32 $2.000000030e-01, v8  }
0x2b2: {  	vm15 =	vge.f32 v8, $0.0e+00  }
0x2b3: {  	v8 =	vsel vm15, v8, v9  }
0x2b4: {  	v8 =	vmul.f32 $1.442695020e+00, v8;
	_ =	sdelay $0x1  }
0x2b5: {  	(erf) = vpow2.f32 v8;
	_ =	sdelay $0x4  }
0x2b6: {  	v7 =	vld.idx.msk [tilespmem:v7+s28+$0x0], $0xffff;
	_ =	sdelay $0x3  }
0x2b7: {  	v9 =	vmov s2;
	v8 =	vpop (erf)  }
0x2b8: {  	v7 =	vmul.f32 v8, v7;
	_ =	sdelay $0x1  }
0x2b9: {  	v7 =	vpsel !p6, $0x0, v7  }
0x2ba: {  	[tilespmem:s12+$0x80] =	vst v7  }
0x2bb: {  	s2 =	simm.s32 $0xB680;
	v7 =	vld.idx.msk [tilespmem:v9+s25+$0x0], $0xffff  }
0x2bc: {  	v8 =	vld [tilespmem:s2+$0xFFFFFF80]  }
0x2bd: {  	v10 =	vld [tilespmem:s2+$0xFFFFFFB0]  }
0x2be: {  	v11 =	vld [tilespmem:s2+$0xFFFFFF90]  }
0x2bf: {  	v12 =	vld [tilespmem:s2+$0xFFFFFFA0];
	_ =	sdelay $0x1  }
0x2c0: {  	v13 =	vand.u32 $0x7F, v9;
	v8 =	vmul.f32 v8, v7  }
0x2c1: {  	v9 =	vmul.f32 v10, v7;
	v10 =	vor.u32 $0x80, v13  }
0x2c2: {  	[tilespmem:s2+$0xFFFFFF80] =	vst v8;
	v8 =	vmul.f32 v11, v7  }
0x2c3: {  	v7 =	vmul.f32 v12, v7;
	[tilespmem:s2+$0xFFFFFFB0] =	vst v9  }
0x2c4: {  	[tilespmem:s2+$0xFFFFFF90] =	vst v8  }
0x2c5: {  	[tilespmem:s2+$0xFFFFFFA0] =	vst v7;
	v8 =	vld [tilespmem:s2+$0xFFFFFFC0]  }
0x2c6: {  	v7 =	vld.idx.msk [tilespmem:v10+s25+$0x0], $0xffff;
	_ =	sdelay $0x1  }
0x2c7: {  	v9 =	vld [tilespmem:s2+$0xFFFFFFD0]  }
0x2c8: {  	v10 =	vld [tilespmem:s2+$0xFFFFFFF0]  }
0x2c9: {  	v11 =	vld [tilespmem:s2+$0xFFFFFFE0]  }
0x2ca: {  	v8 =	vmul.f32 v8, v7;
	_ =	sdelay $0x1  }
0x2cb: {  	v9 =	vmul.f32 v9, v7;
	[tilespmem:s2+$0xFFFFFFC0] =	vst v8;
	v8 =	vor.u32 $0x100, v13  }
0x2cc: {  	v10 =	vmul.f32 v10, v7  }
0x2cd: {  	v7 =	vmul.f32 v11, v7;
	[tilespmem:s2+$0xFFFFFFD0] =	vst v9  }
0x2ce: {  	[tilespmem:s2+$0xFFFFFFF0] =	vst v10  }
0x2cf: {  	[tilespmem:s2+$0xFFFFFFE0] =	vst v7;
	v7 =	vld [tilespmem:s2+$0x0]  }
0x2d0: {  	v8 =	vld.idx.msk [tilespmem:v8+s25+$0x0], $0xffff  }
0x2d1: {  	v9 =	vld [tilespmem:s2+$0x30]  }
0x2d2: {  	v11 =	vld [tilespmem:s2+$0x20]  }
0x2d3: {  	v10 =	vld [tilespmem:s2+$0x10];
	_ =	sdelay $0x1  }
0x2d4: {  	v7 =	vmul.f32 v7, v8  }
0x2d5: {  	v63 =	vmul.f32 v9, v8  }
0x2d6: {  	[tilespmem:s2+$0x0] =	vst v7;
	v7 =	vor.u32 $0x180, v13  }
0x2d7: {  	s13 =	simm.s32 $0xB680;
	s12 =	simm.s32 $0x1;
	v9 =	vmul.f32 v10, v8;
	v8 =	vmul.f32 v11, v8;
	[tilespmem:s2+$0x30] =	vst v63  }
.LBB2_15:
0x2d8: {  	p3 =	sne.s32 s12, $0x7F  }
0x2d9: {  	[tilespmem:s2+$0x10] =	vst v9;
	v9 =	vld [tilespmem:s2+$0x70];
	s13 =	sadd.s32 $0x100, s13;
	s16 =	smov.u32 s12;
	s12 =	sadd.s32 $0x1, s12  }
0x2da: {  	[tilespmem:s2+$0x20] =	vst v8;
	v8 =	vld [tilespmem:s2+$0x40]  }
0x2db: {  	v7 =	vld.idx.msk [tilespmem:v7+s25+$0x0], $0xffff  }
0x2dc: {  	v10 =	vld [tilespmem:s2+$0x50]  }
0x2dd: {  	v11 =	vld [tilespmem:s2+$0x60];
	_ =	sdelay $0x3  }
0x2de: {  	v12 =	vmov s16;
	v8 =	vmul.f32 v8, v7;
	v10 =	vmul.f32 v10, v7  }
0x2df: {  	v13 =	vand.u32 $0x7F, v12;
	v11 =	vmul.f32 v11, v7;
	v7 =	vmul.f32 v9, v7  }
0x2e0: {  	[tilespmem:s2+$0x40] =	vst v8  }
0x2e1: {  	[tilespmem:s2+$0x60] =	vst v11  }
0x2e2: {  	v8 =	vld [tilespmem:s13+$0xFFFFFFB0];
	[tilespmem:s2+$0x70] =	vst v7  }
0x2e3: {  	v7 =	vld [tilespmem:s13+$0xFFFFFFA0];
	[tilespmem:s2+$0x50] =	vst v10;
	s2 =	smov.u32 s13  }
0x2e4: {  	v9 =	vld.idx.msk [tilespmem:v12+s25+$0x0], $0xffff  }
0x2e5: {  	v10 =	vld [tilespmem:s13+$0xFFFFFF80]  }
0x2e6: {  	v11 =	vld [tilespmem:s13+$0xFFFFFF90];
	_ =	sdelay $0x3  }
0x2e7: {  	v7 =	vmul.f32 v7, v9;
	v10 =	vmul.f32 v10, v9  }
0x2e8: {  	v8 =	vmul.f32 v8, v9;
	v11 =	vmul.f32 v11, v9;
	v9 =	vor.u32 $0x80, v13  }
0x2e9: {  	[tilespmem:s13+$0xFFFFFF80] =	vst v10  }
0x2ea: {  	[tilespmem:s13+$0xFFFFFFB0] =	vst v8  }
0x2eb: {  	[tilespmem:s13+$0xFFFFFF90] =	vst v11;
	v8 =	vld [tilespmem:s13+$0xFFFFFFF0]  }
0x2ec: {  	[tilespmem:s13+$0xFFFFFFA0] =	vst v7;
	v7 =	vld [tilespmem:s13+$0xFFFFFFD0]  }
0x2ed: {  	v9 =	vld.idx.msk [tilespmem:v9+s25+$0x0], $0xffff  }
0x2ee: {  	v10 =	vld [tilespmem:s13+$0xFFFFFFC0]  }
0x2ef: {  	v11 =	vld [tilespmem:s13+$0xFFFFFFE0];
	_ =	sdelay $0x3  }
0x2f0: {  	v7 =	vmul.f32 v7, v9;
	v10 =	vmul.f32 v10, v9  }
0x2f1: {  	v8 =	vmul.f32 v8, v9;
	v11 =	vmul.f32 v11, v9;
	v9 =	vor.u32 $0x100, v13  }
0x2f2: {  	[tilespmem:s13+$0xFFFFFFC0] =	vst v10  }
0x2f3: {  	[tilespmem:s13+$0xFFFFFFD0] =	vst v7  }
0x2f4: {  	[tilespmem:s13+$0xFFFFFFF0] =	vst v8;
	v7 =	vld [tilespmem:s13+$0x30]  }
0x2f5: {  	[tilespmem:s13+$0xFFFFFFE0] =	vst v11;
	v8 =	vld [tilespmem:s13+$0x0]  }
0x2f6: {  	v10 =	vld.idx.msk [tilespmem:v9+s25+$0x0], $0xffff  }
0x2f7: {  	v9 =	vld [tilespmem:s13+$0x10]  }
0x2f8: {  	v11 =	vld [tilespmem:s13+$0x20];
	_ =	sdelay $0x2  }
.Ltmp9:
0x2f9: {  	(pc) =	sbr.rel @p3 .LBB2_15-.Ltmp9, $4  }
0x2fa: {  	v12 =	vmul.f32 v8, v10;
	v9 =	vmul.f32 v9, v10  }
0x2fb: {  	v8 =	vmul.f32 v11, v10;
	v10 =	vmul.f32 v7, v10;
	v7 =	vor.u32 $0x180, v13  }
0x2fc: {  	[tilespmem:s13+$0x0] =	vst v12  }
0x2fd: {  	[tilespmem:s13+$0x30] =	vst v10  }
0x2fe: {  	_ =	sdelay $0x1  }
0x2ff: {  	[tilespmem:s2+$0x10] =	vst v9  }
0x300: {  	[tilespmem:s2+$0x20] =	vst v8;
	v8 =	vld [tilespmem:s2+$0x40]  }
0x301: {  	v7 =	vld.idx.msk [tilespmem:v7+s25+$0x0], $0xffff  }
0x302: {  	v63 =	vld [tilespmem:s2+$0x60]  }
0x303: {  	v10 =	vld [tilespmem:s2+$0x70]  }
0x304: {  	v11 =	vld [tilespmem:s2+$0x50];
	_ =	sdelay $0x1  }
0x305: {  	v8 =	vmul.f32 v8, v7  }
0x306: {  	v9 =	vmul.f32 v63, v7  }
0x307: {  	v10 =	vmul.f32 v10, v7;
	[tilespmem:s2+$0x40] =	vst v8  }
0x308: {  	v7 =	vmul.f32 v11, v7;
	[tilespmem:s2+$0x60] =	vst v9  }
0x309: {  	s19 =	smov.u32 s4;
	[tilespmem:s2+$0x70] =	vst v10  }
.Ltmp10:
0x30a: {  	s4 =	simm.s32 $0x180;
	s12 =	simm.s32 $0xB600;
	[tilespmem:s2+$0x50] =	vst v7;
	(pc) =	sbr.rel @p2 .LBB2_18-.Ltmp10, $4  }
0x30b: {  	[spmem:s19] =	stream.indirect.scatter.add.f32 [tilespmem:s12], [sflag:$0x5], $0x100, s4, s15, $0xb8;
	[tilespmem:$0x1D640] =	vst v63  }
0x30c: {  	_ =	swait.ge [sflag:s31], $0x8000  }
0x30d: {  	[sflag:s31] =	ssyncset.done $0x0  }
0x30e: {  	[sflag:s31] =	ssyncadd.s32 $0xFFFF8000  }
0x30f: {  	s2 =	rddreg [dreg:$0x16]  }
0x310: {  	s0 =	sadd.s32 s0, s2  }
0x311: {  	s22 =	rddreg [dreg:$0x4];
	s0 =	sshrl.u32 s0, $0x3  }
0x312: {  	s2 =	sadd.s32 s22, s0  }
0x313: {  	[tilespmem:s15], [sflag:$0x2] =	stream.linear.gather [hbm4b:s2+s3], $0x80, $0x38;
	[tilespmem:$0x1D640] =	vst v63  }
.Ltmp11:
0x314: {  	_ = 	snop;
	(pc) =	sbr.rel .LBB2_6-.Ltmp11, $4  }
0x315: {  	s26 =	sadd.s32 s6, s0  }
0x316: {  	[tilespmem:s4], [sflag:$0x2] =	stream.linear.gather [hbm4b:s26+s3], $0x80, $0x38;
	[tilespmem:$0x1D640] =	vst v63  }
0x317: {  	s29 =	simm.s32 $0x280;
	s1 =	sadd.s32 $0x1, s1;
	s0 =	sadd.s32 s5, s0  }
0x318: {  	[tilespmem:s29], [sflag:$0x2] =	stream.linear.gather [hbm4b:s0+s3], $0x80, $0x38;
	[tilespmem:$0x1D640] =	vst v63  }
.LBB2_19:
0x319: {  	_ =	sfence.sel $0x180000  }
0x31a: {  	[bflag:$0x0] =	sbarrier.arrive $0xFFFF  }
0x31b: {  	_ =	strace $0x90000050  }
0x31c: {  	s0 =	stileid.u32;
	[bflag:$0x2] =	sbarrier.arrive $0xFFFF  }
0x31d: {  	p0 =	sne.s32 s0, $0x0;
	s0 =	rddreg [dreg:$0x3]  }
0x31e: {  	s0 =	sadd.s32 @!p0 $0x100000, s0  }
0x31f: {  	[sflag:s0] =	ssyncadd.tile.s32 @!p0 $0x1;
	_ =	shalt  }
.Lfunc_end2:
_tile_overlayer_lowered:
.L_overlay_start_2:
0x320: {  	(tag) =	ssettag $0x2  }
0x321: {  	s0 =	rddreg [dreg:$0x0];
	s2 =	stileid.u32  }
0x322: {  	s1 =	rddreg [dreg:$0x1];
	p0 =	sne.s32 s2, $0x0  }
0x323: {  	s3 =	rddreg [dreg:$0x2];
	[bflag:$0x3] =	sbarrier.arrive $0xFFFF;
	s2 =	simm.s32 @!p0 $0x1C05  }
0x324: {  	[timem:s3], [sflag:s2] =	dma.local @!p0 [hbm:s0], s1  }
0x325: {  	s0 =	simm.s32 @!p0 $0x5  }
0x326: {  	_ =	swait.ge @!p0 [sflag:s0], s1  }
0x327: {  	s1 =	ssub.s32 @!p0 $0x0, s1;
	[sflag:s0] =	ssyncset.done @!p0 $0x0  }
0x328: {  	[sflag:s0] =	ssyncadd.s32 @!p0 s1  }
0x329: {  	[bflag:$0x3] =	sbarrier.arrive $0xFFFF  }
0x32a: {  	_ =	shalt  }

// kernel: sparse-core-data-format-call.cloned.1.call-start
scs
called_computation_lowered:
.L_overlay_start_0:
0x0: {  	s2 =	sld [smem:$0x3FD9]  }
0x1: {  	s3 =	sld [smem:$0x3FFE];
	_ =	sdelay $0x1  }
0x2: {  	s1 =	srdreg.scid  }
0x3: {  	s0 =	sand.u32 $0x1, s1  }
0x4: {  	s18 =	sshll.u32 s0, $0xA;
	s2 =	sadd.s32 s3, s2  }
0x5: {  	s2 =	sadd.s32 s2, s18  }
0x6: {  	[smem:$0x3FB2] =	sst s2  }
0x7: {  	_ = 	snop  }
0x8: {  	(tm) =	ssettm $0x1  }
0x9: {  	s19 =	sld [smem:$0x3FFB];
	_ =	sdelay $0x3  }
0xa: {  	_ =	strace s19  }
0xb: {  	s2 =	sld [smem:$0x3FFC];
	_ =	sdelay $0x3  }
0xc: {  	_ =	strace s2  }
0xd: {  	s2 =	sld [smem:$0x3FFD];
	_ =	sdelay $0x3  }
0xe: {  	_ =	strace s2  }
0xf: {  	_ =	strace $0x8FFFFFFF  }
0x10: {  	s20 =	sld [smem:$0x3FDB];
	_ =	sdelay $0x1  }
0x11: {  	s21 =	simm.s32 $_scs_section_size  }
0x12: {  	s4 =	simm.s32 $_size__tile_overlayer_lowered;
	s5 =	simm.s32 $_tile_overlayer_lowered  }
0x13: {  	s6 =	simm.s32 $0x1BFF;
	s22 =	sshll.u32 s5, $0x1;
	s3 =	sadd.s32 s21, s20  }
0x14: {  	s23 =	simm.s32 $0x0;
	s4 =	sshll.u32 s4, $0x1;
	s5 =	sadd.s32 s22, s3  }
0x15: {  	[timem:s23], [sflag:s6] =	dma.local [hbm:s5], s4  }
0x16: {  	_ =	swait.ge [sflag:s6], s4  }
0x17: {  	s4 =	ssub.s32 $0x0, s4;
	[sflag:s6] =	ssyncset.done $0x0  }
0x18: {  	[sflag:s6] =	ssyncadd.s32 s4;
	_ =	sdelay $0x1  }
0x19: {  	s24 =	simm.s32 $0x1B8B  }
0x1a: {  	_ =	swait.ge [sflag:s24], $0x1  }
0x1b: {  	[sflag:s24] =	ssyncset.done $0x0  }
0x1c: {  	[sflag:s24] =	ssyncadd.s32 $0xFFFFFFFF  }
0x1d: {  	s4 =	sld [smem:$0x0]  }
0x1e: {  	s5 =	sand.u32 $0xFFFFFFFE, s1  }
0x1f: {  	p0 =	sne.s32 s1, s5  }
0x20: {  	s5 =	sshll.u32 @p0 s5, $0xE  }
0x21: {  	s5 =	sadd.s32 @p0 $0x11B8D, s5;
	s6 =	sshll.u32 @p0 s4, $0x11  }
0x22: {  	s5 =	sor.u32 @p0 s6, s5  }
0x23: {  	[sflag:s5] =	ssyncadd.remote.s32 @p0 $0x1;
	_ =	sdelay $0x1  }
0x24: {  	s5 =	simm.s32 @p0 $0x1B8D  }
0x25: {  	_ =	swait.eq @p0 [sflag:s5], $0x1  }
0x26: {  	[sflag:s5] =	ssyncadd.s32 @p0 $0xFFFFFFFF  }
0x27: {  	s6 =	sshll.u32 @!p0 s1, $0xE  }
0x28: {  	s6 =	sor.u32 @!p0 $0x4000, s6;
	s5 =	simm.s32 @!p0 $0x1B8D  }
0x29: {  	s4 =	sshll.u32 @!p0 s4, $0x11;
	s6 =	sadd.s32 @!p0 $0x11B8D, s6;
	_ =	swait.eq @!p0 [sflag:s5], $0x1  }
0x2a: {  	s4 =	sor.u32 @!p0 s4, s6;
	[sflag:s5] =	ssyncadd.s32 @!p0 $0xFFFFFFFF  }
0x2b: {  	s26 =	simm.s32 $0x1B8E;
	s25 =	sld [smem:$0x3FFE];
	[sflag:s4] =	ssyncadd.remote.s32 @!p0 $0x1  }
0x2c: {  	s27 =	simm.s32 $execute0_lowered;
	[smem:$0x3FD2] =	sst s26  }
0x2d: {  	s5 =	sshll.u32 s27, $0x1;
	_ =	strace $0x8000004C;
	[dreg:$0x1] =	wrdreg $0xFFFFFFFF  }
0x2e: {  	s28 =	simm.s32 $_size_execute0_lowered;
	s3 =	sadd.s32 s3, s5;
	[dreg:$0x0] =	wrdreg $0x0  }
0x2f: {  	s5 =	sshll.u32 s28, $0x1;
	[dreg:$0x2] =	wrdreg s3  }
0x30: {  	[dreg:$0x3] =	wrdreg s5  }
0x31: {  	[dreg:$0x4] =	wrdreg $0xC0  }
0x32: {  	_ =	task [dreg:s23], $0x5FFFF  }
0x33: {  	[dreg:$0x1] =	wrdreg $0xFFFFFFFF  }
0x34: {  	[dreg:$0x0] =	wrdreg $0x60  }
0x35: {  	[dreg:$0x2] =	wrdreg s25  }
0x36: {  	[dreg:$0x3] =	wrdreg $0x9  }
0x37: {  	_ =	task.clear_ibuf [dreg:s23], $0x4FFFF;
	_ =	strace $0x9000004C  }
0x38: {  	s29 =	simm.s32 $0x9;
	_ =	strace $0x8000004E  }
0x39: {  	_ =	swait.ge [sflag:s29], $0x1  }
0x3a: {  	[sflag:s29] =	ssyncadd.s32 $0xFFFFFFFF  }
0x3b: {  	_ =	strace $0x9000004E  }
0x3c: {  	_ =	sfence  }
0x3d: {  	s30 =	sld [smem:$0x0];
	_ =	sdelay $0x2  }
0x3e: {  	s31 =	sshll.u32 s1, $0xD;
	s1 =	sshrl.u32 s1, $0x2  }
0x3f: {  	s4 =	sand.u32 $0x4000, s31;
	s1 =	sadd.s32 s1, s30  }
0x40: {  	s0 =	sor.u32 s4, s0;
	s1 =	sshll.u32 s1, $0x11  }
0x41: {  	s0 =	sor.u32 s1, s0  }
0x42: {  	s0 =	sadd.s32 $0x8F2B, s0  }
0x43: {  	[sflag:s0] =	ssyncadd.remote.s32 $0x1  }
0x44: {  	_ =	sfence.sel $0xFFFF  }
0x45: {  	[dreg:$0x0] =	wrdreg $0xFFFFFFFF;
	(pc) =	sbr.abs _section_cstart, $3  }
0x46: {  	[dreg:$0x1] =	wrdreg $0xFFFFFFFF  }
0x47: {  	_ =	task.clear_ibuf [dreg:s23], $0x2FFFF;
	_ =	strace $0x9FFFFFFF  }
0x48: {  	(tm) =	ssettm $0x7FFFFFFF  }
0x49: {  	_ =	shalt  }
tec
execute0_lowered:
.L_overlay_start_1:
0x0: {  	(tag) =	ssettag $0x1  }
0x1: {  	s0 =	srdreg.scid  }
0x2: {  	s5 =	rddreg [dreg:$0x0];
	s1 =	stileid.u32;
	s4 =	simm.s32 $0x1  }
0x3: {  	s6 =	simm.s32 $0x2;
	s8 =	simm.s32 $0x0;
	s2 =	sshll.u32 s0, $0x4  }
0x4: {  	s9 =	simm.s32 $0x0;
	s13 =	simm.s32 $0x0;
	s2 =	sand.u32 $0x10, s2  }
.Ltmp0:
0x5: {  	s10 =	simm.s32 $0x0;
	s3 =	sor.u32 s1, s2;
	(pc) =	sbr.rel .LBB1_1-.Ltmp0, $4  }
0x6: {  	s0 =	rddreg [dreg:$0x1];
	_ =	strace $0x8000004D;
	s3 =	sshll.u32 s3, $0x3  }
0x7: {  	s12 =	simm.s32 $0x0;
	[sflag:s4] =	ssyncpa.u1 $0x0;
	s7 =	ssub.s32 $0x30D0, s3  }
0x8: {  	s2 =	sadd.s32 $0x163200, s5;
	[sflag:s6] =	ssyncpa.u1 $0x0;
	s6 =	sshrl.u32 s7, $0x8  }
0x9: {  	s5 =	sadd.s32 $0x470600, s5;
	s11 =	smov.u32 s3;
	s7 =	sadd.s32 $0x2, s6  }
.LBB1_9:
0xa: {  	s15 =	sshll.u32 s12, $0xE  }
0xb: {  	s16 =	sshll.u32 s10, $0x8;
	s15 =	sand.u32 $0x4000, s15  }
0xc: {  	s16 =	sadd.s32 s5, s16;
	s15 =	sor.u32 $0x8000, s15  }
0xd: {  	[hbm4b:s16+s8] =	stream.linear.scatter [tilespmem:s15], [sflag:$0x2], s14, $0x38;
	[tilespmem:$0x10000] =	vst v63  }
.LBB1_10:
0xe: {  	p0 =	slt.u32 s12, $0x2  }
0xf: {  	p1 =	sgt.s32 @!p0 s13, $0x30CC  }
0x10: {  	s14 =	smov.u32 s13;
	s15 =	sshra.s32 @!p0 s13, $0x1F;
	p1 =	por !p1, p0  }
0x11: {  	s13 =	sand.u32 @!p0 s15, s13;
	s14 =	simm.s32 @p1 $0x30CC  }
0x12: {  	s13 =	ssub.s32 @!p0 s14, s13  }
0x13: {  	s13 =	sadd.s32 @!p0 $0xFFFFCF34, s13  }
0x14: {  	s14 =	sshll.u32 @!p0 s13, $0xD  }
0x15: {  	p1 =	sgt.s32 @!p0 s13, $0x7;
	s13 =	ssub.s32 @!p0 $0x10000, s14  }
0x16: {  	s15 =	sadd.s32 $0x100, s11;
	p1 =	por !p1, p0;
	s13 =	sshrl.u32 @!p0 s13, $0x2  }
0x17: {  	s13 =	simm.s32 @!p1 $0x0;
	p1 =	sgt.s32 s15, $0x30D3  }
0x18: {  	s15 =	smov.u32 @p1 s3;
	p1 =	sne.s32 s12, s7  }
.Ltmp1:
0x19: {  	_ = 	snop;
	(pc) =	sbr.rel @!p1 .LBB1_11-.Ltmp1, $4  }
0x1a: {  	s14 =	simm.s32 @!p0 $0x2  }
0x1b: {  	s9 =	sadd.s32 $0x4000, s9;
	_ =	swait.ge @!p0 [sflag:s14], s13;
	s16 =	ssub.s32 @!p0 $0x0, s13  }
0x1c: {  	s13 =	smov.u32 s10;
	s12 =	sadd.s32 $0x1, s12;
	[sflag:s14] =	ssyncset.done @!p0 $0x0  }
0x1d: {  	s10 =	smov.u32 s11;
	s11 =	smov.u32 s15;
	[sflag:s14] =	ssyncadd.s32 @!p0 s16  }
.LBB1_1:
0x1e: {  	p0 =	sgt.u32 s12, s6  }
0x1f: {  	p1 =	sgt.s32 @!p0 s11, $0x30CC  }
0x20: {  	s14 =	smov.u32 s11;
	s15 =	sshra.s32 @!p0 s11, $0x1F;
	p1 =	por !p1, p0  }
0x21: {  	s15 =	sand.u32 @!p0 s15, s11;
	s14 =	simm.s32 @p1 $0x30CC  }
0x22: {  	s14 =	ssub.s32 @!p0 s14, s15  }
0x23: {  	s14 =	sadd.s32 @!p0 $0xFFFFCF34, s14  }
0x24: {  	s17 =	simm.s32 @!p0 $0x0;
	s15 =	sxor.u32 @!p0 $0xFFFFFFFF, s12;
	s16 =	sshll.u32 @!p0 s14, $0xD  }
0x25: {  	s15 =	sshll.u32 @!p0 s15, $0xE;
	p1 =	sgt.s32 @!p0 s14, $0x7;
	s14 =	ssub.s32 @!p0 $0x10000, s16  }
0x26: {  	p1 =	por !p1, p0;
	s16 =	sshll.u32 @!p0 s11, $0x8;
	s14 =	sshrl.u32 @!p0 s14, $0x2  }
0x27: {  	s15 =	sand.u32 @!p0 $0x4000, s15;
	s16 =	sadd.s32 @!p0 s2, s16;
	s14 =	simm.s32 @!p1 $0x0  }
0x28: {  	[tilespmem:s15], [sflag:$0x1] =	stream.linear.gather @!p0 [hbm4b:s16+s17], s14, $0x38;
	[tilespmem:$0x10000] =	vst v63  }
0x29: {  	p0 =	seq.s32 s12, $0x0  }
0x2a: {  	p1 =	sge.u32 @!p0 s12, s7  }
0x2b: {  	p0 =	por p0, p1  }
.Ltmp2:
0x2c: {  	_ = 	snop;
	(pc) =	sbr.rel @p0 .LBB1_10-.Ltmp2, $1  }
0x2d: {  	_ =	sdelay $0x3  }
0x2e: {  	p0 =	sgt.s32 s10, $0x30CC;
	s14 =	smov.u32 s10;
	s15 =	sshra.s32 s10, $0x1F  }
0x2f: {  	s14 =	simm.s32 @!p0 $0x30CC;
	s15 =	sand.u32 s15, s10  }
0x30: {  	s14 =	ssub.s32 s14, s15  }
0x31: {  	s16 =	sadd.s32 $0x8, s10;
	s14 =	sadd.s32 $0xFFFFCF34, s14  }
0x32: {  	p1 =	slt.s32 s16, $0x30D4;
	s30 =	sshll.u32 s14, $0xD  }
0x33: {  	s16 =	simm.s32 @!p1 $0x30D4;
	s15 =	ssub.s32 $0x10000, s30  }
0x34: {  	p0 =	sgt.s32 s14, $0x7;
	s14 =	sshrl.u32 s15, $0x2;
	s15 =	ssub.s32 s16, s10  }
0x35: {  	s14 =	simm.s32 @p0 $0x0;
	p0 =	slt.s32 s15, $0x1  }
.Ltmp3:
0x36: {  	_ = 	snop;
	(pc) =	sbr.rel @p0 .LBB1_9-.Ltmp3, $4  }
0x37: {  	_ = 	snop  }
0x38: {  	_ =	swait.ge [sflag:s4], s14  }
0x39: {  	s31 =	ssub.s32 $0x0, s14;
	[sflag:s4] =	ssyncset.done $0x0  }
0x3a: {  	[sflag:s4] =	ssyncadd.s32 s31  }
0x3b: {  	s16 =	sshll.u32 s9, $0x2  }
0x3c: {  	s16 =	sand.u32 $0x10000, s16  }
0x3d: {  	s16 =	sshrl.u32 s16, $0x2  }
0x3e: {  	s18 =	simm.s32 $0x0;
	s19 =	simm.s32 $0x0;
	s17 =	sor.u32 $0x8000, s16  }
.LBB1_4:
0x3f: {  	s20 =	sshra.s32 s18, $0x2  }
0x40: {  	v0 =	vmov s20;
	_ =	sdelay $0x3  }
0x41: {  	p1 =	por $0x1, $0x1;
	s20 =	simm.s32 $0x0  }
.LBB1_5:
0x42: {  	_ = 	snop  }
0x43: {  	s21 =	sshll.u32 s20, $0xA  }
0x44: {  	s21 =	sand.u32 $0x3FFFFC00, s21  }
0x45: {  	s21 =	sadd.s32 s21, s16  }
0x46: {  	v5 =	vld.idx.msk [tilespmem:v0+s21+$0x70 ss:$0x1], $0xffff  }
0x47: {  	v6 =	vld.idx.msk [tilespmem:v0+s21+$0x10 ss:$0x1], $0xffff  }
0x48: {  	v7 =	vld.idx.msk [tilespmem:v0+s21+$0x20 ss:$0x1], $0xffff  }
0x49: {  	s31 =	sshll.u32 s20, $0x7;
	v1 =	vld.idx.msk [tilespmem:v0+s21+$0x30 ss:$0x1], $0xffff  }
0x4a: {  	s20 =	sand.u32 $0x3FFFFF80, s31;
	v2 =	vld.idx.msk [tilespmem:v0+s21+$0x40 ss:$0x1], $0xffff  }
0x4b: {  	s20 =	sadd.s32 s20, s17;
	v3 =	vld.idx.msk [tilespmem:v0+s21+$0x50 ss:$0x1], $0xffff  }
0x4c: {  	v4 =	vld.idx.msk [tilespmem:v0+s21+$0x60 ss:$0x1], $0xffff;
	[tilespmem:v0+s20+$0x70 ss:$0x1] =	vst.idx.msk $0xffff, v5  }
0x4d: {  	v5 =	vld.idx.msk [tilespmem:v0+s21+$0x0 ss:$0x1], $0xffff;
	[tilespmem:v0+s20+$0x10 ss:$0x1] =	vst.idx.msk $0xffff, v6;
	s21 =	sadd.s32 $0x80, s21  }
0x4e: {  	p0 =	por p1, p1;
	s22 =	simm.s32 $0x6;
	[tilespmem:v0+s20+$0x20 ss:$0x1] =	vst.idx.msk $0xffff, v7;
	v6 =	vld.idx.msk [tilespmem:v0+s21+$0x70 ss:$0x1], $0xffff  }
.LBB1_6:
0x4f: {  	p1 =	sne.s32 s22, $0x1;
	v7 =	vld.idx.msk [tilespmem:v0+s21+$0x10 ss:$0x1], $0xffff;
	[tilespmem:v0+s20+$0x30 ss:$0x1] =	vst.idx.msk $0xffff, v1  }
0x50: {  	v8 =	vld.idx.msk [tilespmem:v0+s21+$0x20 ss:$0x1], $0xffff;
	[tilespmem:v0+s20+$0x40 ss:$0x1] =	vst.idx.msk $0xffff, v2  }
0x51: {  	v1 =	vld.idx.msk [tilespmem:v0+s21+$0x30 ss:$0x1], $0xffff;
	[tilespmem:v0+s20+$0x50 ss:$0x1] =	vst.idx.msk $0xffff, v3  }
.Ltmp4:
0x52: {  	v2 =	vld.idx.msk [tilespmem:v0+s21+$0x40 ss:$0x1], $0xffff;
	[tilespmem:v0+s20+$0x60 ss:$0x1] =	vst.idx.msk $0xffff, v4;
	(pc) =	sbr.rel @p1 .LBB1_6-.Ltmp4, $4  }
0x53: {  	v3 =	vld.idx.msk [tilespmem:v0+s21+$0x50 ss:$0x1], $0xffff;
	[tilespmem:v0+s20+$0x0 ss:$0x1] =	vst.idx.msk $0xffff, v5;
	s20 =	sadd.s32 $0x100, s20  }
0x54: {  	v4 =	vld.idx.msk [tilespmem:v0+s21+$0x60 ss:$0x1], $0xffff;
	[tilespmem:v0+s20+$0x70 ss:$0x1] =	vst.idx.msk $0xffff, v6  }
0x55: {  	v5 =	vld.idx.msk [tilespmem:v0+s21+$0x0 ss:$0x1], $0xffff;
	[tilespmem:v0+s20+$0x10 ss:$0x1] =	vst.idx.msk $0xffff, v7;
	s21 =	sadd.s32 $0x80, s21  }
0x56: {  	s22 =	sadd.s32 $0xFFFFFFFF, s22;
	v6 =	vld.idx.msk [tilespmem:v0+s21+$0x70 ss:$0x1], $0xffff;
	[tilespmem:v0+s20+$0x20 ss:$0x1] =	vst.idx.msk $0xffff, v8  }
0x57: {  	_ =	sdelay $0x3  }
0x58: {  	[tilespmem:v0+s20+$0x30 ss:$0x1] =	vst.idx.msk $0xffff, v1  }
0x59: {  	v1 =	vld.idx.msk [tilespmem:v0+s21+$0x10 ss:$0x1], $0xffff;
	[tilespmem:v0+s20+$0x40 ss:$0x1] =	vst.idx.msk $0xffff, v2  }
0x5a: {  	v2 =	vld.idx.msk [tilespmem:v0+s21+$0x20 ss:$0x1], $0xffff;
	[tilespmem:v0+s20+$0x50 ss:$0x1] =	vst.idx.msk $0xffff, v3  }
0x5b: {  	v61 =	vld.idx.msk [tilespmem:v0+s21+$0x40 ss:$0x1], $0xffff;
	[tilespmem:v0+s20+$0x60 ss:$0x1] =	vst.idx.msk $0xffff, v4  }
0x5c: {  	s31 =	sadd.s32 $0x100, s20;
	v62 =	vld.idx.msk [tilespmem:v0+s21+$0x50 ss:$0x1], $0xffff;
	[tilespmem:v0+s20+$0x0 ss:$0x1] =	vst.idx.msk $0xffff, v5  }
0x5d: {  	v63 =	vld.idx.msk [tilespmem:v0+s21+$0x60 ss:$0x1], $0xffff;
	[tilespmem:v0+s31+$0x70 ss:$0x1] =	vst.idx.msk $0xffff, v6  }
0x5e: {  	v3 =	vld.idx.msk [tilespmem:v0+s21+$0x30 ss:$0x1], $0xffff;
	[tilespmem:v0+s31+$0x10 ss:$0x1] =	vst.idx.msk $0xffff, v1  }
0x5f: {  	v1 =	vld.idx.msk [tilespmem:v0+s21+$0x0 ss:$0x1], $0xffff;
	[tilespmem:v0+s31+$0x20 ss:$0x1] =	vst.idx.msk $0xffff, v2  }
.Ltmp5:
0x60: {  	[tilespmem:v0+s31+$0x40 ss:$0x1] =	vst.idx.msk $0xffff, v61;
	(pc) =	sbr.rel @p0 .LBB1_5-.Ltmp5, $4  }
0x61: {  	[tilespmem:v0+s31+$0x50 ss:$0x1] =	vst.idx.msk $0xffff, v62  }
0x62: {  	[tilespmem:v0+s31+$0x60 ss:$0x1] =	vst.idx.msk $0xffff, v63  }
0x63: {  	[tilespmem:v0+s31+$0x30 ss:$0x1] =	vst.idx.msk $0xffff, v3  }
0x64: {  	p1 =	por $0x0, $0x0;
	s20 =	simm.s32 $0x1;
	[tilespmem:v0+s31+$0x0 ss:$0x1] =	vst.idx.msk $0xffff, v1  }
0x65: {  	s19 =	sadd.s32 $0x1, s19  }
0x66: {  	p0 =	sne.s32 s19, s15  }
.Ltmp6:
0x67: {  	_ = 	snop;
	(pc) =	sbr.rel @p0 .LBB1_4-.Ltmp6, $4  }
.Ltmp7:
0x68: {  	_ = 	snop;
	(pc) =	sbr.rel @!p0 .LBB1_9-.Ltmp7, $4  }
0x69: {  	_ = 	snop  }
0x6a: {  	_ = 	snop  }
0x6b: {  	s18 =	sadd.s32 $0x2000, s18  }
0x6c: {  	_ = 	snop  }
.LBB1_11:
0x6d: {  	_ =	sfence.sel $0x180000  }
0x6e: {  	s2 =	simm.s32 $0x1;
	[bflag:$0x0] =	sbarrier.arrive $0xFFFF  }
0x6f: {  	s31 =	simm.s32 $0x2;
	[sflag:s2] =	ssyncpa.u1 $0x1  }
0x70: {  	[sflag:s31] =	ssyncpa.u1 $0x1  }
0x71: {  	p0 =	sne.s32 s1, $0x0;
	_ =	strace $0x9000004D  }
0x72: {  	s0 =	sadd.s32 @!p0 $0x100000, s0;
	[bflag:$0x2] =	sbarrier.arrive $0xFFFF  }
0x73: {  	[sflag:s0] =	ssyncadd.tile.s32 @!p0 $0x1;
	_ =	shalt  }
.Lfunc_end1:
_tile_overlayer_lowered:
.L_overlay_start_2:
0x74: {  	(tag) =	ssettag $0x2  }
0x75: {  	s0 =	rddreg [dreg:$0x0];
	s2 =	stileid.u32  }
0x76: {  	s1 =	rddreg [dreg:$0x1];
	p0 =	sne.s32 s2, $0x0  }
0x77: {  	s3 =	rddreg [dreg:$0x2];
	[bflag:$0x3] =	sbarrier.arrive $0xFFFF;
	s2 =	simm.s32 @!p0 $0x1C01  }
0x78: {  	[timem:s3], [sflag:s2] =	dma.local @!p0 [hbm:s0], s1  }
0x79: {  	s0 =	simm.s32 @!p0 $0x1  }
0x7a: {  	_ =	swait.ge @!p0 [sflag:s0], s1  }
0x7b: {  	s1 =	ssub.s32 @!p0 $0x0, s1;
	[sflag:s0] =	ssyncset.done @!p0 $0x0  }
0x7c: {  	[sflag:s0] =	ssyncadd.s32 @!p0 s1  }
0x7d: {  	[bflag:$0x3] =	sbarrier.arrive $0xFFFF  }
0x7e: {  	_ =	shalt  }

</sc_bundles>
